<compile_context>
chip_gen: v7x
topology: tpu7x:2x2x1
jax: 0.10.2.dev20260603
libtpu: 0.0.44.dev20260713+nightly
codegen_flags: <defaults>
</compile_context>

<pallas_src>
import functools

import jax
import jax.numpy as jnp
from jax import lax
from jax.experimental import pallas as pl
from jax.experimental.pallas import tpu as pltpu
from jax.experimental.pallas import tpu_sc as plsc

TOTAL = 32768
D = 2048
B = 16
NC = 2
NS = 16
NW = NC * NS
SC_ROWS = 9216
CHUNK = SC_ROWS // NW
R = 16
NBLK = CHUNK // R
LANES = 16
RB_TC = 1024


def _seg_of(cu_scalars, g):
    s = jnp.int32(0)
    for c in cu_scalars:
        s = s + (c <= g).astype(jnp.int32)
    return s


def _stage1_body(flat_hbm, cu_hbm, out_hbm, cu_v, acc, buf, sem):
    wid = lax.axis_index("s") * NC + lax.axis_index("c")
    base_row = wid * CHUNK

    pltpu.sync_copy(cu_hbm.at[pl.ds(0, B)], cu_v)
    cu_vec = cu_v[...]
    cu_scalars = [cu_vec[i] for i in range(1, B)] + [jnp.int32(TOTAL)]

    def zero_body(k, _):
        for jj in range(16):
            acc[pl.ds(k * 256 + jj * LANES, LANES)] = jnp.zeros(
                (LANES,), jnp.float32)
        return 0
    lax.fori_loop(0, (B * D) // 256, zero_body, 0)

    pltpu.async_copy(
        flat_hbm.at[pl.ds(base_row * D, R * D)],
        buf.at[pl.ds(0, R * D)], sem)

    def blk_body(b, _):
        @pl.when(b + 1 < NBLK)
        def _():
            off = (base_row + (b + 1) * R) * D
            slot = ((b + 1) % 2) * R * D
            pltpu.async_copy(flat_hbm.at[pl.ds(off, R * D)],
                             buf.at[pl.ds(slot, R * D)], sem)

        pltpu.make_async_copy(flat_hbm.at[pl.ds(0, R * D)],
                              buf.at[pl.ds(0, R * D)], sem).wait()

        pbase = (b % 2) * R * D
        g0 = base_row + b * R
        segf = _seg_of(cu_scalars, g0)
        segl = _seg_of(cu_scalars, g0 + (R - 1))

        @pl.when(segf == segl)
        def _():
            abase = (segf // 8) * 16384 + (segf % 8) * 128

            def j_body(j, _):
                cbase = abase + j * 1024
                bbase = pbase + j * 1024
                for v in range(8):
                    co = cbase + v * LANES
                    bo = bbase + v * LANES
                    cur = acc[pl.ds(co, LANES)]
                    bs = [buf[pl.ds(bo + t * 16384 + r8 * 128, LANES)]
                          for t in range(2) for r8 in range(8)]
                    while len(bs) > 1:
                        nxt = [bs[i] + bs[i + 1] for i in range(0, len(bs) - 1, 2)]
                        if len(bs) % 2:
                            nxt.append(bs[-1])
                        bs = nxt
                    acc[pl.ds(co, LANES)] = cur + bs[0]
                return 0
            lax.fori_loop(0, D // 128, j_body, 0)

        @pl.when(segf != segl)
        def _():
            def row_body(rr, _):
                t = rr // 8
                r8 = rr % 8
                sr = _seg_of(cu_scalars, g0 + rr)
                ab0 = (sr // 8) * 16384 + (sr % 8) * 128
                rbase = pbase + t * 16384 + r8 * 128

                def j_body2(j, _):
                    cb = ab0 + j * 1024
                    bb = rbase + j * 1024
                    for v in range(8):
                        acc[pl.ds(cb + v * LANES, LANES)] = (
                            acc[pl.ds(cb + v * LANES, LANES)]
                            + buf[pl.ds(bb + v * LANES, LANES)])
                    return 0
                lax.fori_loop(0, D // 128, j_body2, 0)
                return 0
            lax.fori_loop(0, R, row_body, 0)

        return 0

    lax.fori_loop(0, NBLK, blk_body, 0)

    pltpu.sync_copy(acc, out_hbm.at[pl.ds(wid * B * D, B * D)])


_stage1 = functools.partial(
    pl.kernel,
    out_type=jax.ShapeDtypeStruct((NW * B * D,), jnp.float32),
    mesh=plsc.VectorSubcoreMesh(core_axis_name="c", subcore_axis_name="s",
                                num_cores=NC, num_subcores=NS),
    scratch_types=[
        pltpu.VMEM((B,), jnp.int32),
        pltpu.VMEM((B * D,), jnp.float32),
        pltpu.VMEM((2 * R * D,), jnp.float32),
        pltpu.SemaphoreType.DMA,
    ],
)(_stage1_body)


def _tc_rows_body(cu_ref, x_ref, o_ref):
    i = pl.program_id(0)

    @pl.when(i == 0)
    def _():
        o_ref[...] = jnp.zeros_like(o_ref)

    base = SC_ROWS + i * RB_TC
    segf = jnp.int32(0)
    segl = jnp.int32(0)
    for k in range(1, B):
        segf = segf + (cu_ref[k] <= base).astype(jnp.int32)
        segl = segl + (cu_ref[k] <= base + RB_TC - 1).astype(jnp.int32)

    @pl.when(segf == segl)
    def _():
        ssum = jnp.sum(x_ref[...], axis=0, keepdims=True)
        o_ref[pl.ds(segf, 1), :] = o_ref[pl.ds(segf, 1), :] + ssum

    @pl.when(segf != segl)
    def _():
        RSB = 128
        for sb in range(RB_TC // RSB):
            b2 = base + sb * RSB
            sf = jnp.int32(0)
            sl = jnp.int32(0)
            for k in range(1, B):
                sf = sf + (cu_ref[k] <= b2).astype(jnp.int32)
                sl = sl + (cu_ref[k] <= b2 + RSB - 1).astype(jnp.int32)

            @pl.when(sf == sl)
            def _(sb=sb, sf=sf):
                ss = jnp.sum(x_ref[pl.ds(sb * RSB, RSB), :], axis=0,
                             keepdims=True)
                o_ref[pl.ds(sf, 1), :] += ss

            @pl.when(sf != sl)
            def _(sb=sb, b2=b2, sf=sf, sl=sl):
                rows = lax.broadcasted_iota(jnp.int32, (RSB, 1), 0) + b2
                xs = x_ref[pl.ds(sb * RSB, RSB), :]

                def seg_body(s, _):
                    m = ((rows >= cu_ref[s]) & (rows < cu_ref[s + 1])
                         ).astype(jnp.float32)
                    o_ref[pl.ds(s, 1), :] += jnp.sum(
                        xs * m, axis=0, keepdims=True)
                    return 0
                lax.fori_loop(sf, sl + 1, seg_body, 0)


def _combine_body(cu_ref, p_ref, t_ref, o_ref):
    sub = lax.broadcasted_iota(jnp.int32, (B, 1), 0)
    cnt = jnp.zeros((B, 1), jnp.int32)
    for k in range(B):
        cnt = jnp.where(sub == k, cu_ref[k + 1] - cu_ref[k], cnt)
    inv = 1.0 / jnp.maximum(cnt.astype(jnp.float32), 1.0)
    o_ref[...] = (jnp.sum(p_ref[...], axis=0) + t_ref[...]) * inv


def kernel(flat, cu_seqlens):
    flat1d = flat.reshape(TOTAL // 8, 8, D // 128, 128).transpose(
        0, 2, 1, 3).reshape(-1)
    cu = cu_seqlens.astype(jnp.int32)

    partials = _stage1(flat1d, cu)

    tc_part = pl.pallas_call(
        _tc_rows_body,
        grid=((TOTAL - SC_ROWS) // RB_TC,),
        in_specs=[
            pl.BlockSpec(memory_space=pltpu.SMEM),
            pl.BlockSpec((RB_TC, D), lambda i: (SC_ROWS // RB_TC + i, 0)),
        ],
        out_specs=pl.BlockSpec((B, D), lambda i: (0, 0)),
        out_shape=jax.ShapeDtypeStruct((B, D), jnp.float32),
    )(cu, flat)

    p_view = partials.reshape(NW, B // 8, D // 128, 8, 128).transpose(
        0, 1, 3, 2, 4).reshape(NW, B, D)
    out = pl.pallas_call(
        _combine_body,
        in_specs=[
            pl.BlockSpec(memory_space=pltpu.SMEM),
            pl.BlockSpec(memory_space=pltpu.VMEM),
            pl.BlockSpec(memory_space=pltpu.VMEM),
        ],
        out_shape=jax.ShapeDtypeStruct((B, D), jnp.float32),
    )(cu, p_view, tc_part)
    return out

# --- scband reference (transcript-rebuilt; emitter-appended) ---
"""Pipeline reference for scband-ragged-mean-pooling-68599217652081 (READ-ONLY COPY).

The authoritative reference and input builder live on the scoring server;
editing this copy changes nothing except your own understanding.
"""

import jax, jax.numpy as jnp
import numpy as np

B = 16
TOTAL = 32768
D = 2048

def setup_inputs(seed: int = 0) -> dict:
    key = jax.random.key(seed)
    k1, k2 = jax.random.split(key)
    flat = jax.random.normal(k1, (TOTAL, D), dtype=jnp.float32)
    # build a valid cu_seqlens: sorted, starts at 0, ends at TOTAL
    inner = jnp.sort(jax.random.randint(k2, (B - 1,), 0, TOTAL, dtype=jnp.int32))
    cu_seqlens = jnp.concatenate([
        jnp.zeros((1,), dtype=jnp.int32),
        inner,
        jnp.full((1,), TOTAL, dtype=jnp.int32),
    ])
    return {"flat": flat, "cu_seqlens": cu_seqlens}

def reference(flat, cu_seqlens):
    # RaggedMeanPooling: tf.reduce_mean over the ragged axis (axis=1)
    # == per-segment mean of the flattened token rows.
    total_tok = flat.shape[0]
    num_segments = cu_seqlens.shape[0] - 1
    token_ids = jnp.arange(total_tok, dtype=jnp.int32)
    seg_ids = jnp.searchsorted(cu_seqlens, token_ids, side='right') - 1
    sums = jax.ops.segment_sum(flat, seg_ids, num_segments=num_segments)
    counts = (cu_seqlens[1:] - cu_seqlens[:-1]).astype(jnp.float32)
    counts = jnp.clip(counts, 1.0, None)  # avoid div-by-zero for empty rows
    mean = sums / counts[:, None]
    return mean

if __name__ == "__main__":
    import jax
    _d = setup_inputs()
    print(jax.jit(kernel)(*tuple(_d.values())))

</pallas_src>

<mosaic_0001>
#map = affine_map<(d0, d1) -> (0)>
module attributes {stable_mosaic.version = 14 : i64} {
  func.func @_stage1_body(%arg0: i32, %arg1: i32, %arg2: memref<67108864xf32, #tpu.memory_space<hbm>>, %arg3: memref<17xi32, #tpu.memory_space<hbm>>, %arg4: memref<1048576xf32, #tpu.memory_space<hbm>>, %arg5: memref<16xi32, #tpu.memory_space<vmem>>, %arg6: memref<32768xf32, #tpu.memory_space<vmem>>, %arg7: memref<65536xf32, #tpu.memory_space<vmem>>, %arg8: memref<!tpu.dma_semaphore, #tpu.memory_space<semaphore_mem>>) attributes {dimension_semantics = [#tpu.dimension_semantics<core_parallel>, #tpu.dimension_semantics<subcore_parallel>], iteration_bounds = array<i64: 2, 16>, scalar_prefetch = 0 : i64, scratch_operands = 4 : i64, tpu.core_type = #tpu.core_type<sc_vector_subcore>, window_params = [{transform_indices = #map}, {transform_indices = #map}, {transform_indices = #map}]} {
    %mul3A = arith.constant 2 : i32
    %mul3A_0 = arith.muli %arg1, %mul3A : i32
    %add3A = arith.addi %mul3A_0, %arg0 : i32
    %mul3A_1 = arith.constant 288 : i32
    %mul3A_2 = arith.muli %add3A, %mul3A_1 : i32
    "tpu.region"() ({
      %run_scoped3A = tpu.sem_alloc : memref<!tpu.dma_semaphore, #tpu.memory_space<semaphore_mem>>
      %dma_start3A_58 = arith.constant 0 : i32
      %dma_start3A_59 = tpu.memref_slice %arg3[%dma_start3A_58] : memref<17xi32, #tpu.memory_space<hbm>> -> memref<16xi32, #tpu.memory_space<hbm>>
      %dma_start3A_60 = arith.constant 0 : i32
      %dma_start3A_61 = tpu.memref_slice %arg3[%dma_start3A_60] : memref<17xi32, #tpu.memory_space<hbm>> -> memref<16xi32, #tpu.memory_space<hbm>>
      tpu.enqueue_dma source(%dma_start3A_61 : memref<16xi32, #tpu.memory_space<hbm>>) target(%arg5 : memref<16xi32, #tpu.memory_space<vmem>>) target_semaphore(%run_scoped3A : memref<!tpu.dma_semaphore, #tpu.memory_space<semaphore_mem>>)
      %dma_wait3A = arith.constant 0 : i32
      %dma_wait3A_62 = tpu.memref_slice %arg3[%dma_wait3A] : memref<17xi32, #tpu.memory_space<hbm>> -> memref<16xi32, #tpu.memory_space<hbm>>
      %dma_wait3A_63 = arith.constant 0 : i32
      %dma_wait3A_64 = tpu.memref_slice %arg3[%dma_wait3A_63] : memref<17xi32, #tpu.memory_space<hbm>> -> memref<16xi32, #tpu.memory_space<hbm>>
      tpu.wait_dma2 semaphore(%run_scoped3A : memref<!tpu.dma_semaphore, #tpu.memory_space<semaphore_mem>>) src(%dma_wait3A_64 : memref<16xi32, #tpu.memory_space<hbm>>) dst(%arg5 : memref<16xi32, #tpu.memory_space<vmem>>)
      tpu.yield
    }) : () -> ()
    %get3A = arith.constant 0 : index
    %get3A_3 = tpu.vector_load %arg5[%get3A] {strides = array<i32>} : memref<16xi32, #tpu.memory_space<vmem>>, vector<16xi32>,
    %get3A_4 = vector.shape_cast %get3A_3 : vector<16xi32> to vector<16xi32>
    %slice3A = vector.extract_strided_slice %get3A_4 {offsets = [1], sizes = [1], strides = [1]} : vector<16xi32> to vector<1xi32>
    %squeeze3A = vector.extract %slice3A[0] : i32 from vector<1xi32>
    %slice3A_5 = vector.extract_strided_slice %get3A_4 {offsets = [2], sizes = [1], strides = [1]} : vector<16xi32> to vector<1xi32>
    %squeeze3A_6 = vector.extract %slice3A_5[0] : i32 from vector<1xi32>
    %slice3A_7 = vector.extract_strided_slice %get3A_4 {offsets = [3], sizes = [1], strides = [1]} : vector<16xi32> to vector<1xi32>
    %squeeze3A_8 = vector.extract %slice3A_7[0] : i32 from vector<1xi32>
    %slice3A_9 = vector.extract_strided_slice %get3A_4 {offsets = [4], sizes = [1], strides = [1]} : vector<16xi32> to vector<1xi32>
    %squeeze3A_10 = vector.extract %slice3A_9[0] : i32 from vector<1xi32>
    %slice3A_11 = vector.extract_strided_slice %get3A_4 {offsets = [5], sizes = [1], strides = [1]} : vector<16xi32> to vector<1xi32>
    %squeeze3A_12 = vector.extract %slice3A_11[0] : i32 from vector<1xi32>
    %slice3A_13 = vector.extract_strided_slice %get3A_4 {offsets = [6], sizes = [1], strides = [1]} : vector<16xi32> to vector<1xi32>
    %squeeze3A_14 = vector.extract %slice3A_13[0] : i32 from vector<1xi32>
    %slice3A_15 = vector.extract_strided_slice %get3A_4 {offsets = [7], sizes = [1], strides = [1]} : vector<16xi32> to vector<1xi32>
    %squeeze3A_16 = vector.extract %slice3A_15[0] : i32 from vector<1xi32>
    %slice3A_17 = vector.extract_strided_slice %get3A_4 {offsets = [8], sizes = [1], strides = [1]} : vector<16xi32> to vector<1xi32>
    %squeeze3A_18 = vector.extract %slice3A_17[0] : i32 from vector<1xi32>
    %slice3A_19 = vector.extract_strided_slice %get3A_4 {offsets = [9], sizes = [1], strides = [1]} : vector<16xi32> to vector<1xi32>
    %squeeze3A_20 = vector.extract %slice3A_19[0] : i32 from vector<1xi32>
    %slice3A_21 = vector.extract_strided_slice %get3A_4 {offsets = [10], sizes = [1], strides = [1]} : vector<16xi32> to vector<1xi32>
    %squeeze3A_22 = vector.extract %slice3A_21[0] : i32 from vector<1xi32>
    %slice3A_23 = vector.extract_strided_slice %get3A_4 {offsets = [11], sizes = [1], strides = [1]} : vector<16xi32> to vector<1xi32>
    %squeeze3A_24 = vector.extract %slice3A_23[0] : i32 from vector<1xi32>
    %slice3A_25 = vector.extract_strided_slice %get3A_4 {offsets = [12], sizes = [1], strides = [1]} : vector<16xi32> to vector<1xi32>
    %squeeze3A_26 = vector.extract %slice3A_25[0] : i32 from vector<1xi32>
    %slice3A_27 = vector.extract_strided_slice %get3A_4 {offsets = [13], sizes = [1], strides = [1]} : vector<16xi32> to vector<1xi32>
    %squeeze3A_28 = vector.extract %slice3A_27[0] : i32 from vector<1xi32>
    %slice3A_29 = vector.extract_strided_slice %get3A_4 {offsets = [14], sizes = [1], strides = [1]} : vector<16xi32> to vector<1xi32>
    %squeeze3A_30 = vector.extract %slice3A_29[0] : i32 from vector<1xi32>
    %slice3A_31 = vector.extract_strided_slice %get3A_4 {offsets = [15], sizes = [1], strides = [1]} : vector<16xi32> to vector<1xi32>
    %squeeze3A_32 = vector.extract %slice3A_31[0] : i32 from vector<1xi32>
    %scan3A = arith.constant 0 : i32
    %scan3A_33 = arith.constant 0 : i32
    %scan3A_34 = arith.constant 128 : i32
    %scan3A_35 = arith.addi %scan3A_33, %scan3A_34 : i32
    %scan3A_36 = arith.constant 1 : i32
    %scan3A_37 = scf.for %scan3A_58 = %scan3A_33 to %scan3A_35 step %scan3A_36 iter_args(%scan3A_59 = %scan3A) -> (i32)  : i32 {
      %broadcast_in_dim3A = arith.constant 0.000000e+00 : f32
      %broadcast_in_dim3A_60 = vector.broadcast %broadcast_in_dim3A : f32 to vector<16xf32>
      %mul3A_61 = arith.constant 256 : i32
      %mul3A_62 = arith.muli %scan3A_58, %mul3A_61 : i32
      %add3A_63 = arith.constant 0 : i32
      %add3A_64 = arith.addi %mul3A_62, %add3A_63 : i32
      %swap3A = arith.index_cast %add3A_64 : i32 to index
      %swap3A_65 = tpu.vector_load %arg6[%swap3A] {strides = array<i32>} : memref<32768xf32, #tpu.memory_space<vmem>>, vector<16xf32>,
      %swap3A_66 = vector.shape_cast %swap3A_65 : vector<16xf32> to vector<16xf32>
      %swap3A_67 = vector.shape_cast %broadcast_in_dim3A_60 : vector<16xf32> to vector<16xf32>
      tpu.vector_store %arg6[%swap3A], %swap3A_67 {strides = array<i32>} : memref<32768xf32, #tpu.memory_space<vmem>>, vector<16xf32>,
      %broadcast_in_dim3A_68 = arith.constant 0.000000e+00 : f32
      %broadcast_in_dim3A_69 = vector.broadcast %broadcast_in_dim3A_68 : f32 to vector<16xf32>
      %mul3A_70 = arith.constant 256 : i32
      %mul3A_71 = arith.muli %scan3A_58, %mul3A_70 : i32
      %add3A_72 = arith.constant 16 : i32
      %add3A_73 = arith.addi %mul3A_71, %add3A_72 : i32
      %swap3A_74 = arith.index_cast %add3A_73 : i32 to index
      %swap3A_75 = tpu.vector_load %arg6[%swap3A_74] {strides = array<i32>} : memref<32768xf32, #tpu.memory_space<vmem>>, vector<16xf32>,
      %swap3A_76 = vector.shape_cast %swap3A_75 : vector<16xf32> to vector<16xf32>
      %swap3A_77 = vector.shape_cast %broadcast_in_dim3A_69 : vector<16xf32> to vector<16xf32>
      tpu.vector_store %arg6[%swap3A_74], %swap3A_77 {strides = array<i32>} : memref<32768xf32, #tpu.memory_space<vmem>>, vector<16xf32>,
      %broadcast_in_dim3A_78 = arith.constant 0.000000e+00 : f32
      %broadcast_in_dim3A_79 = vector.broadcast %broadcast_in_dim3A_78 : f32 to vector<16xf32>
      %mul3A_80 = arith.constant 256 : i32
      %mul3A_81 = arith.muli %scan3A_58, %mul3A_80 : i32
      %add3A_82 = arith.constant 32 : i32
      %add3A_83 = arith.addi %mul3A_81, %add3A_82 : i32
      %swap3A_84 = arith.index_cast %add3A_83 : i32 to index
      %swap3A_85 = tpu.vector_load %arg6[%swap3A_84] {strides = array<i32>} : memref<32768xf32, #tpu.memory_space<vmem>>, vector<16xf32>,
      %swap3A_86 = vector.shape_cast %swap3A_85 : vector<16xf32> to vector<16xf32>
      %swap3A_87 = vector.shape_cast %broadcast_in_dim3A_79 : vector<16xf32> to vector<16xf32>
      tpu.vector_store %arg6[%swap3A_84], %swap3A_87 {strides = array<i32>} : memref<32768xf32, #tpu.memory_space<vmem>>, vector<16xf32>,
      %broadcast_in_dim3A_88 = arith.constant 0.000000e+00 : f32
      %broadcast_in_dim3A_89 = vector.broadcast %broadcast_in_dim3A_88 : f32 to vector<16xf32>
      %mul3A_90 = arith.constant 256 : i32
      %mul3A_91 = arith.muli %scan3A_58, %mul3A_90 : i32
      %add3A_92 = arith.constant 48 : i32
      %add3A_93 = arith.addi %mul3A_91, %add3A_92 : i32
      %swap3A_94 = arith.index_cast %add3A_93 : i32 to index
      %swap3A_95 = tpu.vector_load %arg6[%swap3A_94] {strides = array<i32>} : memref<32768xf32, #tpu.memory_space<vmem>>, vector<16xf32>,
      %swap3A_96 = vector.shape_cast %swap3A_95 : vector<16xf32> to vector<16xf32>
      %swap3A_97 = vector.shape_cast %broadcast_in_dim3A_89 : vector<16xf32> to vector<16xf32>
      tpu.vector_store %arg6[%swap3A_94], %swap3A_97 {strides = array<i32>} : memref<32768xf32, #tpu.memory_space<vmem>>, vector<16xf32>,
      %broadcast_in_dim3A_98 = arith.constant 0.000000e+00 : f32
      %broadcast_in_dim3A_99 = vector.broadcast %broadcast_in_dim3A_98 : f32 to vector<16xf32>
      %mul3A_100 = arith.constant 256 : i32
      %mul3A_101 = arith.muli %scan3A_58, %mul3A_100 : i32
      %add3A_102 = arith.constant 64 : i32
      %add3A_103 = arith.addi %mul3A_101, %add3A_102 : i32
      %swap3A_104 = arith.index_cast %add3A_103 : i32 to index
      %swap3A_105 = tpu.vector_load %arg6[%swap3A_104] {strides = array<i32>} : memref<32768xf32, #tpu.memory_space<vmem>>, vector<16xf32>,
      %swap3A_106 = vector.shape_cast %swap3A_105 : vector<16xf32> to vector<16xf32>
      %swap3A_107 = vector.shape_cast %broadcast_in_dim3A_99 : vector<16xf32> to vector<16xf32>
      tpu.vector_store %arg6[%swap3A_104], %swap3A_107 {strides = array<i32>} : memref<32768xf32, #tpu.memory_space<vmem>>, vector<16xf32>,
      %broadcast_in_dim3A_108 = arith.constant 0.000000e+00 : f32
      %broadcast_in_dim3A_109 = vector.broadcast %broadcast_in_dim3A_108 : f32 to vector<16xf32>
      %mul3A_110 = arith.constant 256 : i32
      %mul3A_111 = arith.muli %scan3A_58, %mul3A_110 : i32
      %add3A_112 = arith.constant 80 : i32
      %add3A_113 = arith.addi %mul3A_111, %add3A_112 : i32
      %swap3A_114 = arith.index_cast %add3A_113 : i32 to index
      %swap3A_115 = tpu.vector_load %arg6[%swap3A_114] {strides = array<i32>} : memref<32768xf32, #tpu.memory_space<vmem>>, vector<16xf32>,
      %swap3A_116 = vector.shape_cast %swap3A_115 : vector<16xf32> to vector<16xf32>
      %swap3A_117 = vector.shape_cast %broadcast_in_dim3A_109 : vector<16xf32> to vector<16xf32>
      tpu.vector_store %arg6[%swap3A_114], %swap3A_117 {strides = array<i32>} : memref<32768xf32, #tpu.memory_space<vmem>>, vector<16xf32>,
      %broadcast_in_dim3A_118 = arith.constant 0.000000e+00 : f32
      %broadcast_in_dim3A_119 = vector.broadcast %broadcast_in_dim3A_118 : f32 to vector<16xf32>
      %mul3A_120 = arith.constant 256 : i32
      %mul3A_121 = arith.muli %scan3A_58, %mul3A_120 : i32
      %add3A_122 = arith.constant 96 : i32
      %add3A_123 = arith.addi %mul3A_121, %add3A_122 : i32
      %swap3A_124 = arith.index_cast %add3A_123 : i32 to index
      %swap3A_125 = tpu.vector_load %arg6[%swap3A_124] {strides = array<i32>} : memref<32768xf32, #tpu.memory_space<vmem>>, vector<16xf32>,
      %swap3A_126 = vector.shape_cast %swap3A_125 : vector<16xf32> to vector<16xf32>
      %swap3A_127 = vector.shape_cast %broadcast_in_dim3A_119 : vector<16xf32> to vector<16xf32>
      tpu.vector_store %arg6[%swap3A_124], %swap3A_127 {strides = array<i32>} : memref<32768xf32, #tpu.memory_space<vmem>>, vector<16xf32>,
      %broadcast_in_dim3A_128 = arith.constant 0.000000e+00 : f32
      %broadcast_in_dim3A_129 = vector.broadcast %broadcast_in_dim3A_128 : f32 to vector<16xf32>
      %mul3A_130 = arith.constant 256 : i32
      %mul3A_131 = arith.muli %scan3A_58, %mul3A_130 : i32
      %add3A_132 = arith.constant 112 : i32
      %add3A_133 = arith.addi %mul3A_131, %add3A_132 : i32
      %swap3A_134 = arith.index_cast %add3A_133 : i32 to index
      %swap3A_135 = tpu.vector_load %arg6[%swap3A_134] {strides = array<i32>} : memref<32768xf32, #tpu.memory_space<vmem>>, vector<16xf32>,
      %swap3A_136 = vector.shape_cast %swap3A_135 : vector<16xf32> to vector<16xf32>
      %swap3A_137 = vector.shape_cast %broadcast_in_dim3A_129 : vector<16xf32> to vector<16xf32>
      tpu.vector_store %arg6[%swap3A_134], %swap3A_137 {strides = array<i32>} : memref<32768xf32, #tpu.memory_space<vmem>>, vector<16xf32>,
      %broadcast_in_dim3A_138 = arith.constant 0.000000e+00 : f32
      %broadcast_in_dim3A_139 = vector.broadcast %broadcast_in_dim3A_138 : f32 to vector<16xf32>
      %mul3A_140 = arith.constant 256 : i32
      %mul3A_141 = arith.muli %scan3A_58, %mul3A_140 : i32
      %add3A_142 = arith.constant 128 : i32
      %add3A_143 = arith.addi %mul3A_141, %add3A_142 : i32
      %swap3A_144 = arith.index_cast %add3A_143 : i32 to index
      %swap3A_145 = tpu.vector_load %arg6[%swap3A_144] {strides = array<i32>} : memref<32768xf32, #tpu.memory_space<vmem>>, vector<16xf32>,
      %swap3A_146 = vector.shape_cast %swap3A_145 : vector<16xf32> to vector<16xf32>
      %swap3A_147 = vector.shape_cast %broadcast_in_dim3A_139 : vector<16xf32> to vector<16xf32>
      tpu.vector_store %arg6[%swap3A_144], %swap3A_147 {strides = array<i32>} : memref<32768xf32, #tpu.memory_space<vmem>>, vector<16xf32>,
      %broadcast_in_dim3A_148 = arith.constant 0.000000e+00 : f32
      %broadcast_in_dim3A_149 = vector.broadcast %broadcast_in_dim3A_148 : f32 to vector<16xf32>
      %mul3A_150 = arith.constant 256 : i32
      %mul3A_151 = arith.muli %scan3A_58, %mul3A_150 : i32
      %add3A_152 = arith.constant 144 : i32
      %add3A_153 = arith.addi %mul3A_151, %add3A_152 : i32
      %swap3A_154 = arith.index_cast %add3A_153 : i32 to index
      %swap3A_155 = tpu.vector_load %arg6[%swap3A_154] {strides = array<i32>} : memref<32768xf32, #tpu.memory_space<vmem>>, vector<16xf32>,
      %swap3A_156 = vector.shape_cast %swap3A_155 : vector<16xf32> to vector<16xf32>
      %swap3A_157 = vector.shape_cast %broadcast_in_dim3A_149 : vector<16xf32> to vector<16xf32>
      tpu.vector_store %arg6[%swap3A_154], %swap3A_157 {strides = array<i32>} : memref<32768xf32, #tpu.memory_space<vmem>>, vector<16xf32>,
      %broadcast_in_dim3A_158 = arith.constant 0.000000e+00 : f32
      %broadcast_in_dim3A_159 = vector.broadcast %broadcast_in_dim3A_158 : f32 to vector<16xf32>
      %mul3A_160 = arith.constant 256 : i32
      %mul3A_161 = arith.muli %scan3A_58, %mul3A_160 : i32
      %add3A_162 = arith.constant 160 : i32
      %add3A_163 = arith.addi %mul3A_161, %add3A_162 : i32
      %swap3A_164 = arith.index_cast %add3A_163 : i32 to index
      %swap3A_165 = tpu.vector_load %arg6[%swap3A_164] {strides = array<i32>} : memref<32768xf32, #tpu.memory_space<vmem>>, vector<16xf32>,
      %swap3A_166 = vector.shape_cast %swap3A_165 : vector<16xf32> to vector<16xf32>
      %swap3A_167 = vector.shape_cast %broadcast_in_dim3A_159 : vector<16xf32> to vector<16xf32>
      tpu.vector_store %arg6[%swap3A_164], %swap3A_167 {strides = array<i32>} : memref<32768xf32, #tpu.memory_space<vmem>>, vector<16xf32>,
      %broadcast_in_dim3A_168 = arith.constant 0.000000e+00 : f32
      %broadcast_in_dim3A_169 = vector.broadcast %broadcast_in_dim3A_168 : f32 to vector<16xf32>
      %mul3A_170 = arith.constant 256 : i32
      %mul3A_171 = arith.muli %scan3A_58, %mul3A_170 : i32
      %add3A_172 = arith.constant 176 : i32
      %add3A_173 = arith.addi %mul3A_171, %add3A_172 : i32
      %swap3A_174 = arith.index_cast %add3A_173 : i32 to index
      %swap3A_175 = tpu.vector_load %arg6[%swap3A_174] {strides = array<i32>} : memref<32768xf32, #tpu.memory_space<vmem>>, vector<16xf32>,
      %swap3A_176 = vector.shape_cast %swap3A_175 : vector<16xf32> to vector<16xf32>
      %swap3A_177 = vector.shape_cast %broadcast_in_dim3A_169 : vector<16xf32> to vector<16xf32>
      tpu.vector_store %arg6[%swap3A_174], %swap3A_177 {strides = array<i32>} : memref<32768xf32, #tpu.memory_space<vmem>>, vector<16xf32>,
      %broadcast_in_dim3A_178 = arith.constant 0.000000e+00 : f32
      %broadcast_in_dim3A_179 = vector.broadcast %broadcast_in_dim3A_178 : f32 to vector<16xf32>
      %mul3A_180 = arith.constant 256 : i32
      %mul3A_181 = arith.muli %scan3A_58, %mul3A_180 : i32
      %add3A_182 = arith.constant 192 : i32
      %add3A_183 = arith.addi %mul3A_181, %add3A_182 : i32
      %swap3A_184 = arith.index_cast %add3A_183 : i32 to index
      %swap3A_185 = tpu.vector_load %arg6[%swap3A_184] {strides = array<i32>} : memref<32768xf32, #tpu.memory_space<vmem>>, vector<16xf32>,
      %swap3A_186 = vector.shape_cast %swap3A_185 : vector<16xf32> to vector<16xf32>
      %swap3A_187 = vector.shape_cast %broadcast_in_dim3A_179 : vector<16xf32> to vector<16xf32>
      tpu.vector_store %arg6[%swap3A_184], %swap3A_187 {strides = array<i32>} : memref<32768xf32, #tpu.memory_space<vmem>>, vector<16xf32>,
      %broadcast_in_dim3A_188 = arith.constant 0.000000e+00 : f32
      %broadcast_in_dim3A_189 = vector.broadcast %broadcast_in_dim3A_188 : f32 to vector<16xf32>
      %mul3A_190 = arith.constant 256 : i32
      %mul3A_191 = arith.muli %scan3A_58, %mul3A_190 : i32
      %add3A_192 = arith.constant 208 : i32
      %add3A_193 = arith.addi %mul3A_191, %add3A_192 : i32
      %swap3A_194 = arith.index_cast %add3A_193 : i32 to index
      %swap3A_195 = tpu.vector_load %arg6[%swap3A_194] {strides = array<i32>} : memref<32768xf32, #tpu.memory_space<vmem>>, vector<16xf32>,
      %swap3A_196 = vector.shape_cast %swap3A_195 : vector<16xf32> to vector<16xf32>
      %swap3A_197 = vector.shape_cast %broadcast_in_dim3A_189 : vector<16xf32> to vector<16xf32>
      tpu.vector_store %arg6[%swap3A_194], %swap3A_197 {strides = array<i32>} : memref<32768xf32, #tpu.memory_space<vmem>>, vector<16xf32>,
      %broadcast_in_dim3A_198 = arith.constant 0.000000e+00 : f32
      %broadcast_in_dim3A_199 = vector.broadcast %broadcast_in_dim3A_198 : f32 to vector<16xf32>
      %mul3A_200 = arith.constant 256 : i32
      %mul3A_201 = arith.muli %scan3A_58, %mul3A_200 : i32
      %add3A_202 = arith.constant 224 : i32
      %add3A_203 = arith.addi %mul3A_201, %add3A_202 : i32
      %swap3A_204 = arith.index_cast %add3A_203 : i32 to index
      %swap3A_205 = tpu.vector_load %arg6[%swap3A_204] {strides = array<i32>} : memref<32768xf32, #tpu.memory_space<vmem>>, vector<16xf32>,
      %swap3A_206 = vector.shape_cast %swap3A_205 : vector<16xf32> to vector<16xf32>
      %swap3A_207 = vector.shape_cast %broadcast_in_dim3A_199 : vector<16xf32> to vector<16xf32>
      tpu.vector_store %arg6[%swap3A_204], %swap3A_207 {strides = array<i32>} : memref<32768xf32, #tpu.memory_space<vmem>>, vector<16xf32>,
      %broadcast_in_dim3A_208 = arith.constant 0.000000e+00 : f32
      %broadcast_in_dim3A_209 = vector.broadcast %broadcast_in_dim3A_208 : f32 to vector<16xf32>
      %mul3A_210 = arith.constant 256 : i32
      %mul3A_211 = arith.muli %scan3A_58, %mul3A_210 : i32
      %add3A_212 = arith.constant 240 : i32
      %add3A_213 = arith.addi %mul3A_211, %add3A_212 : i32
      %swap3A_214 = arith.index_cast %add3A_213 : i32 to index
      %swap3A_215 = tpu.vector_load %arg6[%swap3A_214] {strides = array<i32>} : memref<32768xf32, #tpu.memory_space<vmem>>, vector<16xf32>,
      %swap3A_216 = vector.shape_cast %swap3A_215 : vector<16xf32> to vector<16xf32>
      %swap3A_217 = vector.shape_cast %broadcast_in_dim3A_209 : vector<16xf32> to vector<16xf32>
      tpu.vector_store %arg6[%swap3A_214], %swap3A_217 {strides = array<i32>} : memref<32768xf32, #tpu.memory_space<vmem>>, vector<16xf32>,
      %scan3A_218 = arith.constant 0 : i32
      scf.yield %scan3A_218 : i32
    }
    %scan3A_38 = arith.constant 128 : i32
    %mul3A_39 = arith.constant 2048 : i32
    %mul3A_40 = arith.muli %mul3A_2, %mul3A_39 : i32
    %dma_start3A = arith.constant 0 : i32
    %dma_start3A_41 = tpu.memref_slice %arg7[%dma_start3A] : memref<65536xf32, #tpu.memory_space<vmem>> -> memref<32768xf32, #tpu.memory_space<vmem>>
    %dma_start3A_42 = tpu.memref_slice %arg2[%mul3A_40] : memref<67108864xf32, #tpu.memory_space<hbm>> -> memref<32768xf32, #tpu.memory_space<hbm>>
    %dma_start3A_43 = arith.constant 0 : i32
    %dma_start3A_44 = tpu.memref_slice %arg7[%dma_start3A_43] : memref<65536xf32, #tpu.memory_space<vmem>> -> memref<32768xf32, #tpu.memory_space<vmem>>
    %dma_start3A_45 = tpu.memref_slice %arg2[%mul3A_40] : memref<67108864xf32, #tpu.memory_space<hbm>> -> memref<32768xf32, #tpu.memory_space<hbm>>
    tpu.enqueue_dma source(%dma_start3A_45 : memref<32768xf32, #tpu.memory_space<hbm>>) target(%dma_start3A_44 : memref<32768xf32, #tpu.memory_space<vmem>>) target_semaphore(%arg8 : memref<!tpu.dma_semaphore, #tpu.memory_space<semaphore_mem>>)
    %scan3A_46 = arith.constant 32768 : i32
    %scan3A_47 = arith.constant 0 : i32
    %scan3A_48 = arith.constant 0 : i32
    %scan3A_49 = arith.constant 18 : i32
    %scan3A_50 = arith.addi %scan3A_48, %scan3A_49 : i32
    %scan3A_51 = arith.constant 1 : i32
    %scan3A_52 = scf.for %scan3A_58 = %scan3A_48 to %scan3A_50 step %scan3A_51 iter_args(%scan3A_59 = %scan3A_47) -> (i32)  : i32 {
      %add3A_60 = arith.constant 1 : i32
      %add3A_61 = arith.addi %scan3A_58, %add3A_60 : i32
      %lt3A = arith.constant 18 : i32
      %lt3A_62 = arith.cmpi slt, %add3A_61, %lt3A : i32
      %convert_element_type3A = arith.extui %lt3A_62 : i1 to i32
      %cond3A = arith.constant 0 : i32
      %cond3A_63 = arith.cmpi ne, %convert_element_type3A, %cond3A : i32
      scf.if %cond3A_63 {
        %add3A_196 = arith.constant 1 : i32
        %add3A_197 = arith.addi %scan3A_58, %add3A_196 : i32
        %mul3A_198 = arith.constant 16 : i32
        %mul3A_199 = arith.muli %add3A_197, %mul3A_198 : i32
        %add3A_200 = arith.addi %mul3A_2, %mul3A_199 : i32
        %mul3A_201 = arith.constant 2048 : i32
        %mul3A_202 = arith.muli %add3A_200, %mul3A_201 : i32
        %add3A_203 = arith.constant 1 : i32
        %add3A_204 = arith.addi %scan3A_58, %add3A_203 : i32
        %jit3A_205 = arith.constant 2 : i32
        %eq3A_206 = arith.constant 0 : i32
        %eq3A_207 = arith.cmpi eq, %jit3A_205, %eq3A_206 : i32
        %jit3A_208 = arith.constant 1 : i32
        %select_n3A_209 = arith.select %eq3A_207, %jit3A_208, %jit3A_205 : i32
        %rem3A_210 = arith.remsi %add3A_204, %select_n3A_209 : i32
        %ne3A_211 = arith.constant 0 : i32
        %ne3A_212 = arith.cmpi ne, %rem3A_210, %ne3A_211 : i32
        %lt3A_213 = arith.constant 0 : i32
        %lt3A_214 = arith.cmpi slt, %rem3A_210, %lt3A_213 : i32
        %lt3A_215 = arith.constant 0 : i32
        %lt3A_216 = arith.cmpi slt, %select_n3A_209, %lt3A_215 : i32
        %ne3A_217 = arith.xori %lt3A_214, %lt3A_216 : i1
        %and3A_218 = arith.andi %ne3A_217, %ne3A_212 : i1
        %add3A_219 = arith.addi %rem3A_210, %select_n3A_209 : i32
        %select_n3A_220 = arith.select %and3A_218, %add3A_219, %rem3A_210 : i32
        %mul3A_221 = arith.constant 16 : i32
        %mul3A_222 = arith.muli %select_n3A_220, %mul3A_221 : i32
        %mul3A_223 = arith.constant 2048 : i32
        %mul3A_224 = arith.muli %mul3A_222, %mul3A_223 : i32
        %dma_start3A_225 = tpu.memref_slice %arg7[%mul3A_224] : memref<65536xf32, #tpu.memory_space<vmem>> -> memref<32768xf32, #tpu.memory_space<vmem>>
        %dma_start3A_226 = tpu.memref_slice %arg2[%mul3A_202] : memref<67108864xf32, #tpu.memory_space<hbm>> -> memref<32768xf32, #tpu.memory_space<hbm>>
        %dma_start3A_227 = tpu.memref_slice %arg7[%mul3A_224] : memref<65536xf32, #tpu.memory_space<vmem>> -> memref<32768xf32, #tpu.memory_space<vmem>>
        %dma_start3A_228 = tpu.memref_slice %arg2[%mul3A_202] : memref<67108864xf32, #tpu.memory_space<hbm>> -> memref<32768xf32, #tpu.memory_space<hbm>>
        tpu.enqueue_dma source(%dma_start3A_228 : memref<32768xf32, #tpu.memory_space<hbm>>) target(%dma_start3A_227 : memref<32768xf32, #tpu.memory_space<vmem>>) target_semaphore(%arg8 : memref<!tpu.dma_semaphore, #tpu.memory_space<semaphore_mem>>)
      } else {
      }
      %dma_wait3A = arith.constant 0 : i32
      %dma_wait3A_64 = tpu.memref_slice %arg7[%dma_wait3A] : memref<65536xf32, #tpu.memory_space<vmem>> -> memref<32768xf32, #tpu.memory_space<vmem>>
      %dma_wait3A_65 = arith.constant 0 : i32
      %dma_wait3A_66 = tpu.memref_slice %arg2[%dma_wait3A_65] : memref<67108864xf32, #tpu.memory_space<hbm>> -> memref<32768xf32, #tpu.memory_space<hbm>>
      %dma_wait3A_67 = arith.constant 0 : i32
      %dma_wait3A_68 = tpu.memref_slice %arg7[%dma_wait3A_67] : memref<65536xf32, #tpu.memory_space<vmem>> -> memref<32768xf32, #tpu.memory_space<vmem>>
      %dma_wait3A_69 = arith.constant 0 : i32
      %dma_wait3A_70 = tpu.memref_slice %arg2[%dma_wait3A_69] : memref<67108864xf32, #tpu.memory_space<hbm>> -> memref<32768xf32, #tpu.memory_space<hbm>>
      tpu.wait_dma2 semaphore(%arg8 : memref<!tpu.dma_semaphore, #tpu.memory_space<semaphore_mem>>) src(%dma_wait3A_70 : memref<32768xf32, #tpu.memory_space<hbm>>) dst(%dma_wait3A_68 : memref<32768xf32, #tpu.memory_space<vmem>>)
      %jit3A = arith.constant 2 : i32
      %eq3A = arith.constant 0 : i32
      %eq3A_71 = arith.cmpi eq, %jit3A, %eq3A : i32
      %jit3A_72 = arith.constant 1 : i32
      %select_n3A = arith.select %eq3A_71, %jit3A_72, %jit3A : i32
      %rem3A = arith.remsi %scan3A_58, %select_n3A : i32
      %ne3A = arith.constant 0 : i32
      %ne3A_73 = arith.cmpi ne, %rem3A, %ne3A : i32
      %lt3A_74 = arith.constant 0 : i32
      %lt3A_75 = arith.cmpi slt, %rem3A, %lt3A_74 : i32
      %lt3A_76 = arith.constant 0 : i32
      %lt3A_77 = arith.cmpi slt, %select_n3A, %lt3A_76 : i32
      %ne3A_78 = arith.xori %lt3A_75, %lt3A_77 : i1
      %and3A = arith.andi %ne3A_78, %ne3A_73 : i1
      %add3A_79 = arith.addi %rem3A, %select_n3A : i32
      %select_n3A_80 = arith.select %and3A, %add3A_79, %rem3A : i32
      %mul3A_81 = arith.constant 16 : i32
      %mul3A_82 = arith.muli %select_n3A_80, %mul3A_81 : i32
      %mul3A_83 = arith.constant 2048 : i32
      %mul3A_84 = arith.muli %mul3A_82, %mul3A_83 : i32
      %mul3A_85 = arith.constant 16 : i32
      %mul3A_86 = arith.muli %scan3A_58, %mul3A_85 : i32
      %add3A_87 = arith.addi %mul3A_2, %mul3A_86 : i32
      %le3A = arith.cmpi sle, %squeeze3A, %add3A_87 : i32
      %convert_element_type3A_88 = arith.extui %le3A : i1 to i32
      %add3A_89 = arith.constant 0 : i32
      %add3A_90 = arith.addi %add3A_89, %convert_element_type3A_88 : i32
      %le3A_91 = arith.cmpi sle, %squeeze3A_6, %add3A_87 : i32
      %convert_element_type3A_92 = arith.extui %le3A_91 : i1 to i32
      %add3A_93 = arith.addi %add3A_90, %convert_element_type3A_92 : i32
      %le3A_94 = arith.cmpi sle, %squeeze3A_8, %add3A_87 : i32
      %convert_element_type3A_95 = arith.extui %le3A_94 : i1 to i32
      %add3A_96 = arith.addi %add3A_93, %convert_element_type3A_95 : i32
      %le3A_97 = arith.cmpi sle, %squeeze3A_10, %add3A_87 : i32
      %convert_element_type3A_98 = arith.extui %le3A_97 : i1 to i32
      %add3A_99 = arith.addi %add3A_96, %convert_element_type3A_98 : i32
      %le3A_100 = arith.cmpi sle, %squeeze3A_12, %add3A_87 : i32
      %convert_element_type3A_101 = arith.extui %le3A_100 : i1 to i32
      %add3A_102 = arith.addi %add3A_99, %convert_element_type3A_101 : i32
      %le3A_103 = arith.cmpi sle, %squeeze3A_14, %add3A_87 : i32
      %convert_element_type3A_104 = arith.extui %le3A_103 : i1 to i32
      %add3A_105 = arith.addi %add3A_102, %convert_element_type3A_104 : i32
      %le3A_106 = arith.cmpi sle, %squeeze3A_16, %add3A_87 : i32
      %convert_element_type3A_107 = arith.extui %le3A_106 : i1 to i32
      %add3A_108 = arith.addi %add3A_105, %convert_element_type3A_107 : i32
      %le3A_109 = arith.cmpi sle, %squeeze3A_18, %add3A_87 : i32
      %convert_element_type3A_110 = arith.extui %le3A_109 : i1 to i32
      %add3A_111 = arith.addi %add3A_108, %convert_element_type3A_110 : i32
      %le3A_112 = arith.cmpi sle, %squeeze3A_20, %add3A_87 : i32
      %convert_element_type3A_113 = arith.extui %le3A_112 : i1 to i32
      %add3A_114 = arith.addi %add3A_111, %convert_element_type3A_113 : i32
      %le3A_115 = arith.cmpi sle, %squeeze3A_22, %add3A_87 : i32
      %convert_element_type3A_116 = arith.extui %le3A_115 : i1 to i32
      %add3A_117 = arith.addi %add3A_114, %convert_element_type3A_116 : i32
      %le3A_118 = arith.cmpi sle, %squeeze3A_24, %add3A_87 : i32
      %convert_element_type3A_119 = arith.extui %le3A_118 : i1 to i32
      %add3A_120 = arith.addi %add3A_117, %convert_element_type3A_119 : i32
      %le3A_121 = arith.cmpi sle, %squeeze3A_26, %add3A_87 : i32
      %convert_element_type3A_122 = arith.extui %le3A_121 : i1 to i32
      %add3A_123 = arith.addi %add3A_120, %convert_element_type3A_122 : i32
      %le3A_124 = arith.cmpi sle, %squeeze3A_28, %add3A_87 : i32
      %convert_element_type3A_125 = arith.extui %le3A_124 : i1 to i32
      %add3A_126 = arith.addi %add3A_123, %convert_element_type3A_125 : i32
      %le3A_127 = arith.cmpi sle, %squeeze3A_30, %add3A_87 : i32
      %convert_element_type3A_128 = arith.extui %le3A_127 : i1 to i32
      %add3A_129 = arith.addi %add3A_126, %convert_element_type3A_128 : i32
      %le3A_130 = arith.cmpi sle, %squeeze3A_32, %add3A_87 : i32
      %convert_element_type3A_131 = arith.extui %le3A_130 : i1 to i32
      %add3A_132 = arith.addi %add3A_129, %convert_element_type3A_131 : i32
      %le3A_133 = arith.cmpi sle, %scan3A_46, %add3A_87 : i32
      %convert_element_type3A_134 = arith.extui %le3A_133 : i1 to i32
      %add3A_135 = arith.addi %add3A_132, %convert_element_type3A_134 : i32
      %add3A_136 = arith.constant 15 : i32
      %add3A_137 = arith.addi %add3A_87, %add3A_136 : i32
      %le3A_138 = arith.cmpi sle, %squeeze3A, %add3A_137 : i32
      %convert_element_type3A_139 = arith.extui %le3A_138 : i1 to i32
      %add3A_140 = arith.constant 0 : i32
      %add3A_141 = arith.addi %add3A_140, %convert_element_type3A_139 : i32
      %le3A_142 = arith.cmpi sle, %squeeze3A_6, %add3A_137 : i32
      %convert_element_type3A_143 = arith.extui %le3A_142 : i1 to i32
      %add3A_144 = arith.addi %add3A_141, %convert_element_type3A_143 : i32
      %le3A_145 = arith.cmpi sle, %squeeze3A_8, %add3A_137 : i32
      %convert_element_type3A_146 = arith.extui %le3A_145 : i1 to i32
      %add3A_147 = arith.addi %add3A_144, %convert_element_type3A_146 : i32
      %le3A_148 = arith.cmpi sle, %squeeze3A_10, %add3A_137 : i32
      %convert_element_type3A_149 = arith.extui %le3A_148 : i1 to i32
      %add3A_150 = arith.addi %add3A_147, %convert_element_type3A_149 : i32
      %le3A_151 = arith.cmpi sle, %squeeze3A_12, %add3A_137 : i32
      %convert_element_type3A_152 = arith.extui %le3A_151 : i1 to i32
      %add3A_153 = arith.addi %add3A_150, %convert_element_type3A_152 : i32
      %le3A_154 = arith.cmpi sle, %squeeze3A_14, %add3A_137 : i32
      %convert_element_type3A_155 = arith.extui %le3A_154 : i1 to i32
      %add3A_156 = arith.addi %add3A_153, %convert_element_type3A_155 : i32
      %le3A_157 = arith.cmpi sle, %squeeze3A_16, %add3A_137 : i32
      %convert_element_type3A_158 = arith.extui %le3A_157 : i1 to i32
      %add3A_159 = arith.addi %add3A_156, %convert_element_type3A_158 : i32
      %le3A_160 = arith.cmpi sle, %squeeze3A_18, %add3A_137 : i32
      %convert_element_type3A_161 = arith.extui %le3A_160 : i1 to i32
      %add3A_162 = arith.addi %add3A_159, %convert_element_type3A_161 : i32
      %le3A_163 = arith.cmpi sle, %squeeze3A_20, %add3A_137 : i32
      %convert_element_type3A_164 = arith.extui %le3A_163 : i1 to i32
      %add3A_165 = arith.addi %add3A_162, %convert_element_type3A_164 : i32
      %le3A_166 = arith.cmpi sle, %squeeze3A_22, %add3A_137 : i32
      %convert_element_type3A_167 = arith.extui %le3A_166 : i1 to i32
      %add3A_168 = arith.addi %add3A_165, %convert_element_type3A_167 : i32
      %le3A_169 = arith.cmpi sle, %squeeze3A_24, %add3A_137 : i32
      %convert_element_type3A_170 = arith.extui %le3A_169 : i1 to i32
      %add3A_171 = arith.addi %add3A_168, %convert_element_type3A_170 : i32
      %le3A_172 = arith.cmpi sle, %squeeze3A_26, %add3A_137 : i32
      %convert_element_type3A_173 = arith.extui %le3A_172 : i1 to i32
      %add3A_174 = arith.addi %add3A_171, %convert_element_type3A_173 : i32
      %le3A_175 = arith.cmpi sle, %squeeze3A_28, %add3A_137 : i32
      %convert_element_type3A_176 = arith.extui %le3A_175 : i1 to i32
      %add3A_177 = arith.addi %add3A_174, %convert_element_type3A_176 : i32
      %le3A_178 = arith.cmpi sle, %squeeze3A_30, %add3A_137 : i32
      %convert_element_type3A_179 = arith.extui %le3A_178 : i1 to i32
      %add3A_180 = arith.addi %add3A_177, %convert_element_type3A_179 : i32
      %le3A_181 = arith.cmpi sle, %squeeze3A_32, %add3A_137 : i32
      %convert_element_type3A_182 = arith.extui %le3A_181 : i1 to i32
      %add3A_183 = arith.addi %add3A_180, %convert_element_type3A_182 : i32
      %le3A_184 = arith.cmpi sle, %scan3A_46, %add3A_137 : i32
      %convert_element_type3A_185 = arith.extui %le3A_184 : i1 to i32
      %add3A_186 = arith.addi %add3A_183, %convert_element_type3A_185 : i32
      %eq3A_187 = arith.cmpi eq, %add3A_135, %add3A_186 : i32
      %convert_element_type3A_188 = arith.extui %eq3A_187 : i1 to i32
      %cond3A_189 = arith.constant 0 : i32
      %cond3A_190 = arith.cmpi ne, %convert_element_type3A_188, %cond3A_189 : i32
      scf.if %cond3A_190 {
        %jit3A_196 = arith.constant 8 : i32
        %div3A = arith.divsi %add3A_135, %jit3A_196 : i32
        %sign3A = arith.constant 0 : i32
        %sign3A_197 = arith.cmpi sgt, %add3A_135, %sign3A : i32
        %sign3A_198 = arith.extui %sign3A_197 : i1 to i32
        %sign3A_199 = arith.constant 0 : i32
        %sign3A_200 = arith.cmpi slt, %add3A_135, %sign3A_199 : i32
        %sign3A_201 = arith.extui %sign3A_200 : i1 to i32
        %sign3A_202 = arith.subi %sign3A_198, %sign3A_201 : i32
        %sign3A_203 = arith.constant 0 : i32
        %sign3A_204 = arith.cmpi sgt, %jit3A_196, %sign3A_203 : i32
        %sign3A_205 = arith.extui %sign3A_204 : i1 to i32
        %sign3A_206 = arith.constant 0 : i32
        %sign3A_207 = arith.cmpi slt, %jit3A_196, %sign3A_206 : i32
        %sign3A_208 = arith.extui %sign3A_207 : i1 to i32
        %sign3A_209 = arith.subi %sign3A_205, %sign3A_208 : i32
        %ne3A_210 = arith.cmpi ne, %sign3A_202, %sign3A_209 : i32
        %rem3A_211 = arith.remsi %add3A_135, %jit3A_196 : i32
        %ne3A_212 = arith.constant 0 : i32
        %ne3A_213 = arith.cmpi ne, %rem3A_211, %ne3A_212 : i32
        %and3A_214 = arith.andi %ne3A_210, %ne3A_213 : i1
        %sub3A = arith.constant 1 : i32
        %sub3A_215 = arith.subi %div3A, %sub3A : i32
        %select_n3A_216 = arith.select %and3A_214, %sub3A_215, %div3A : i32
        %mul3A_217 = arith.constant 16384 : i32
        %mul3A_218 = arith.muli %select_n3A_216, %mul3A_217 : i32
        %jit3A_219 = arith.constant 8 : i32
        %eq3A_220 = arith.constant 0 : i32
        %eq3A_221 = arith.cmpi eq, %jit3A_219, %eq3A_220 : i32
        %jit3A_222 = arith.constant 1 : i32
        %select_n3A_223 = arith.select %eq3A_221, %jit3A_222, %jit3A_219 : i32
        %rem3A_224 = arith.remsi %add3A_135, %select_n3A_223 : i32
        %ne3A_225 = arith.constant 0 : i32
        %ne3A_226 = arith.cmpi ne, %rem3A_224, %ne3A_225 : i32
        %lt3A_227 = arith.constant 0 : i32
        %lt3A_228 = arith.cmpi slt, %rem3A_224, %lt3A_227 : i32
        %lt3A_229 = arith.constant 0 : i32
        %lt3A_230 = arith.cmpi slt, %select_n3A_223, %lt3A_229 : i32
        %ne3A_231 = arith.xori %lt3A_228, %lt3A_230 : i1
        %and3A_232 = arith.andi %ne3A_231, %ne3A_226 : i1
        %add3A_233 = arith.addi %rem3A_224, %select_n3A_223 : i32
        %select_n3A_234 = arith.select %and3A_232, %add3A_233, %rem3A_224 : i32
        %mul3A_235 = arith.constant 128 : i32
        %mul3A_236 = arith.muli %select_n3A_234, %mul3A_235 : i32
        %add3A_237 = arith.addi %mul3A_218, %mul3A_236 : i32
        %scan3A_238 = arith.constant 0 : i32
        %scan3A_239 = arith.constant 0 : i32
        %scan3A_240 = arith.constant 16 : i32
        %scan3A_241 = arith.addi %scan3A_239, %scan3A_240 : i32
        %scan3A_242 = arith.constant 1 : i32
        %scan3A_243 = scf.for %scan3A_245 = %scan3A_239 to %scan3A_241 step %scan3A_242 iter_args(%scan3A_246 = %scan3A_238) -> (i32)  : i32 {
          %mul3A_247 = arith.constant 1024 : i32
          %mul3A_248 = arith.muli %scan3A_245, %mul3A_247 : i32
          %add3A_249 = arith.addi %add3A_237, %mul3A_248 : i32
          %mul3A_250 = arith.constant 1024 : i32
          %mul3A_251 = arith.muli %scan3A_245, %mul3A_250 : i32
          %add3A_252 = arith.addi %mul3A_84, %mul3A_251 : i32
          %add3A_253 = arith.constant 0 : i32
          %add3A_254 = arith.addi %add3A_249, %add3A_253 : i32
          %add3A_255 = arith.constant 0 : i32
          %add3A_256 = arith.addi %add3A_252, %add3A_255 : i32
          %get3A_257 = arith.index_cast %add3A_254 : i32 to index
          %get3A_258 = tpu.vector_load %arg6[%get3A_257] {strides = array<i32>} : memref<32768xf32, #tpu.memory_space<vmem>>, vector<16xf32>,
          %get3A_259 = vector.shape_cast %get3A_258 : vector<16xf32> to vector<16xf32>
          %add3A_260 = arith.constant 0 : i32
          %add3A_261 = arith.addi %add3A_256, %add3A_260 : i32
          %add3A_262 = arith.constant 0 : i32
          %add3A_263 = arith.addi %add3A_261, %add3A_262 : i32
          %get3A_264 = arith.index_cast %add3A_263 : i32 to index
          %get3A_265 = tpu.vector_load %arg7[%get3A_264] {strides = array<i32>} : memref<65536xf32, #tpu.memory_space<vmem>>, vector<16xf32>,
          %get3A_266 = vector.shape_cast %get3A_265 : vector<16xf32> to vector<16xf32>
          %add3A_267 = arith.constant 0 : i32
          %add3A_268 = arith.addi %add3A_256, %add3A_267 : i32
          %add3A_269 = arith.constant 128 : i32
          %add3A_270 = arith.addi %add3A_268, %add3A_269 : i32
          %get3A_271 = arith.index_cast %add3A_270 : i32 to index
          %get3A_272 = tpu.vector_load %arg7[%get3A_271] {strides = array<i32>} : memref<65536xf32, #tpu.memory_space<vmem>>, vector<16xf32>,
          %get3A_273 = vector.shape_cast %get3A_272 : vector<16xf32> to vector<16xf32>
          %add3A_274 = arith.constant 0 : i32
          %add3A_275 = arith.addi %add3A_256, %add3A_274 : i32
          %add3A_276 = arith.constant 256 : i32
          %add3A_277 = arith.addi %add3A_275, %add3A_276 : i32
          %get3A_278 = arith.index_cast %add3A_277 : i32 to index
          %get3A_279 = tpu.vector_load %arg7[%get3A_278] {strides = array<i32>} : memref<65536xf32, #tpu.memory_space<vmem>>, vector<16xf32>,
          %get3A_280 = vector.shape_cast %get3A_279 : vector<16xf32> to vector<16xf32>
          %add3A_281 = arith.constant 0 : i32
          %add3A_282 = arith.addi %add3A_256, %add3A_281 : i32
          %add3A_283 = arith.constant 384 : i32
          %add3A_284 = arith.addi %add3A_282, %add3A_283 : i32
          %get3A_285 = arith.index_cast %add3A_284 : i32 to index
          %get3A_286 = tpu.vector_load %arg7[%get3A_285] {strides = array<i32>} : memref<65536xf32, #tpu.memory_space<vmem>>, vector<16xf32>,
          %get3A_287 = vector.shape_cast %get3A_286 : vector<16xf32> to vector<16xf32>
          %add3A_288 = arith.constant 0 : i32
          %add3A_289 = arith.addi %add3A_256, %add3A_288 : i32
          %add3A_290 = arith.constant 512 : i32
          %add3A_291 = arith.addi %add3A_289, %add3A_290 : i32
          %get3A_292 = arith.index_cast %add3A_291 : i32 to index
          %get3A_293 = tpu.vector_load %arg7[%get3A_292] {strides = array<i32>} : memref<65536xf32, #tpu.memory_space<vmem>>, vector<16xf32>,
          %get3A_294 = vector.shape_cast %get3A_293 : vector<16xf32> to vector<16xf32>
          %add3A_295 = arith.constant 0 : i32
          %add3A_296 = arith.addi %add3A_256, %add3A_295 : i32
          %add3A_297 = arith.constant 640 : i32
          %add3A_298 = arith.addi %add3A_296, %add3A_297 : i32
          %get3A_299 = arith.index_cast %add3A_298 : i32 to index
          %get3A_300 = tpu.vector_load %arg7[%get3A_299] {strides = array<i32>} : memref<65536xf32, #tpu.memory_space<vmem>>, vector<16xf32>,
          %get3A_301 = vector.shape_cast %get3A_300 : vector<16xf32> to vector<16xf32>
          %add3A_302 = arith.constant 0 : i32
          %add3A_303 = arith.addi %add3A_256, %add3A_302 : i32
          %add3A_304 = arith.constant 768 : i32
          %add3A_305 = arith.addi %add3A_303, %add3A_304 : i32
          %get3A_306 = arith.index_cast %add3A_305 : i32 to index
          %get3A_307 = tpu.vector_load %arg7[%get3A_306] {strides = array<i32>} : memref<65536xf32, #tpu.memory_space<vmem>>, vector<16xf32>,
          %get3A_308 = vector.shape_cast %get3A_307 : vector<16xf32> to vector<16xf32>
          %add3A_309 = arith.constant 0 : i32
          %add3A_310 = arith.addi %add3A_256, %add3A_309 : i32
          %add3A_311 = arith.constant 896 : i32
          %add3A_312 = arith.addi %add3A_310, %add3A_311 : i32
          %get3A_313 = arith.index_cast %add3A_312 : i32 to index
          %get3A_314 = tpu.vector_load %arg7[%get3A_313] {strides = array<i32>} : memref<65536xf32, #tpu.memory_space<vmem>>, vector<16xf32>,
          %get3A_315 = vector.shape_cast %get3A_314 : vector<16xf32> to vector<16xf32>
          %add3A_316 = arith.constant 16384 : i32
          %add3A_317 = arith.addi %add3A_256, %add3A_316 : i32
          %add3A_318 = arith.constant 0 : i32
          %add3A_319 = arith.addi %add3A_317, %add3A_318 : i32
          %get3A_320 = arith.index_cast %add3A_319 : i32 to index
          %get3A_321 = tpu.vector_load %arg7[%get3A_320] {strides = array<i32>} : memref<65536xf32, #tpu.memory_space<vmem>>, vector<16xf32>,
          %get3A_322 = vector.shape_cast %get3A_321 : vector<16xf32> to vector<16xf32>
          %add3A_323 = arith.constant 16384 : i32
          %add3A_324 = arith.addi %add3A_256, %add3A_323 : i32
          %add3A_325 = arith.constant 128 : i32
          %add3A_326 = arith.addi %add3A_324, %add3A_325 : i32
          %get3A_327 = arith.index_cast %add3A_326 : i32 to index
          %get3A_328 = tpu.vector_load %arg7[%get3A_327] {strides = array<i32>} : memref<65536xf32, #tpu.memory_space<vmem>>, vector<16xf32>,
          %get3A_329 = vector.shape_cast %get3A_328 : vector<16xf32> to vector<16xf32>
          %add3A_330 = arith.constant 16384 : i32
          %add3A_331 = arith.addi %add3A_256, %add3A_330 : i32
          %add3A_332 = arith.constant 256 : i32
          %add3A_333 = arith.addi %add3A_331, %add3A_332 : i32
          %get3A_334 = arith.index_cast %add3A_333 : i32 to index
          %get3A_335 = tpu.vector_load %arg7[%get3A_334] {strides = array<i32>} : memref<65536xf32, #tpu.memory_space<vmem>>, vector<16xf32>,
          %get3A_336 = vector.shape_cast %get3A_335 : vector<16xf32> to vector<16xf32>
          %add3A_337 = arith.constant 16384 : i32
          %add3A_338 = arith.addi %add3A_256, %add3A_337 : i32
          %add3A_339 = arith.constant 384 : i32
          %add3A_340 = arith.addi %add3A_338, %add3A_339 : i32
          %get3A_341 = arith.index_cast %add3A_340 : i32 to index
          %get3A_342 = tpu.vector_load %arg7[%get3A_341] {strides = array<i32>} : memref<65536xf32, #tpu.memory_space<vmem>>, vector<16xf32>,
          %get3A_343 = vector.shape_cast %get3A_342 : vector<16xf32> to vector<16xf32>
          %add3A_344 = arith.constant 16384 : i32
          %add3A_345 = arith.addi %add3A_256, %add3A_344 : i32
          %add3A_346 = arith.constant 512 : i32
          %add3A_347 = arith.addi %add3A_345, %add3A_346 : i32
          %get3A_348 = arith.index_cast %add3A_347 : i32 to index
          %get3A_349 = tpu.vector_load %arg7[%get3A_348] {strides = array<i32>} : memref<65536xf32, #tpu.memory_space<vmem>>, vector<16xf32>,
          %get3A_350 = vector.shape_cast %get3A_349 : vector<16xf32> to vector<16xf32>
          %add3A_351 = arith.constant 16384 : i32
          %add3A_352 = arith.addi %add3A_256, %add3A_351 : i32
          %add3A_353 = arith.constant 640 : i32
          %add3A_354 = arith.addi %add3A_352, %add3A_353 : i32
          %get3A_355 = arith.index_cast %add3A_354 : i32 to index
          %get3A_356 = tpu.vector_load %arg7[%get3A_355] {strides = array<i32>} : memref<65536xf32, #tpu.memory_space<vmem>>, vector<16xf32>,
          %get3A_357 = vector.shape_cast %get3A_356 : vector<16xf32> to vector<16xf32>
          %add3A_358 = arith.constant 16384 : i32
          %add3A_359 = arith.addi %add3A_256, %add3A_358 : i32
          %add3A_360 = arith.constant 768 : i32
          %add3A_361 = arith.addi %add3A_359, %add3A_360 : i32
          %get3A_362 = arith.index_cast %add3A_361 : i32 to index
          %get3A_363 = tpu.vector_load %arg7[%get3A_362] {strides = array<i32>} : memref<65536xf32, #tpu.memory_space<vmem>>, vector<16xf32>,
          %get3A_364 = vector.shape_cast %get3A_363 : vector<16xf32> to vector<16xf32>
          %add3A_365 = arith.constant 16384 : i32
          %add3A_366 = arith.addi %add3A_256, %add3A_365 : i32
          %add3A_367 = arith.constant 896 : i32
          %add3A_368 = arith.addi %add3A_366, %add3A_367 : i32
          %get3A_369 = arith.index_cast %add3A_368 : i32 to index
          %get3A_370 = tpu.vector_load %arg7[%get3A_369] {strides = array<i32>} : memref<65536xf32, #tpu.memory_space<vmem>>, vector<16xf32>,
          %get3A_371 = vector.shape_cast %get3A_370 : vector<16xf32> to vector<16xf32>
          %add3A_372 = arith.addf %get3A_266, %get3A_273 : vector<16xf32>
          %add3A_373 = arith.addf %get3A_280, %get3A_287 : vector<16xf32>
          %add3A_374 = arith.addf %get3A_294, %get3A_301 : vector<16xf32>
          %add3A_375 = arith.addf %get3A_308, %get3A_315 : vector<16xf32>
          %add3A_376 = arith.addf %get3A_322, %get3A_329 : vector<16xf32>
          %add3A_377 = arith.addf %get3A_336, %get3A_343 : vector<16xf32>
          %add3A_378 = arith.addf %get3A_350, %get3A_357 : vector<16xf32>
          %add3A_379 = arith.addf %get3A_364, %get3A_371 : vector<16xf32>
          %add3A_380 = arith.addf %add3A_372, %add3A_373 : vector<16xf32>
          %add3A_381 = arith.addf %add3A_374, %add3A_375 : vector<16xf32>
          %add3A_382 = arith.addf %add3A_376, %add3A_377 : vector<16xf32>
          %add3A_383 = arith.addf %add3A_378, %add3A_379 : vector<16xf32>
          %add3A_384 = arith.addf %add3A_380, %add3A_381 : vector<16xf32>
          %add3A_385 = arith.addf %add3A_382, %add3A_383 : vector<16xf32>
          %add3A_386 = arith.addf %add3A_384, %add3A_385 : vector<16xf32>
          %add3A_387 = arith.addf %get3A_259, %add3A_386 : vector<16xf32>
          %swap3A = arith.index_cast %add3A_254 : i32 to index
          %swap3A_388 = tpu.vector_load %arg6[%swap3A] {strides = array<i32>} : memref<32768xf32, #tpu.memory_space<vmem>>, vector<16xf32>,
          %swap3A_389 = vector.shape_cast %swap3A_388 : vector<16xf32> to vector<16xf32>
          %swap3A_390 = vector.shape_cast %add3A_387 : vector<16xf32> to vector<16xf32>
          tpu.vector_store %arg6[%swap3A], %swap3A_390 {strides = array<i32>} : memref<32768xf32, #tpu.memory_space<vmem>>, vector<16xf32>,
          %add3A_391 = arith.constant 16 : i32
          %add3A_392 = arith.addi %add3A_249, %add3A_391 : i32
          %add3A_393 = arith.constant 16 : i32
          %add3A_394 = arith.addi %add3A_252, %add3A_393 : i32
          %get3A_395 = arith.index_cast %add3A_392 : i32 to index
          %get3A_396 = tpu.vector_load %arg6[%get3A_395] {strides = array<i32>} : memref<32768xf32, #tpu.memory_space<vmem>>, vector<16xf32>,
          %get3A_397 = vector.shape_cast %get3A_396 : vector<16xf32> to vector<16xf32>
          %add3A_398 = arith.constant 0 : i32
          %add3A_399 = arith.addi %add3A_394, %add3A_398 : i32
          %add3A_400 = arith.constant 0 : i32
          %add3A_401 = arith.addi %add3A_399, %add3A_400 : i32
          %get3A_402 = arith.index_cast %add3A_401 : i32 to index
          %get3A_403 = tpu.vector_load %arg7[%get3A_402] {strides = array<i32>} : memref<65536xf32, #tpu.memory_space<vmem>>, vector<16xf32>,
          %get3A_404 = vector.shape_cast %get3A_403 : vector<16xf32> to vector<16xf32>
          %add3A_405 = arith.constant 0 : i32
          %add3A_406 = arith.addi %add3A_394, %add3A_405 : i32
          %add3A_407 = arith.constant 128 : i32
          %add3A_408 = arith.addi %add3A_406, %add3A_407 : i32
          %get3A_409 = arith.index_cast %add3A_408 : i32 to index
          %get3A_410 = tpu.vector_load %arg7[%get3A_409] {strides = array<i32>} : memref<65536xf32, #tpu.memory_space<vmem>>, vector<16xf32>,
          %get3A_411 = vector.shape_cast %get3A_410 : vector<16xf32> to vector<16xf32>
          %add3A_412 = arith.constant 0 : i32
          %add3A_413 = arith.addi %add3A_394, %add3A_412 : i32
          %add3A_414 = arith.constant 256 : i32
          %add3A_415 = arith.addi %add3A_413, %add3A_414 : i32
          %get3A_416 = arith.index_cast %add3A_415 : i32 to index
          %get3A_417 = tpu.vector_load %arg7[%get3A_416] {strides = array<i32>} : memref<65536xf32, #tpu.memory_space<vmem>>, vector<16xf32>,
          %get3A_418 = vector.shape_cast %get3A_417 : vector<16xf32> to vector<16xf32>
          %add3A_419 = arith.constant 0 : i32
          %add3A_420 = arith.addi %add3A_394, %add3A_419 : i32
          %add3A_421 = arith.constant 384 : i32
          %add3A_422 = arith.addi %add3A_420, %add3A_421 : i32
          %get3A_423 = arith.index_cast %add3A_422 : i32 to index
          %get3A_424 = tpu.vector_load %arg7[%get3A_423] {strides = array<i32>} : memref<65536xf32, #tpu.memory_space<vmem>>, vector<16xf32>,
          %get3A_425 = vector.shape_cast %get3A_424 : vector<16xf32> to vector<16xf32>
          %add3A_426 = arith.constant 0 : i32
          %add3A_427 = arith.addi %add3A_394, %add3A_426 : i32
          %add3A_428 = arith.constant 512 : i32
          %add3A_429 = arith.addi %add3A_427, %add3A_428 : i32
          %get3A_430 = arith.index_cast %add3A_429 : i32 to index
          %get3A_431 = tpu.vector_load %arg7[%get3A_430] {strides = array<i32>} : memref<65536xf32, #tpu.memory_space<vmem>>, vector<16xf32>,
          %get3A_432 = vector.shape_cast %get3A_431 : vector<16xf32> to vector<16xf32>
          %add3A_433 = arith.constant 0 : i32
          %add3A_434 = arith.addi %add3A_394, %add3A_433 : i32
          %add3A_435 = arith.constant 640 : i32
          %add3A_436 = arith.addi %add3A_434, %add3A_435 : i32
          %get3A_437 = arith.index_cast %add3A_436 : i32 to index
          %get3A_438 = tpu.vector_load %arg7[%get3A_437] {strides = array<i32>} : memref<65536xf32, #tpu.memory_space<vmem>>, vector<16xf32>,
          %get3A_439 = vector.shape_cast %get3A_438 : vector<16xf32> to vector<16xf32>
          %add3A_440 = arith.constant 0 : i32
          %add3A_441 = arith.addi %add3A_394, %add3A_440 : i32
          %add3A_442 = arith.constant 768 : i32
          %add3A_443 = arith.addi %add3A_441, %add3A_442 : i32
          %get3A_444 = arith.index_cast %add3A_443 : i32 to index
          %get3A_445 = tpu.vector_load %arg7[%get3A_444] {strides = array<i32>} : memref<65536xf32, #tpu.memory_space<vmem>>, vector<16xf32>,
          %get3A_446 = vector.shape_cast %get3A_445 : vector<16xf32> to vector<16xf32>
          %add3A_447 = arith.constant 0 : i32
          %add3A_448 = arith.addi %add3A_394, %add3A_447 : i32
          %add3A_449 = arith.constant 896 : i32
          %add3A_450 = arith.addi %add3A_448, %add3A_449 : i32
          %get3A_451 = arith.index_cast %add3A_450 : i32 to index
          %get3A_452 = tpu.vector_load %arg7[%get3A_451] {strides = array<i32>} : memref<65536xf32, #tpu.memory_space<vmem>>, vector<16xf32>,
          %get3A_453 = vector.shape_cast %get3A_452 : vector<16xf32> to vector<16xf32>
          %add3A_454 = arith.constant 16384 : i32
          %add3A_455 = arith.addi %add3A_394, %add3A_454 : i32
          %add3A_456 = arith.constant 0 : i32
          %add3A_457 = arith.addi %add3A_455, %add3A_456 : i32
          %get3A_458 = arith.index_cast %add3A_457 : i32 to index
          %get3A_459 = tpu.vector_load %arg7[%get3A_458] {strides = array<i32>} : memref<65536xf32, #tpu.memory_space<vmem>>, vector<16xf32>,
          %get3A_460 = vector.shape_cast %get3A_459 : vector<16xf32> to vector<16xf32>
          %add3A_461 = arith.constant 16384 : i32
          %add3A_462 = arith.addi %add3A_394, %add3A_461 : i32
          %add3A_463 = arith.constant 128 : i32
          %add3A_464 = arith.addi %add3A_462, %add3A_463 : i32
          %get3A_465 = arith.index_cast %add3A_464 : i32 to index
          %get3A_466 = tpu.vector_load %arg7[%get3A_465] {strides = array<i32>} : memref<65536xf32, #tpu.memory_space<vmem>>, vector<16xf32>,
          %get3A_467 = vector.shape_cast %get3A_466 : vector<16xf32> to vector<16xf32>
          %add3A_468 = arith.constant 16384 : i32
          %add3A_469 = arith.addi %add3A_394, %add3A_468 : i32
          %add3A_470 = arith.constant 256 : i32
          %add3A_471 = arith.addi %add3A_469, %add3A_470 : i32
          %get3A_472 = arith.index_cast %add3A_471 : i32 to index
          %get3A_473 = tpu.vector_load %arg7[%get3A_472] {strides = array<i32>} : memref<65536xf32, #tpu.memory_space<vmem>>, vector<16xf32>,
          %get3A_474 = vector.shape_cast %get3A_473 : vector<16xf32> to vector<16xf32>
          %add3A_475 = arith.constant 16384 : i32
          %add3A_476 = arith.addi %add3A_394, %add3A_475 : i32
          %add3A_477 = arith.constant 384 : i32
          %add3A_478 = arith.addi %add3A_476, %add3A_477 : i32
          %get3A_479 = arith.index_cast %add3A_478 : i32 to index
          %get3A_480 = tpu.vector_load %arg7[%get3A_479] {strides = array<i32>} : memref<65536xf32, #tpu.memory_space<vmem>>, vector<16xf32>,
          %get3A_481 = vector.shape_cast %get3A_480 : vector<16xf32> to vector<16xf32>
          %add3A_482 = arith.constant 16384 : i32
          %add3A_483 = arith.addi %add3A_394, %add3A_482 : i32
          %add3A_484 = arith.constant 512 : i32
          %add3A_485 = arith.addi %add3A_483, %add3A_484 : i32
          %get3A_486 = arith.index_cast %add3A_485 : i32 to index
          %get3A_487 = tpu.vector_load %arg7[%get3A_486] {strides = array<i32>} : memref<65536xf32, #tpu.memory_space<vmem>>, vector<16xf32>,
          %get3A_488 = vector.shape_cast %get3A_487 : vector<16xf32> to vector<16xf32>
          %add3A_489 = arith.constant 16384 : i32
          %add3A_490 = arith.addi %add3A_394, %add3A_489 : i32
          %add3A_491 = arith.constant 640 : i32
          %add3A_492 = arith.addi %add3A_490, %add3A_491 : i32
          %get3A_493 = arith.index_cast %add3A_492 : i32 to index
          %get3A_494 = tpu.vector_load %arg7[%get3A_493] {strides = array<i32>} : memref<65536xf32, #tpu.memory_space<vmem>>, vector<16xf32>,
          %get3A_495 = vector.shape_cast %get3A_494 : vector<16xf32> to vector<16xf32>
          %add3A_496 = arith.constant 16384 : i32
          %add3A_497 = arith.addi %add3A_394, %add3A_496 : i32
          %add3A_498 = arith.constant 768 : i32
          %add3A_499 = arith.addi %add3A_497, %add3A_498 : i32
          %get3A_500 = arith.index_cast %add3A_499 : i32 to index
          %get3A_501 = tpu.vector_load %arg7[%get3A_500] {strides = array<i32>} : memref<65536xf32, #tpu.memory_space<vmem>>, vector<16xf32>,
          %get3A_502 = vector.shape_cast %get3A_501 : vector<16xf32> to vector<16xf32>
          %add3A_503 = arith.constant 16384 : i32
          %add3A_504 = arith.addi %add3A_394, %add3A_503 : i32
          %add3A_505 = arith.constant 896 : i32
          %add3A_506 = arith.addi %add3A_504, %add3A_505 : i32
          %get3A_507 = arith.index_cast %add3A_506 : i32 to index
          %get3A_508 = tpu.vector_load %arg7[%get3A_507] {strides = array<i32>} : memref<65536xf32, #tpu.memory_space<vmem>>, vector<16xf32>,
          %get3A_509 = vector.shape_cast %get3A_508 : vector<16xf32> to vector<16xf32>
          %add3A_510 = arith.addf %get3A_404, %get3A_411 : vector<16xf32>
          %add3A_511 = arith.addf %get3A_418, %get3A_425 : vector<16xf32>
          %add3A_512 = arith.addf %get3A_432, %get3A_439 : vector<16xf32>
          %add3A_513 = arith.addf %get3A_446, %get3A_453 : vector<16xf32>
          %add3A_514 = arith.addf %get3A_460, %get3A_467 : vector<16xf32>
          %add3A_515 = arith.addf %get3A_474, %get3A_481 : vector<16xf32>
          %add3A_516 = arith.addf %get3A_488, %get3A_495 : vector<16xf32>
          %add3A_517 = arith.addf %get3A_502, %get3A_509 : vector<16xf32>
          %add3A_518 = arith.addf %add3A_510, %add3A_511 : vector<16xf32>
          %add3A_519 = arith.addf %add3A_512, %add3A_513 : vector<16xf32>
          %add3A_520 = arith.addf %add3A_514, %add3A_515 : vector<16xf32>
          %add3A_521 = arith.addf %add3A_516, %add3A_517 : vector<16xf32>
          %add3A_522 = arith.addf %add3A_518, %add3A_519 : vector<16xf32>
          %add3A_523 = arith.addf %add3A_520, %add3A_521 : vector<16xf32>
          %add3A_524 = arith.addf %add3A_522, %add3A_523 : vector<16xf32>
          %add3A_525 = arith.addf %get3A_397, %add3A_524 : vector<16xf32>
          %swap3A_526 = arith.index_cast %add3A_392 : i32 to index
          %swap3A_527 = tpu.vector_load %arg6[%swap3A_526] {strides = array<i32>} : memref<32768xf32, #tpu.memory_space<vmem>>, vector<16xf32>,
          %swap3A_528 = vector.shape_cast %swap3A_527 : vector<16xf32> to vector<16xf32>
          %swap3A_529 = vector.shape_cast %add3A_525 : vector<16xf32> to vector<16xf32>
          tpu.vector_store %arg6[%swap3A_526], %swap3A_529 {strides = array<i32>} : memref<32768xf32, #tpu.memory_space<vmem>>, vector<16xf32>,
          %add3A_530 = arith.constant 32 : i32
          %add3A_531 = arith.addi %add3A_249, %add3A_530 : i32
          %add3A_532 = arith.constant 32 : i32
          %add3A_533 = arith.addi %add3A_252, %add3A_532 : i32
          %get3A_534 = arith.index_cast %add3A_531 : i32 to index
          %get3A_535 = tpu.vector_load %arg6[%get3A_534] {strides = array<i32>} : memref<32768xf32, #tpu.memory_space<vmem>>, vector<16xf32>,
          %get3A_536 = vector.shape_cast %get3A_535 : vector<16xf32> to vector<16xf32>
          %add3A_537 = arith.constant 0 : i32
          %add3A_538 = arith.addi %add3A_533, %add3A_537 : i32
          %add3A_539 = arith.constant 0 : i32
          %add3A_540 = arith.addi %add3A_538, %add3A_539 : i32
          %get3A_541 = arith.index_cast %add3A_540 : i32 to index
          %get3A_542 = tpu.vector_load %arg7[%get3A_541] {strides = array<i32>} : memref<65536xf32, #tpu.memory_space<vmem>>, vector<16xf32>,
          %get3A_543 = vector.shape_cast %get3A_542 : vector<16xf32> to vector<16xf32>
          %add3A_544 = arith.constant 0 : i32
          %add3A_545 = arith.addi %add3A_533, %add3A_544 : i32
          %add3A_546 = arith.constant 128 : i32
          %add3A_547 = arith.addi %add3A_545, %add3A_546 : i32
          %get3A_548 = arith.index_cast %add3A_547 : i32 to index
          %get3A_549 = tpu.vector_load %arg7[%get3A_548] {strides = array<i32>} : memref<65536xf32, #tpu.memory_space<vmem>>, vector<16xf32>,
          %get3A_550 = vector.shape_cast %get3A_549 : vector<16xf32> to vector<16xf32>
          %add3A_551 = arith.constant 0 : i32
          %add3A_552 = arith.addi %add3A_533, %add3A_551 : i32
          %add3A_553 = arith.constant 256 : i32
          %add3A_554 = arith.addi %add3A_552, %add3A_553 : i32
          %get3A_555 = arith.index_cast %add3A_554 : i32 to index
          %get3A_556 = tpu.vector_load %arg7[%get3A_555] {strides = array<i32>} : memref<65536xf32, #tpu.memory_space<vmem>>, vector<16xf32>,
          %get3A_557 = vector.shape_cast %get3A_556 : vector<16xf32> to vector<16xf32>
          %add3A_558 = arith.constant 0 : i32
          %add3A_559 = arith.addi %add3A_533, %add3A_558 : i32
          %add3A_560 = arith.constant 384 : i32
          %add3A_561 = arith.addi %add3A_559, %add3A_560 : i32
          %get3A_562 = arith.index_cast %add3A_561 : i32 to index
          %get3A_563 = tpu.vector_load %arg7[%get3A_562] {strides = array<i32>} : memref<65536xf32, #tpu.memory_space<vmem>>, vector<16xf32>,
          %get3A_564 = vector.shape_cast %get3A_563 : vector<16xf32> to vector<16xf32>
          %add3A_565 = arith.constant 0 : i32
          %add3A_566 = arith.addi %add3A_533, %add3A_565 : i32
          %add3A_567 = arith.constant 512 : i32
          %add3A_568 = arith.addi %add3A_566, %add3A_567 : i32
          %get3A_569 = arith.index_cast %add3A_568 : i32 to index
          %get3A_570 = tpu.vector_load %arg7[%get3A_569] {strides = array<i32>} : memref<65536xf32, #tpu.memory_space<vmem>>, vector<16xf32>,
          %get3A_571 = vector.shape_cast %get3A_570 : vector<16xf32> to vector<16xf32>
          %add3A_572 = arith.constant 0 : i32
          %add3A_573 = arith.addi %add3A_533, %add3A_572 : i32
          %add3A_574 = arith.constant 640 : i32
          %add3A_575 = arith.addi %add3A_573, %add3A_574 : i32
          %get3A_576 = arith.index_cast %add3A_575 : i32 to index
          %get3A_577 = tpu.vector_load %arg7[%get3A_576] {strides = array<i32>} : memref<65536xf32, #tpu.memory_space<vmem>>, vector<16xf32>,
          %get3A_578 = vector.shape_cast %get3A_577 : vector<16xf32> to vector<16xf32>
          %add3A_579 = arith.constant 0 : i32
          %add3A_580 = arith.addi %add3A_533, %add3A_579 : i32
          %add3A_581 = arith.constant 768 : i32
          %add3A_582 = arith.addi %add3A_580, %add3A_581 : i32
          %get3A_583 = arith.index_cast %add3A_582 : i32 to index
          %get3A_584 = tpu.vector_load %arg7[%get3A_583] {strides = array<i32>} : memref<65536xf32, #tpu.memory_space<vmem>>, vector<16xf32>,
          %get3A_585 = vector.shape_cast %get3A_584 : vector<16xf32> to vector<16xf32>
          %add3A_586 = arith.constant 0 : i32
          %add3A_587 = arith.addi %add3A_533, %add3A_586 : i32
          %add3A_588 = arith.constant 896 : i32
          %add3A_589 = arith.addi %add3A_587, %add3A_588 : i32
          %get3A_590 = arith.index_cast %add3A_589 : i32 to index
          %get3A_591 = tpu.vector_load %arg7[%get3A_590] {strides = array<i32>} : memref<65536xf32, #tpu.memory_space<vmem>>, vector<16xf32>,
          %get3A_592 = vector.shape_cast %get3A_591 : vector<16xf32> to vector<16xf32>
          %add3A_593 = arith.constant 16384 : i32
          %add3A_594 = arith.addi %add3A_533, %add3A_593 : i32
          %add3A_595 = arith.constant 0 : i32
          %add3A_596 = arith.addi %add3A_594, %add3A_595 : i32
          %get3A_597 = arith.index_cast %add3A_596 : i32 to index
          %get3A_598 = tpu.vector_load %arg7[%get3A_597] {strides = array<i32>} : memref<65536xf32, #tpu.memory_space<vmem>>, vector<16xf32>,
          %get3A_599 = vector.shape_cast %get3A_598 : vector<16xf32> to vector<16xf32>
          %add3A_600 = arith.constant 16384 : i32
          %add3A_601 = arith.addi %add3A_533, %add3A_600 : i32
          %add3A_602 = arith.constant 128 : i32
          %add3A_603 = arith.addi %add3A_601, %add3A_602 : i32
          %get3A_604 = arith.index_cast %add3A_603 : i32 to index
          %get3A_605 = tpu.vector_load %arg7[%get3A_604] {strides = array<i32>} : memref<65536xf32, #tpu.memory_space<vmem>>, vector<16xf32>,
          %get3A_606 = vector.shape_cast %get3A_605 : vector<16xf32> to vector<16xf32>
          %add3A_607 = arith.constant 16384 : i32
          %add3A_608 = arith.addi %add3A_533, %add3A_607 : i32
          %add3A_609 = arith.constant 256 : i32
          %add3A_610 = arith.addi %add3A_608, %add3A_609 : i32
          %get3A_611 = arith.index_cast %add3A_610 : i32 to index
          %get3A_612 = tpu.vector_load %arg7[%get3A_611] {strides = array<i32>} : memref<65536xf32, #tpu.memory_space<vmem>>, vector<16xf32>,
          %get3A_613 = vector.shape_cast %get3A_612 : vector<16xf32> to vector<16xf32>
          %add3A_614 = arith.constant 16384 : i32
          %add3A_615 = arith.addi %add3A_533, %add3A_614 : i32
          %add3A_616 = arith.constant 384 : i32
          %add3A_617 = arith.addi %add3A_615, %add3A_616 : i32
          %get3A_618 = arith.index_cast %add3A_617 : i32 to index
          %get3A_619 = tpu.vector_load %arg7[%get3A_618] {strides = array<i32>} : memref<65536xf32, #tpu.memory_space<vmem>>, vector<16xf32>,
          %get3A_620 = vector.shape_cast %get3A_619 : vector<16xf32> to vector<16xf32>
          %add3A_621 = arith.constant 16384 : i32
          %add3A_622 = arith.addi %add3A_533, %add3A_621 : i32
          %add3A_623 = arith.constant 512 : i32
          %add3A_624 = arith.addi %add3A_622, %add3A_623 : i32
          %get3A_625 = arith.index_cast %add3A_624 : i32 to index
          %get3A_626 = tpu.vector_load %arg7[%get3A_625] {strides = array<i32>} : memref<65536xf32, #tpu.memory_space<vmem>>, vector<16xf32>,
          %get3A_627 = vector.shape_cast %get3A_626 : vector<16xf32> to vector<16xf32>
          %add3A_628 = arith.constant 16384 : i32
          %add3A_629 = arith.addi %add3A_533, %add3A_628 : i32
          %add3A_630 = arith.constant 640 : i32
          %add3A_631 = arith.addi %add3A_629, %add3A_630 : i32
          %get3A_632 = arith.index_cast %add3A_631 : i32 to index
          %get3A_633 = tpu.vector_load %arg7[%get3A_632] {strides = array<i32>} : memref<65536xf32, #tpu.memory_space<vmem>>, vector<16xf32>,
          %get3A_634 = vector.shape_cast %get3A_633 : vector<16xf32> to vector<16xf32>
          %add3A_635 = arith.constant 16384 : i32
          %add3A_636 = arith.addi %add3A_533, %add3A_635 : i32
          %add3A_637 = arith.constant 768 : i32
          %add3A_638 = arith.addi %add3A_636, %add3A_637 : i32
          %get3A_639 = arith.index_cast %add3A_638 : i32 to index
          %get3A_640 = tpu.vector_load %arg7[%get3A_639] {strides = array<i32>} : memref<65536xf32, #tpu.memory_space<vmem>>, vector<16xf32>,
          %get3A_641 = vector.shape_cast %get3A_640 : vector<16xf32> to vector<16xf32>
          %add3A_642 = arith.constant 16384 : i32
          %add3A_643 = arith.addi %add3A_533, %add3A_642 : i32
          %add3A_644 = arith.constant 896 : i32
          %add3A_645 = arith.addi %add3A_643, %add3A_644 : i32
          %get3A_646 = arith.index_cast %add3A_645 : i32 to index
          %get3A_647 = tpu.vector_load %arg7[%get3A_646] {strides = array<i32>} : memref<65536xf32, #tpu.memory_space<vmem>>, vector<16xf32>,
          %get3A_648 = vector.shape_cast %get3A_647 : vector<16xf32> to vector<16xf32>
          %add3A_649 = arith.addf %get3A_543, %get3A_550 : vector<16xf32>
          %add3A_650 = arith.addf %get3A_557, %get3A_564 : vector<16xf32>
          %add3A_651 = arith.addf %get3A_571, %get3A_578 : vector<16xf32>
          %add3A_652 = arith.addf %get3A_585, %get3A_592 : vector<16xf32>
          %add3A_653 = arith.addf %get3A_599, %get3A_606 : vector<16xf32>
          %add3A_654 = arith.addf %get3A_613, %get3A_620 : vector<16xf32>
          %add3A_655 = arith.addf %get3A_627, %get3A_634 : vector<16xf32>
          %add3A_656 = arith.addf %get3A_641, %get3A_648 : vector<16xf32>
          %add3A_657 = arith.addf %add3A_649, %add3A_650 : vector<16xf32>
          %add3A_658 = arith.addf %add3A_651, %add3A_652 : vector<16xf32>
          %add3A_659 = arith.addf %add3A_653, %add3A_654 : vector<16xf32>
          %add3A_660 = arith.addf %add3A_655, %add3A_656 : vector<16xf32>
          %add3A_661 = arith.addf %add3A_657, %add3A_658 : vector<16xf32>
          %add3A_662 = arith.addf %add3A_659, %add3A_660 : vector<16xf32>
          %add3A_663 = arith.addf %add3A_661, %add3A_662 : vector<16xf32>
          %add3A_664 = arith.addf %get3A_536, %add3A_663 : vector<16xf32>
          %swap3A_665 = arith.index_cast %add3A_531 : i32 to index
          %swap3A_666 = tpu.vector_load %arg6[%swap3A_665] {strides = array<i32>} : memref<32768xf32, #tpu.memory_space<vmem>>, vector<16xf32>,
          %swap3A_667 = vector.shape_cast %swap3A_666 : vector<16xf32> to vector<16xf32>
          %swap3A_668 = vector.shape_cast %add3A_664 : vector<16xf32> to vector<16xf32>
          tpu.vector_store %arg6[%swap3A_665], %swap3A_668 {strides = array<i32>} : memref<32768xf32, #tpu.memory_space<vmem>>, vector<16xf32>,
          %add3A_669 = arith.constant 48 : i32
          %add3A_670 = arith.addi %add3A_249, %add3A_669 : i32
          %add3A_671 = arith.constant 48 : i32
          %add3A_672 = arith.addi %add3A_252, %add3A_671 : i32
          %get3A_673 = arith.index_cast %add3A_670 : i32 to index
          %get3A_674 = tpu.vector_load %arg6[%get3A_673] {strides = array<i32>} : memref<32768xf32, #tpu.memory_space<vmem>>, vector<16xf32>,
          %get3A_675 = vector.shape_cast %get3A_674 : vector<16xf32> to vector<16xf32>
          %add3A_676 = arith.constant 0 : i32
          %add3A_677 = arith.addi %add3A_672, %add3A_676 : i32
          %add3A_678 = arith.constant 0 : i32
          %add3A_679 = arith.addi %add3A_677, %add3A_678 : i32
          %get3A_680 = arith.index_cast %add3A_679 : i32 to index
          %get3A_681 = tpu.vector_load %arg7[%get3A_680] {strides = array<i32>} : memref<65536xf32, #tpu.memory_space<vmem>>, vector<16xf32>,
          %get3A_682 = vector.shape_cast %get3A_681 : vector<16xf32> to vector<16xf32>
          %add3A_683 = arith.constant 0 : i32
          %add3A_684 = arith.addi %add3A_672, %add3A_683 : i32
          %add3A_685 = arith.constant 128 : i32
          %add3A_686 = arith.addi %add3A_684, %add3A_685 : i32
          %get3A_687 = arith.index_cast %add3A_686 : i32 to index
          %get3A_688 = tpu.vector_load %arg7[%get3A_687] {strides = array<i32>} : memref<65536xf32, #tpu.memory_space<vmem>>, vector<16xf32>,
          %get3A_689 = vector.shape_cast %get3A_688 : vector<16xf32> to vector<16xf32>
          %add3A_690 = arith.constant 0 : i32
          %add3A_691 = arith.addi %add3A_672, %add3A_690 : i32
          %add3A_692 = arith.constant 256 : i32
          %add3A_693 = arith.addi %add3A_691, %add3A_692 : i32
          %get3A_694 = arith.index_cast %add3A_693 : i32 to index
          %get3A_695 = tpu.vector_load %arg7[%get3A_694] {strides = array<i32>} : memref<65536xf32, #tpu.memory_space<vmem>>, vector<16xf32>,
          %get3A_696 = vector.shape_cast %get3A_695 : vector<16xf32> to vector<16xf32>
          %add3A_697 = arith.constant 0 : i32
          %add3A_698 = arith.addi %add3A_672, %add3A_697 : i32
          %add3A_699 = arith.constant 384 : i32
          %add3A_700 = arith.addi %add3A_698, %add3A_699 : i32
          %get3A_701 = arith.index_cast %add3A_700 : i32 to index
          %get3A_702 = tpu.vector_load %arg7[%get3A_701] {strides = array<i32>} : memref<65536xf32, #tpu.memory_space<vmem>>, vector<16xf32>,
          %get3A_703 = vector.shape_cast %get3A_702 : vector<16xf32> to vector<16xf32>
          %add3A_704 = arith.constant 0 : i32
          %add3A_705 = arith.addi %add3A_672, %add3A_704 : i32
          %add3A_706 = arith.constant 512 : i32
          %add3A_707 = arith.addi %add3A_705, %add3A_706 : i32
          %get3A_708 = arith.index_cast %add3A_707 : i32 to index
          %get3A_709 = tpu.vector_load %arg7[%get3A_708] {strides = array<i32>} : memref<65536xf32, #tpu.memory_space<vmem>>, vector<16xf32>,
          %get3A_710 = vector.shape_cast %get3A_709 : vector<16xf32> to vector<16xf32>
          %add3A_711 = arith.constant 0 : i32
          %add3A_712 = arith.addi %add3A_672, %add3A_711 : i32
          %add3A_713 = arith.constant 640 : i32
          %add3A_714 = arith.addi %add3A_712, %add3A_713 : i32
          %get3A_715 = arith.index_cast %add3A_714 : i32 to index
          %get3A_716 = tpu.vector_load %arg7[%get3A_715] {strides = array<i32>} : memref<65536xf32, #tpu.memory_space<vmem>>, vector<16xf32>,
          %get3A_717 = vector.shape_cast %get3A_716 : vector<16xf32> to vector<16xf32>
          %add3A_718 = arith.constant 0 : i32
          %add3A_719 = arith.addi %add3A_672, %add3A_718 : i32
          %add3A_720 = arith.constant 768 : i32
          %add3A_721 = arith.addi %add3A_719, %add3A_720 : i32
          %get3A_722 = arith.index_cast %add3A_721 : i32 to index
          %get3A_723 = tpu.vector_load %arg7[%get3A_722] {strides = array<i32>} : memref<65536xf32, #tpu.memory_space<vmem>>, vector<16xf32>,
          %get3A_724 = vector.shape_cast %get3A_723 : vector<16xf32> to vector<16xf32>
          %add3A_725 = arith.constant 0 : i32
          %add3A_726 = arith.addi %add3A_672, %add3A_725 : i32
          %add3A_727 = arith.constant 896 : i32
          %add3A_728 = arith.addi %add3A_726, %add3A_727 : i32
          %get3A_729 = arith.index_cast %add3A_728 : i32 to index
          %get3A_730 = tpu.vector_load %arg7[%get3A_729] {strides = array<i32>} : memref<65536xf32, #tpu.memory_space<vmem>>, vector<16xf32>,
          %get3A_731 = vector.shape_cast %get3A_730 : vector<16xf32> to vector<16xf32>
          %add3A_732 = arith.constant 16384 : i32
          %add3A_733 = arith.addi %add3A_672, %add3A_732 : i32
          %add3A_734 = arith.constant 0 : i32
          %add3A_735 = arith.addi %add3A_733, %add3A_734 : i32
          %get3A_736 = arith.index_cast %add3A_735 : i32 to index
          %get3A_737 = tpu.vector_load %arg7[%get3A_736] {strides = array<i32>} : memref<65536xf32, #tpu.memory_space<vmem>>, vector<16xf32>,
          %get3A_738 = vector.shape_cast %get3A_737 : vector<16xf32> to vector<16xf32>
          %add3A_739 = arith.constant 16384 : i32
          %add3A_740 = arith.addi %add3A_672, %add3A_739 : i32
          %add3A_741 = arith.constant 128 : i32
          %add3A_742 = arith.addi %add3A_740, %add3A_741 : i32
          %get3A_743 = arith.index_cast %add3A_742 : i32 to index
          %get3A_744 = tpu.vector_load %arg7[%get3A_743] {strides = array<i32>} : memref<65536xf32, #tpu.memory_space<vmem>>, vector<16xf32>,
          %get3A_745 = vector.shape_cast %get3A_744 : vector<16xf32> to vector<16xf32>
          %add3A_746 = arith.constant 16384 : i32
          %add3A_747 = arith.addi %add3A_672, %add3A_746 : i32
          %add3A_748 = arith.constant 256 : i32
          %add3A_749 = arith.addi %add3A_747, %add3A_748 : i32
          %get3A_750 = arith.index_cast %add3A_749 : i32 to index
          %get3A_751 = tpu.vector_load %arg7[%get3A_750] {strides = array<i32>} : memref<65536xf32, #tpu.memory_space<vmem>>, vector<16xf32>,
          %get3A_752 = vector.shape_cast %get3A_751 : vector<16xf32> to vector<16xf32>
          %add3A_753 = arith.constant 16384 : i32
          %add3A_754 = arith.addi %add3A_672, %add3A_753 : i32
          %add3A_755 = arith.constant 384 : i32
          %add3A_756 = arith.addi %add3A_754, %add3A_755 : i32
          %get3A_757 = arith.index_cast %add3A_756 : i32 to index
          %get3A_758 = tpu.vector_load %arg7[%get3A_757] {strides = array<i32>} : memref<65536xf32, #tpu.memory_space<vmem>>, vector<16xf32>,
          %get3A_759 = vector.shape_cast %get3A_758 : vector<16xf32> to vector<16xf32>
          %add3A_760 = arith.constant 16384 : i32
          %add3A_761 = arith.addi %add3A_672, %add3A_760 : i32
          %add3A_762 = arith.constant 512 : i32
          %add3A_763 = arith.addi %add3A_761, %add3A_762 : i32
          %get3A_764 = arith.index_cast %add3A_763 : i32 to index
          %get3A_765 = tpu.vector_load %arg7[%get3A_764] {strides = array<i32>} : memref<65536xf32, #tpu.memory_space<vmem>>, vector<16xf32>,
          %get3A_766 = vector.shape_cast %get3A_765 : vector<16xf32> to vector<16xf32>
          %add3A_767 = arith.constant 16384 : i32
          %add3A_768 = arith.addi %add3A_672, %add3A_767 : i32
          %add3A_769 = arith.constant 640 : i32
          %add3A_770 = arith.addi %add3A_768, %add3A_769 : i32
          %get3A_771 = arith.index_cast %add3A_770 : i32 to index
          %get3A_772 = tpu.vector_load %arg7[%get3A_771] {strides = array<i32>} : memref<65536xf32, #tpu.memory_space<vmem>>, vector<16xf32>,
          %get3A_773 = vector.shape_cast %get3A_772 : vector<16xf32> to vector<16xf32>
          %add3A_774 = arith.constant 16384 : i32
          %add3A_775 = arith.addi %add3A_672, %add3A_774 : i32
          %add3A_776 = arith.constant 768 : i32
          %add3A_777 = arith.addi %add3A_775, %add3A_776 : i32
          %get3A_778 = arith.index_cast %add3A_777 : i32 to index
          %get3A_779 = tpu.vector_load %arg7[%get3A_778] {strides = array<i32>} : memref<65536xf32, #tpu.memory_space<vmem>>, vector<16xf32>,
          %get3A_780 = vector.shape_cast %get3A_779 : vector<16xf32> to vector<16xf32>
          %add3A_781 = arith.constant 16384 : i32
          %add3A_782 = arith.addi %add3A_672, %add3A_781 : i32
          %add3A_783 = arith.constant 896 : i32
          %add3A_784 = arith.addi %add3A_782, %add3A_783 : i32
          %get3A_785 = arith.index_cast %add3A_784 : i32 to index
          %get3A_786 = tpu.vector_load %arg7[%get3A_785] {strides = array<i32>} : memref<65536xf32, #tpu.memory_space<vmem>>, vector<16xf32>,
          %get3A_787 = vector.shape_cast %get3A_786 : vector<16xf32> to vector<16xf32>
          %add3A_788 = arith.addf %get3A_682, %get3A_689 : vector<16xf32>
          %add3A_789 = arith.addf %get3A_696, %get3A_703 : vector<16xf32>
          %add3A_790 = arith.addf %get3A_710, %get3A_717 : vector<16xf32>
          %add3A_791 = arith.addf %get3A_724, %get3A_731 : vector<16xf32>
          %add3A_792 = arith.addf %get3A_738, %get3A_745 : vector<16xf32>
          %add3A_793 = arith.addf %get3A_752, %get3A_759 : vector<16xf32>
          %add3A_794 = arith.addf %get3A_766, %get3A_773 : vector<16xf32>
          %add3A_795 = arith.addf %get3A_780, %get3A_787 : vector<16xf32>
          %add3A_796 = arith.addf %add3A_788, %add3A_789 : vector<16xf32>
          %add3A_797 = arith.addf %add3A_790, %add3A_791 : vector<16xf32>
          %add3A_798 = arith.addf %add3A_792, %add3A_793 : vector<16xf32>
          %add3A_799 = arith.addf %add3A_794, %add3A_795 : vector<16xf32>
          %add3A_800 = arith.addf %add3A_796, %add3A_797 : vector<16xf32>
          %add3A_801 = arith.addf %add3A_798, %add3A_799 : vector<16xf32>
          %add3A_802 = arith.addf %add3A_800, %add3A_801 : vector<16xf32>
          %add3A_803 = arith.addf %get3A_675, %add3A_802 : vector<16xf32>
          %swap3A_804 = arith.index_cast %add3A_670 : i32 to index
          %swap3A_805 = tpu.vector_load %arg6[%swap3A_804] {strides = array<i32>} : memref<32768xf32, #tpu.memory_space<vmem>>, vector<16xf32>,
          %swap3A_806 = vector.shape_cast %swap3A_805 : vector<16xf32> to vector<16xf32>
          %swap3A_807 = vector.shape_cast %add3A_803 : vector<16xf32> to vector<16xf32>
          tpu.vector_store %arg6[%swap3A_804], %swap3A_807 {strides = array<i32>} : memref<32768xf32, #tpu.memory_space<vmem>>, vector<16xf32>,
          %add3A_808 = arith.constant 64 : i32
          %add3A_809 = arith.addi %add3A_249, %add3A_808 : i32
          %add3A_810 = arith.constant 64 : i32
          %add3A_811 = arith.addi %add3A_252, %add3A_810 : i32
          %get3A_812 = arith.index_cast %add3A_809 : i32 to index
          %get3A_813 = tpu.vector_load %arg6[%get3A_812] {strides = array<i32>} : memref<32768xf32, #tpu.memory_space<vmem>>, vector<16xf32>,
          %get3A_814 = vector.shape_cast %get3A_813 : vector<16xf32> to vector<16xf32>
          %add3A_815 = arith.constant 0 : i32
          %add3A_816 = arith.addi %add3A_811, %add3A_815 : i32
          %add3A_817 = arith.constant 0 : i32
          %add3A_818 = arith.addi %add3A_816, %add3A_817 : i32
          %get3A_819 = arith.index_cast %add3A_818 : i32 to index
          %get3A_820 = tpu.vector_load %arg7[%get3A_819] {strides = array<i32>} : memref<65536xf32, #tpu.memory_space<vmem>>, vector<16xf32>,
          %get3A_821 = vector.shape_cast %get3A_820 : vector<16xf32> to vector<16xf32>
          %add3A_822 = arith.constant 0 : i32
          %add3A_823 = arith.addi %add3A_811, %add3A_822 : i32
          %add3A_824 = arith.constant 128 : i32
          %add3A_825 = arith.addi %add3A_823, %add3A_824 : i32
          %get3A_826 = arith.index_cast %add3A_825 : i32 to index
          %get3A_827 = tpu.vector_load %arg7[%get3A_826] {strides = array<i32>} : memref<65536xf32, #tpu.memory_space<vmem>>, vector<16xf32>,
          %get3A_828 = vector.shape_cast %get3A_827 : vector<16xf32> to vector<16xf32>
          %add3A_829 = arith.constant 0 : i32
          %add3A_830 = arith.addi %add3A_811, %add3A_829 : i32
          %add3A_831 = arith.constant 256 : i32
          %add3A_832 = arith.addi %add3A_830, %add3A_831 : i32
          %get3A_833 = arith.index_cast %add3A_832 : i32 to index
          %get3A_834 = tpu.vector_load %arg7[%get3A_833] {strides = array<i32>} : memref<65536xf32, #tpu.memory_space<vmem>>, vector<16xf32>,
          %get3A_835 = vector.shape_cast %get3A_834 : vector<16xf32> to vector<16xf32>
          %add3A_836 = arith.constant 0 : i32
          %add3A_837 = arith.addi %add3A_811, %add3A_836 : i32
          %add3A_838 = arith.constant 384 : i32
          %add3A_839 = arith.addi %add3A_837, %add3A_838 : i32
          %get3A_840 = arith.index_cast %add3A_839 : i32 to index
          %get3A_841 = tpu.vector_load %arg7[%get3A_840] {strides = array<i32>} : memref<65536xf32, #tpu.memory_space<vmem>>, vector<16xf32>,
          %get3A_842 = vector.shape_cast %get3A_841 : vector<16xf32> to vector<16xf32>
          %add3A_843 = arith.constant 0 : i32
          %add3A_844 = arith.addi %add3A_811, %add3A_843 : i32
          %add3A_845 = arith.constant 512 : i32
          %add3A_846 = arith.addi %add3A_844, %add3A_845 : i32
          %get3A_847 = arith.index_cast %add3A_846 : i32 to index
          %get3A_848 = tpu.vector_load %arg7[%get3A_847] {strides = array<i32>} : memref<65536xf32, #tpu.memory_space<vmem>>, vector<16xf32>,
          %get3A_849 = vector.shape_cast %get3A_848 : vector<16xf32> to vector<16xf32>
          %add3A_850 = arith.constant 0 : i32
          %add3A_851 = arith.addi %add3A_811, %add3A_850 : i32
          %add3A_852 = arith.constant 640 : i32
          %add3A_853 = arith.addi %add3A_851, %add3A_852 : i32
          %get3A_854 = arith.index_cast %add3A_853 : i32 to index
          %get3A_855 = tpu.vector_load %arg7[%get3A_854] {strides = array<i32>} : memref<65536xf32, #tpu.memory_space<vmem>>, vector<16xf32>,
          %get3A_856 = vector.shape_cast %get3A_855 : vector<16xf32> to vector<16xf32>
          %add3A_857 = arith.constant 0 : i32
          %add3A_858 = arith.addi %add3A_811, %add3A_857 : i32
          %add3A_859 = arith.constant 768 : i32
          %add3A_860 = arith.addi %add3A_858, %add3A_859 : i32
          %get3A_861 = arith.index_cast %add3A_860 : i32 to index
          %get3A_862 = tpu.vector_load %arg7[%get3A_861] {strides = array<i32>} : memref<65536xf32, #tpu.memory_space<vmem>>, vector<16xf32>,
          %get3A_863 = vector.shape_cast %get3A_862 : vector<16xf32> to vector<16xf32>
          %add3A_864 = arith.constant 0 : i32
          %add3A_865 = arith.addi %add3A_811, %add3A_864 : i32
          %add3A_866 = arith.constant 896 : i32
          %add3A_867 = arith.addi %add3A_865, %add3A_866 : i32
          %get3A_868 = arith.index_cast %add3A_867 : i32 to index
          %get3A_869 = tpu.vector_load %arg7[%get3A_868] {strides = array<i32>} : memref<65536xf32, #tpu.memory_space<vmem>>, vector<16xf32>,
          %get3A_870 = vector.shape_cast %get3A_869 : vector<16xf32> to vector<16xf32>
          %add3A_871 = arith.constant 16384 : i32
          %add3A_872 = arith.addi %add3A_811, %add3A_871 : i32
          %add3A_873 = arith.constant 0 : i32
          %add3A_874 = arith.addi %add3A_872, %add3A_873 : i32
          %get3A_875 = arith.index_cast %add3A_874 : i32 to index
          %get3A_876 = tpu.vector_load %arg7[%get3A_875] {strides = array<i32>} : memref<65536xf32, #tpu.memory_space<vmem>>, vector<16xf32>,
          %get3A_877 = vector.shape_cast %get3A_876 : vector<16xf32> to vector<16xf32>
          %add3A_878 = arith.constant 16384 : i32
          %add3A_879 = arith.addi %add3A_811, %add3A_878 : i32
          %add3A_880 = arith.constant 128 : i32
          %add3A_881 = arith.addi %add3A_879, %add3A_880 : i32
          %get3A_882 = arith.index_cast %add3A_881 : i32 to index
          %get3A_883 = tpu.vector_load %arg7[%get3A_882] {strides = array<i32>} : memref<65536xf32, #tpu.memory_space<vmem>>, vector<16xf32>,
          %get3A_884 = vector.shape_cast %get3A_883 : vector<16xf32> to vector<16xf32>
          %add3A_885 = arith.constant 16384 : i32
          %add3A_886 = arith.addi %add3A_811, %add3A_885 : i32
          %add3A_887 = arith.constant 256 : i32
          %add3A_888 = arith.addi %add3A_886, %add3A_887 : i32
          %get3A_889 = arith.index_cast %add3A_888 : i32 to index
          %get3A_890 = tpu.vector_load %arg7[%get3A_889] {strides = array<i32>} : memref<65536xf32, #tpu.memory_space<vmem>>, vector<16xf32>,
          %get3A_891 = vector.shape_cast %get3A_890 : vector<16xf32> to vector<16xf32>
          %add3A_892 = arith.constant 16384 : i32
          %add3A_893 = arith.addi %add3A_811, %add3A_892 : i32
          %add3A_894 = arith.constant 384 : i32
          %add3A_895 = arith.addi %add3A_893, %add3A_894 : i32
          %get3A_896 = arith.index_cast %add3A_895 : i32 to index
          %get3A_897 = tpu.vector_load %arg7[%get3A_896] {strides = array<i32>} : memref<65536xf32, #tpu.memory_space<vmem>>, vector<16xf32>,
          %get3A_898 = vector.shape_cast %get3A_897 : vector<16xf32> to vector<16xf32>
          %add3A_899 = arith.constant 16384 : i32
          %add3A_900 = arith.addi %add3A_811, %add3A_899 : i32
          %add3A_901 = arith.constant 512 : i32
          %add3A_902 = arith.addi %add3A_900, %add3A_901 : i32
          %get3A_903 = arith.index_cast %add3A_902 : i32 to index
          %get3A_904 = tpu.vector_load %arg7[%get3A_903] {strides = array<i32>} : memref<65536xf32, #tpu.memory_space<vmem>>, vector<16xf32>,
          %get3A_905 = vector.shape_cast %get3A_904 : vector<16xf32> to vector<16xf32>
          %add3A_906 = arith.constant 16384 : i32
          %add3A_907 = arith.addi %add3A_811, %add3A_906 : i32
          %add3A_908 = arith.constant 640 : i32
          %add3A_909 = arith.addi %add3A_907, %add3A_908 : i32
          %get3A_910 = arith.index_cast %add3A_909 : i32 to index
          %get3A_911 = tpu.vector_load %arg7[%get3A_910] {strides = array<i32>} : memref<65536xf32, #tpu.memory_space<vmem>>, vector<16xf32>,
          %get3A_912 = vector.shape_cast %get3A_911 : vector<16xf32> to vector<16xf32>
          %add3A_913 = arith.constant 16384 : i32
          %add3A_914 = arith.addi %add3A_811, %add3A_913 : i32
          %add3A_915 = arith.constant 768 : i32
          %add3A_916 = arith.addi %add3A_914, %add3A_915 : i32
          %get3A_917 = arith.index_cast %add3A_916 : i32 to index
          %get3A_918 = tpu.vector_load %arg7[%get3A_917] {strides = array<i32>} : memref<65536xf32, #tpu.memory_space<vmem>>, vector<16xf32>,
          %get3A_919 = vector.shape_cast %get3A_918 : vector<16xf32> to vector<16xf32>
          %add3A_920 = arith.constant 16384 : i32
          %add3A_921 = arith.addi %add3A_811, %add3A_920 : i32
          %add3A_922 = arith.constant 896 : i32
          %add3A_923 = arith.addi %add3A_921, %add3A_922 : i32
          %get3A_924 = arith.index_cast %add3A_923 : i32 to index
          %get3A_925 = tpu.vector_load %arg7[%get3A_924] {strides = array<i32>} : memref<65536xf32, #tpu.memory_space<vmem>>, vector<16xf32>,
          %get3A_926 = vector.shape_cast %get3A_925 : vector<16xf32> to vector<16xf32>
          %add3A_927 = arith.addf %get3A_821, %get3A_828 : vector<16xf32>
          %add3A_928 = arith.addf %get3A_835, %get3A_842 : vector<16xf32>
          %add3A_929 = arith.addf %get3A_849, %get3A_856 : vector<16xf32>
          %add3A_930 = arith.addf %get3A_863, %get3A_870 : vector<16xf32>
          %add3A_931 = arith.addf %get3A_877, %get3A_884 : vector<16xf32>
          %add3A_932 = arith.addf %get3A_891, %get3A_898 : vector<16xf32>
          %add3A_933 = arith.addf %get3A_905, %get3A_912 : vector<16xf32>
          %add3A_934 = arith.addf %get3A_919, %get3A_926 : vector<16xf32>
          %add3A_935 = arith.addf %add3A_927, %add3A_928 : vector<16xf32>
          %add3A_936 = arith.addf %add3A_929, %add3A_930 : vector<16xf32>
          %add3A_937 = arith.addf %add3A_931, %add3A_932 : vector<16xf32>
          %add3A_938 = arith.addf %add3A_933, %add3A_934 : vector<16xf32>
          %add3A_939 = arith.addf %add3A_935, %add3A_936 : vector<16xf32>
          %add3A_940 = arith.addf %add3A_937, %add3A_938 : vector<16xf32>
          %add3A_941 = arith.addf %add3A_939, %add3A_940 : vector<16xf32>
          %add3A_942 = arith.addf %get3A_814, %add3A_941 : vector<16xf32>
          %swap3A_943 = arith.index_cast %add3A_809 : i32 to index
          %swap3A_944 = tpu.vector_load %arg6[%swap3A_943] {strides = array<i32>} : memref<32768xf32, #tpu.memory_space<vmem>>, vector<16xf32>,
          %swap3A_945 = vector.shape_cast %swap3A_944 : vector<16xf32> to vector<16xf32>
          %swap3A_946 = vector.shape_cast %add3A_942 : vector<16xf32> to vector<16xf32>
          tpu.vector_store %arg6[%swap3A_943], %swap3A_946 {strides = array<i32>} : memref<32768xf32, #tpu.memory_space<vmem>>, vector<16xf32>,
          %add3A_947 = arith.constant 80 : i32
          %add3A_948 = arith.addi %add3A_249, %add3A_947 : i32
          %add3A_949 = arith.constant 80 : i32
          %add3A_950 = arith.addi %add3A_252, %add3A_949 : i32
          %get3A_951 = arith.index_cast %add3A_948 : i32 to index
          %get3A_952 = tpu.vector_load %arg6[%get3A_951] {strides = array<i32>} : memref<32768xf32, #tpu.memory_space<vmem>>, vector<16xf32>,
          %get3A_953 = vector.shape_cast %get3A_952 : vector<16xf32> to vector<16xf32>
          %add3A_954 = arith.constant 0 : i32
          %add3A_955 = arith.addi %add3A_950, %add3A_954 : i32
          %add3A_956 = arith.constant 0 : i32
          %add3A_957 = arith.addi %add3A_955, %add3A_956 : i32
          %get3A_958 = arith.index_cast %add3A_957 : i32 to index
          %get3A_959 = tpu.vector_load %arg7[%get3A_958] {strides = array<i32>} : memref<65536xf32, #tpu.memory_space<vmem>>, vector<16xf32>,
          %get3A_960 = vector.shape_cast %get3A_959 : vector<16xf32> to vector<16xf32>
          %add3A_961 = arith.constant 0 : i32
          %add3A_962 = arith.addi %add3A_950, %add3A_961 : i32
          %add3A_963 = arith.constant 128 : i32
          %add3A_964 = arith.addi %add3A_962, %add3A_963 : i32
          %get3A_965 = arith.index_cast %add3A_964 : i32 to index
          %get3A_966 = tpu.vector_load %arg7[%get3A_965] {strides = array<i32>} : memref<65536xf32, #tpu.memory_space<vmem>>, vector<16xf32>,
          %get3A_967 = vector.shape_cast %get3A_966 : vector<16xf32> to vector<16xf32>
          %add3A_968 = arith.constant 0 : i32
          %add3A_969 = arith.addi %add3A_950, %add3A_968 : i32
          %add3A_970 = arith.constant 256 : i32
          %add3A_971 = arith.addi %add3A_969, %add3A_970 : i32
          %get3A_972 = arith.index_cast %add3A_971 : i32 to index
          %get3A_973 = tpu.vector_load %arg7[%get3A_972] {strides = array<i32>} : memref<65536xf32, #tpu.memory_space<vmem>>, vector<16xf32>,
          %get3A_974 = vector.shape_cast %get3A_973 : vector<16xf32> to vector<16xf32>
          %add3A_975 = arith.constant 0 : i32
          %add3A_976 = arith.addi %add3A_950, %add3A_975 : i32
          %add3A_977 = arith.constant 384 : i32
          %add3A_978 = arith.addi %add3A_976, %add3A_977 : i32
          %get3A_979 = arith.index_cast %add3A_978 : i32 to index
          %get3A_980 = tpu.vector_load %arg7[%get3A_979] {strides = array<i32>} : memref<65536xf32, #tpu.memory_space<vmem>>, vector<16xf32>,
          %get3A_981 = vector.shape_cast %get3A_980 : vector<16xf32> to vector<16xf32>
          %add3A_982 = arith.constant 0 : i32
          %add3A_983 = arith.addi %add3A_950, %add3A_982 : i32
          %add3A_984 = arith.constant 512 : i32
          %add3A_985 = arith.addi %add3A_983, %add3A_984 : i32
          %get3A_986 = arith.index_cast %add3A_985 : i32 to index
          %get3A_987 = tpu.vector_load %arg7[%get3A_986] {strides = array<i32>} : memref<65536xf32, #tpu.memory_space<vmem>>, vector<16xf32>,
          %get3A_988 = vector.shape_cast %get3A_987 : vector<16xf32> to vector<16xf32>
          %add3A_989 = arith.constant 0 : i32
          %add3A_990 = arith.addi %add3A_950, %add3A_989 : i32
          %add3A_991 = arith.constant 640 : i32
          %add3A_992 = arith.addi %add3A_990, %add3A_991 : i32
          %get3A_993 = arith.index_cast %add3A_992 : i32 to index
          %get3A_994 = tpu.vector_load %arg7[%get3A_993] {strides = array<i32>} : memref<65536xf32, #tpu.memory_space<vmem>>, vector<16xf32>,
          %get3A_995 = vector.shape_cast %get3A_994 : vector<16xf32> to vector<16xf32>
          %add3A_996 = arith.constant 0 : i32
          %add3A_997 = arith.addi %add3A_950, %add3A_996 : i32
          %add3A_998 = arith.constant 768 : i32
          %add3A_999 = arith.addi %add3A_997, %add3A_998 : i32
          %get3A_1000 = arith.index_cast %add3A_999 : i32 to index
          %get3A_1001 = tpu.vector_load %arg7[%get3A_1000] {strides = array<i32>} : memref<65536xf32, #tpu.memory_space<vmem>>, vector<16xf32>,
          %get3A_1002 = vector.shape_cast %get3A_1001 : vector<16xf32> to vector<16xf32>
          %add3A_1003 = arith.constant 0 : i32
          %add3A_1004 = arith.addi %add3A_950, %add3A_1003 : i32
          %add3A_1005 = arith.constant 896 : i32
          %add3A_1006 = arith.addi %add3A_1004, %add3A_1005 : i32
          %get3A_1007 = arith.index_cast %add3A_1006 : i32 to index
          %get3A_1008 = tpu.vector_load %arg7[%get3A_1007] {strides = array<i32>} : memref<65536xf32, #tpu.memory_space<vmem>>, vector<16xf32>,
          %get3A_1009 = vector.shape_cast %get3A_1008 : vector<16xf32> to vector<16xf32>
          %add3A_1010 = arith.constant 16384 : i32
          %add3A_1011 = arith.addi %add3A_950, %add3A_1010 : i32
          %add3A_1012 = arith.constant 0 : i32
          %add3A_1013 = arith.addi %add3A_1011, %add3A_1012 : i32
          %get3A_1014 = arith.index_cast %add3A_1013 : i32 to index
          %get3A_1015 = tpu.vector_load %arg7[%get3A_1014] {strides = array<i32>} : memref<65536xf32, #tpu.memory_space<vmem>>, vector<16xf32>,
          %get3A_1016 = vector.shape_cast %get3A_1015 : vector<16xf32> to vector<16xf32>
          %add3A_1017 = arith.constant 16384 : i32
          %add3A_1018 = arith.addi %add3A_950, %add3A_1017 : i32
          %add3A_1019 = arith.constant 128 : i32
          %add3A_1020 = arith.addi %add3A_1018, %add3A_1019 : i32
          %get3A_1021 = arith.index_cast %add3A_1020 : i32 to index
          %get3A_1022 = tpu.vector_load %arg7[%get3A_1021] {strides = array<i32>} : memref<65536xf32, #tpu.memory_space<vmem>>, vector<16xf32>,
          %get3A_1023 = vector.shape_cast %get3A_1022 : vector<16xf32> to vector<16xf32>
          %add3A_1024 = arith.constant 16384 : i32
          %add3A_1025 = arith.addi %add3A_950, %add3A_1024 : i32
          %add3A_1026 = arith.constant 256 : i32
          %add3A_1027 = arith.addi %add3A_1025, %add3A_1026 : i32
          %get3A_1028 = arith.index_cast %add3A_1027 : i32 to index
          %get3A_1029 = tpu.vector_load %arg7[%get3A_1028] {strides = array<i32>} : memref<65536xf32, #tpu.memory_space<vmem>>, vector<16xf32>,
          %get3A_1030 = vector.shape_cast %get3A_1029 : vector<16xf32> to vector<16xf32>
          %add3A_1031 = arith.constant 16384 : i32
          %add3A_1032 = arith.addi %add3A_950, %add3A_1031 : i32
          %add3A_1033 = arith.constant 384 : i32
          %add3A_1034 = arith.addi %add3A_1032, %add3A_1033 : i32
          %get3A_1035 = arith.index_cast %add3A_1034 : i32 to index
          %get3A_1036 = tpu.vector_load %arg7[%get3A_1035] {strides = array<i32>} : memref<65536xf32, #tpu.memory_space<vmem>>, vector<16xf32>,
          %get3A_1037 = vector.shape_cast %get3A_1036 : vector<16xf32> to vector<16xf32>
          %add3A_1038 = arith.constant 16384 : i32
          %add3A_1039 = arith.addi %add3A_950, %add3A_1038 : i32
          %add3A_1040 = arith.constant 512 : i32
          %add3A_1041 = arith.addi %add3A_1039, %add3A_1040 : i32
          %get3A_1042 = arith.index_cast %add3A_1041 : i32 to index
          %get3A_1043 = tpu.vector_load %arg7[%get3A_1042] {strides = array<i32>} : memref<65536xf32, #tpu.memory_space<vmem>>, vector<16xf32>,
          %get3A_1044 = vector.shape_cast %get3A_1043 : vector<16xf32> to vector<16xf32>
          %add3A_1045 = arith.constant 16384 : i32
          %add3A_1046 = arith.addi %add3A_950, %add3A_1045 : i32
          %add3A_1047 = arith.constant 640 : i32
          %add3A_1048 = arith.addi %add3A_1046, %add3A_1047 : i32
          %get3A_1049 = arith.index_cast %add3A_1048 : i32 to index
          %get3A_1050 = tpu.vector_load %arg7[%get3A_1049] {strides = array<i32>} : memref<65536xf32, #tpu.memory_space<vmem>>, vector<16xf32>,
          %get3A_1051 = vector.shape_cast %get3A_1050 : vector<16xf32> to vector<16xf32>
          %add3A_1052 = arith.constant 16384 : i32
          %add3A_1053 = arith.addi %add3A_950, %add3A_1052 : i32
          %add3A_1054 = arith.constant 768 : i32
          %add3A_1055 = arith.addi %add3A_1053, %add3A_1054 : i32
          %get3A_1056 = arith.index_cast %add3A_1055 : i32 to index
          %get3A_1057 = tpu.vector_load %arg7[%get3A_1056] {strides = array<i32>} : memref<65536xf32, #tpu.memory_space<vmem>>, vector<16xf32>,
          %get3A_1058 = vector.shape_cast %get3A_1057 : vector<16xf32> to vector<16xf32>
          %add3A_1059 = arith.constant 16384 : i32
          %add3A_1060 = arith.addi %add3A_950, %add3A_1059 : i32
          %add3A_1061 = arith.constant 896 : i32
          %add3A_1062 = arith.addi %add3A_1060, %add3A_1061 : i32
          %get3A_1063 = arith.index_cast %add3A_1062 : i32 to index
          %get3A_1064 = tpu.vector_load %arg7[%get3A_1063] {strides = array<i32>} : memref<65536xf32, #tpu.memory_space<vmem>>, vector<16xf32>,
          %get3A_1065 = vector.shape_cast %get3A_1064 : vector<16xf32> to vector<16xf32>
          %add3A_1066 = arith.addf %get3A_960, %get3A_967 : vector<16xf32>
          %add3A_1067 = arith.addf %get3A_974, %get3A_981 : vector<16xf32>
          %add3A_1068 = arith.addf %get3A_988, %get3A_995 : vector<16xf32>
          %add3A_1069 = arith.addf %get3A_1002, %get3A_1009 : vector<16xf32>
          %add3A_1070 = arith.addf %get3A_1016, %get3A_1023 : vector<16xf32>
          %add3A_1071 = arith.addf %get3A_1030, %get3A_1037 : vector<16xf32>
          %add3A_1072 = arith.addf %get3A_1044, %get3A_1051 : vector<16xf32>
          %add3A_1073 = arith.addf %get3A_1058, %get3A_1065 : vector<16xf32>
          %add3A_1074 = arith.addf %add3A_1066, %add3A_1067 : vector<16xf32>
          %add3A_1075 = arith.addf %add3A_1068, %add3A_1069 : vector<16xf32>
          %add3A_1076 = arith.addf %add3A_1070, %add3A_1071 : vector<16xf32>
          %add3A_1077 = arith.addf %add3A_1072, %add3A_1073 : vector<16xf32>
          %add3A_1078 = arith.addf %add3A_1074, %add3A_1075 : vector<16xf32>
          %add3A_1079 = arith.addf %add3A_1076, %add3A_1077 : vector<16xf32>
          %add3A_1080 = arith.addf %add3A_1078, %add3A_1079 : vector<16xf32>
          %add3A_1081 = arith.addf %get3A_953, %add3A_1080 : vector<16xf32>
          %swap3A_1082 = arith.index_cast %add3A_948 : i32 to index
          %swap3A_1083 = tpu.vector_load %arg6[%swap3A_1082] {strides = array<i32>} : memref<32768xf32, #tpu.memory_space<vmem>>, vector<16xf32>,
          %swap3A_1084 = vector.shape_cast %swap3A_1083 : vector<16xf32> to vector<16xf32>
          %swap3A_1085 = vector.shape_cast %add3A_1081 : vector<16xf32> to vector<16xf32>
          tpu.vector_store %arg6[%swap3A_1082], %swap3A_1085 {strides = array<i32>} : memref<32768xf32, #tpu.memory_space<vmem>>, vector<16xf32>,
          %add3A_1086 = arith.constant 96 : i32
          %add3A_1087 = arith.addi %add3A_249, %add3A_1086 : i32
          %add3A_1088 = arith.constant 96 : i32
          %add3A_1089 = arith.addi %add3A_252, %add3A_1088 : i32
          %get3A_1090 = arith.index_cast %add3A_1087 : i32 to index
          %get3A_1091 = tpu.vector_load %arg6[%get3A_1090] {strides = array<i32>} : memref<32768xf32, #tpu.memory_space<vmem>>, vector<16xf32>,
          %get3A_1092 = vector.shape_cast %get3A_1091 : vector<16xf32> to vector<16xf32>
          %add3A_1093 = arith.constant 0 : i32
          %add3A_1094 = arith.addi %add3A_1089, %add3A_1093 : i32
          %add3A_1095 = arith.constant 0 : i32
          %add3A_1096 = arith.addi %add3A_1094, %add3A_1095 : i32
          %get3A_1097 = arith.index_cast %add3A_1096 : i32 to index
          %get3A_1098 = tpu.vector_load %arg7[%get3A_1097] {strides = array<i32>} : memref<65536xf32, #tpu.memory_space<vmem>>, vector<16xf32>,
          %get3A_1099 = vector.shape_cast %get3A_1098 : vector<16xf32> to vector<16xf32>
          %add3A_1100 = arith.constant 0 : i32
          %add3A_1101 = arith.addi %add3A_1089, %add3A_1100 : i32
          %add3A_1102 = arith.constant 128 : i32
          %add3A_1103 = arith.addi %add3A_1101, %add3A_1102 : i32
          %get3A_1104 = arith.index_cast %add3A_1103 : i32 to index
          %get3A_1105 = tpu.vector_load %arg7[%get3A_1104] {strides = array<i32>} : memref<65536xf32, #tpu.memory_space<vmem>>, vector<16xf32>,
          %get3A_1106 = vector.shape_cast %get3A_1105 : vector<16xf32> to vector<16xf32>
          %add3A_1107 = arith.constant 0 : i32
          %add3A_1108 = arith.addi %add3A_1089, %add3A_1107 : i32
          %add3A_1109 = arith.constant 256 : i32
          %add3A_1110 = arith.addi %add3A_1108, %add3A_1109 : i32
          %get3A_1111 = arith.index_cast %add3A_1110 : i32 to index
          %get3A_1112 = tpu.vector_load %arg7[%get3A_1111] {strides = array<i32>} : memref<65536xf32, #tpu.memory_space<vmem>>, vector<16xf32>,
          %get3A_1113 = vector.shape_cast %get3A_1112 : vector<16xf32> to vector<16xf32>
          %add3A_1114 = arith.constant 0 : i32
          %add3A_1115 = arith.addi %add3A_1089, %add3A_1114 : i32
          %add3A_1116 = arith.constant 384 : i32
          %add3A_1117 = arith.addi %add3A_1115, %add3A_1116 : i32
          %get3A_1118 = arith.index_cast %add3A_1117 : i32 to index
          %get3A_1119 = tpu.vector_load %arg7[%get3A_1118] {strides = array<i32>} : memref<65536xf32, #tpu.memory_space<vmem>>, vector<16xf32>,
          %get3A_1120 = vector.shape_cast %get3A_1119 : vector<16xf32> to vector<16xf32>
          %add3A_1121 = arith.constant 0 : i32
          %add3A_1122 = arith.addi %add3A_1089, %add3A_1121 : i32
          %add3A_1123 = arith.constant 512 : i32
          %add3A_1124 = arith.addi %add3A_1122, %add3A_1123 : i32
          %get3A_1125 = arith.index_cast %add3A_1124 : i32 to index
          %get3A_1126 = tpu.vector_load %arg7[%get3A_1125] {strides = array<i32>} : memref<65536xf32, #tpu.memory_space<vmem>>, vector<16xf32>,
          %get3A_1127 = vector.shape_cast %get3A_1126 : vector<16xf32> to vector<16xf32>
          %add3A_1128 = arith.constant 0 : i32
          %add3A_1129 = arith.addi %add3A_1089, %add3A_1128 : i32
          %add3A_1130 = arith.constant 640 : i32
          %add3A_1131 = arith.addi %add3A_1129, %add3A_1130 : i32
          %get3A_1132 = arith.index_cast %add3A_1131 : i32 to index
          %get3A_1133 = tpu.vector_load %arg7[%get3A_1132] {strides = array<i32>} : memref<65536xf32, #tpu.memory_space<vmem>>, vector<16xf32>,
          %get3A_1134 = vector.shape_cast %get3A_1133 : vector<16xf32> to vector<16xf32>
          %add3A_1135 = arith.constant 0 : i32
          %add3A_1136 = arith.addi %add3A_1089, %add3A_1135 : i32
          %add3A_1137 = arith.constant 768 : i32
          %add3A_1138 = arith.addi %add3A_1136, %add3A_1137 : i32
          %get3A_1139 = arith.index_cast %add3A_1138 : i32 to index
          %get3A_1140 = tpu.vector_load %arg7[%get3A_1139] {strides = array<i32>} : memref<65536xf32, #tpu.memory_space<vmem>>, vector<16xf32>,
          %get3A_1141 = vector.shape_cast %get3A_1140 : vector<16xf32> to vector<16xf32>
          %add3A_1142 = arith.constant 0 : i32
          %add3A_1143 = arith.addi %add3A_1089, %add3A_1142 : i32
          %add3A_1144 = arith.constant 896 : i32
          %add3A_1145 = arith.addi %add3A_1143, %add3A_1144 : i32
          %get3A_1146 = arith.index_cast %add3A_1145 : i32 to index
          %get3A_1147 = tpu.vector_load %arg7[%get3A_1146] {strides = array<i32>} : memref<65536xf32, #tpu.memory_space<vmem>>, vector<16xf32>,
          %get3A_1148 = vector.shape_cast %get3A_1147 : vector<16xf32> to vector<16xf32>
          %add3A_1149 = arith.constant 16384 : i32
          %add3A_1150 = arith.addi %add3A_1089, %add3A_1149 : i32
          %add3A_1151 = arith.constant 0 : i32
          %add3A_1152 = arith.addi %add3A_1150, %add3A_1151 : i32
          %get3A_1153 = arith.index_cast %add3A_1152 : i32 to index
          %get3A_1154 = tpu.vector_load %arg7[%get3A_1153] {strides = array<i32>} : memref<65536xf32, #tpu.memory_space<vmem>>, vector<16xf32>,
          %get3A_1155 = vector.shape_cast %get3A_1154 : vector<16xf32> to vector<16xf32>
          %add3A_1156 = arith.constant 16384 : i32
          %add3A_1157 = arith.addi %add3A_1089, %add3A_1156 : i32
          %add3A_1158 = arith.constant 128 : i32
          %add3A_1159 = arith.addi %add3A_1157, %add3A_1158 : i32
          %get3A_1160 = arith.index_cast %add3A_1159 : i32 to index
          %get3A_1161 = tpu.vector_load %arg7[%get3A_1160] {strides = array<i32>} : memref<65536xf32, #tpu.memory_space<vmem>>, vector<16xf32>,
          %get3A_1162 = vector.shape_cast %get3A_1161 : vector<16xf32> to vector<16xf32>
          %add3A_1163 = arith.constant 16384 : i32
          %add3A_1164 = arith.addi %add3A_1089, %add3A_1163 : i32
          %add3A_1165 = arith.constant 256 : i32
          %add3A_1166 = arith.addi %add3A_1164, %add3A_1165 : i32
          %get3A_1167 = arith.index_cast %add3A_1166 : i32 to index
          %get3A_1168 = tpu.vector_load %arg7[%get3A_1167] {strides = array<i32>} : memref<65536xf32, #tpu.memory_space<vmem>>, vector<16xf32>,
          %get3A_1169 = vector.shape_cast %get3A_1168 : vector<16xf32> to vector<16xf32>
          %add3A_1170 = arith.constant 16384 : i32
          %add3A_1171 = arith.addi %add3A_1089, %add3A_1170 : i32
          %add3A_1172 = arith.constant 384 : i32
          %add3A_1173 = arith.addi %add3A_1171, %add3A_1172 : i32
          %get3A_1174 = arith.index_cast %add3A_1173 : i32 to index
          %get3A_1175 = tpu.vector_load %arg7[%get3A_1174] {strides = array<i32>} : memref<65536xf32, #tpu.memory_space<vmem>>, vector<16xf32>,
          %get3A_1176 = vector.shape_cast %get3A_1175 : vector<16xf32> to vector<16xf32>
          %add3A_1177 = arith.constant 16384 : i32
          %add3A_1178 = arith.addi %add3A_1089, %add3A_1177 : i32
          %add3A_1179 = arith.constant 512 : i32
          %add3A_1180 = arith.addi %add3A_1178, %add3A_1179 : i32
          %get3A_1181 = arith.index_cast %add3A_1180 : i32 to index
          %get3A_1182 = tpu.vector_load %arg7[%get3A_1181] {strides = array<i32>} : memref<65536xf32, #tpu.memory_space<vmem>>, vector<16xf32>,
          %get3A_1183 = vector.shape_cast %get3A_1182 : vector<16xf32> to vector<16xf32>
          %add3A_1184 = arith.constant 16384 : i32
          %add3A_1185 = arith.addi %add3A_1089, %add3A_1184 : i32
          %add3A_1186 = arith.constant 640 : i32
          %add3A_1187 = arith.addi %add3A_1185, %add3A_1186 : i32
          %get3A_1188 = arith.index_cast %add3A_1187 : i32 to index
          %get3A_1189 = tpu.vector_load %arg7[%get3A_1188] {strides = array<i32>} : memref<65536xf32, #tpu.memory_space<vmem>>, vector<16xf32>,
          %get3A_1190 = vector.shape_cast %get3A_1189 : vector<16xf32> to vector<16xf32>
          %add3A_1191 = arith.constant 16384 : i32
          %add3A_1192 = arith.addi %add3A_1089, %add3A_1191 : i32
          %add3A_1193 = arith.constant 768 : i32
          %add3A_1194 = arith.addi %add3A_1192, %add3A_1193 : i32
          %get3A_1195 = arith.index_cast %add3A_1194 : i32 to index
          %get3A_1196 = tpu.vector_load %arg7[%get3A_1195] {strides = array<i32>} : memref<65536xf32, #tpu.memory_space<vmem>>, vector<16xf32>,
          %get3A_1197 = vector.shape_cast %get3A_1196 : vector<16xf32> to vector<16xf32>
          %add3A_1198 = arith.constant 16384 : i32
          %add3A_1199 = arith.addi %add3A_1089, %add3A_1198 : i32
          %add3A_1200 = arith.constant 896 : i32
          %add3A_1201 = arith.addi %add3A_1199, %add3A_1200 : i32
          %get3A_1202 = arith.index_cast %add3A_1201 : i32 to index
          %get3A_1203 = tpu.vector_load %arg7[%get3A_1202] {strides = array<i32>} : memref<65536xf32, #tpu.memory_space<vmem>>, vector<16xf32>,
          %get3A_1204 = vector.shape_cast %get3A_1203 : vector<16xf32> to vector<16xf32>
          %add3A_1205 = arith.addf %get3A_1099, %get3A_1106 : vector<16xf32>
          %add3A_1206 = arith.addf %get3A_1113, %get3A_1120 : vector<16xf32>
          %add3A_1207 = arith.addf %get3A_1127, %get3A_1134 : vector<16xf32>
          %add3A_1208 = arith.addf %get3A_1141, %get3A_1148 : vector<16xf32>
          %add3A_1209 = arith.addf %get3A_1155, %get3A_1162 : vector<16xf32>
          %add3A_1210 = arith.addf %get3A_1169, %get3A_1176 : vector<16xf32>
          %add3A_1211 = arith.addf %get3A_1183, %get3A_1190 : vector<16xf32>
          %add3A_1212 = arith.addf %get3A_1197, %get3A_1204 : vector<16xf32>
          %add3A_1213 = arith.addf %add3A_1205, %add3A_1206 : vector<16xf32>
          %add3A_1214 = arith.addf %add3A_1207, %add3A_1208 : vector<16xf32>
          %add3A_1215 = arith.addf %add3A_1209, %add3A_1210 : vector<16xf32>
          %add3A_1216 = arith.addf %add3A_1211, %add3A_1212 : vector<16xf32>
          %add3A_1217 = arith.addf %add3A_1213, %add3A_1214 : vector<16xf32>
          %add3A_1218 = arith.addf %add3A_1215, %add3A_1216 : vector<16xf32>
          %add3A_1219 = arith.addf %add3A_1217, %add3A_1218 : vector<16xf32>
          %add3A_1220 = arith.addf %get3A_1092, %add3A_1219 : vector<16xf32>
          %swap3A_1221 = arith.index_cast %add3A_1087 : i32 to index
          %swap3A_1222 = tpu.vector_load %arg6[%swap3A_1221] {strides = array<i32>} : memref<32768xf32, #tpu.memory_space<vmem>>, vector<16xf32>,
          %swap3A_1223 = vector.shape_cast %swap3A_1222 : vector<16xf32> to vector<16xf32>
          %swap3A_1224 = vector.shape_cast %add3A_1220 : vector<16xf32> to vector<16xf32>
          tpu.vector_store %arg6[%swap3A_1221], %swap3A_1224 {strides = array<i32>} : memref<32768xf32, #tpu.memory_space<vmem>>, vector<16xf32>,
          %add3A_1225 = arith.constant 112 : i32
          %add3A_1226 = arith.addi %add3A_249, %add3A_1225 : i32
          %add3A_1227 = arith.constant 112 : i32
          %add3A_1228 = arith.addi %add3A_252, %add3A_1227 : i32
          %get3A_1229 = arith.index_cast %add3A_1226 : i32 to index
          %get3A_1230 = tpu.vector_load %arg6[%get3A_1229] {strides = array<i32>} : memref<32768xf32, #tpu.memory_space<vmem>>, vector<16xf32>,
          %get3A_1231 = vector.shape_cast %get3A_1230 : vector<16xf32> to vector<16xf32>
          %add3A_1232 = arith.constant 0 : i32
          %add3A_1233 = arith.addi %add3A_1228, %add3A_1232 : i32
          %add3A_1234 = arith.constant 0 : i32
          %add3A_1235 = arith.addi %add3A_1233, %add3A_1234 : i32
          %get3A_1236 = arith.index_cast %add3A_1235 : i32 to index
          %get3A_1237 = tpu.vector_load %arg7[%get3A_1236] {strides = array<i32>} : memref<65536xf32, #tpu.memory_space<vmem>>, vector<16xf32>,
          %get3A_1238 = vector.shape_cast %get3A_1237 : vector<16xf32> to vector<16xf32>
          %add3A_1239 = arith.constant 0 : i32
          %add3A_1240 = arith.addi %add3A_1228, %add3A_1239 : i32
          %add3A_1241 = arith.constant 128 : i32
          %add3A_1242 = arith.addi %add3A_1240, %add3A_1241 : i32
          %get3A_1243 = arith.index_cast %add3A_1242 : i32 to index
          %get3A_1244 = tpu.vector_load %arg7[%get3A_1243] {strides = array<i32>} : memref<65536xf32, #tpu.memory_space<vmem>>, vector<16xf32>,
          %get3A_1245 = vector.shape_cast %get3A_1244 : vector<16xf32> to vector<16xf32>
          %add3A_1246 = arith.constant 0 : i32
          %add3A_1247 = arith.addi %add3A_1228, %add3A_1246 : i32
          %add3A_1248 = arith.constant 256 : i32
          %add3A_1249 = arith.addi %add3A_1247, %add3A_1248 : i32
          %get3A_1250 = arith.index_cast %add3A_1249 : i32 to index
          %get3A_1251 = tpu.vector_load %arg7[%get3A_1250] {strides = array<i32>} : memref<65536xf32, #tpu.memory_space<vmem>>, vector<16xf32>,
          %get3A_1252 = vector.shape_cast %get3A_1251 : vector<16xf32> to vector<16xf32>
          %add3A_1253 = arith.constant 0 : i32
          %add3A_1254 = arith.addi %add3A_1228, %add3A_1253 : i32
          %add3A_1255 = arith.constant 384 : i32
          %add3A_1256 = arith.addi %add3A_1254, %add3A_1255 : i32
          %get3A_1257 = arith.index_cast %add3A_1256 : i32 to index
          %get3A_1258 = tpu.vector_load %arg7[%get3A_1257] {strides = array<i32>} : memref<65536xf32, #tpu.memory_space<vmem>>, vector<16xf32>,
          %get3A_1259 = vector.shape_cast %get3A_1258 : vector<16xf32> to vector<16xf32>
          %add3A_1260 = arith.constant 0 : i32
          %add3A_1261 = arith.addi %add3A_1228, %add3A_1260 : i32
          %add3A_1262 = arith.constant 512 : i32
          %add3A_1263 = arith.addi %add3A_1261, %add3A_1262 : i32
          %get3A_1264 = arith.index_cast %add3A_1263 : i32 to index
          %get3A_1265 = tpu.vector_load %arg7[%get3A_1264] {strides = array<i32>} : memref<65536xf32, #tpu.memory_space<vmem>>, vector<16xf32>,
          %get3A_1266 = vector.shape_cast %get3A_1265 : vector<16xf32> to vector<16xf32>
          %add3A_1267 = arith.constant 0 : i32
          %add3A_1268 = arith.addi %add3A_1228, %add3A_1267 : i32
          %add3A_1269 = arith.constant 640 : i32
          %add3A_1270 = arith.addi %add3A_1268, %add3A_1269 : i32
          %get3A_1271 = arith.index_cast %add3A_1270 : i32 to index
          %get3A_1272 = tpu.vector_load %arg7[%get3A_1271] {strides = array<i32>} : memref<65536xf32, #tpu.memory_space<vmem>>, vector<16xf32>,
          %get3A_1273 = vector.shape_cast %get3A_1272 : vector<16xf32> to vector<16xf32>
          %add3A_1274 = arith.constant 0 : i32
          %add3A_1275 = arith.addi %add3A_1228, %add3A_1274 : i32
          %add3A_1276 = arith.constant 768 : i32
          %add3A_1277 = arith.addi %add3A_1275, %add3A_1276 : i32
          %get3A_1278 = arith.index_cast %add3A_1277 : i32 to index
          %get3A_1279 = tpu.vector_load %arg7[%get3A_1278] {strides = array<i32>} : memref<65536xf32, #tpu.memory_space<vmem>>, vector<16xf32>,
          %get3A_1280 = vector.shape_cast %get3A_1279 : vector<16xf32> to vector<16xf32>
          %add3A_1281 = arith.constant 0 : i32
          %add3A_1282 = arith.addi %add3A_1228, %add3A_1281 : i32
          %add3A_1283 = arith.constant 896 : i32
          %add3A_1284 = arith.addi %add3A_1282, %add3A_1283 : i32
          %get3A_1285 = arith.index_cast %add3A_1284 : i32 to index
          %get3A_1286 = tpu.vector_load %arg7[%get3A_1285] {strides = array<i32>} : memref<65536xf32, #tpu.memory_space<vmem>>, vector<16xf32>,
          %get3A_1287 = vector.shape_cast %get3A_1286 : vector<16xf32> to vector<16xf32>
          %add3A_1288 = arith.constant 16384 : i32
          %add3A_1289 = arith.addi %add3A_1228, %add3A_1288 : i32
          %add3A_1290 = arith.constant 0 : i32
          %add3A_1291 = arith.addi %add3A_1289, %add3A_1290 : i32
          %get3A_1292 = arith.index_cast %add3A_1291 : i32 to index
          %get3A_1293 = tpu.vector_load %arg7[%get3A_1292] {strides = array<i32>} : memref<65536xf32, #tpu.memory_space<vmem>>, vector<16xf32>,
          %get3A_1294 = vector.shape_cast %get3A_1293 : vector<16xf32> to vector<16xf32>
          %add3A_1295 = arith.constant 16384 : i32
          %add3A_1296 = arith.addi %add3A_1228, %add3A_1295 : i32
          %add3A_1297 = arith.constant 128 : i32
          %add3A_1298 = arith.addi %add3A_1296, %add3A_1297 : i32
          %get3A_1299 = arith.index_cast %add3A_1298 : i32 to index
          %get3A_1300 = tpu.vector_load %arg7[%get3A_1299] {strides = array<i32>} : memref<65536xf32, #tpu.memory_space<vmem>>, vector<16xf32>,
          %get3A_1301 = vector.shape_cast %get3A_1300 : vector<16xf32> to vector<16xf32>
          %add3A_1302 = arith.constant 16384 : i32
          %add3A_1303 = arith.addi %add3A_1228, %add3A_1302 : i32
          %add3A_1304 = arith.constant 256 : i32
          %add3A_1305 = arith.addi %add3A_1303, %add3A_1304 : i32
          %get3A_1306 = arith.index_cast %add3A_1305 : i32 to index
          %get3A_1307 = tpu.vector_load %arg7[%get3A_1306] {strides = array<i32>} : memref<65536xf32, #tpu.memory_space<vmem>>, vector<16xf32>,
          %get3A_1308 = vector.shape_cast %get3A_1307 : vector<16xf32> to vector<16xf32>
          %add3A_1309 = arith.constant 16384 : i32
          %add3A_1310 = arith.addi %add3A_1228, %add3A_1309 : i32
          %add3A_1311 = arith.constant 384 : i32
          %add3A_1312 = arith.addi %add3A_1310, %add3A_1311 : i32
          %get3A_1313 = arith.index_cast %add3A_1312 : i32 to index
          %get3A_1314 = tpu.vector_load %arg7[%get3A_1313] {strides = array<i32>} : memref<65536xf32, #tpu.memory_space<vmem>>, vector<16xf32>,
          %get3A_1315 = vector.shape_cast %get3A_1314 : vector<16xf32> to vector<16xf32>
          %add3A_1316 = arith.constant 16384 : i32
          %add3A_1317 = arith.addi %add3A_1228, %add3A_1316 : i32
          %add3A_1318 = arith.constant 512 : i32
          %add3A_1319 = arith.addi %add3A_1317, %add3A_1318 : i32
          %get3A_1320 = arith.index_cast %add3A_1319 : i32 to index
          %get3A_1321 = tpu.vector_load %arg7[%get3A_1320] {strides = array<i32>} : memref<65536xf32, #tpu.memory_space<vmem>>, vector<16xf32>,
          %get3A_1322 = vector.shape_cast %get3A_1321 : vector<16xf32> to vector<16xf32>
          %add3A_1323 = arith.constant 16384 : i32
          %add3A_1324 = arith.addi %add3A_1228, %add3A_1323 : i32
          %add3A_1325 = arith.constant 640 : i32
          %add3A_1326 = arith.addi %add3A_1324, %add3A_1325 : i32
          %get3A_1327 = arith.index_cast %add3A_1326 : i32 to index
          %get3A_1328 = tpu.vector_load %arg7[%get3A_1327] {strides = array<i32>} : memref<65536xf32, #tpu.memory_space<vmem>>, vector<16xf32>,
          %get3A_1329 = vector.shape_cast %get3A_1328 : vector<16xf32> to vector<16xf32>
          %add3A_1330 = arith.constant 16384 : i32
          %add3A_1331 = arith.addi %add3A_1228, %add3A_1330 : i32
          %add3A_1332 = arith.constant 768 : i32
          %add3A_1333 = arith.addi %add3A_1331, %add3A_1332 : i32
          %get3A_1334 = arith.index_cast %add3A_1333 : i32 to index
          %get3A_1335 = tpu.vector_load %arg7[%get3A_1334] {strides = array<i32>} : memref<65536xf32, #tpu.memory_space<vmem>>, vector<16xf32>,
          %get3A_1336 = vector.shape_cast %get3A_1335 : vector<16xf32> to vector<16xf32>
          %add3A_1337 = arith.constant 16384 : i32
          %add3A_1338 = arith.addi %add3A_1228, %add3A_1337 : i32
          %add3A_1339 = arith.constant 896 : i32
          %add3A_1340 = arith.addi %add3A_1338, %add3A_1339 : i32
          %get3A_1341 = arith.index_cast %add3A_1340 : i32 to index
          %get3A_1342 = tpu.vector_load %arg7[%get3A_1341] {strides = array<i32>} : memref<65536xf32, #tpu.memory_space<vmem>>, vector<16xf32>,
          %get3A_1343 = vector.shape_cast %get3A_1342 : vector<16xf32> to vector<16xf32>
          %add3A_1344 = arith.addf %get3A_1238, %get3A_1245 : vector<16xf32>
          %add3A_1345 = arith.addf %get3A_1252, %get3A_1259 : vector<16xf32>
          %add3A_1346 = arith.addf %get3A_1266, %get3A_1273 : vector<16xf32>
          %add3A_1347 = arith.addf %get3A_1280, %get3A_1287 : vector<16xf32>
          %add3A_1348 = arith.addf %get3A_1294, %get3A_1301 : vector<16xf32>
          %add3A_1349 = arith.addf %get3A_1308, %get3A_1315 : vector<16xf32>
          %add3A_1350 = arith.addf %get3A_1322, %get3A_1329 : vector<16xf32>
          %add3A_1351 = arith.addf %get3A_1336, %get3A_1343 : vector<16xf32>
          %add3A_1352 = arith.addf %add3A_1344, %add3A_1345 : vector<16xf32>
          %add3A_1353 = arith.addf %add3A_1346, %add3A_1347 : vector<16xf32>
          %add3A_1354 = arith.addf %add3A_1348, %add3A_1349 : vector<16xf32>
          %add3A_1355 = arith.addf %add3A_1350, %add3A_1351 : vector<16xf32>
          %add3A_1356 = arith.addf %add3A_1352, %add3A_1353 : vector<16xf32>
          %add3A_1357 = arith.addf %add3A_1354, %add3A_1355 : vector<16xf32>
          %add3A_1358 = arith.addf %add3A_1356, %add3A_1357 : vector<16xf32>
          %add3A_1359 = arith.addf %get3A_1231, %add3A_1358 : vector<16xf32>
          %swap3A_1360 = arith.index_cast %add3A_1226 : i32 to index
          %swap3A_1361 = tpu.vector_load %arg6[%swap3A_1360] {strides = array<i32>} : memref<32768xf32, #tpu.memory_space<vmem>>, vector<16xf32>,
          %swap3A_1362 = vector.shape_cast %swap3A_1361 : vector<16xf32> to vector<16xf32>
          %swap3A_1363 = vector.shape_cast %add3A_1359 : vector<16xf32> to vector<16xf32>
          tpu.vector_store %arg6[%swap3A_1360], %swap3A_1363 {strides = array<i32>} : memref<32768xf32, #tpu.memory_space<vmem>>, vector<16xf32>,
          %scan3A_1364 = arith.constant 0 : i32
          scf.yield %scan3A_1364 : i32
        }
        %scan3A_244 = arith.constant 16 : i32
      } else {
      }
      %ne3A_191 = arith.cmpi ne, %add3A_135, %add3A_186 : i32
      %convert_element_type3A_192 = arith.extui %ne3A_191 : i1 to i32
      %cond3A_193 = arith.constant 0 : i32
      %cond3A_194 = arith.cmpi ne, %convert_element_type3A_192, %cond3A_193 : i32
      scf.if %cond3A_194 {
        %scan3A_196 = arith.constant 0 : i32
        %scan3A_197 = arith.constant 0 : i32
        %scan3A_198 = arith.constant 16 : i32
        %scan3A_199 = arith.addi %scan3A_197, %scan3A_198 : i32
        %scan3A_200 = arith.constant 1 : i32
        %scan3A_201 = scf.for %scan3A_203 = %scan3A_197 to %scan3A_199 step %scan3A_200 iter_args(%scan3A_204 = %scan3A_196) -> (i32)  : i32 {
          %jit3A_205 = arith.constant 8 : i32
          %div3A = arith.divsi %scan3A_203, %jit3A_205 : i32
          %sign3A = arith.constant 0 : i32
          %sign3A_206 = arith.cmpi sgt, %scan3A_203, %sign3A : i32
          %sign3A_207 = arith.extui %sign3A_206 : i1 to i32
          %sign3A_208 = arith.constant 0 : i32
          %sign3A_209 = arith.cmpi slt, %scan3A_203, %sign3A_208 : i32
          %sign3A_210 = arith.extui %sign3A_209 : i1 to i32
          %sign3A_211 = arith.subi %sign3A_207, %sign3A_210 : i32
          %sign3A_212 = arith.constant 0 : i32
          %sign3A_213 = arith.cmpi sgt, %jit3A_205, %sign3A_212 : i32
          %sign3A_214 = arith.extui %sign3A_213 : i1 to i32
          %sign3A_215 = arith.constant 0 : i32
          %sign3A_216 = arith.cmpi slt, %jit3A_205, %sign3A_215 : i32
          %sign3A_217 = arith.extui %sign3A_216 : i1 to i32
          %sign3A_218 = arith.subi %sign3A_214, %sign3A_217 : i32
          %ne3A_219 = arith.cmpi ne, %sign3A_211, %sign3A_218 : i32
          %rem3A_220 = arith.remsi %scan3A_203, %jit3A_205 : i32
          %ne3A_221 = arith.constant 0 : i32
          %ne3A_222 = arith.cmpi ne, %rem3A_220, %ne3A_221 : i32
          %and3A_223 = arith.andi %ne3A_219, %ne3A_222 : i1
          %sub3A = arith.constant 1 : i32
          %sub3A_224 = arith.subi %div3A, %sub3A : i32
          %select_n3A_225 = arith.select %and3A_223, %sub3A_224, %div3A : i32
          %jit3A_226 = arith.constant 8 : i32
          %eq3A_227 = arith.constant 0 : i32
          %eq3A_228 = arith.cmpi eq, %jit3A_226, %eq3A_227 : i32
          %jit3A_229 = arith.constant 1 : i32
          %select_n3A_230 = arith.select %eq3A_228, %jit3A_229, %jit3A_226 : i32
          %rem3A_231 = arith.remsi %scan3A_203, %select_n3A_230 : i32
          %ne3A_232 = arith.constant 0 : i32
          %ne3A_233 = arith.cmpi ne, %rem3A_231, %ne3A_232 : i32
          %lt3A_234 = arith.constant 0 : i32
          %lt3A_235 = arith.cmpi slt, %rem3A_231, %lt3A_234 : i32
          %lt3A_236 = arith.constant 0 : i32
          %lt3A_237 = arith.cmpi slt, %select_n3A_230, %lt3A_236 : i32
          %ne3A_238 = arith.xori %lt3A_235, %lt3A_237 : i1
          %and3A_239 = arith.andi %ne3A_238, %ne3A_233 : i1
          %add3A_240 = arith.addi %rem3A_231, %select_n3A_230 : i32
          %select_n3A_241 = arith.select %and3A_239, %add3A_240, %rem3A_231 : i32
          %add3A_242 = arith.addi %add3A_87, %scan3A_203 : i32
          %le3A_243 = arith.cmpi sle, %squeeze3A, %add3A_242 : i32
          %convert_element_type3A_244 = arith.extui %le3A_243 : i1 to i32
          %add3A_245 = arith.constant 0 : i32
          %add3A_246 = arith.addi %add3A_245, %convert_element_type3A_244 : i32
          %le3A_247 = arith.cmpi sle, %squeeze3A_6, %add3A_242 : i32
          %convert_element_type3A_248 = arith.extui %le3A_247 : i1 to i32
          %add3A_249 = arith.addi %add3A_246, %convert_element_type3A_248 : i32
          %le3A_250 = arith.cmpi sle, %squeeze3A_8, %add3A_242 : i32
          %convert_element_type3A_251 = arith.extui %le3A_250 : i1 to i32
          %add3A_252 = arith.addi %add3A_249, %convert_element_type3A_251 : i32
          %le3A_253 = arith.cmpi sle, %squeeze3A_10, %add3A_242 : i32
          %convert_element_type3A_254 = arith.extui %le3A_253 : i1 to i32
          %add3A_255 = arith.addi %add3A_252, %convert_element_type3A_254 : i32
          %le3A_256 = arith.cmpi sle, %squeeze3A_12, %add3A_242 : i32
          %convert_element_type3A_257 = arith.extui %le3A_256 : i1 to i32
          %add3A_258 = arith.addi %add3A_255, %convert_element_type3A_257 : i32
          %le3A_259 = arith.cmpi sle, %squeeze3A_14, %add3A_242 : i32
          %convert_element_type3A_260 = arith.extui %le3A_259 : i1 to i32
          %add3A_261 = arith.addi %add3A_258, %convert_element_type3A_260 : i32
          %le3A_262 = arith.cmpi sle, %squeeze3A_16, %add3A_242 : i32
          %convert_element_type3A_263 = arith.extui %le3A_262 : i1 to i32
          %add3A_264 = arith.addi %add3A_261, %convert_element_type3A_263 : i32
          %le3A_265 = arith.cmpi sle, %squeeze3A_18, %add3A_242 : i32
          %convert_element_type3A_266 = arith.extui %le3A_265 : i1 to i32
          %add3A_267 = arith.addi %add3A_264, %convert_element_type3A_266 : i32
          %le3A_268 = arith.cmpi sle, %squeeze3A_20, %add3A_242 : i32
          %convert_element_type3A_269 = arith.extui %le3A_268 : i1 to i32
          %add3A_270 = arith.addi %add3A_267, %convert_element_type3A_269 : i32
          %le3A_271 = arith.cmpi sle, %squeeze3A_22, %add3A_242 : i32
          %convert_element_type3A_272 = arith.extui %le3A_271 : i1 to i32
          %add3A_273 = arith.addi %add3A_270, %convert_element_type3A_272 : i32
          %le3A_274 = arith.cmpi sle, %squeeze3A_24, %add3A_242 : i32
          %convert_element_type3A_275 = arith.extui %le3A_274 : i1 to i32
          %add3A_276 = arith.addi %add3A_273, %convert_element_type3A_275 : i32
          %le3A_277 = arith.cmpi sle, %squeeze3A_26, %add3A_242 : i32
          %convert_element_type3A_278 = arith.extui %le3A_277 : i1 to i32
          %add3A_279 = arith.addi %add3A_276, %convert_element_type3A_278 : i32
          %le3A_280 = arith.cmpi sle, %squeeze3A_28, %add3A_242 : i32
          %convert_element_type3A_281 = arith.extui %le3A_280 : i1 to i32
          %add3A_282 = arith.addi %add3A_279, %convert_element_type3A_281 : i32
          %le3A_283 = arith.cmpi sle, %squeeze3A_30, %add3A_242 : i32
          %convert_element_type3A_284 = arith.extui %le3A_283 : i1 to i32
          %add3A_285 = arith.addi %add3A_282, %convert_element_type3A_284 : i32
          %le3A_286 = arith.cmpi sle, %squeeze3A_32, %add3A_242 : i32
          %convert_element_type3A_287 = arith.extui %le3A_286 : i1 to i32
          %add3A_288 = arith.addi %add3A_285, %convert_element_type3A_287 : i32
          %le3A_289 = arith.cmpi sle, %scan3A_46, %add3A_242 : i32
          %convert_element_type3A_290 = arith.extui %le3A_289 : i1 to i32
          %add3A_291 = arith.addi %add3A_288, %convert_element_type3A_290 : i32
          %jit3A_292 = arith.constant 8 : i32
          %div3A_293 = arith.divsi %add3A_291, %jit3A_292 : i32
          %sign3A_294 = arith.constant 0 : i32
          %sign3A_295 = arith.cmpi sgt, %add3A_291, %sign3A_294 : i32
          %sign3A_296 = arith.extui %sign3A_295 : i1 to i32
          %sign3A_297 = arith.constant 0 : i32
          %sign3A_298 = arith.cmpi slt, %add3A_291, %sign3A_297 : i32
          %sign3A_299 = arith.extui %sign3A_298 : i1 to i32
          %sign3A_300 = arith.subi %sign3A_296, %sign3A_299 : i32
          %sign3A_301 = arith.constant 0 : i32
          %sign3A_302 = arith.cmpi sgt, %jit3A_292, %sign3A_301 : i32
          %sign3A_303 = arith.extui %sign3A_302 : i1 to i32
          %sign3A_304 = arith.constant 0 : i32
          %sign3A_305 = arith.cmpi slt, %jit3A_292, %sign3A_304 : i32
          %sign3A_306 = arith.extui %sign3A_305 : i1 to i32
          %sign3A_307 = arith.subi %sign3A_303, %sign3A_306 : i32
          %ne3A_308 = arith.cmpi ne, %sign3A_300, %sign3A_307 : i32
          %rem3A_309 = arith.remsi %add3A_291, %jit3A_292 : i32
          %ne3A_310 = arith.constant 0 : i32
          %ne3A_311 = arith.cmpi ne, %rem3A_309, %ne3A_310 : i32
          %and3A_312 = arith.andi %ne3A_308, %ne3A_311 : i1
          %sub3A_313 = arith.constant 1 : i32
          %sub3A_314 = arith.subi %div3A_293, %sub3A_313 : i32
          %select_n3A_315 = arith.select %and3A_312, %sub3A_314, %div3A_293 : i32
          %mul3A_316 = arith.constant 16384 : i32
          %mul3A_317 = arith.muli %select_n3A_315, %mul3A_316 : i32
          %jit3A_318 = arith.constant 8 : i32
          %eq3A_319 = arith.constant 0 : i32
          %eq3A_320 = arith.cmpi eq, %jit3A_318, %eq3A_319 : i32
          %jit3A_321 = arith.constant 1 : i32
          %select_n3A_322 = arith.select %eq3A_320, %jit3A_321, %jit3A_318 : i32
          %rem3A_323 = arith.remsi %add3A_291, %select_n3A_322 : i32
          %ne3A_324 = arith.constant 0 : i32
          %ne3A_325 = arith.cmpi ne, %rem3A_323, %ne3A_324 : i32
          %lt3A_326 = arith.constant 0 : i32
          %lt3A_327 = arith.cmpi slt, %rem3A_323, %lt3A_326 : i32
          %lt3A_328 = arith.constant 0 : i32
          %lt3A_329 = arith.cmpi slt, %select_n3A_322, %lt3A_328 : i32
          %ne3A_330 = arith.xori %lt3A_327, %lt3A_329 : i1
          %and3A_331 = arith.andi %ne3A_330, %ne3A_325 : i1
          %add3A_332 = arith.addi %rem3A_323, %select_n3A_322 : i32
          %select_n3A_333 = arith.select %and3A_331, %add3A_332, %rem3A_323 : i32
          %mul3A_334 = arith.constant 128 : i32
          %mul3A_335 = arith.muli %select_n3A_333, %mul3A_334 : i32
          %add3A_336 = arith.addi %mul3A_317, %mul3A_335 : i32
          %mul3A_337 = arith.constant 16384 : i32
          %mul3A_338 = arith.muli %select_n3A_225, %mul3A_337 : i32
          %add3A_339 = arith.addi %mul3A_84, %mul3A_338 : i32
          %mul3A_340 = arith.constant 128 : i32
          %mul3A_341 = arith.muli %select_n3A_241, %mul3A_340 : i32
          %add3A_342 = arith.addi %add3A_339, %mul3A_341 : i32
          %scan3A_343 = arith.constant 0 : i32
          %scan3A_344 = arith.constant 0 : i32
          %scan3A_345 = arith.constant 16 : i32
          %scan3A_346 = arith.addi %scan3A_344, %scan3A_345 : i32
          %scan3A_347 = arith.constant 1 : i32
          %scan3A_348 = scf.for %scan3A_351 = %scan3A_344 to %scan3A_346 step %scan3A_347 iter_args(%scan3A_352 = %scan3A_343) -> (i32)  : i32 {
            %mul3A_353 = arith.constant 1024 : i32
            %mul3A_354 = arith.muli %scan3A_351, %mul3A_353 : i32
            %add3A_355 = arith.addi %add3A_336, %mul3A_354 : i32
            %mul3A_356 = arith.constant 1024 : i32
            %mul3A_357 = arith.muli %scan3A_351, %mul3A_356 : i32
            %add3A_358 = arith.addi %add3A_342, %mul3A_357 : i32
            %add3A_359 = arith.constant 0 : i32
            %add3A_360 = arith.addi %add3A_355, %add3A_359 : i32
            %get3A_361 = arith.index_cast %add3A_360 : i32 to index
            %get3A_362 = tpu.vector_load %arg6[%get3A_361] {strides = array<i32>} : memref<32768xf32, #tpu.memory_space<vmem>>, vector<16xf32>,
            %get3A_363 = vector.shape_cast %get3A_362 : vector<16xf32> to vector<16xf32>
            %add3A_364 = arith.constant 0 : i32
            %add3A_365 = arith.addi %add3A_358, %add3A_364 : i32
            %get3A_366 = arith.index_cast %add3A_365 : i32 to index
            %get3A_367 = tpu.vector_load %arg7[%get3A_366] {strides = array<i32>} : memref<65536xf32, #tpu.memory_space<vmem>>, vector<16xf32>,
            %get3A_368 = vector.shape_cast %get3A_367 : vector<16xf32> to vector<16xf32>
            %add3A_369 = arith.addf %get3A_363, %get3A_368 : vector<16xf32>
            %add3A_370 = arith.constant 0 : i32
            %add3A_371 = arith.addi %add3A_355, %add3A_370 : i32
            %swap3A = arith.index_cast %add3A_371 : i32 to index
            %swap3A_372 = tpu.vector_load %arg6[%swap3A] {strides = array<i32>} : memref<32768xf32, #tpu.memory_space<vmem>>, vector<16xf32>,
            %swap3A_373 = vector.shape_cast %swap3A_372 : vector<16xf32> to vector<16xf32>
            %swap3A_374 = vector.shape_cast %add3A_369 : vector<16xf32> to vector<16xf32>
            tpu.vector_store %arg6[%swap3A], %swap3A_374 {strides = array<i32>} : memref<32768xf32, #tpu.memory_space<vmem>>, vector<16xf32>,
            %add3A_375 = arith.constant 16 : i32
            %add3A_376 = arith.addi %add3A_355, %add3A_375 : i32
            %get3A_377 = arith.index_cast %add3A_376 : i32 to index
            %get3A_378 = tpu.vector_load %arg6[%get3A_377] {strides = array<i32>} : memref<32768xf32, #tpu.memory_space<vmem>>, vector<16xf32>,
            %get3A_379 = vector.shape_cast %get3A_378 : vector<16xf32> to vector<16xf32>
            %add3A_380 = arith.constant 16 : i32
            %add3A_381 = arith.addi %add3A_358, %add3A_380 : i32
            %get3A_382 = arith.index_cast %add3A_381 : i32 to index
            %get3A_383 = tpu.vector_load %arg7[%get3A_382] {strides = array<i32>} : memref<65536xf32, #tpu.memory_space<vmem>>, vector<16xf32>,
            %get3A_384 = vector.shape_cast %get3A_383 : vector<16xf32> to vector<16xf32>
            %add3A_385 = arith.addf %get3A_379, %get3A_384 : vector<16xf32>
            %add3A_386 = arith.constant 16 : i32
            %add3A_387 = arith.addi %add3A_355, %add3A_386 : i32
            %swap3A_388 = arith.index_cast %add3A_387 : i32 to index
            %swap3A_389 = tpu.vector_load %arg6[%swap3A_388] {strides = array<i32>} : memref<32768xf32, #tpu.memory_space<vmem>>, vector<16xf32>,
            %swap3A_390 = vector.shape_cast %swap3A_389 : vector<16xf32> to vector<16xf32>
            %swap3A_391 = vector.shape_cast %add3A_385 : vector<16xf32> to vector<16xf32>
            tpu.vector_store %arg6[%swap3A_388], %swap3A_391 {strides = array<i32>} : memref<32768xf32, #tpu.memory_space<vmem>>, vector<16xf32>,
            %add3A_392 = arith.constant 32 : i32
            %add3A_393 = arith.addi %add3A_355, %add3A_392 : i32
            %get3A_394 = arith.index_cast %add3A_393 : i32 to index
            %get3A_395 = tpu.vector_load %arg6[%get3A_394] {strides = array<i32>} : memref<32768xf32, #tpu.memory_space<vmem>>, vector<16xf32>,
            %get3A_396 = vector.shape_cast %get3A_395 : vector<16xf32> to vector<16xf32>
            %add3A_397 = arith.constant 32 : i32
            %add3A_398 = arith.addi %add3A_358, %add3A_397 : i32
            %get3A_399 = arith.index_cast %add3A_398 : i32 to index
            %get3A_400 = tpu.vector_load %arg7[%get3A_399] {strides = array<i32>} : memref<65536xf32, #tpu.memory_space<vmem>>, vector<16xf32>,
            %get3A_401 = vector.shape_cast %get3A_400 : vector<16xf32> to vector<16xf32>
            %add3A_402 = arith.addf %get3A_396, %get3A_401 : vector<16xf32>
            %add3A_403 = arith.constant 32 : i32
            %add3A_404 = arith.addi %add3A_355, %add3A_403 : i32
            %swap3A_405 = arith.index_cast %add3A_404 : i32 to index
            %swap3A_406 = tpu.vector_load %arg6[%swap3A_405] {strides = array<i32>} : memref<32768xf32, #tpu.memory_space<vmem>>, vector<16xf32>,
            %swap3A_407 = vector.shape_cast %swap3A_406 : vector<16xf32> to vector<16xf32>
            %swap3A_408 = vector.shape_cast %add3A_402 : vector<16xf32> to vector<16xf32>
            tpu.vector_store %arg6[%swap3A_405], %swap3A_408 {strides = array<i32>} : memref<32768xf32, #tpu.memory_space<vmem>>, vector<16xf32>,
            %add3A_409 = arith.constant 48 : i32
            %add3A_410 = arith.addi %add3A_355, %add3A_409 : i32
            %get3A_411 = arith.index_cast %add3A_410 : i32 to index
            %get3A_412 = tpu.vector_load %arg6[%get3A_411] {strides = array<i32>} : memref<32768xf32, #tpu.memory_space<vmem>>, vector<16xf32>,
            %get3A_413 = vector.shape_cast %get3A_412 : vector<16xf32> to vector<16xf32>
            %add3A_414 = arith.constant 48 : i32
            %add3A_415 = arith.addi %add3A_358, %add3A_414 : i32
            %get3A_416 = arith.index_cast %add3A_415 : i32 to index
            %get3A_417 = tpu.vector_load %arg7[%get3A_416] {strides = array<i32>} : memref<65536xf32, #tpu.memory_space<vmem>>, vector<16xf32>,
            %get3A_418 = vector.shape_cast %get3A_417 : vector<16xf32> to vector<16xf32>
            %add3A_419 = arith.addf %get3A_413, %get3A_418 : vector<16xf32>
            %add3A_420 = arith.constant 48 : i32
            %add3A_421 = arith.addi %add3A_355, %add3A_420 : i32
            %swap3A_422 = arith.index_cast %add3A_421 : i32 to index
            %swap3A_423 = tpu.vector_load %arg6[%swap3A_422] {strides = array<i32>} : memref<32768xf32, #tpu.memory_space<vmem>>, vector<16xf32>,
            %swap3A_424 = vector.shape_cast %swap3A_423 : vector<16xf32> to vector<16xf32>
            %swap3A_425 = vector.shape_cast %add3A_419 : vector<16xf32> to vector<16xf32>
            tpu.vector_store %arg6[%swap3A_422], %swap3A_425 {strides = array<i32>} : memref<32768xf32, #tpu.memory_space<vmem>>, vector<16xf32>,
            %add3A_426 = arith.constant 64 : i32
            %add3A_427 = arith.addi %add3A_355, %add3A_426 : i32
            %get3A_428 = arith.index_cast %add3A_427 : i32 to index
            %get3A_429 = tpu.vector_load %arg6[%get3A_428] {strides = array<i32>} : memref<32768xf32, #tpu.memory_space<vmem>>, vector<16xf32>,
            %get3A_430 = vector.shape_cast %get3A_429 : vector<16xf32> to vector<16xf32>
            %add3A_431 = arith.constant 64 : i32
            %add3A_432 = arith.addi %add3A_358, %add3A_431 : i32
            %get3A_433 = arith.index_cast %add3A_432 : i32 to index
            %get3A_434 = tpu.vector_load %arg7[%get3A_433] {strides = array<i32>} : memref<65536xf32, #tpu.memory_space<vmem>>, vector<16xf32>,
            %get3A_435 = vector.shape_cast %get3A_434 : vector<16xf32> to vector<16xf32>
            %add3A_436 = arith.addf %get3A_430, %get3A_435 : vector<16xf32>
            %add3A_437 = arith.constant 64 : i32
            %add3A_438 = arith.addi %add3A_355, %add3A_437 : i32
            %swap3A_439 = arith.index_cast %add3A_438 : i32 to index
            %swap3A_440 = tpu.vector_load %arg6[%swap3A_439] {strides = array<i32>} : memref<32768xf32, #tpu.memory_space<vmem>>, vector<16xf32>,
            %swap3A_441 = vector.shape_cast %swap3A_440 : vector<16xf32> to vector<16xf32>
            %swap3A_442 = vector.shape_cast %add3A_436 : vector<16xf32> to vector<16xf32>
            tpu.vector_store %arg6[%swap3A_439], %swap3A_442 {strides = array<i32>} : memref<32768xf32, #tpu.memory_space<vmem>>, vector<16xf32>,
            %add3A_443 = arith.constant 80 : i32
            %add3A_444 = arith.addi %add3A_355, %add3A_443 : i32
            %get3A_445 = arith.index_cast %add3A_444 : i32 to index
            %get3A_446 = tpu.vector_load %arg6[%get3A_445] {strides = array<i32>} : memref<32768xf32, #tpu.memory_space<vmem>>, vector<16xf32>,
            %get3A_447 = vector.shape_cast %get3A_446 : vector<16xf32> to vector<16xf32>
            %add3A_448 = arith.constant 80 : i32
            %add3A_449 = arith.addi %add3A_358, %add3A_448 : i32
            %get3A_450 = arith.index_cast %add3A_449 : i32 to index
            %get3A_451 = tpu.vector_load %arg7[%get3A_450] {strides = array<i32>} : memref<65536xf32, #tpu.memory_space<vmem>>, vector<16xf32>,
            %get3A_452 = vector.shape_cast %get3A_451 : vector<16xf32> to vector<16xf32>
            %add3A_453 = arith.addf %get3A_447, %get3A_452 : vector<16xf32>
            %add3A_454 = arith.constant 80 : i32
            %add3A_455 = arith.addi %add3A_355, %add3A_454 : i32
            %swap3A_456 = arith.index_cast %add3A_455 : i32 to index
            %swap3A_457 = tpu.vector_load %arg6[%swap3A_456] {strides = array<i32>} : memref<32768xf32, #tpu.memory_space<vmem>>, vector<16xf32>,
            %swap3A_458 = vector.shape_cast %swap3A_457 : vector<16xf32> to vector<16xf32>
            %swap3A_459 = vector.shape_cast %add3A_453 : vector<16xf32> to vector<16xf32>
            tpu.vector_store %arg6[%swap3A_456], %swap3A_459 {strides = array<i32>} : memref<32768xf32, #tpu.memory_space<vmem>>, vector<16xf32>,
            %add3A_460 = arith.constant 96 : i32
            %add3A_461 = arith.addi %add3A_355, %add3A_460 : i32
            %get3A_462 = arith.index_cast %add3A_461 : i32 to index
            %get3A_463 = tpu.vector_load %arg6[%get3A_462] {strides = array<i32>} : memref<32768xf32, #tpu.memory_space<vmem>>, vector<16xf32>,
            %get3A_464 = vector.shape_cast %get3A_463 : vector<16xf32> to vector<16xf32>
            %add3A_465 = arith.constant 96 : i32
            %add3A_466 = arith.addi %add3A_358, %add3A_465 : i32
            %get3A_467 = arith.index_cast %add3A_466 : i32 to index
            %get3A_468 = tpu.vector_load %arg7[%get3A_467] {strides = array<i32>} : memref<65536xf32, #tpu.memory_space<vmem>>, vector<16xf32>,
            %get3A_469 = vector.shape_cast %get3A_468 : vector<16xf32> to vector<16xf32>
            %add3A_470 = arith.addf %get3A_464, %get3A_469 : vector<16xf32>
            %add3A_471 = arith.constant 96 : i32
            %add3A_472 = arith.addi %add3A_355, %add3A_471 : i32
            %swap3A_473 = arith.index_cast %add3A_472 : i32 to index
            %swap3A_474 = tpu.vector_load %arg6[%swap3A_473] {strides = array<i32>} : memref<32768xf32, #tpu.memory_space<vmem>>, vector<16xf32>,
            %swap3A_475 = vector.shape_cast %swap3A_474 : vector<16xf32> to vector<16xf32>
            %swap3A_476 = vector.shape_cast %add3A_470 : vector<16xf32> to vector<16xf32>
            tpu.vector_store %arg6[%swap3A_473], %swap3A_476 {strides = array<i32>} : memref<32768xf32, #tpu.memory_space<vmem>>, vector<16xf32>,
            %add3A_477 = arith.constant 112 : i32
            %add3A_478 = arith.addi %add3A_355, %add3A_477 : i32
            %get3A_479 = arith.index_cast %add3A_478 : i32 to index
            %get3A_480 = tpu.vector_load %arg6[%get3A_479] {strides = array<i32>} : memref<32768xf32, #tpu.memory_space<vmem>>, vector<16xf32>,
            %get3A_481 = vector.shape_cast %get3A_480 : vector<16xf32> to vector<16xf32>
            %add3A_482 = arith.constant 112 : i32
            %add3A_483 = arith.addi %add3A_358, %add3A_482 : i32
            %get3A_484 = arith.index_cast %add3A_483 : i32 to index
            %get3A_485 = tpu.vector_load %arg7[%get3A_484] {strides = array<i32>} : memref<65536xf32, #tpu.memory_space<vmem>>, vector<16xf32>,
            %get3A_486 = vector.shape_cast %get3A_485 : vector<16xf32> to vector<16xf32>
            %add3A_487 = arith.addf %get3A_481, %get3A_486 : vector<16xf32>
            %add3A_488 = arith.constant 112 : i32
            %add3A_489 = arith.addi %add3A_355, %add3A_488 : i32
            %swap3A_490 = arith.index_cast %add3A_489 : i32 to index
            %swap3A_491 = tpu.vector_load %arg6[%swap3A_490] {strides = array<i32>} : memref<32768xf32, #tpu.memory_space<vmem>>, vector<16xf32>,
            %swap3A_492 = vector.shape_cast %swap3A_491 : vector<16xf32> to vector<16xf32>
            %swap3A_493 = vector.shape_cast %add3A_487 : vector<16xf32> to vector<16xf32>
            tpu.vector_store %arg6[%swap3A_490], %swap3A_493 {strides = array<i32>} : memref<32768xf32, #tpu.memory_space<vmem>>, vector<16xf32>,
            %scan3A_494 = arith.constant 0 : i32
            scf.yield %scan3A_494 : i32
          }
          %scan3A_349 = arith.constant 16 : i32
          %scan3A_350 = arith.constant 0 : i32
          scf.yield %scan3A_350 : i32
        }
        %scan3A_202 = arith.constant 16 : i32
      } else {
      }
      %scan3A_195 = arith.constant 0 : i32
      scf.yield %scan3A_195 : i32
    }
    %scan3A_53 = arith.constant 18 : i32
    %mul3A_54 = arith.constant 16 : i32
    %mul3A_55 = arith.muli %add3A, %mul3A_54 : i32
    %mul3A_56 = arith.constant 2048 : i32
    %mul3A_57 = arith.muli %mul3A_55, %mul3A_56 : i32
    "tpu.region"() ({
      %run_scoped3A = tpu.sem_alloc : memref<!tpu.dma_semaphore, #tpu.memory_space<semaphore_mem>>
      %dma_start3A_58 = tpu.memref_slice %arg4[%mul3A_57] : memref<1048576xf32, #tpu.memory_space<hbm>> -> memref<32768xf32, #tpu.memory_space<hbm>>
      %dma_start3A_59 = tpu.memref_slice %arg4[%mul3A_57] : memref<1048576xf32, #tpu.memory_space<hbm>> -> memref<32768xf32, #tpu.memory_space<hbm>>
      tpu.enqueue_dma source(%arg6 : memref<32768xf32, #tpu.memory_space<vmem>>) target(%dma_start3A_59 : memref<32768xf32, #tpu.memory_space<hbm>>) target_semaphore(%run_scoped3A : memref<!tpu.dma_semaphore, #tpu.memory_space<semaphore_mem>>)
      %dma_wait3A = tpu.memref_slice %arg4[%mul3A_57] : memref<1048576xf32, #tpu.memory_space<hbm>> -> memref<32768xf32, #tpu.memory_space<hbm>>
      %dma_wait3A_60 = tpu.memref_slice %arg4[%mul3A_57] : memref<1048576xf32, #tpu.memory_space<hbm>> -> memref<32768xf32, #tpu.memory_space<hbm>>
      tpu.wait_dma2 semaphore(%run_scoped3A : memref<!tpu.dma_semaphore, #tpu.memory_space<semaphore_mem>>) src(%arg6 : memref<32768xf32, #tpu.memory_space<vmem>>) dst(%dma_wait3A_60 : memref<32768xf32, #tpu.memory_space<hbm>>)
      tpu.yield
    }) : () -> ()
    return
  }
}

module attributes {stable_mosaic.version = 14 : i64} {
  func.func @_tc_rows_body(%arg0: i32, %arg1: memref<17xi32, #tpu.memory_space<smem>>, %arg2: memref<1024x2048xf32, #tpu.memory_space<vmem>>, %arg3: memref<16x2048xf32, #tpu.memory_space<vmem>>) attributes {dimension_semantics = [#tpu.dimension_semantics<arbitrary>], iteration_bounds = array<i64: 23>, scalar_prefetch = 0 : i64, scratch_operands = 0 : i64, tpu.core_type = #tpu.core_type<tc>, window_params = [{transform_indices = @transform_0, window_bounds = array<i64: 17>}, {transform_indices = @transform_1, window_bounds = array<i64: 1024, 2048>}, {pipeline_mode = #tpu.pipeline_mode<synchronous>, transform_indices = @transform_2, window_bounds = array<i64: 16, 2048>}]} {
    %eq3A = arith.constant 0 : i32
    %eq3A_0 = arith.cmpi eq, %arg0, %eq3A : i32
    %convert_element_type3A = arith.extui %eq3A_0 : i1 to i32
    %cond3A = arith.constant 0 : i32
    %cond3A_1 = arith.cmpi ne, %convert_element_type3A, %cond3A : i32
    scf.if %cond3A_1 {
      %broadcast_in_dim3A = arith.constant 0.000000e+00 : f32
      %broadcast_in_dim3A_220 = vector.broadcast %broadcast_in_dim3A : f32 to vector<16x2048xf32>
      %swap3A = arith.constant 0 : index
      %swap3A_221 = arith.constant 0 : index
      %swap3A_222 = vector.load %arg3[%swap3A, %swap3A_221] : memref<16x2048xf32, #tpu.memory_space<vmem>>, vector<16x2048xf32>
      tpu.vector_store %arg3[%swap3A, %swap3A_221], %broadcast_in_dim3A_220 {strides = array<i32>} : memref<16x2048xf32, #tpu.memory_space<vmem>>, vector<16x2048xf32>,
    } else {
    }
    %mul3A = arith.constant 1024 : i32
    %mul3A_2 = arith.muli %arg0, %mul3A : i32
    %add3A = arith.constant 9216 : i32
    %add3A_3 = arith.addi %add3A, %mul3A_2 : i32
    %get3A = arith.constant 1 : index
    %get3A_4 = memref.load %arg1[%get3A] : memref<17xi32, #tpu.memory_space<smem>>
    %le3A = arith.cmpi sle, %get3A_4, %add3A_3 : i32
    %convert_element_type3A_5 = arith.extui %le3A : i1 to i32
    %add3A_6 = arith.constant 0 : i32
    %add3A_7 = arith.addi %add3A_6, %convert_element_type3A_5 : i32
    %get3A_8 = arith.constant 1 : index
    %get3A_9 = memref.load %arg1[%get3A_8] : memref<17xi32, #tpu.memory_space<smem>>
    %add3A_10 = arith.constant 1024 : i32
    %add3A_11 = arith.addi %add3A_3, %add3A_10 : i32
    %sub3A = arith.constant 1 : i32
    %sub3A_12 = arith.subi %add3A_11, %sub3A : i32
    %le3A_13 = arith.cmpi sle, %get3A_9, %sub3A_12 : i32
    %convert_element_type3A_14 = arith.extui %le3A_13 : i1 to i32
    %add3A_15 = arith.constant 0 : i32
    %add3A_16 = arith.addi %add3A_15, %convert_element_type3A_14 : i32
    %get3A_17 = arith.constant 2 : index
    %get3A_18 = memref.load %arg1[%get3A_17] : memref<17xi32, #tpu.memory_space<smem>>
    %le3A_19 = arith.cmpi sle, %get3A_18, %add3A_3 : i32
    %convert_element_type3A_20 = arith.extui %le3A_19 : i1 to i32
    %add3A_21 = arith.addi %add3A_7, %convert_element_type3A_20 : i32
    %get3A_22 = arith.constant 2 : index
    %get3A_23 = memref.load %arg1[%get3A_22] : memref<17xi32, #tpu.memory_space<smem>>
    %add3A_24 = arith.constant 1024 : i32
    %add3A_25 = arith.addi %add3A_3, %add3A_24 : i32
    %sub3A_26 = arith.constant 1 : i32
    %sub3A_27 = arith.subi %add3A_25, %sub3A_26 : i32
    %le3A_28 = arith.cmpi sle, %get3A_23, %sub3A_27 : i32
    %convert_element_type3A_29 = arith.extui %le3A_28 : i1 to i32
    %add3A_30 = arith.addi %add3A_16, %convert_element_type3A_29 : i32
    %get3A_31 = arith.constant 3 : index
    %get3A_32 = memref.load %arg1[%get3A_31] : memref<17xi32, #tpu.memory_space<smem>>
    %le3A_33 = arith.cmpi sle, %get3A_32, %add3A_3 : i32
    %convert_element_type3A_34 = arith.extui %le3A_33 : i1 to i32
    %add3A_35 = arith.addi %add3A_21, %convert_element_type3A_34 : i32
    %get3A_36 = arith.constant 3 : index
    %get3A_37 = memref.load %arg1[%get3A_36] : memref<17xi32, #tpu.memory_space<smem>>
    %add3A_38 = arith.constant 1024 : i32
    %add3A_39 = arith.addi %add3A_3, %add3A_38 : i32
    %sub3A_40 = arith.constant 1 : i32
    %sub3A_41 = arith.subi %add3A_39, %sub3A_40 : i32
    %le3A_42 = arith.cmpi sle, %get3A_37, %sub3A_41 : i32
    %convert_element_type3A_43 = arith.extui %le3A_42 : i1 to i32
    %add3A_44 = arith.addi %add3A_30, %convert_element_type3A_43 : i32
    %get3A_45 = arith.constant 4 : index
    %get3A_46 = memref.load %arg1[%get3A_45] : memref<17xi32, #tpu.memory_space<smem>>
    %le3A_47 = arith.cmpi sle, %get3A_46, %add3A_3 : i32
    %convert_element_type3A_48 = arith.extui %le3A_47 : i1 to i32
    %add3A_49 = arith.addi %add3A_35, %convert_element_type3A_48 : i32
    %get3A_50 = arith.constant 4 : index
    %get3A_51 = memref.load %arg1[%get3A_50] : memref<17xi32, #tpu.memory_space<smem>>
    %add3A_52 = arith.constant 1024 : i32
    %add3A_53 = arith.addi %add3A_3, %add3A_52 : i32
    %sub3A_54 = arith.constant 1 : i32
    %sub3A_55 = arith.subi %add3A_53, %sub3A_54 : i32
    %le3A_56 = arith.cmpi sle, %get3A_51, %sub3A_55 : i32
    %convert_element_type3A_57 = arith.extui %le3A_56 : i1 to i32
    %add3A_58 = arith.addi %add3A_44, %convert_element_type3A_57 : i32
    %get3A_59 = arith.constant 5 : index
    %get3A_60 = memref.load %arg1[%get3A_59] : memref<17xi32, #tpu.memory_space<smem>>
    %le3A_61 = arith.cmpi sle, %get3A_60, %add3A_3 : i32
    %convert_element_type3A_62 = arith.extui %le3A_61 : i1 to i32
    %add3A_63 = arith.addi %add3A_49, %convert_element_type3A_62 : i32
    %get3A_64 = arith.constant 5 : index
    %get3A_65 = memref.load %arg1[%get3A_64] : memref<17xi32, #tpu.memory_space<smem>>
    %add3A_66 = arith.constant 1024 : i32
    %add3A_67 = arith.addi %add3A_3, %add3A_66 : i32
    %sub3A_68 = arith.constant 1 : i32
    %sub3A_69 = arith.subi %add3A_67, %sub3A_68 : i32
    %le3A_70 = arith.cmpi sle, %get3A_65, %sub3A_69 : i32
    %convert_element_type3A_71 = arith.extui %le3A_70 : i1 to i32
    %add3A_72 = arith.addi %add3A_58, %convert_element_type3A_71 : i32
    %get3A_73 = arith.constant 6 : index
    %get3A_74 = memref.load %arg1[%get3A_73] : memref<17xi32, #tpu.memory_space<smem>>
    %le3A_75 = arith.cmpi sle, %get3A_74, %add3A_3 : i32
    %convert_element_type3A_76 = arith.extui %le3A_75 : i1 to i32
    %add3A_77 = arith.addi %add3A_63, %convert_element_type3A_76 : i32
    %get3A_78 = arith.constant 6 : index
    %get3A_79 = memref.load %arg1[%get3A_78] : memref<17xi32, #tpu.memory_space<smem>>
    %add3A_80 = arith.constant 1024 : i32
    %add3A_81 = arith.addi %add3A_3, %add3A_80 : i32
    %sub3A_82 = arith.constant 1 : i32
    %sub3A_83 = arith.subi %add3A_81, %sub3A_82 : i32
    %le3A_84 = arith.cmpi sle, %get3A_79, %sub3A_83 : i32
    %convert_element_type3A_85 = arith.extui %le3A_84 : i1 to i32
    %add3A_86 = arith.addi %add3A_72, %convert_element_type3A_85 : i32
    %get3A_87 = arith.constant 7 : index
    %get3A_88 = memref.load %arg1[%get3A_87] : memref<17xi32, #tpu.memory_space<smem>>
    %le3A_89 = arith.cmpi sle, %get3A_88, %add3A_3 : i32
    %convert_element_type3A_90 = arith.extui %le3A_89 : i1 to i32
    %add3A_91 = arith.addi %add3A_77, %convert_element_type3A_90 : i32
    %get3A_92 = arith.constant 7 : index
    %get3A_93 = memref.load %arg1[%get3A_92] : memref<17xi32, #tpu.memory_space<smem>>
    %add3A_94 = arith.constant 1024 : i32
    %add3A_95 = arith.addi %add3A_3, %add3A_94 : i32
    %sub3A_96 = arith.constant 1 : i32
    %sub3A_97 = arith.subi %add3A_95, %sub3A_96 : i32
    %le3A_98 = arith.cmpi sle, %get3A_93, %sub3A_97 : i32
    %convert_element_type3A_99 = arith.extui %le3A_98 : i1 to i32
    %add3A_100 = arith.addi %add3A_86, %convert_element_type3A_99 : i32
    %get3A_101 = arith.constant 8 : index
    %get3A_102 = memref.load %arg1[%get3A_101] : memref<17xi32, #tpu.memory_space<smem>>
    %le3A_103 = arith.cmpi sle, %get3A_102, %add3A_3 : i32
    %convert_element_type3A_104 = arith.extui %le3A_103 : i1 to i32
    %add3A_105 = arith.addi %add3A_91, %convert_element_type3A_104 : i32
    %get3A_106 = arith.constant 8 : index
    %get3A_107 = memref.load %arg1[%get3A_106] : memref<17xi32, #tpu.memory_space<smem>>
    %add3A_108 = arith.constant 1024 : i32
    %add3A_109 = arith.addi %add3A_3, %add3A_108 : i32
    %sub3A_110 = arith.constant 1 : i32
    %sub3A_111 = arith.subi %add3A_109, %sub3A_110 : i32
    %le3A_112 = arith.cmpi sle, %get3A_107, %sub3A_111 : i32
    %convert_element_type3A_113 = arith.extui %le3A_112 : i1 to i32
    %add3A_114 = arith.addi %add3A_100, %convert_element_type3A_113 : i32
    %get3A_115 = arith.constant 9 : index
    %get3A_116 = memref.load %arg1[%get3A_115] : memref<17xi32, #tpu.memory_space<smem>>
    %le3A_117 = arith.cmpi sle, %get3A_116, %add3A_3 : i32
    %convert_element_type3A_118 = arith.extui %le3A_117 : i1 to i32
    %add3A_119 = arith.addi %add3A_105, %convert_element_type3A_118 : i32
    %get3A_120 = arith.constant 9 : index
    %get3A_121 = memref.load %arg1[%get3A_120] : memref<17xi32, #tpu.memory_space<smem>>
    %add3A_122 = arith.constant 1024 : i32
    %add3A_123 = arith.addi %add3A_3, %add3A_122 : i32
    %sub3A_124 = arith.constant 1 : i32
    %sub3A_125 = arith.subi %add3A_123, %sub3A_124 : i32
    %le3A_126 = arith.cmpi sle, %get3A_121, %sub3A_125 : i32
    %convert_element_type3A_127 = arith.extui %le3A_126 : i1 to i32
    %add3A_128 = arith.addi %add3A_114, %convert_element_type3A_127 : i32
    %get3A_129 = arith.constant 10 : index
    %get3A_130 = memref.load %arg1[%get3A_129] : memref<17xi32, #tpu.memory_space<smem>>
    %le3A_131 = arith.cmpi sle, %get3A_130, %add3A_3 : i32
    %convert_element_type3A_132 = arith.extui %le3A_131 : i1 to i32
    %add3A_133 = arith.addi %add3A_119, %convert_element_type3A_132 : i32
    %get3A_134 = arith.constant 10 : index
    %get3A_135 = memref.load %arg1[%get3A_134] : memref<17xi32, #tpu.memory_space<smem>>
    %add3A_136 = arith.constant 1024 : i32
    %add3A_137 = arith.addi %add3A_3, %add3A_136 : i32
    %sub3A_138 = arith.constant 1 : i32
    %sub3A_139 = arith.subi %add3A_137, %sub3A_138 : i32
    %le3A_140 = arith.cmpi sle, %get3A_135, %sub3A_139 : i32
    %convert_element_type3A_141 = arith.extui %le3A_140 : i1 to i32
    %add3A_142 = arith.addi %add3A_128, %convert_element_type3A_141 : i32
    %get3A_143 = arith.constant 11 : index
    %get3A_144 = memref.load %arg1[%get3A_143] : memref<17xi32, #tpu.memory_space<smem>>
    %le3A_145 = arith.cmpi sle, %get3A_144, %add3A_3 : i32
    %convert_element_type3A_146 = arith.extui %le3A_145 : i1 to i32
    %add3A_147 = arith.addi %add3A_133, %convert_element_type3A_146 : i32
    %get3A_148 = arith.constant 11 : index
    %get3A_149 = memref.load %arg1[%get3A_148] : memref<17xi32, #tpu.memory_space<smem>>
    %add3A_150 = arith.constant 1024 : i32
    %add3A_151 = arith.addi %add3A_3, %add3A_150 : i32
    %sub3A_152 = arith.constant 1 : i32
    %sub3A_153 = arith.subi %add3A_151, %sub3A_152 : i32
    %le3A_154 = arith.cmpi sle, %get3A_149, %sub3A_153 : i32
    %convert_element_type3A_155 = arith.extui %le3A_154 : i1 to i32
    %add3A_156 = arith.addi %add3A_142, %convert_element_type3A_155 : i32
    %get3A_157 = arith.constant 12 : index
    %get3A_158 = memref.load %arg1[%get3A_157] : memref<17xi32, #tpu.memory_space<smem>>
    %le3A_159 = arith.cmpi sle, %get3A_158, %add3A_3 : i32
    %convert_element_type3A_160 = arith.extui %le3A_159 : i1 to i32
    %add3A_161 = arith.addi %add3A_147, %convert_element_type3A_160 : i32
    %get3A_162 = arith.constant 12 : index
    %get3A_163 = memref.load %arg1[%get3A_162] : memref<17xi32, #tpu.memory_space<smem>>
    %add3A_164 = arith.constant 1024 : i32
    %add3A_165 = arith.addi %add3A_3, %add3A_164 : i32
    %sub3A_166 = arith.constant 1 : i32
    %sub3A_167 = arith.subi %add3A_165, %sub3A_166 : i32
    %le3A_168 = arith.cmpi sle, %get3A_163, %sub3A_167 : i32
    %convert_element_type3A_169 = arith.extui %le3A_168 : i1 to i32
    %add3A_170 = arith.addi %add3A_156, %convert_element_type3A_169 : i32
    %get3A_171 = arith.constant 13 : index
    %get3A_172 = memref.load %arg1[%get3A_171] : memref<17xi32, #tpu.memory_space<smem>>
    %le3A_173 = arith.cmpi sle, %get3A_172, %add3A_3 : i32
    %convert_element_type3A_174 = arith.extui %le3A_173 : i1 to i32
    %add3A_175 = arith.addi %add3A_161, %convert_element_type3A_174 : i32
    %get3A_176 = arith.constant 13 : index
    %get3A_177 = memref.load %arg1[%get3A_176] : memref<17xi32, #tpu.memory_space<smem>>
    %add3A_178 = arith.constant 1024 : i32
    %add3A_179 = arith.addi %add3A_3, %add3A_178 : i32
    %sub3A_180 = arith.constant 1 : i32
    %sub3A_181 = arith.subi %add3A_179, %sub3A_180 : i32
    %le3A_182 = arith.cmpi sle, %get3A_177, %sub3A_181 : i32
    %convert_element_type3A_183 = arith.extui %le3A_182 : i1 to i32
    %add3A_184 = arith.addi %add3A_170, %convert_element_type3A_183 : i32
    %get3A_185 = arith.constant 14 : index
    %get3A_186 = memref.load %arg1[%get3A_185] : memref<17xi32, #tpu.memory_space<smem>>
    %le3A_187 = arith.cmpi sle, %get3A_186, %add3A_3 : i32
    %convert_element_type3A_188 = arith.extui %le3A_187 : i1 to i32
    %add3A_189 = arith.addi %add3A_175, %convert_element_type3A_188 : i32
    %get3A_190 = arith.constant 14 : index
    %get3A_191 = memref.load %arg1[%get3A_190] : memref<17xi32, #tpu.memory_space<smem>>
    %add3A_192 = arith.constant 1024 : i32
    %add3A_193 = arith.addi %add3A_3, %add3A_192 : i32
    %sub3A_194 = arith.constant 1 : i32
    %sub3A_195 = arith.subi %add3A_193, %sub3A_194 : i32
    %le3A_196 = arith.cmpi sle, %get3A_191, %sub3A_195 : i32
    %convert_element_type3A_197 = arith.extui %le3A_196 : i1 to i32
    %add3A_198 = arith.addi %add3A_184, %convert_element_type3A_197 : i32
    %get3A_199 = arith.constant 15 : index
    %get3A_200 = memref.load %arg1[%get3A_199] : memref<17xi32, #tpu.memory_space<smem>>
    %le3A_201 = arith.cmpi sle, %get3A_200, %add3A_3 : i32
    %convert_element_type3A_202 = arith.extui %le3A_201 : i1 to i32
    %add3A_203 = arith.addi %add3A_189, %convert_element_type3A_202 : i32
    %get3A_204 = arith.constant 15 : index
    %get3A_205 = memref.load %arg1[%get3A_204] : memref<17xi32, #tpu.memory_space<smem>>
    %add3A_206 = arith.constant 1024 : i32
    %add3A_207 = arith.addi %add3A_3, %add3A_206 : i32
    %sub3A_208 = arith.constant 1 : i32
    %sub3A_209 = arith.subi %add3A_207, %sub3A_208 : i32
    %le3A_210 = arith.cmpi sle, %get3A_205, %sub3A_209 : i32
    %convert_element_type3A_211 = arith.extui %le3A_210 : i1 to i32
    %add3A_212 = arith.addi %add3A_198, %convert_element_type3A_211 : i32
    %eq3A_213 = arith.cmpi eq, %add3A_203, %add3A_212 : i32
    %convert_element_type3A_214 = arith.extui %eq3A_213 : i1 to i32
    %cond3A_215 = arith.constant 0 : i32
    %cond3A_216 = arith.cmpi ne, %convert_element_type3A_214, %cond3A_215 : i32
    scf.if %cond3A_216 {
      %get3A_220 = arith.constant 0 : index
      %get3A_221 = arith.constant 0 : index
      %get3A_222 = vector.load %arg2[%get3A_220, %get3A_221] : memref<1024x2048xf32, #tpu.memory_space<vmem>>, vector<1024x2048xf32>
      %reduce_sum3A = arith.constant dense<0.000000e+00> : vector<2048xf32>
      %reduce_sum3A_223 = vector.multi_reduction <add>, %get3A_222, %reduce_sum3A [0] : vector<1024x2048xf32> to vector<2048xf32>
      %broadcast_in_dim3A = vector.shape_cast %reduce_sum3A_223 : vector<2048xf32> to vector<1x2048xf32>
      %get3A_224 = arith.index_cast %add3A_203 : i32 to index
      %get3A_225 = arith.constant 0 : index
      %get3A_226 = vector.load %arg3[%get3A_224, %get3A_225] : memref<16x2048xf32, #tpu.memory_space<vmem>>, vector<1x2048xf32>
      %add3A_227 = arith.addf %get3A_226, %broadcast_in_dim3A : vector<1x2048xf32>
      %swap3A = arith.index_cast %add3A_203 : i32 to index
      %swap3A_228 = arith.constant 0 : index
      %swap3A_229 = vector.load %arg3[%swap3A, %swap3A_228] : memref<16x2048xf32, #tpu.memory_space<vmem>>, vector<1x2048xf32>
      tpu.vector_store %arg3[%swap3A, %swap3A_228], %add3A_227 {strides = array<i32>} : memref<16x2048xf32, #tpu.memory_space<vmem>>, vector<1x2048xf32>,
    } else {
    }
    %ne3A = arith.cmpi ne, %add3A_203, %add3A_212 : i32
    %convert_element_type3A_217 = arith.extui %ne3A : i1 to i32
    %cond3A_218 = arith.constant 0 : i32
    %cond3A_219 = arith.cmpi ne, %convert_element_type3A_217, %cond3A_218 : i32
    scf.if %cond3A_219 {
      %add3A_220 = arith.constant 0 : i32
      %add3A_221 = arith.addi %add3A_3, %add3A_220 : i32
      %get3A_222 = arith.constant 1 : index
      %get3A_223 = memref.load %arg1[%get3A_222] : memref<17xi32, #tpu.memory_space<smem>>
      %le3A_224 = arith.cmpi sle, %get3A_223, %add3A_221 : i32
      %convert_element_type3A_225 = arith.extui %le3A_224 : i1 to i32
      %add3A_226 = arith.constant 0 : i32
      %add3A_227 = arith.addi %add3A_226, %convert_element_type3A_225 : i32
      %get3A_228 = arith.constant 1 : index
      %get3A_229 = memref.load %arg1[%get3A_228] : memref<17xi32, #tpu.memory_space<smem>>
      %add3A_230 = arith.constant 128 : i32
      %add3A_231 = arith.addi %add3A_221, %add3A_230 : i32
      %sub3A_232 = arith.constant 1 : i32
      %sub3A_233 = arith.subi %add3A_231, %sub3A_232 : i32
      %le3A_234 = arith.cmpi sle, %get3A_229, %sub3A_233 : i32
      %convert_element_type3A_235 = arith.extui %le3A_234 : i1 to i32
      %add3A_236 = arith.constant 0 : i32
      %add3A_237 = arith.addi %add3A_236, %convert_element_type3A_235 : i32
      %get3A_238 = arith.constant 2 : index
      %get3A_239 = memref.load %arg1[%get3A_238] : memref<17xi32, #tpu.memory_space<smem>>
      %le3A_240 = arith.cmpi sle, %get3A_239, %add3A_221 : i32
      %convert_element_type3A_241 = arith.extui %le3A_240 : i1 to i32
      %add3A_242 = arith.addi %add3A_227, %convert_element_type3A_241 : i32
      %get3A_243 = arith.constant 2 : index
      %get3A_244 = memref.load %arg1[%get3A_243] : memref<17xi32, #tpu.memory_space<smem>>
      %add3A_245 = arith.constant 128 : i32
      %add3A_246 = arith.addi %add3A_221, %add3A_245 : i32
      %sub3A_247 = arith.constant 1 : i32
      %sub3A_248 = arith.subi %add3A_246, %sub3A_247 : i32
      %le3A_249 = arith.cmpi sle, %get3A_244, %sub3A_248 : i32
      %convert_element_type3A_250 = arith.extui %le3A_249 : i1 to i32
      %add3A_251 = arith.addi %add3A_237, %convert_element_type3A_250 : i32
      %get3A_252 = arith.constant 3 : index
      %get3A_253 = memref.load %arg1[%get3A_252] : memref<17xi32, #tpu.memory_space<smem>>
      %le3A_254 = arith.cmpi sle, %get3A_253, %add3A_221 : i32
      %convert_element_type3A_255 = arith.extui %le3A_254 : i1 to i32
      %add3A_256 = arith.addi %add3A_242, %convert_element_type3A_255 : i32
      %get3A_257 = arith.constant 3 : index
      %get3A_258 = memref.load %arg1[%get3A_257] : memref<17xi32, #tpu.memory_space<smem>>
      %add3A_259 = arith.constant 128 : i32
      %add3A_260 = arith.addi %add3A_221, %add3A_259 : i32
      %sub3A_261 = arith.constant 1 : i32
      %sub3A_262 = arith.subi %add3A_260, %sub3A_261 : i32
      %le3A_263 = arith.cmpi sle, %get3A_258, %sub3A_262 : i32
      %convert_element_type3A_264 = arith.extui %le3A_263 : i1 to i32
      %add3A_265 = arith.addi %add3A_251, %convert_element_type3A_264 : i32
      %get3A_266 = arith.constant 4 : index
      %get3A_267 = memref.load %arg1[%get3A_266] : memref<17xi32, #tpu.memory_space<smem>>
      %le3A_268 = arith.cmpi sle, %get3A_267, %add3A_221 : i32
      %convert_element_type3A_269 = arith.extui %le3A_268 : i1 to i32
      %add3A_270 = arith.addi %add3A_256, %convert_element_type3A_269 : i32
      %get3A_271 = arith.constant 4 : index
      %get3A_272 = memref.load %arg1[%get3A_271] : memref<17xi32, #tpu.memory_space<smem>>
      %add3A_273 = arith.constant 128 : i32
      %add3A_274 = arith.addi %add3A_221, %add3A_273 : i32
      %sub3A_275 = arith.constant 1 : i32
      %sub3A_276 = arith.subi %add3A_274, %sub3A_275 : i32
      %le3A_277 = arith.cmpi sle, %get3A_272, %sub3A_276 : i32
      %convert_element_type3A_278 = arith.extui %le3A_277 : i1 to i32
      %add3A_279 = arith.addi %add3A_265, %convert_element_type3A_278 : i32
      %get3A_280 = arith.constant 5 : index
      %get3A_281 = memref.load %arg1[%get3A_280] : memref<17xi32, #tpu.memory_space<smem>>
      %le3A_282 = arith.cmpi sle, %get3A_281, %add3A_221 : i32
      %convert_element_type3A_283 = arith.extui %le3A_282 : i1 to i32
      %add3A_284 = arith.addi %add3A_270, %convert_element_type3A_283 : i32
      %get3A_285 = arith.constant 5 : index
      %get3A_286 = memref.load %arg1[%get3A_285] : memref<17xi32, #tpu.memory_space<smem>>
      %add3A_287 = arith.constant 128 : i32
      %add3A_288 = arith.addi %add3A_221, %add3A_287 : i32
      %sub3A_289 = arith.constant 1 : i32
      %sub3A_290 = arith.subi %add3A_288, %sub3A_289 : i32
      %le3A_291 = arith.cmpi sle, %get3A_286, %sub3A_290 : i32
      %convert_element_type3A_292 = arith.extui %le3A_291 : i1 to i32
      %add3A_293 = arith.addi %add3A_279, %convert_element_type3A_292 : i32
      %get3A_294 = arith.constant 6 : index
      %get3A_295 = memref.load %arg1[%get3A_294] : memref<17xi32, #tpu.memory_space<smem>>
      %le3A_296 = arith.cmpi sle, %get3A_295, %add3A_221 : i32
      %convert_element_type3A_297 = arith.extui %le3A_296 : i1 to i32
      %add3A_298 = arith.addi %add3A_284, %convert_element_type3A_297 : i32
      %get3A_299 = arith.constant 6 : index
      %get3A_300 = memref.load %arg1[%get3A_299] : memref<17xi32, #tpu.memory_space<smem>>
      %add3A_301 = arith.constant 128 : i32
      %add3A_302 = arith.addi %add3A_221, %add3A_301 : i32
      %sub3A_303 = arith.constant 1 : i32
      %sub3A_304 = arith.subi %add3A_302, %sub3A_303 : i32
      %le3A_305 = arith.cmpi sle, %get3A_300, %sub3A_304 : i32
      %convert_element_type3A_306 = arith.extui %le3A_305 : i1 to i32
      %add3A_307 = arith.addi %add3A_293, %convert_element_type3A_306 : i32
      %get3A_308 = arith.constant 7 : index
      %get3A_309 = memref.load %arg1[%get3A_308] : memref<17xi32, #tpu.memory_space<smem>>
      %le3A_310 = arith.cmpi sle, %get3A_309, %add3A_221 : i32
      %convert_element_type3A_311 = arith.extui %le3A_310 : i1 to i32
      %add3A_312 = arith.addi %add3A_298, %convert_element_type3A_311 : i32
      %get3A_313 = arith.constant 7 : index
      %get3A_314 = memref.load %arg1[%get3A_313] : memref<17xi32, #tpu.memory_space<smem>>
      %add3A_315 = arith.constant 128 : i32
      %add3A_316 = arith.addi %add3A_221, %add3A_315 : i32
      %sub3A_317 = arith.constant 1 : i32
      %sub3A_318 = arith.subi %add3A_316, %sub3A_317 : i32
      %le3A_319 = arith.cmpi sle, %get3A_314, %sub3A_318 : i32
      %convert_element_type3A_320 = arith.extui %le3A_319 : i1 to i32
      %add3A_321 = arith.addi %add3A_307, %convert_element_type3A_320 : i32
      %get3A_322 = arith.constant 8 : index
      %get3A_323 = memref.load %arg1[%get3A_322] : memref<17xi32, #tpu.memory_space<smem>>
      %le3A_324 = arith.cmpi sle, %get3A_323, %add3A_221 : i32
      %convert_element_type3A_325 = arith.extui %le3A_324 : i1 to i32
      %add3A_326 = arith.addi %add3A_312, %convert_element_type3A_325 : i32
      %get3A_327 = arith.constant 8 : index
      %get3A_328 = memref.load %arg1[%get3A_327] : memref<17xi32, #tpu.memory_space<smem>>
      %add3A_329 = arith.constant 128 : i32
      %add3A_330 = arith.addi %add3A_221, %add3A_329 : i32
      %sub3A_331 = arith.constant 1 : i32
      %sub3A_332 = arith.subi %add3A_330, %sub3A_331 : i32
      %le3A_333 = arith.cmpi sle, %get3A_328, %sub3A_332 : i32
      %convert_element_type3A_334 = arith.extui %le3A_333 : i1 to i32
      %add3A_335 = arith.addi %add3A_321, %convert_element_type3A_334 : i32
      %get3A_336 = arith.constant 9 : index
      %get3A_337 = memref.load %arg1[%get3A_336] : memref<17xi32, #tpu.memory_space<smem>>
      %le3A_338 = arith.cmpi sle, %get3A_337, %add3A_221 : i32
      %convert_element_type3A_339 = arith.extui %le3A_338 : i1 to i32
      %add3A_340 = arith.addi %add3A_326, %convert_element_type3A_339 : i32
      %get3A_341 = arith.constant 9 : index
      %get3A_342 = memref.load %arg1[%get3A_341] : memref<17xi32, #tpu.memory_space<smem>>
      %add3A_343 = arith.constant 128 : i32
      %add3A_344 = arith.addi %add3A_221, %add3A_343 : i32
      %sub3A_345 = arith.constant 1 : i32
      %sub3A_346 = arith.subi %add3A_344, %sub3A_345 : i32
      %le3A_347 = arith.cmpi sle, %get3A_342, %sub3A_346 : i32
      %convert_element_type3A_348 = arith.extui %le3A_347 : i1 to i32
      %add3A_349 = arith.addi %add3A_335, %convert_element_type3A_348 : i32
      %get3A_350 = arith.constant 10 : index
      %get3A_351 = memref.load %arg1[%get3A_350] : memref<17xi32, #tpu.memory_space<smem>>
      %le3A_352 = arith.cmpi sle, %get3A_351, %add3A_221 : i32
      %convert_element_type3A_353 = arith.extui %le3A_352 : i1 to i32
      %add3A_354 = arith.addi %add3A_340, %convert_element_type3A_353 : i32
      %get3A_355 = arith.constant 10 : index
      %get3A_356 = memref.load %arg1[%get3A_355] : memref<17xi32, #tpu.memory_space<smem>>
      %add3A_357 = arith.constant 128 : i32
      %add3A_358 = arith.addi %add3A_221, %add3A_357 : i32
      %sub3A_359 = arith.constant 1 : i32
      %sub3A_360 = arith.subi %add3A_358, %sub3A_359 : i32
      %le3A_361 = arith.cmpi sle, %get3A_356, %sub3A_360 : i32
      %convert_element_type3A_362 = arith.extui %le3A_361 : i1 to i32
      %add3A_363 = arith.addi %add3A_349, %convert_element_type3A_362 : i32
      %get3A_364 = arith.constant 11 : index
      %get3A_365 = memref.load %arg1[%get3A_364] : memref<17xi32, #tpu.memory_space<smem>>
      %le3A_366 = arith.cmpi sle, %get3A_365, %add3A_221 : i32
      %convert_element_type3A_367 = arith.extui %le3A_366 : i1 to i32
      %add3A_368 = arith.addi %add3A_354, %convert_element_type3A_367 : i32
      %get3A_369 = arith.constant 11 : index
      %get3A_370 = memref.load %arg1[%get3A_369] : memref<17xi32, #tpu.memory_space<smem>>
      %add3A_371 = arith.constant 128 : i32
      %add3A_372 = arith.addi %add3A_221, %add3A_371 : i32
      %sub3A_373 = arith.constant 1 : i32
      %sub3A_374 = arith.subi %add3A_372, %sub3A_373 : i32
      %le3A_375 = arith.cmpi sle, %get3A_370, %sub3A_374 : i32
      %convert_element_type3A_376 = arith.extui %le3A_375 : i1 to i32
      %add3A_377 = arith.addi %add3A_363, %convert_element_type3A_376 : i32
      %get3A_378 = arith.constant 12 : index
      %get3A_379 = memref.load %arg1[%get3A_378] : memref<17xi32, #tpu.memory_space<smem>>
      %le3A_380 = arith.cmpi sle, %get3A_379, %add3A_221 : i32
      %convert_element_type3A_381 = arith.extui %le3A_380 : i1 to i32
      %add3A_382 = arith.addi %add3A_368, %convert_element_type3A_381 : i32
      %get3A_383 = arith.constant 12 : index
      %get3A_384 = memref.load %arg1[%get3A_383] : memref<17xi32, #tpu.memory_space<smem>>
      %add3A_385 = arith.constant 128 : i32
      %add3A_386 = arith.addi %add3A_221, %add3A_385 : i32
      %sub3A_387 = arith.constant 1 : i32
      %sub3A_388 = arith.subi %add3A_386, %sub3A_387 : i32
      %le3A_389 = arith.cmpi sle, %get3A_384, %sub3A_388 : i32
      %convert_element_type3A_390 = arith.extui %le3A_389 : i1 to i32
      %add3A_391 = arith.addi %add3A_377, %convert_element_type3A_390 : i32
      %get3A_392 = arith.constant 13 : index
      %get3A_393 = memref.load %arg1[%get3A_392] : memref<17xi32, #tpu.memory_space<smem>>
      %le3A_394 = arith.cmpi sle, %get3A_393, %add3A_221 : i32
      %convert_element_type3A_395 = arith.extui %le3A_394 : i1 to i32
      %add3A_396 = arith.addi %add3A_382, %convert_element_type3A_395 : i32
      %get3A_397 = arith.constant 13 : index
      %get3A_398 = memref.load %arg1[%get3A_397] : memref<17xi32, #tpu.memory_space<smem>>
      %add3A_399 = arith.constant 128 : i32
      %add3A_400 = arith.addi %add3A_221, %add3A_399 : i32
      %sub3A_401 = arith.constant 1 : i32
      %sub3A_402 = arith.subi %add3A_400, %sub3A_401 : i32
      %le3A_403 = arith.cmpi sle, %get3A_398, %sub3A_402 : i32
      %convert_element_type3A_404 = arith.extui %le3A_403 : i1 to i32
      %add3A_405 = arith.addi %add3A_391, %convert_element_type3A_404 : i32
      %get3A_406 = arith.constant 14 : index
      %get3A_407 = memref.load %arg1[%get3A_406] : memref<17xi32, #tpu.memory_space<smem>>
      %le3A_408 = arith.cmpi sle, %get3A_407, %add3A_221 : i32
      %convert_element_type3A_409 = arith.extui %le3A_408 : i1 to i32
      %add3A_410 = arith.addi %add3A_396, %convert_element_type3A_409 : i32
      %get3A_411 = arith.constant 14 : index
      %get3A_412 = memref.load %arg1[%get3A_411] : memref<17xi32, #tpu.memory_space<smem>>
      %add3A_413 = arith.constant 128 : i32
      %add3A_414 = arith.addi %add3A_221, %add3A_413 : i32
      %sub3A_415 = arith.constant 1 : i32
      %sub3A_416 = arith.subi %add3A_414, %sub3A_415 : i32
      %le3A_417 = arith.cmpi sle, %get3A_412, %sub3A_416 : i32
      %convert_element_type3A_418 = arith.extui %le3A_417 : i1 to i32
      %add3A_419 = arith.addi %add3A_405, %convert_element_type3A_418 : i32
      %get3A_420 = arith.constant 15 : index
      %get3A_421 = memref.load %arg1[%get3A_420] : memref<17xi32, #tpu.memory_space<smem>>
      %le3A_422 = arith.cmpi sle, %get3A_421, %add3A_221 : i32
      %convert_element_type3A_423 = arith.extui %le3A_422 : i1 to i32
      %add3A_424 = arith.addi %add3A_410, %convert_element_type3A_423 : i32
      %get3A_425 = arith.constant 15 : index
      %get3A_426 = memref.load %arg1[%get3A_425] : memref<17xi32, #tpu.memory_space<smem>>
      %add3A_427 = arith.constant 128 : i32
      %add3A_428 = arith.addi %add3A_221, %add3A_427 : i32
      %sub3A_429 = arith.constant 1 : i32
      %sub3A_430 = arith.subi %add3A_428, %sub3A_429 : i32
      %le3A_431 = arith.cmpi sle, %get3A_426, %sub3A_430 : i32
      %convert_element_type3A_432 = arith.extui %le3A_431 : i1 to i32
      %add3A_433 = arith.addi %add3A_419, %convert_element_type3A_432 : i32
      %eq3A_434 = arith.cmpi eq, %add3A_424, %add3A_433 : i32
      %convert_element_type3A_435 = arith.extui %eq3A_434 : i1 to i32
      %cond3A_436 = arith.constant 0 : i32
      %cond3A_437 = arith.cmpi ne, %convert_element_type3A_435, %cond3A_436 : i32
      scf.if %cond3A_437 {
        %get3A_1996 = arith.constant 0 : index
        %get3A_1997 = arith.constant 0 : index
        %get3A_1998 = vector.load %arg2[%get3A_1996, %get3A_1997] : memref<1024x2048xf32, #tpu.memory_space<vmem>>, vector<128x2048xf32>
        %reduce_sum3A = arith.constant dense<0.000000e+00> : vector<2048xf32>
        %reduce_sum3A_1999 = vector.multi_reduction <add>, %get3A_1998, %reduce_sum3A [0] : vector<128x2048xf32> to vector<2048xf32>
        %broadcast_in_dim3A = vector.shape_cast %reduce_sum3A_1999 : vector<2048xf32> to vector<1x2048xf32>
        %get3A_2000 = arith.index_cast %add3A_424 : i32 to index
        %get3A_2001 = arith.constant 0 : index
        %get3A_2002 = vector.load %arg3[%get3A_2000, %get3A_2001] : memref<16x2048xf32, #tpu.memory_space<vmem>>, vector<1x2048xf32>
        %add3A_2003 = arith.addf %get3A_2002, %broadcast_in_dim3A : vector<1x2048xf32>
        %swap3A = arith.index_cast %add3A_424 : i32 to index
        %swap3A_2004 = arith.constant 0 : index
        %swap3A_2005 = vector.load %arg3[%swap3A, %swap3A_2004] : memref<16x2048xf32, #tpu.memory_space<vmem>>, vector<1x2048xf32>
        tpu.vector_store %arg3[%swap3A, %swap3A_2004], %add3A_2003 {strides = array<i32>} : memref<16x2048xf32, #tpu.memory_space<vmem>>, vector<1x2048xf32>,
      } else {
      }
      %ne3A_438 = arith.cmpi ne, %add3A_424, %add3A_433 : i32
      %convert_element_type3A_439 = arith.extui %ne3A_438 : i1 to i32
      %cond3A_440 = arith.constant 0 : i32
      %cond3A_441 = arith.cmpi ne, %convert_element_type3A_439, %cond3A_440 : i32
      scf.if %cond3A_441 {
        %iota3A = tpu.iota {dimensions = array<i32: 0>} : vector<128x1xi32>
        %add3A_1996 = vector.broadcast %add3A_221 : i32 to vector<128x1xi32>
        %add3A_1997 = arith.addi %iota3A, %add3A_1996 : vector<128x1xi32>
        %get3A_1998 = arith.constant 0 : index
        %get3A_1999 = arith.constant 0 : index
        %get3A_2000 = vector.load %arg2[%get3A_1998, %get3A_1999] : memref<1024x2048xf32, #tpu.memory_space<vmem>>, vector<128x2048xf32>
        %add3A_2001 = arith.constant 1 : i32
        %add3A_2002 = arith.addi %add3A_433, %add3A_2001 : i32
        %while3A = arith.constant 0 : i32
        %while3A_2003 = arith.subi %add3A_2002, %add3A_424 : i32
        %while3A_2004 = arith.addi %add3A_424, %while3A_2003 : i32
        %while3A_2005 = arith.constant 1 : i32
        %while3A_2006 = arith.divsi %while3A_2003, %while3A_2005 : i32
        %while3A_2007 = arith.muli %while3A_2006, %while3A_2005 : i32
        %while3A_2008 = arith.addi %add3A_424, %while3A_2007 : i32
        %while3A_2009 = arith.constant 1 : i32
        %while3A_2010 = scf.for %while3A_2013 = %add3A_424 to %while3A_2008 step %while3A_2009 iter_args(%while3A_2014 = %while3A) -> (i32)  : i32 {
          %get3A_2015 = arith.index_cast %while3A_2013 : i32 to index
          %get3A_2016 = memref.load %arg1[%get3A_2015] : memref<17xi32, #tpu.memory_space<smem>>
          %ge3A = vector.broadcast %get3A_2016 : i32 to vector<128x1xi32>
          %ge3A_2017 = arith.cmpi sge, %add3A_1997, %ge3A : vector<128x1xi32>
          %add3A_2018 = arith.constant 1 : i32
          %add3A_2019 = arith.addi %while3A_2013, %add3A_2018 : i32
          %get3A_2020 = arith.index_cast %add3A_2019 : i32 to index
          %get3A_2021 = memref.load %arg1[%get3A_2020] : memref<17xi32, #tpu.memory_space<smem>>
          %lt3A = vector.broadcast %get3A_2021 : i32 to vector<128x1xi32>
          %lt3A_2022 = arith.cmpi slt, %add3A_1997, %lt3A : vector<128x1xi32>
          %and3A = arith.andi %ge3A_2017, %lt3A_2022 : vector<128x1xi1>
          %convert_element_type3A_2023 = arith.extui %and3A : vector<128x1xi1> to vector<128x1xi32>
          %convert_element_type3A_2024 = arith.sitofp %convert_element_type3A_2023 : vector<128x1xi32> to vector<128x1xf32>
          %get3A_2025 = arith.index_cast %while3A_2013 : i32 to index
          %get3A_2026 = arith.constant 0 : index
          %get3A_2027 = vector.load %arg3[%get3A_2025, %get3A_2026] : memref<16x2048xf32, #tpu.memory_space<vmem>>, vector<1x2048xf32>
          %mul3A_2028 = vector.broadcast %convert_element_type3A_2024 : vector<128x1xf32> to vector<128x2048xf32>
          %mul3A_2029 = arith.mulf %get3A_2000, %mul3A_2028 : vector<128x2048xf32>
          %reduce_sum3A = arith.constant dense<0.000000e+00> : vector<2048xf32>
          %reduce_sum3A_2030 = vector.multi_reduction <add>, %mul3A_2029, %reduce_sum3A [0] : vector<128x2048xf32> to vector<2048xf32>
          %broadcast_in_dim3A = vector.shape_cast %reduce_sum3A_2030 : vector<2048xf32> to vector<1x2048xf32>
          %add3A_2031 = arith.addf %get3A_2027, %broadcast_in_dim3A : vector<1x2048xf32>
          %swap3A = arith.index_cast %while3A_2013 : i32 to index
          %swap3A_2032 = arith.constant 0 : index
          %swap3A_2033 = vector.load %arg3[%swap3A, %swap3A_2032] : memref<16x2048xf32, #tpu.memory_space<vmem>>, vector<1x2048xf32>
          tpu.vector_store %arg3[%swap3A, %swap3A_2032], %add3A_2031 {strides = array<i32>} : memref<16x2048xf32, #tpu.memory_space<vmem>>, vector<1x2048xf32>,
          %while3A_2034 = arith.constant 0 : i32
          scf.yield %while3A_2034 : i32
        }
        %while3A_2011 = arith.constant 1 : i32
        %while3A_2012 = scf.for %while3A_2013 = %while3A_2008 to %while3A_2004 step %while3A_2011 iter_args(%while3A_2014 = %while3A_2010) -> (i32)  : i32 {
          %get3A_2015 = arith.index_cast %while3A_2013 : i32 to index
          %get3A_2016 = memref.load %arg1[%get3A_2015] : memref<17xi32, #tpu.memory_space<smem>>
          %ge3A = vector.broadcast %get3A_2016 : i32 to vector<128x1xi32>
          %ge3A_2017 = arith.cmpi sge, %add3A_1997, %ge3A : vector<128x1xi32>
          %add3A_2018 = arith.constant 1 : i32
          %add3A_2019 = arith.addi %while3A_2013, %add3A_2018 : i32
          %get3A_2020 = arith.index_cast %add3A_2019 : i32 to index
          %get3A_2021 = memref.load %arg1[%get3A_2020] : memref<17xi32, #tpu.memory_space<smem>>
          %lt3A = vector.broadcast %get3A_2021 : i32 to vector<128x1xi32>
          %lt3A_2022 = arith.cmpi slt, %add3A_1997, %lt3A : vector<128x1xi32>
          %and3A = arith.andi %ge3A_2017, %lt3A_2022 : vector<128x1xi1>
          %convert_element_type3A_2023 = arith.extui %and3A : vector<128x1xi1> to vector<128x1xi32>
          %convert_element_type3A_2024 = arith.sitofp %convert_element_type3A_2023 : vector<128x1xi32> to vector<128x1xf32>
          %get3A_2025 = arith.index_cast %while3A_2013 : i32 to index
          %get3A_2026 = arith.constant 0 : index
          %get3A_2027 = vector.load %arg3[%get3A_2025, %get3A_2026] : memref<16x2048xf32, #tpu.memory_space<vmem>>, vector<1x2048xf32>
          %mul3A_2028 = vector.broadcast %convert_element_type3A_2024 : vector<128x1xf32> to vector<128x2048xf32>
          %mul3A_2029 = arith.mulf %get3A_2000, %mul3A_2028 : vector<128x2048xf32>
          %reduce_sum3A = arith.constant dense<0.000000e+00> : vector<2048xf32>
          %reduce_sum3A_2030 = vector.multi_reduction <add>, %mul3A_2029, %reduce_sum3A [0] : vector<128x2048xf32> to vector<2048xf32>
          %broadcast_in_dim3A = vector.shape_cast %reduce_sum3A_2030 : vector<2048xf32> to vector<1x2048xf32>
          %add3A_2031 = arith.addf %get3A_2027, %broadcast_in_dim3A : vector<1x2048xf32>
          %swap3A = arith.index_cast %while3A_2013 : i32 to index
          %swap3A_2032 = arith.constant 0 : index
          %swap3A_2033 = vector.load %arg3[%swap3A, %swap3A_2032] : memref<16x2048xf32, #tpu.memory_space<vmem>>, vector<1x2048xf32>
          tpu.vector_store %arg3[%swap3A, %swap3A_2032], %add3A_2031 {strides = array<i32>} : memref<16x2048xf32, #tpu.memory_space<vmem>>, vector<1x2048xf32>,
          %while3A_2034 = arith.constant 0 : i32
          scf.yield %while3A_2034 : i32
        }
      } else {
      }
      %add3A_442 = arith.constant 128 : i32
      %add3A_443 = arith.addi %add3A_3, %add3A_442 : i32
      %get3A_444 = arith.constant 1 : index
      %get3A_445 = memref.load %arg1[%get3A_444] : memref<17xi32, #tpu.memory_space<smem>>
      %le3A_446 = arith.cmpi sle, %get3A_445, %add3A_443 : i32
      %convert_element_type3A_447 = arith.extui %le3A_446 : i1 to i32
      %add3A_448 = arith.constant 0 : i32
      %add3A_449 = arith.addi %add3A_448, %convert_element_type3A_447 : i32
      %get3A_450 = arith.constant 1 : index
      %get3A_451 = memref.load %arg1[%get3A_450] : memref<17xi32, #tpu.memory_space<smem>>
      %add3A_452 = arith.constant 128 : i32
      %add3A_453 = arith.addi %add3A_443, %add3A_452 : i32
      %sub3A_454 = arith.constant 1 : i32
      %sub3A_455 = arith.subi %add3A_453, %sub3A_454 : i32
      %le3A_456 = arith.cmpi sle, %get3A_451, %sub3A_455 : i32
      %convert_element_type3A_457 = arith.extui %le3A_456 : i1 to i32
      %add3A_458 = arith.constant 0 : i32
      %add3A_459 = arith.addi %add3A_458, %convert_element_type3A_457 : i32
      %get3A_460 = arith.constant 2 : index
      %get3A_461 = memref.load %arg1[%get3A_460] : memref<17xi32, #tpu.memory_space<smem>>
      %le3A_462 = arith.cmpi sle, %get3A_461, %add3A_443 : i32
      %convert_element_type3A_463 = arith.extui %le3A_462 : i1 to i32
      %add3A_464 = arith.addi %add3A_449, %convert_element_type3A_463 : i32
      %get3A_465 = arith.constant 2 : index
      %get3A_466 = memref.load %arg1[%get3A_465] : memref<17xi32, #tpu.memory_space<smem>>
      %add3A_467 = arith.constant 128 : i32
      %add3A_468 = arith.addi %add3A_443, %add3A_467 : i32
      %sub3A_469 = arith.constant 1 : i32
      %sub3A_470 = arith.subi %add3A_468, %sub3A_469 : i32
      %le3A_471 = arith.cmpi sle, %get3A_466, %sub3A_470 : i32
      %convert_element_type3A_472 = arith.extui %le3A_471 : i1 to i32
      %add3A_473 = arith.addi %add3A_459, %convert_element_type3A_472 : i32
      %get3A_474 = arith.constant 3 : index
      %get3A_475 = memref.load %arg1[%get3A_474] : memref<17xi32, #tpu.memory_space<smem>>
      %le3A_476 = arith.cmpi sle, %get3A_475, %add3A_443 : i32
      %convert_element_type3A_477 = arith.extui %le3A_476 : i1 to i32
      %add3A_478 = arith.addi %add3A_464, %convert_element_type3A_477 : i32
      %get3A_479 = arith.constant 3 : index
      %get3A_480 = memref.load %arg1[%get3A_479] : memref<17xi32, #tpu.memory_space<smem>>
      %add3A_481 = arith.constant 128 : i32
      %add3A_482 = arith.addi %add3A_443, %add3A_481 : i32
      %sub3A_483 = arith.constant 1 : i32
      %sub3A_484 = arith.subi %add3A_482, %sub3A_483 : i32
      %le3A_485 = arith.cmpi sle, %get3A_480, %sub3A_484 : i32
      %convert_element_type3A_486 = arith.extui %le3A_485 : i1 to i32
      %add3A_487 = arith.addi %add3A_473, %convert_element_type3A_486 : i32
      %get3A_488 = arith.constant 4 : index
      %get3A_489 = memref.load %arg1[%get3A_488] : memref<17xi32, #tpu.memory_space<smem>>
      %le3A_490 = arith.cmpi sle, %get3A_489, %add3A_443 : i32
      %convert_element_type3A_491 = arith.extui %le3A_490 : i1 to i32
      %add3A_492 = arith.addi %add3A_478, %convert_element_type3A_491 : i32
      %get3A_493 = arith.constant 4 : index
      %get3A_494 = memref.load %arg1[%get3A_493] : memref<17xi32, #tpu.memory_space<smem>>
      %add3A_495 = arith.constant 128 : i32
      %add3A_496 = arith.addi %add3A_443, %add3A_495 : i32
      %sub3A_497 = arith.constant 1 : i32
      %sub3A_498 = arith.subi %add3A_496, %sub3A_497 : i32
      %le3A_499 = arith.cmpi sle, %get3A_494, %sub3A_498 : i32
      %convert_element_type3A_500 = arith.extui %le3A_499 : i1 to i32
      %add3A_501 = arith.addi %add3A_487, %convert_element_type3A_500 : i32
      %get3A_502 = arith.constant 5 : index
      %get3A_503 = memref.load %arg1[%get3A_502] : memref<17xi32, #tpu.memory_space<smem>>
      %le3A_504 = arith.cmpi sle, %get3A_503, %add3A_443 : i32
      %convert_element_type3A_505 = arith.extui %le3A_504 : i1 to i32
      %add3A_506 = arith.addi %add3A_492, %convert_element_type3A_505 : i32
      %get3A_507 = arith.constant 5 : index
      %get3A_508 = memref.load %arg1[%get3A_507] : memref<17xi32, #tpu.memory_space<smem>>
      %add3A_509 = arith.constant 128 : i32
      %add3A_510 = arith.addi %add3A_443, %add3A_509 : i32
      %sub3A_511 = arith.constant 1 : i32
      %sub3A_512 = arith.subi %add3A_510, %sub3A_511 : i32
      %le3A_513 = arith.cmpi sle, %get3A_508, %sub3A_512 : i32
      %convert_element_type3A_514 = arith.extui %le3A_513 : i1 to i32
      %add3A_515 = arith.addi %add3A_501, %convert_element_type3A_514 : i32
      %get3A_516 = arith.constant 6 : index
      %get3A_517 = memref.load %arg1[%get3A_516] : memref<17xi32, #tpu.memory_space<smem>>
      %le3A_518 = arith.cmpi sle, %get3A_517, %add3A_443 : i32
      %convert_element_type3A_519 = arith.extui %le3A_518 : i1 to i32
      %add3A_520 = arith.addi %add3A_506, %convert_element_type3A_519 : i32
      %get3A_521 = arith.constant 6 : index
      %get3A_522 = memref.load %arg1[%get3A_521] : memref<17xi32, #tpu.memory_space<smem>>
      %add3A_523 = arith.constant 128 : i32
      %add3A_524 = arith.addi %add3A_443, %add3A_523 : i32
      %sub3A_525 = arith.constant 1 : i32
      %sub3A_526 = arith.subi %add3A_524, %sub3A_525 : i32
      %le3A_527 = arith.cmpi sle, %get3A_522, %sub3A_526 : i32
      %convert_element_type3A_528 = arith.extui %le3A_527 : i1 to i32
      %add3A_529 = arith.addi %add3A_515, %convert_element_type3A_528 : i32
      %get3A_530 = arith.constant 7 : index
      %get3A_531 = memref.load %arg1[%get3A_530] : memref<17xi32, #tpu.memory_space<smem>>
      %le3A_532 = arith.cmpi sle, %get3A_531, %add3A_443 : i32
      %convert_element_type3A_533 = arith.extui %le3A_532 : i1 to i32
      %add3A_534 = arith.addi %add3A_520, %convert_element_type3A_533 : i32
      %get3A_535 = arith.constant 7 : index
      %get3A_536 = memref.load %arg1[%get3A_535] : memref<17xi32, #tpu.memory_space<smem>>
      %add3A_537 = arith.constant 128 : i32
      %add3A_538 = arith.addi %add3A_443, %add3A_537 : i32
      %sub3A_539 = arith.constant 1 : i32
      %sub3A_540 = arith.subi %add3A_538, %sub3A_539 : i32
      %le3A_541 = arith.cmpi sle, %get3A_536, %sub3A_540 : i32
      %convert_element_type3A_542 = arith.extui %le3A_541 : i1 to i32
      %add3A_543 = arith.addi %add3A_529, %convert_element_type3A_542 : i32
      %get3A_544 = arith.constant 8 : index
      %get3A_545 = memref.load %arg1[%get3A_544] : memref<17xi32, #tpu.memory_space<smem>>
      %le3A_546 = arith.cmpi sle, %get3A_545, %add3A_443 : i32
      %convert_element_type3A_547 = arith.extui %le3A_546 : i1 to i32
      %add3A_548 = arith.addi %add3A_534, %convert_element_type3A_547 : i32
      %get3A_549 = arith.constant 8 : index
      %get3A_550 = memref.load %arg1[%get3A_549] : memref<17xi32, #tpu.memory_space<smem>>
      %add3A_551 = arith.constant 128 : i32
      %add3A_552 = arith.addi %add3A_443, %add3A_551 : i32
      %sub3A_553 = arith.constant 1 : i32
      %sub3A_554 = arith.subi %add3A_552, %sub3A_553 : i32
      %le3A_555 = arith.cmpi sle, %get3A_550, %sub3A_554 : i32
      %convert_element_type3A_556 = arith.extui %le3A_555 : i1 to i32
      %add3A_557 = arith.addi %add3A_543, %convert_element_type3A_556 : i32
      %get3A_558 = arith.constant 9 : index
      %get3A_559 = memref.load %arg1[%get3A_558] : memref<17xi32, #tpu.memory_space<smem>>
      %le3A_560 = arith.cmpi sle, %get3A_559, %add3A_443 : i32
      %convert_element_type3A_561 = arith.extui %le3A_560 : i1 to i32
      %add3A_562 = arith.addi %add3A_548, %convert_element_type3A_561 : i32
      %get3A_563 = arith.constant 9 : index
      %get3A_564 = memref.load %arg1[%get3A_563] : memref<17xi32, #tpu.memory_space<smem>>
      %add3A_565 = arith.constant 128 : i32
      %add3A_566 = arith.addi %add3A_443, %add3A_565 : i32
      %sub3A_567 = arith.constant 1 : i32
      %sub3A_568 = arith.subi %add3A_566, %sub3A_567 : i32
      %le3A_569 = arith.cmpi sle, %get3A_564, %sub3A_568 : i32
      %convert_element_type3A_570 = arith.extui %le3A_569 : i1 to i32
      %add3A_571 = arith.addi %add3A_557, %convert_element_type3A_570 : i32
      %get3A_572 = arith.constant 10 : index
      %get3A_573 = memref.load %arg1[%get3A_572] : memref<17xi32, #tpu.memory_space<smem>>
      %le3A_574 = arith.cmpi sle, %get3A_573, %add3A_443 : i32
      %convert_element_type3A_575 = arith.extui %le3A_574 : i1 to i32
      %add3A_576 = arith.addi %add3A_562, %convert_element_type3A_575 : i32
      %get3A_577 = arith.constant 10 : index
      %get3A_578 = memref.load %arg1[%get3A_577] : memref<17xi32, #tpu.memory_space<smem>>
      %add3A_579 = arith.constant 128 : i32
      %add3A_580 = arith.addi %add3A_443, %add3A_579 : i32
      %sub3A_581 = arith.constant 1 : i32
      %sub3A_582 = arith.subi %add3A_580, %sub3A_581 : i32
      %le3A_583 = arith.cmpi sle, %get3A_578, %sub3A_582 : i32
      %convert_element_type3A_584 = arith.extui %le3A_583 : i1 to i32
      %add3A_585 = arith.addi %add3A_571, %convert_element_type3A_584 : i32
      %get3A_586 = arith.constant 11 : index
      %get3A_587 = memref.load %arg1[%get3A_586] : memref<17xi32, #tpu.memory_space<smem>>
      %le3A_588 = arith.cmpi sle, %get3A_587, %add3A_443 : i32
      %convert_element_type3A_589 = arith.extui %le3A_588 : i1 to i32
      %add3A_590 = arith.addi %add3A_576, %convert_element_type3A_589 : i32
      %get3A_591 = arith.constant 11 : index
      %get3A_592 = memref.load %arg1[%get3A_591] : memref<17xi32, #tpu.memory_space<smem>>
      %add3A_593 = arith.constant 128 : i32
      %add3A_594 = arith.addi %add3A_443, %add3A_593 : i32
      %sub3A_595 = arith.constant 1 : i32
      %sub3A_596 = arith.subi %add3A_594, %sub3A_595 : i32
      %le3A_597 = arith.cmpi sle, %get3A_592, %sub3A_596 : i32
      %convert_element_type3A_598 = arith.extui %le3A_597 : i1 to i32
      %add3A_599 = arith.addi %add3A_585, %convert_element_type3A_598 : i32
      %get3A_600 = arith.constant 12 : index
      %get3A_601 = memref.load %arg1[%get3A_600] : memref<17xi32, #tpu.memory_space<smem>>
      %le3A_602 = arith.cmpi sle, %get3A_601, %add3A_443 : i32
      %convert_element_type3A_603 = arith.extui %le3A_602 : i1 to i32
      %add3A_604 = arith.addi %add3A_590, %convert_element_type3A_603 : i32
      %get3A_605 = arith.constant 12 : index
      %get3A_606 = memref.load %arg1[%get3A_605] : memref<17xi32, #tpu.memory_space<smem>>
      %add3A_607 = arith.constant 128 : i32
      %add3A_608 = arith.addi %add3A_443, %add3A_607 : i32
      %sub3A_609 = arith.constant 1 : i32
      %sub3A_610 = arith.subi %add3A_608, %sub3A_609 : i32
      %le3A_611 = arith.cmpi sle, %get3A_606, %sub3A_610 : i32
      %convert_element_type3A_612 = arith.extui %le3A_611 : i1 to i32
      %add3A_613 = arith.addi %add3A_599, %convert_element_type3A_612 : i32
      %get3A_614 = arith.constant 13 : index
      %get3A_615 = memref.load %arg1[%get3A_614] : memref<17xi32, #tpu.memory_space<smem>>
      %le3A_616 = arith.cmpi sle, %get3A_615, %add3A_443 : i32
      %convert_element_type3A_617 = arith.extui %le3A_616 : i1 to i32
      %add3A_618 = arith.addi %add3A_604, %convert_element_type3A_617 : i32
      %get3A_619 = arith.constant 13 : index
      %get3A_620 = memref.load %arg1[%get3A_619] : memref<17xi32, #tpu.memory_space<smem>>
      %add3A_621 = arith.constant 128 : i32
      %add3A_622 = arith.addi %add3A_443, %add3A_621 : i32
      %sub3A_623 = arith.constant 1 : i32
      %sub3A_624 = arith.subi %add3A_622, %sub3A_623 : i32
      %le3A_625 = arith.cmpi sle, %get3A_620, %sub3A_624 : i32
      %convert_element_type3A_626 = arith.extui %le3A_625 : i1 to i32
      %add3A_627 = arith.addi %add3A_613, %convert_element_type3A_626 : i32
      %get3A_628 = arith.constant 14 : index
      %get3A_629 = memref.load %arg1[%get3A_628] : memref<17xi32, #tpu.memory_space<smem>>
      %le3A_630 = arith.cmpi sle, %get3A_629, %add3A_443 : i32
      %convert_element_type3A_631 = arith.extui %le3A_630 : i1 to i32
      %add3A_632 = arith.addi %add3A_618, %convert_element_type3A_631 : i32
      %get3A_633 = arith.constant 14 : index
      %get3A_634 = memref.load %arg1[%get3A_633] : memref<17xi32, #tpu.memory_space<smem>>
      %add3A_635 = arith.constant 128 : i32
      %add3A_636 = arith.addi %add3A_443, %add3A_635 : i32
      %sub3A_637 = arith.constant 1 : i32
      %sub3A_638 = arith.subi %add3A_636, %sub3A_637 : i32
      %le3A_639 = arith.cmpi sle, %get3A_634, %sub3A_638 : i32
      %convert_element_type3A_640 = arith.extui %le3A_639 : i1 to i32
      %add3A_641 = arith.addi %add3A_627, %convert_element_type3A_640 : i32
      %get3A_642 = arith.constant 15 : index
      %get3A_643 = memref.load %arg1[%get3A_642] : memref<17xi32, #tpu.memory_space<smem>>
      %le3A_644 = arith.cmpi sle, %get3A_643, %add3A_443 : i32
      %convert_element_type3A_645 = arith.extui %le3A_644 : i1 to i32
      %add3A_646 = arith.addi %add3A_632, %convert_element_type3A_645 : i32
      %get3A_647 = arith.constant 15 : index
      %get3A_648 = memref.load %arg1[%get3A_647] : memref<17xi32, #tpu.memory_space<smem>>
      %add3A_649 = arith.constant 128 : i32
      %add3A_650 = arith.addi %add3A_443, %add3A_649 : i32
      %sub3A_651 = arith.constant 1 : i32
      %sub3A_652 = arith.subi %add3A_650, %sub3A_651 : i32
      %le3A_653 = arith.cmpi sle, %get3A_648, %sub3A_652 : i32
      %convert_element_type3A_654 = arith.extui %le3A_653 : i1 to i32
      %add3A_655 = arith.addi %add3A_641, %convert_element_type3A_654 : i32
      %eq3A_656 = arith.cmpi eq, %add3A_646, %add3A_655 : i32
      %convert_element_type3A_657 = arith.extui %eq3A_656 : i1 to i32
      %cond3A_658 = arith.constant 0 : i32
      %cond3A_659 = arith.cmpi ne, %convert_element_type3A_657, %cond3A_658 : i32
      scf.if %cond3A_659 {
        %get3A_1996 = arith.constant 128 : index
        %get3A_1997 = arith.constant 0 : index
        %get3A_1998 = vector.load %arg2[%get3A_1996, %get3A_1997] : memref<1024x2048xf32, #tpu.memory_space<vmem>>, vector<128x2048xf32>
        %reduce_sum3A = arith.constant dense<0.000000e+00> : vector<2048xf32>
        %reduce_sum3A_1999 = vector.multi_reduction <add>, %get3A_1998, %reduce_sum3A [0] : vector<128x2048xf32> to vector<2048xf32>
        %broadcast_in_dim3A = vector.shape_cast %reduce_sum3A_1999 : vector<2048xf32> to vector<1x2048xf32>
        %get3A_2000 = arith.index_cast %add3A_646 : i32 to index
        %get3A_2001 = arith.constant 0 : index
        %get3A_2002 = vector.load %arg3[%get3A_2000, %get3A_2001] : memref<16x2048xf32, #tpu.memory_space<vmem>>, vector<1x2048xf32>
        %add3A_2003 = arith.addf %get3A_2002, %broadcast_in_dim3A : vector<1x2048xf32>
        %swap3A = arith.index_cast %add3A_646 : i32 to index
        %swap3A_2004 = arith.constant 0 : index
        %swap3A_2005 = vector.load %arg3[%swap3A, %swap3A_2004] : memref<16x2048xf32, #tpu.memory_space<vmem>>, vector<1x2048xf32>
        tpu.vector_store %arg3[%swap3A, %swap3A_2004], %add3A_2003 {strides = array<i32>} : memref<16x2048xf32, #tpu.memory_space<vmem>>, vector<1x2048xf32>,
      } else {
      }
      %ne3A_660 = arith.cmpi ne, %add3A_646, %add3A_655 : i32
      %convert_element_type3A_661 = arith.extui %ne3A_660 : i1 to i32
      %cond3A_662 = arith.constant 0 : i32
      %cond3A_663 = arith.cmpi ne, %convert_element_type3A_661, %cond3A_662 : i32
      scf.if %cond3A_663 {
        %iota3A = tpu.iota {dimensions = array<i32: 0>} : vector<128x1xi32>
        %add3A_1996 = vector.broadcast %add3A_443 : i32 to vector<128x1xi32>
        %add3A_1997 = arith.addi %iota3A, %add3A_1996 : vector<128x1xi32>
        %get3A_1998 = arith.constant 128 : index
        %get3A_1999 = arith.constant 0 : index
        %get3A_2000 = vector.load %arg2[%get3A_1998, %get3A_1999] : memref<1024x2048xf32, #tpu.memory_space<vmem>>, vector<128x2048xf32>
        %add3A_2001 = arith.constant 1 : i32
        %add3A_2002 = arith.addi %add3A_655, %add3A_2001 : i32
        %while3A = arith.constant 0 : i32
        %while3A_2003 = arith.subi %add3A_2002, %add3A_646 : i32
        %while3A_2004 = arith.addi %add3A_646, %while3A_2003 : i32
        %while3A_2005 = arith.constant 1 : i32
        %while3A_2006 = arith.divsi %while3A_2003, %while3A_2005 : i32
        %while3A_2007 = arith.muli %while3A_2006, %while3A_2005 : i32
        %while3A_2008 = arith.addi %add3A_646, %while3A_2007 : i32
        %while3A_2009 = arith.constant 1 : i32
        %while3A_2010 = scf.for %while3A_2013 = %add3A_646 to %while3A_2008 step %while3A_2009 iter_args(%while3A_2014 = %while3A) -> (i32)  : i32 {
          %get3A_2015 = arith.index_cast %while3A_2013 : i32 to index
          %get3A_2016 = memref.load %arg1[%get3A_2015] : memref<17xi32, #tpu.memory_space<smem>>
          %ge3A = vector.broadcast %get3A_2016 : i32 to vector<128x1xi32>
          %ge3A_2017 = arith.cmpi sge, %add3A_1997, %ge3A : vector<128x1xi32>
          %add3A_2018 = arith.constant 1 : i32
          %add3A_2019 = arith.addi %while3A_2013, %add3A_2018 : i32
          %get3A_2020 = arith.index_cast %add3A_2019 : i32 to index
          %get3A_2021 = memref.load %arg1[%get3A_2020] : memref<17xi32, #tpu.memory_space<smem>>
          %lt3A = vector.broadcast %get3A_2021 : i32 to vector<128x1xi32>
          %lt3A_2022 = arith.cmpi slt, %add3A_1997, %lt3A : vector<128x1xi32>
          %and3A = arith.andi %ge3A_2017, %lt3A_2022 : vector<128x1xi1>
          %convert_element_type3A_2023 = arith.extui %and3A : vector<128x1xi1> to vector<128x1xi32>
          %convert_element_type3A_2024 = arith.sitofp %convert_element_type3A_2023 : vector<128x1xi32> to vector<128x1xf32>
          %get3A_2025 = arith.index_cast %while3A_2013 : i32 to index
          %get3A_2026 = arith.constant 0 : index
          %get3A_2027 = vector.load %arg3[%get3A_2025, %get3A_2026] : memref<16x2048xf32, #tpu.memory_space<vmem>>, vector<1x2048xf32>
          %mul3A_2028 = vector.broadcast %convert_element_type3A_2024 : vector<128x1xf32> to vector<128x2048xf32>
          %mul3A_2029 = arith.mulf %get3A_2000, %mul3A_2028 : vector<128x2048xf32>
          %reduce_sum3A = arith.constant dense<0.000000e+00> : vector<2048xf32>
          %reduce_sum3A_2030 = vector.multi_reduction <add>, %mul3A_2029, %reduce_sum3A [0] : vector<128x2048xf32> to vector<2048xf32>
          %broadcast_in_dim3A = vector.shape_cast %reduce_sum3A_2030 : vector<2048xf32> to vector<1x2048xf32>
          %add3A_2031 = arith.addf %get3A_2027, %broadcast_in_dim3A : vector<1x2048xf32>
          %swap3A = arith.index_cast %while3A_2013 : i32 to index
          %swap3A_2032 = arith.constant 0 : index
          %swap3A_2033 = vector.load %arg3[%swap3A, %swap3A_2032] : memref<16x2048xf32, #tpu.memory_space<vmem>>, vector<1x2048xf32>
          tpu.vector_store %arg3[%swap3A, %swap3A_2032], %add3A_2031 {strides = array<i32>} : memref<16x2048xf32, #tpu.memory_space<vmem>>, vector<1x2048xf32>,
          %while3A_2034 = arith.constant 0 : i32
          scf.yield %while3A_2034 : i32
        }
        %while3A_2011 = arith.constant 1 : i32
        %while3A_2012 = scf.for %while3A_2013 = %while3A_2008 to %while3A_2004 step %while3A_2011 iter_args(%while3A_2014 = %while3A_2010) -> (i32)  : i32 {
          %get3A_2015 = arith.index_cast %while3A_2013 : i32 to index
          %get3A_2016 = memref.load %arg1[%get3A_2015] : memref<17xi32, #tpu.memory_space<smem>>
          %ge3A = vector.broadcast %get3A_2016 : i32 to vector<128x1xi32>
          %ge3A_2017 = arith.cmpi sge, %add3A_1997, %ge3A : vector<128x1xi32>
          %add3A_2018 = arith.constant 1 : i32
          %add3A_2019 = arith.addi %while3A_2013, %add3A_2018 : i32
          %get3A_2020 = arith.index_cast %add3A_2019 : i32 to index
          %get3A_2021 = memref.load %arg1[%get3A_2020] : memref<17xi32, #tpu.memory_space<smem>>
          %lt3A = vector.broadcast %get3A_2021 : i32 to vector<128x1xi32>
          %lt3A_2022 = arith.cmpi slt, %add3A_1997, %lt3A : vector<128x1xi32>
          %and3A = arith.andi %ge3A_2017, %lt3A_2022 : vector<128x1xi1>
          %convert_element_type3A_2023 = arith.extui %and3A : vector<128x1xi1> to vector<128x1xi32>
          %convert_element_type3A_2024 = arith.sitofp %convert_element_type3A_2023 : vector<128x1xi32> to vector<128x1xf32>
          %get3A_2025 = arith.index_cast %while3A_2013 : i32 to index
          %get3A_2026 = arith.constant 0 : index
          %get3A_2027 = vector.load %arg3[%get3A_2025, %get3A_2026] : memref<16x2048xf32, #tpu.memory_space<vmem>>, vector<1x2048xf32>
          %mul3A_2028 = vector.broadcast %convert_element_type3A_2024 : vector<128x1xf32> to vector<128x2048xf32>
          %mul3A_2029 = arith.mulf %get3A_2000, %mul3A_2028 : vector<128x2048xf32>
          %reduce_sum3A = arith.constant dense<0.000000e+00> : vector<2048xf32>
          %reduce_sum3A_2030 = vector.multi_reduction <add>, %mul3A_2029, %reduce_sum3A [0] : vector<128x2048xf32> to vector<2048xf32>
          %broadcast_in_dim3A = vector.shape_cast %reduce_sum3A_2030 : vector<2048xf32> to vector<1x2048xf32>
          %add3A_2031 = arith.addf %get3A_2027, %broadcast_in_dim3A : vector<1x2048xf32>
          %swap3A = arith.index_cast %while3A_2013 : i32 to index
          %swap3A_2032 = arith.constant 0 : index
          %swap3A_2033 = vector.load %arg3[%swap3A, %swap3A_2032] : memref<16x2048xf32, #tpu.memory_space<vmem>>, vector<1x2048xf32>
          tpu.vector_store %arg3[%swap3A, %swap3A_2032], %add3A_2031 {strides = array<i32>} : memref<16x2048xf32, #tpu.memory_space<vmem>>, vector<1x2048xf32>,
          %while3A_2034 = arith.constant 0 : i32
          scf.yield %while3A_2034 : i32
        }
      } else {
      }
      %add3A_664 = arith.constant 256 : i32
      %add3A_665 = arith.addi %add3A_3, %add3A_664 : i32
      %get3A_666 = arith.constant 1 : index
      %get3A_667 = memref.load %arg1[%get3A_666] : memref<17xi32, #tpu.memory_space<smem>>
      %le3A_668 = arith.cmpi sle, %get3A_667, %add3A_665 : i32
      %convert_element_type3A_669 = arith.extui %le3A_668 : i1 to i32
      %add3A_670 = arith.constant 0 : i32
      %add3A_671 = arith.addi %add3A_670, %convert_element_type3A_669 : i32
      %get3A_672 = arith.constant 1 : index
      %get3A_673 = memref.load %arg1[%get3A_672] : memref<17xi32, #tpu.memory_space<smem>>
      %add3A_674 = arith.constant 128 : i32
      %add3A_675 = arith.addi %add3A_665, %add3A_674 : i32
      %sub3A_676 = arith.constant 1 : i32
      %sub3A_677 = arith.subi %add3A_675, %sub3A_676 : i32
      %le3A_678 = arith.cmpi sle, %get3A_673, %sub3A_677 : i32
      %convert_element_type3A_679 = arith.extui %le3A_678 : i1 to i32
      %add3A_680 = arith.constant 0 : i32
      %add3A_681 = arith.addi %add3A_680, %convert_element_type3A_679 : i32
      %get3A_682 = arith.constant 2 : index
      %get3A_683 = memref.load %arg1[%get3A_682] : memref<17xi32, #tpu.memory_space<smem>>
      %le3A_684 = arith.cmpi sle, %get3A_683, %add3A_665 : i32
      %convert_element_type3A_685 = arith.extui %le3A_684 : i1 to i32
      %add3A_686 = arith.addi %add3A_671, %convert_element_type3A_685 : i32
      %get3A_687 = arith.constant 2 : index
      %get3A_688 = memref.load %arg1[%get3A_687] : memref<17xi32, #tpu.memory_space<smem>>
      %add3A_689 = arith.constant 128 : i32
      %add3A_690 = arith.addi %add3A_665, %add3A_689 : i32
      %sub3A_691 = arith.constant 1 : i32
      %sub3A_692 = arith.subi %add3A_690, %sub3A_691 : i32
      %le3A_693 = arith.cmpi sle, %get3A_688, %sub3A_692 : i32
      %convert_element_type3A_694 = arith.extui %le3A_693 : i1 to i32
      %add3A_695 = arith.addi %add3A_681, %convert_element_type3A_694 : i32
      %get3A_696 = arith.constant 3 : index
      %get3A_697 = memref.load %arg1[%get3A_696] : memref<17xi32, #tpu.memory_space<smem>>
      %le3A_698 = arith.cmpi sle, %get3A_697, %add3A_665 : i32
      %convert_element_type3A_699 = arith.extui %le3A_698 : i1 to i32
      %add3A_700 = arith.addi %add3A_686, %convert_element_type3A_699 : i32
      %get3A_701 = arith.constant 3 : index
      %get3A_702 = memref.load %arg1[%get3A_701] : memref<17xi32, #tpu.memory_space<smem>>
      %add3A_703 = arith.constant 128 : i32
      %add3A_704 = arith.addi %add3A_665, %add3A_703 : i32
      %sub3A_705 = arith.constant 1 : i32
      %sub3A_706 = arith.subi %add3A_704, %sub3A_705 : i32
      %le3A_707 = arith.cmpi sle, %get3A_702, %sub3A_706 : i32
      %convert_element_type3A_708 = arith.extui %le3A_707 : i1 to i32
      %add3A_709 = arith.addi %add3A_695, %convert_element_type3A_708 : i32
      %get3A_710 = arith.constant 4 : index
      %get3A_711 = memref.load %arg1[%get3A_710] : memref<17xi32, #tpu.memory_space<smem>>
      %le3A_712 = arith.cmpi sle, %get3A_711, %add3A_665 : i32
      %convert_element_type3A_713 = arith.extui %le3A_712 : i1 to i32
      %add3A_714 = arith.addi %add3A_700, %convert_element_type3A_713 : i32
      %get3A_715 = arith.constant 4 : index
      %get3A_716 = memref.load %arg1[%get3A_715] : memref<17xi32, #tpu.memory_space<smem>>
      %add3A_717 = arith.constant 128 : i32
      %add3A_718 = arith.addi %add3A_665, %add3A_717 : i32
      %sub3A_719 = arith.constant 1 : i32
      %sub3A_720 = arith.subi %add3A_718, %sub3A_719 : i32
      %le3A_721 = arith.cmpi sle, %get3A_716, %sub3A_720 : i32
      %convert_element_type3A_722 = arith.extui %le3A_721 : i1 to i32
      %add3A_723 = arith.addi %add3A_709, %convert_element_type3A_722 : i32
      %get3A_724 = arith.constant 5 : index
      %get3A_725 = memref.load %arg1[%get3A_724] : memref<17xi32, #tpu.memory_space<smem>>
      %le3A_726 = arith.cmpi sle, %get3A_725, %add3A_665 : i32
      %convert_element_type3A_727 = arith.extui %le3A_726 : i1 to i32
      %add3A_728 = arith.addi %add3A_714, %convert_element_type3A_727 : i32
      %get3A_729 = arith.constant 5 : index
      %get3A_730 = memref.load %arg1[%get3A_729] : memref<17xi32, #tpu.memory_space<smem>>
      %add3A_731 = arith.constant 128 : i32
      %add3A_732 = arith.addi %add3A_665, %add3A_731 : i32
      %sub3A_733 = arith.constant 1 : i32
      %sub3A_734 = arith.subi %add3A_732, %sub3A_733 : i32
      %le3A_735 = arith.cmpi sle, %get3A_730, %sub3A_734 : i32
      %convert_element_type3A_736 = arith.extui %le3A_735 : i1 to i32
      %add3A_737 = arith.addi %add3A_723, %convert_element_type3A_736 : i32
      %get3A_738 = arith.constant 6 : index
      %get3A_739 = memref.load %arg1[%get3A_738] : memref<17xi32, #tpu.memory_space<smem>>
      %le3A_740 = arith.cmpi sle, %get3A_739, %add3A_665 : i32
      %convert_element_type3A_741 = arith.extui %le3A_740 : i1 to i32
      %add3A_742 = arith.addi %add3A_728, %convert_element_type3A_741 : i32
      %get3A_743 = arith.constant 6 : index
      %get3A_744 = memref.load %arg1[%get3A_743] : memref<17xi32, #tpu.memory_space<smem>>
      %add3A_745 = arith.constant 128 : i32
      %add3A_746 = arith.addi %add3A_665, %add3A_745 : i32
      %sub3A_747 = arith.constant 1 : i32
      %sub3A_748 = arith.subi %add3A_746, %sub3A_747 : i32
      %le3A_749 = arith.cmpi sle, %get3A_744, %sub3A_748 : i32
      %convert_element_type3A_750 = arith.extui %le3A_749 : i1 to i32
      %add3A_751 = arith.addi %add3A_737, %convert_element_type3A_750 : i32
      %get3A_752 = arith.constant 7 : index
      %get3A_753 = memref.load %arg1[%get3A_752] : memref<17xi32, #tpu.memory_space<smem>>
      %le3A_754 = arith.cmpi sle, %get3A_753, %add3A_665 : i32
      %convert_element_type3A_755 = arith.extui %le3A_754 : i1 to i32
      %add3A_756 = arith.addi %add3A_742, %convert_element_type3A_755 : i32
      %get3A_757 = arith.constant 7 : index
      %get3A_758 = memref.load %arg1[%get3A_757] : memref<17xi32, #tpu.memory_space<smem>>
      %add3A_759 = arith.constant 128 : i32
      %add3A_760 = arith.addi %add3A_665, %add3A_759 : i32
      %sub3A_761 = arith.constant 1 : i32
      %sub3A_762 = arith.subi %add3A_760, %sub3A_761 : i32
      %le3A_763 = arith.cmpi sle, %get3A_758, %sub3A_762 : i32
      %convert_element_type3A_764 = arith.extui %le3A_763 : i1 to i32
      %add3A_765 = arith.addi %add3A_751, %convert_element_type3A_764 : i32
      %get3A_766 = arith.constant 8 : index
      %get3A_767 = memref.load %arg1[%get3A_766] : memref<17xi32, #tpu.memory_space<smem>>
      %le3A_768 = arith.cmpi sle, %get3A_767, %add3A_665 : i32
      %convert_element_type3A_769 = arith.extui %le3A_768 : i1 to i32
      %add3A_770 = arith.addi %add3A_756, %convert_element_type3A_769 : i32
      %get3A_771 = arith.constant 8 : index
      %get3A_772 = memref.load %arg1[%get3A_771] : memref<17xi32, #tpu.memory_space<smem>>
      %add3A_773 = arith.constant 128 : i32
      %add3A_774 = arith.addi %add3A_665, %add3A_773 : i32
      %sub3A_775 = arith.constant 1 : i32
      %sub3A_776 = arith.subi %add3A_774, %sub3A_775 : i32
      %le3A_777 = arith.cmpi sle, %get3A_772, %sub3A_776 : i32
      %convert_element_type3A_778 = arith.extui %le3A_777 : i1 to i32
      %add3A_779 = arith.addi %add3A_765, %convert_element_type3A_778 : i32
      %get3A_780 = arith.constant 9 : index
      %get3A_781 = memref.load %arg1[%get3A_780] : memref<17xi32, #tpu.memory_space<smem>>
      %le3A_782 = arith.cmpi sle, %get3A_781, %add3A_665 : i32
      %convert_element_type3A_783 = arith.extui %le3A_782 : i1 to i32
      %add3A_784 = arith.addi %add3A_770, %convert_element_type3A_783 : i32
      %get3A_785 = arith.constant 9 : index
      %get3A_786 = memref.load %arg1[%get3A_785] : memref<17xi32, #tpu.memory_space<smem>>
      %add3A_787 = arith.constant 128 : i32
      %add3A_788 = arith.addi %add3A_665, %add3A_787 : i32
      %sub3A_789 = arith.constant 1 : i32
      %sub3A_790 = arith.subi %add3A_788, %sub3A_789 : i32
      %le3A_791 = arith.cmpi sle, %get3A_786, %sub3A_790 : i32
      %convert_element_type3A_792 = arith.extui %le3A_791 : i1 to i32
      %add3A_793 = arith.addi %add3A_779, %convert_element_type3A_792 : i32
      %get3A_794 = arith.constant 10 : index
      %get3A_795 = memref.load %arg1[%get3A_794] : memref<17xi32, #tpu.memory_space<smem>>
      %le3A_796 = arith.cmpi sle, %get3A_795, %add3A_665 : i32
      %convert_element_type3A_797 = arith.extui %le3A_796 : i1 to i32
      %add3A_798 = arith.addi %add3A_784, %convert_element_type3A_797 : i32
      %get3A_799 = arith.constant 10 : index
      %get3A_800 = memref.load %arg1[%get3A_799] : memref<17xi32, #tpu.memory_space<smem>>
      %add3A_801 = arith.constant 128 : i32
      %add3A_802 = arith.addi %add3A_665, %add3A_801 : i32
      %sub3A_803 = arith.constant 1 : i32
      %sub3A_804 = arith.subi %add3A_802, %sub3A_803 : i32
      %le3A_805 = arith.cmpi sle, %get3A_800, %sub3A_804 : i32
      %convert_element_type3A_806 = arith.extui %le3A_805 : i1 to i32
      %add3A_807 = arith.addi %add3A_793, %convert_element_type3A_806 : i32
      %get3A_808 = arith.constant 11 : index
      %get3A_809 = memref.load %arg1[%get3A_808] : memref<17xi32, #tpu.memory_space<smem>>
      %le3A_810 = arith.cmpi sle, %get3A_809, %add3A_665 : i32
      %convert_element_type3A_811 = arith.extui %le3A_810 : i1 to i32
      %add3A_812 = arith.addi %add3A_798, %convert_element_type3A_811 : i32
      %get3A_813 = arith.constant 11 : index
      %get3A_814 = memref.load %arg1[%get3A_813] : memref<17xi32, #tpu.memory_space<smem>>
      %add3A_815 = arith.constant 128 : i32
      %add3A_816 = arith.addi %add3A_665, %add3A_815 : i32
      %sub3A_817 = arith.constant 1 : i32
      %sub3A_818 = arith.subi %add3A_816, %sub3A_817 : i32
      %le3A_819 = arith.cmpi sle, %get3A_814, %sub3A_818 : i32
      %convert_element_type3A_820 = arith.extui %le3A_819 : i1 to i32
      %add3A_821 = arith.addi %add3A_807, %convert_element_type3A_820 : i32
      %get3A_822 = arith.constant 12 : index
      %get3A_823 = memref.load %arg1[%get3A_822] : memref<17xi32, #tpu.memory_space<smem>>
      %le3A_824 = arith.cmpi sle, %get3A_823, %add3A_665 : i32
      %convert_element_type3A_825 = arith.extui %le3A_824 : i1 to i32
      %add3A_826 = arith.addi %add3A_812, %convert_element_type3A_825 : i32
      %get3A_827 = arith.constant 12 : index
      %get3A_828 = memref.load %arg1[%get3A_827] : memref<17xi32, #tpu.memory_space<smem>>
      %add3A_829 = arith.constant 128 : i32
      %add3A_830 = arith.addi %add3A_665, %add3A_829 : i32
      %sub3A_831 = arith.constant 1 : i32
      %sub3A_832 = arith.subi %add3A_830, %sub3A_831 : i32
      %le3A_833 = arith.cmpi sle, %get3A_828, %sub3A_832 : i32
      %convert_element_type3A_834 = arith.extui %le3A_833 : i1 to i32
      %add3A_835 = arith.addi %add3A_821, %convert_element_type3A_834 : i32
      %get3A_836 = arith.constant 13 : index
      %get3A_837 = memref.load %arg1[%get3A_836] : memref<17xi32, #tpu.memory_space<smem>>
      %le3A_838 = arith.cmpi sle, %get3A_837, %add3A_665 : i32
      %convert_element_type3A_839 = arith.extui %le3A_838 : i1 to i32
      %add3A_840 = arith.addi %add3A_826, %convert_element_type3A_839 : i32
      %get3A_841 = arith.constant 13 : index
      %get3A_842 = memref.load %arg1[%get3A_841] : memref<17xi32, #tpu.memory_space<smem>>
      %add3A_843 = arith.constant 128 : i32
      %add3A_844 = arith.addi %add3A_665, %add3A_843 : i32
      %sub3A_845 = arith.constant 1 : i32
      %sub3A_846 = arith.subi %add3A_844, %sub3A_845 : i32
      %le3A_847 = arith.cmpi sle, %get3A_842, %sub3A_846 : i32
      %convert_element_type3A_848 = arith.extui %le3A_847 : i1 to i32
      %add3A_849 = arith.addi %add3A_835, %convert_element_type3A_848 : i32
      %get3A_850 = arith.constant 14 : index
      %get3A_851 = memref.load %arg1[%get3A_850] : memref<17xi32, #tpu.memory_space<smem>>
      %le3A_852 = arith.cmpi sle, %get3A_851, %add3A_665 : i32
      %convert_element_type3A_853 = arith.extui %le3A_852 : i1 to i32
      %add3A_854 = arith.addi %add3A_840, %convert_element_type3A_853 : i32
      %get3A_855 = arith.constant 14 : index
      %get3A_856 = memref.load %arg1[%get3A_855] : memref<17xi32, #tpu.memory_space<smem>>
      %add3A_857 = arith.constant 128 : i32
      %add3A_858 = arith.addi %add3A_665, %add3A_857 : i32
      %sub3A_859 = arith.constant 1 : i32
      %sub3A_860 = arith.subi %add3A_858, %sub3A_859 : i32
      %le3A_861 = arith.cmpi sle, %get3A_856, %sub3A_860 : i32
      %convert_element_type3A_862 = arith.extui %le3A_861 : i1 to i32
      %add3A_863 = arith.addi %add3A_849, %convert_element_type3A_862 : i32
      %get3A_864 = arith.constant 15 : index
      %get3A_865 = memref.load %arg1[%get3A_864] : memref<17xi32, #tpu.memory_space<smem>>
      %le3A_866 = arith.cmpi sle, %get3A_865, %add3A_665 : i32
      %convert_element_type3A_867 = arith.extui %le3A_866 : i1 to i32
      %add3A_868 = arith.addi %add3A_854, %convert_element_type3A_867 : i32
      %get3A_869 = arith.constant 15 : index
      %get3A_870 = memref.load %arg1[%get3A_869] : memref<17xi32, #tpu.memory_space<smem>>
      %add3A_871 = arith.constant 128 : i32
      %add3A_872 = arith.addi %add3A_665, %add3A_871 : i32
      %sub3A_873 = arith.constant 1 : i32
      %sub3A_874 = arith.subi %add3A_872, %sub3A_873 : i32
      %le3A_875 = arith.cmpi sle, %get3A_870, %sub3A_874 : i32
      %convert_element_type3A_876 = arith.extui %le3A_875 : i1 to i32
      %add3A_877 = arith.addi %add3A_863, %convert_element_type3A_876 : i32
      %eq3A_878 = arith.cmpi eq, %add3A_868, %add3A_877 : i32
      %convert_element_type3A_879 = arith.extui %eq3A_878 : i1 to i32
      %cond3A_880 = arith.constant 0 : i32
      %cond3A_881 = arith.cmpi ne, %convert_element_type3A_879, %cond3A_880 : i32
      scf.if %cond3A_881 {
        %get3A_1996 = arith.constant 256 : index
        %get3A_1997 = arith.constant 0 : index
        %get3A_1998 = vector.load %arg2[%get3A_1996, %get3A_1997] : memref<1024x2048xf32, #tpu.memory_space<vmem>>, vector<128x2048xf32>
        %reduce_sum3A = arith.constant dense<0.000000e+00> : vector<2048xf32>
        %reduce_sum3A_1999 = vector.multi_reduction <add>, %get3A_1998, %reduce_sum3A [0] : vector<128x2048xf32> to vector<2048xf32>
        %broadcast_in_dim3A = vector.shape_cast %reduce_sum3A_1999 : vector<2048xf32> to vector<1x2048xf32>
        %get3A_2000 = arith.index_cast %add3A_868 : i32 to index
        %get3A_2001 = arith.constant 0 : index
        %get3A_2002 = vector.load %arg3[%get3A_2000, %get3A_2001] : memref<16x2048xf32, #tpu.memory_space<vmem>>, vector<1x2048xf32>
        %add3A_2003 = arith.addf %get3A_2002, %broadcast_in_dim3A : vector<1x2048xf32>
        %swap3A = arith.index_cast %add3A_868 : i32 to index
        %swap3A_2004 = arith.constant 0 : index
        %swap3A_2005 = vector.load %arg3[%swap3A, %swap3A_2004] : memref<16x2048xf32, #tpu.memory_space<vmem>>, vector<1x2048xf32>
        tpu.vector_store %arg3[%swap3A, %swap3A_2004], %add3A_2003 {strides = array<i32>} : memref<16x2048xf32, #tpu.memory_space<vmem>>, vector<1x2048xf32>,
      } else {
      }
      %ne3A_882 = arith.cmpi ne, %add3A_868, %add3A_877 : i32
      %convert_element_type3A_883 = arith.extui %ne3A_882 : i1 to i32
      %cond3A_884 = arith.constant 0 : i32
      %cond3A_885 = arith.cmpi ne, %convert_element_type3A_883, %cond3A_884 : i32
      scf.if %cond3A_885 {
        %iota3A = tpu.iota {dimensions = array<i32: 0>} : vector<128x1xi32>
        %add3A_1996 = vector.broadcast %add3A_665 : i32 to vector<128x1xi32>
        %add3A_1997 = arith.addi %iota3A, %add3A_1996 : vector<128x1xi32>
        %get3A_1998 = arith.constant 256 : index
        %get3A_1999 = arith.constant 0 : index
        %get3A_2000 = vector.load %arg2[%get3A_1998, %get3A_1999] : memref<1024x2048xf32, #tpu.memory_space<vmem>>, vector<128x2048xf32>
        %add3A_2001 = arith.constant 1 : i32
        %add3A_2002 = arith.addi %add3A_877, %add3A_2001 : i32
        %while3A = arith.constant 0 : i32
        %while3A_2003 = arith.subi %add3A_2002, %add3A_868 : i32
        %while3A_2004 = arith.addi %add3A_868, %while3A_2003 : i32
        %while3A_2005 = arith.constant 1 : i32
        %while3A_2006 = arith.divsi %while3A_2003, %while3A_2005 : i32
        %while3A_2007 = arith.muli %while3A_2006, %while3A_2005 : i32
        %while3A_2008 = arith.addi %add3A_868, %while3A_2007 : i32
        %while3A_2009 = arith.constant 1 : i32
        %while3A_2010 = scf.for %while3A_2013 = %add3A_868 to %while3A_2008 step %while3A_2009 iter_args(%while3A_2014 = %while3A) -> (i32)  : i32 {
          %get3A_2015 = arith.index_cast %while3A_2013 : i32 to index
          %get3A_2016 = memref.load %arg1[%get3A_2015] : memref<17xi32, #tpu.memory_space<smem>>
          %ge3A = vector.broadcast %get3A_2016 : i32 to vector<128x1xi32>
          %ge3A_2017 = arith.cmpi sge, %add3A_1997, %ge3A : vector<128x1xi32>
          %add3A_2018 = arith.constant 1 : i32
          %add3A_2019 = arith.addi %while3A_2013, %add3A_2018 : i32
          %get3A_2020 = arith.index_cast %add3A_2019 : i32 to index
          %get3A_2021 = memref.load %arg1[%get3A_2020] : memref<17xi32, #tpu.memory_space<smem>>
          %lt3A = vector.broadcast %get3A_2021 : i32 to vector<128x1xi32>
          %lt3A_2022 = arith.cmpi slt, %add3A_1997, %lt3A : vector<128x1xi32>
          %and3A = arith.andi %ge3A_2017, %lt3A_2022 : vector<128x1xi1>
          %convert_element_type3A_2023 = arith.extui %and3A : vector<128x1xi1> to vector<128x1xi32>
          %convert_element_type3A_2024 = arith.sitofp %convert_element_type3A_2023 : vector<128x1xi32> to vector<128x1xf32>
          %get3A_2025 = arith.index_cast %while3A_2013 : i32 to index
          %get3A_2026 = arith.constant 0 : index
          %get3A_2027 = vector.load %arg3[%get3A_2025, %get3A_2026] : memref<16x2048xf32, #tpu.memory_space<vmem>>, vector<1x2048xf32>
          %mul3A_2028 = vector.broadcast %convert_element_type3A_2024 : vector<128x1xf32> to vector<128x2048xf32>
          %mul3A_2029 = arith.mulf %get3A_2000, %mul3A_2028 : vector<128x2048xf32>
          %reduce_sum3A = arith.constant dense<0.000000e+00> : vector<2048xf32>
          %reduce_sum3A_2030 = vector.multi_reduction <add>, %mul3A_2029, %reduce_sum3A [0] : vector<128x2048xf32> to vector<2048xf32>
          %broadcast_in_dim3A = vector.shape_cast %reduce_sum3A_2030 : vector<2048xf32> to vector<1x2048xf32>
          %add3A_2031 = arith.addf %get3A_2027, %broadcast_in_dim3A : vector<1x2048xf32>
          %swap3A = arith.index_cast %while3A_2013 : i32 to index
          %swap3A_2032 = arith.constant 0 : index
          %swap3A_2033 = vector.load %arg3[%swap3A, %swap3A_2032] : memref<16x2048xf32, #tpu.memory_space<vmem>>, vector<1x2048xf32>
          tpu.vector_store %arg3[%swap3A, %swap3A_2032], %add3A_2031 {strides = array<i32>} : memref<16x2048xf32, #tpu.memory_space<vmem>>, vector<1x2048xf32>,
          %while3A_2034 = arith.constant 0 : i32
          scf.yield %while3A_2034 : i32
        }
        %while3A_2011 = arith.constant 1 : i32
        %while3A_2012 = scf.for %while3A_2013 = %while3A_2008 to %while3A_2004 step %while3A_2011 iter_args(%while3A_2014 = %while3A_2010) -> (i32)  : i32 {
          %get3A_2015 = arith.index_cast %while3A_2013 : i32 to index
          %get3A_2016 = memref.load %arg1[%get3A_2015] : memref<17xi32, #tpu.memory_space<smem>>
          %ge3A = vector.broadcast %get3A_2016 : i32 to vector<128x1xi32>
          %ge3A_2017 = arith.cmpi sge, %add3A_1997, %ge3A : vector<128x1xi32>
          %add3A_2018 = arith.constant 1 : i32
          %add3A_2019 = arith.addi %while3A_2013, %add3A_2018 : i32
          %get3A_2020 = arith.index_cast %add3A_2019 : i32 to index
          %get3A_2021 = memref.load %arg1[%get3A_2020] : memref<17xi32, #tpu.memory_space<smem>>
          %lt3A = vector.broadcast %get3A_2021 : i32 to vector<128x1xi32>
          %lt3A_2022 = arith.cmpi slt, %add3A_1997, %lt3A : vector<128x1xi32>
          %and3A = arith.andi %ge3A_2017, %lt3A_2022 : vector<128x1xi1>
          %convert_element_type3A_2023 = arith.extui %and3A : vector<128x1xi1> to vector<128x1xi32>
          %convert_element_type3A_2024 = arith.sitofp %convert_element_type3A_2023 : vector<128x1xi32> to vector<128x1xf32>
          %get3A_2025 = arith.index_cast %while3A_2013 : i32 to index
          %get3A_2026 = arith.constant 0 : index
          %get3A_2027 = vector.load %arg3[%get3A_2025, %get3A_2026] : memref<16x2048xf32, #tpu.memory_space<vmem>>, vector<1x2048xf32>
          %mul3A_2028 = vector.broadcast %convert_element_type3A_2024 : vector<128x1xf32> to vector<128x2048xf32>
          %mul3A_2029 = arith.mulf %get3A_2000, %mul3A_2028 : vector<128x2048xf32>
          %reduce_sum3A = arith.constant dense<0.000000e+00> : vector<2048xf32>
          %reduce_sum3A_2030 = vector.multi_reduction <add>, %mul3A_2029, %reduce_sum3A [0] : vector<128x2048xf32> to vector<2048xf32>
          %broadcast_in_dim3A = vector.shape_cast %reduce_sum3A_2030 : vector<2048xf32> to vector<1x2048xf32>
          %add3A_2031 = arith.addf %get3A_2027, %broadcast_in_dim3A : vector<1x2048xf32>
          %swap3A = arith.index_cast %while3A_2013 : i32 to index
          %swap3A_2032 = arith.constant 0 : index
          %swap3A_2033 = vector.load %arg3[%swap3A, %swap3A_2032] : memref<16x2048xf32, #tpu.memory_space<vmem>>, vector<1x2048xf32>
          tpu.vector_store %arg3[%swap3A, %swap3A_2032], %add3A_2031 {strides = array<i32>} : memref<16x2048xf32, #tpu.memory_space<vmem>>, vector<1x2048xf32>,
          %while3A_2034 = arith.constant 0 : i32
          scf.yield %while3A_2034 : i32
        }
      } else {
      }
      %add3A_886 = arith.constant 384 : i32
      %add3A_887 = arith.addi %add3A_3, %add3A_886 : i32
      %get3A_888 = arith.constant 1 : index
      %get3A_889 = memref.load %arg1[%get3A_888] : memref<17xi32, #tpu.memory_space<smem>>
      %le3A_890 = arith.cmpi sle, %get3A_889, %add3A_887 : i32
      %convert_element_type3A_891 = arith.extui %le3A_890 : i1 to i32
      %add3A_892 = arith.constant 0 : i32
      %add3A_893 = arith.addi %add3A_892, %convert_element_type3A_891 : i32
      %get3A_894 = arith.constant 1 : index
      %get3A_895 = memref.load %arg1[%get3A_894] : memref<17xi32, #tpu.memory_space<smem>>
      %add3A_896 = arith.constant 128 : i32
      %add3A_897 = arith.addi %add3A_887, %add3A_896 : i32
      %sub3A_898 = arith.constant 1 : i32
      %sub3A_899 = arith.subi %add3A_897, %sub3A_898 : i32
      %le3A_900 = arith.cmpi sle, %get3A_895, %sub3A_899 : i32
      %convert_element_type3A_901 = arith.extui %le3A_900 : i1 to i32
      %add3A_902 = arith.constant 0 : i32
      %add3A_903 = arith.addi %add3A_902, %convert_element_type3A_901 : i32
      %get3A_904 = arith.constant 2 : index
      %get3A_905 = memref.load %arg1[%get3A_904] : memref<17xi32, #tpu.memory_space<smem>>
      %le3A_906 = arith.cmpi sle, %get3A_905, %add3A_887 : i32
      %convert_element_type3A_907 = arith.extui %le3A_906 : i1 to i32
      %add3A_908 = arith.addi %add3A_893, %convert_element_type3A_907 : i32
      %get3A_909 = arith.constant 2 : index
      %get3A_910 = memref.load %arg1[%get3A_909] : memref<17xi32, #tpu.memory_space<smem>>
      %add3A_911 = arith.constant 128 : i32
      %add3A_912 = arith.addi %add3A_887, %add3A_911 : i32
      %sub3A_913 = arith.constant 1 : i32
      %sub3A_914 = arith.subi %add3A_912, %sub3A_913 : i32
      %le3A_915 = arith.cmpi sle, %get3A_910, %sub3A_914 : i32
      %convert_element_type3A_916 = arith.extui %le3A_915 : i1 to i32
      %add3A_917 = arith.addi %add3A_903, %convert_element_type3A_916 : i32
      %get3A_918 = arith.constant 3 : index
      %get3A_919 = memref.load %arg1[%get3A_918] : memref<17xi32, #tpu.memory_space<smem>>
      %le3A_920 = arith.cmpi sle, %get3A_919, %add3A_887 : i32
      %convert_element_type3A_921 = arith.extui %le3A_920 : i1 to i32
      %add3A_922 = arith.addi %add3A_908, %convert_element_type3A_921 : i32
      %get3A_923 = arith.constant 3 : index
      %get3A_924 = memref.load %arg1[%get3A_923] : memref<17xi32, #tpu.memory_space<smem>>
      %add3A_925 = arith.constant 128 : i32
      %add3A_926 = arith.addi %add3A_887, %add3A_925 : i32
      %sub3A_927 = arith.constant 1 : i32
      %sub3A_928 = arith.subi %add3A_926, %sub3A_927 : i32
      %le3A_929 = arith.cmpi sle, %get3A_924, %sub3A_928 : i32
      %convert_element_type3A_930 = arith.extui %le3A_929 : i1 to i32
      %add3A_931 = arith.addi %add3A_917, %convert_element_type3A_930 : i32
      %get3A_932 = arith.constant 4 : index
      %get3A_933 = memref.load %arg1[%get3A_932] : memref<17xi32, #tpu.memory_space<smem>>
      %le3A_934 = arith.cmpi sle, %get3A_933, %add3A_887 : i32
      %convert_element_type3A_935 = arith.extui %le3A_934 : i1 to i32
      %add3A_936 = arith.addi %add3A_922, %convert_element_type3A_935 : i32
      %get3A_937 = arith.constant 4 : index
      %get3A_938 = memref.load %arg1[%get3A_937] : memref<17xi32, #tpu.memory_space<smem>>
      %add3A_939 = arith.constant 128 : i32
      %add3A_940 = arith.addi %add3A_887, %add3A_939 : i32
      %sub3A_941 = arith.constant 1 : i32
      %sub3A_942 = arith.subi %add3A_940, %sub3A_941 : i32
      %le3A_943 = arith.cmpi sle, %get3A_938, %sub3A_942 : i32
      %convert_element_type3A_944 = arith.extui %le3A_943 : i1 to i32
      %add3A_945 = arith.addi %add3A_931, %convert_element_type3A_944 : i32
      %get3A_946 = arith.constant 5 : index
      %get3A_947 = memref.load %arg1[%get3A_946] : memref<17xi32, #tpu.memory_space<smem>>
      %le3A_948 = arith.cmpi sle, %get3A_947, %add3A_887 : i32
      %convert_element_type3A_949 = arith.extui %le3A_948 : i1 to i32
      %add3A_950 = arith.addi %add3A_936, %convert_element_type3A_949 : i32
      %get3A_951 = arith.constant 5 : index
      %get3A_952 = memref.load %arg1[%get3A_951] : memref<17xi32, #tpu.memory_space<smem>>
      %add3A_953 = arith.constant 128 : i32
      %add3A_954 = arith.addi %add3A_887, %add3A_953 : i32
      %sub3A_955 = arith.constant 1 : i32
      %sub3A_956 = arith.subi %add3A_954, %sub3A_955 : i32
      %le3A_957 = arith.cmpi sle, %get3A_952, %sub3A_956 : i32
      %convert_element_type3A_958 = arith.extui %le3A_957 : i1 to i32
      %add3A_959 = arith.addi %add3A_945, %convert_element_type3A_958 : i32
      %get3A_960 = arith.constant 6 : index
      %get3A_961 = memref.load %arg1[%get3A_960] : memref<17xi32, #tpu.memory_space<smem>>
      %le3A_962 = arith.cmpi sle, %get3A_961, %add3A_887 : i32
      %convert_element_type3A_963 = arith.extui %le3A_962 : i1 to i32
      %add3A_964 = arith.addi %add3A_950, %convert_element_type3A_963 : i32
      %get3A_965 = arith.constant 6 : index
      %get3A_966 = memref.load %arg1[%get3A_965] : memref<17xi32, #tpu.memory_space<smem>>
      %add3A_967 = arith.constant 128 : i32
      %add3A_968 = arith.addi %add3A_887, %add3A_967 : i32
      %sub3A_969 = arith.constant 1 : i32
      %sub3A_970 = arith.subi %add3A_968, %sub3A_969 : i32
      %le3A_971 = arith.cmpi sle, %get3A_966, %sub3A_970 : i32
      %convert_element_type3A_972 = arith.extui %le3A_971 : i1 to i32
      %add3A_973 = arith.addi %add3A_959, %convert_element_type3A_972 : i32
      %get3A_974 = arith.constant 7 : index
      %get3A_975 = memref.load %arg1[%get3A_974] : memref<17xi32, #tpu.memory_space<smem>>
      %le3A_976 = arith.cmpi sle, %get3A_975, %add3A_887 : i32
      %convert_element_type3A_977 = arith.extui %le3A_976 : i1 to i32
      %add3A_978 = arith.addi %add3A_964, %convert_element_type3A_977 : i32
      %get3A_979 = arith.constant 7 : index
      %get3A_980 = memref.load %arg1[%get3A_979] : memref<17xi32, #tpu.memory_space<smem>>
      %add3A_981 = arith.constant 128 : i32
      %add3A_982 = arith.addi %add3A_887, %add3A_981 : i32
      %sub3A_983 = arith.constant 1 : i32
      %sub3A_984 = arith.subi %add3A_982, %sub3A_983 : i32
      %le3A_985 = arith.cmpi sle, %get3A_980, %sub3A_984 : i32
      %convert_element_type3A_986 = arith.extui %le3A_985 : i1 to i32
      %add3A_987 = arith.addi %add3A_973, %convert_element_type3A_986 : i32
      %get3A_988 = arith.constant 8 : index
      %get3A_989 = memref.load %arg1[%get3A_988] : memref<17xi32, #tpu.memory_space<smem>>
      %le3A_990 = arith.cmpi sle, %get3A_989, %add3A_887 : i32
      %convert_element_type3A_991 = arith.extui %le3A_990 : i1 to i32
      %add3A_992 = arith.addi %add3A_978, %convert_element_type3A_991 : i32
      %get3A_993 = arith.constant 8 : index
      %get3A_994 = memref.load %arg1[%get3A_993] : memref<17xi32, #tpu.memory_space<smem>>
      %add3A_995 = arith.constant 128 : i32
      %add3A_996 = arith.addi %add3A_887, %add3A_995 : i32
      %sub3A_997 = arith.constant 1 : i32
      %sub3A_998 = arith.subi %add3A_996, %sub3A_997 : i32
      %le3A_999 = arith.cmpi sle, %get3A_994, %sub3A_998 : i32
      %convert_element_type3A_1000 = arith.extui %le3A_999 : i1 to i32
      %add3A_1001 = arith.addi %add3A_987, %convert_element_type3A_1000 : i32
      %get3A_1002 = arith.constant 9 : index
      %get3A_1003 = memref.load %arg1[%get3A_1002] : memref<17xi32, #tpu.memory_space<smem>>
      %le3A_1004 = arith.cmpi sle, %get3A_1003, %add3A_887 : i32
      %convert_element_type3A_1005 = arith.extui %le3A_1004 : i1 to i32
      %add3A_1006 = arith.addi %add3A_992, %convert_element_type3A_1005 : i32
      %get3A_1007 = arith.constant 9 : index
      %get3A_1008 = memref.load %arg1[%get3A_1007] : memref<17xi32, #tpu.memory_space<smem>>
      %add3A_1009 = arith.constant 128 : i32
      %add3A_1010 = arith.addi %add3A_887, %add3A_1009 : i32
      %sub3A_1011 = arith.constant 1 : i32
      %sub3A_1012 = arith.subi %add3A_1010, %sub3A_1011 : i32
      %le3A_1013 = arith.cmpi sle, %get3A_1008, %sub3A_1012 : i32
      %convert_element_type3A_1014 = arith.extui %le3A_1013 : i1 to i32
      %add3A_1015 = arith.addi %add3A_1001, %convert_element_type3A_1014 : i32
      %get3A_1016 = arith.constant 10 : index
      %get3A_1017 = memref.load %arg1[%get3A_1016] : memref<17xi32, #tpu.memory_space<smem>>
      %le3A_1018 = arith.cmpi sle, %get3A_1017, %add3A_887 : i32
      %convert_element_type3A_1019 = arith.extui %le3A_1018 : i1 to i32
      %add3A_1020 = arith.addi %add3A_1006, %convert_element_type3A_1019 : i32
      %get3A_1021 = arith.constant 10 : index
      %get3A_1022 = memref.load %arg1[%get3A_1021] : memref<17xi32, #tpu.memory_space<smem>>
      %add3A_1023 = arith.constant 128 : i32
      %add3A_1024 = arith.addi %add3A_887, %add3A_1023 : i32
      %sub3A_1025 = arith.constant 1 : i32
      %sub3A_1026 = arith.subi %add3A_1024, %sub3A_1025 : i32
      %le3A_1027 = arith.cmpi sle, %get3A_1022, %sub3A_1026 : i32
      %convert_element_type3A_1028 = arith.extui %le3A_1027 : i1 to i32
      %add3A_1029 = arith.addi %add3A_1015, %convert_element_type3A_1028 : i32
      %get3A_1030 = arith.constant 11 : index
      %get3A_1031 = memref.load %arg1[%get3A_1030] : memref<17xi32, #tpu.memory_space<smem>>
      %le3A_1032 = arith.cmpi sle, %get3A_1031, %add3A_887 : i32
      %convert_element_type3A_1033 = arith.extui %le3A_1032 : i1 to i32
      %add3A_1034 = arith.addi %add3A_1020, %convert_element_type3A_1033 : i32
      %get3A_1035 = arith.constant 11 : index
      %get3A_1036 = memref.load %arg1[%get3A_1035] : memref<17xi32, #tpu.memory_space<smem>>
      %add3A_1037 = arith.constant 128 : i32
      %add3A_1038 = arith.addi %add3A_887, %add3A_1037 : i32
      %sub3A_1039 = arith.constant 1 : i32
      %sub3A_1040 = arith.subi %add3A_1038, %sub3A_1039 : i32
      %le3A_1041 = arith.cmpi sle, %get3A_1036, %sub3A_1040 : i32
      %convert_element_type3A_1042 = arith.extui %le3A_1041 : i1 to i32
      %add3A_1043 = arith.addi %add3A_1029, %convert_element_type3A_1042 : i32
      %get3A_1044 = arith.constant 12 : index
      %get3A_1045 = memref.load %arg1[%get3A_1044] : memref<17xi32, #tpu.memory_space<smem>>
      %le3A_1046 = arith.cmpi sle, %get3A_1045, %add3A_887 : i32
      %convert_element_type3A_1047 = arith.extui %le3A_1046 : i1 to i32
      %add3A_1048 = arith.addi %add3A_1034, %convert_element_type3A_1047 : i32
      %get3A_1049 = arith.constant 12 : index
      %get3A_1050 = memref.load %arg1[%get3A_1049] : memref<17xi32, #tpu.memory_space<smem>>
      %add3A_1051 = arith.constant 128 : i32
      %add3A_1052 = arith.addi %add3A_887, %add3A_1051 : i32
      %sub3A_1053 = arith.constant 1 : i32
      %sub3A_1054 = arith.subi %add3A_1052, %sub3A_1053 : i32
      %le3A_1055 = arith.cmpi sle, %get3A_1050, %sub3A_1054 : i32
      %convert_element_type3A_1056 = arith.extui %le3A_1055 : i1 to i32
      %add3A_1057 = arith.addi %add3A_1043, %convert_element_type3A_1056 : i32
      %get3A_1058 = arith.constant 13 : index
      %get3A_1059 = memref.load %arg1[%get3A_1058] : memref<17xi32, #tpu.memory_space<smem>>
      %le3A_1060 = arith.cmpi sle, %get3A_1059, %add3A_887 : i32
      %convert_element_type3A_1061 = arith.extui %le3A_1060 : i1 to i32
      %add3A_1062 = arith.addi %add3A_1048, %convert_element_type3A_1061 : i32
      %get3A_1063 = arith.constant 13 : index
      %get3A_1064 = memref.load %arg1[%get3A_1063] : memref<17xi32, #tpu.memory_space<smem>>
      %add3A_1065 = arith.constant 128 : i32
      %add3A_1066 = arith.addi %add3A_887, %add3A_1065 : i32
      %sub3A_1067 = arith.constant 1 : i32
      %sub3A_1068 = arith.subi %add3A_1066, %sub3A_1067 : i32
      %le3A_1069 = arith.cmpi sle, %get3A_1064, %sub3A_1068 : i32
      %convert_element_type3A_1070 = arith.extui %le3A_1069 : i1 to i32
      %add3A_1071 = arith.addi %add3A_1057, %convert_element_type3A_1070 : i32
      %get3A_1072 = arith.constant 14 : index
      %get3A_1073 = memref.load %arg1[%get3A_1072] : memref<17xi32, #tpu.memory_space<smem>>
      %le3A_1074 = arith.cmpi sle, %get3A_1073, %add3A_887 : i32
      %convert_element_type3A_1075 = arith.extui %le3A_1074 : i1 to i32
      %add3A_1076 = arith.addi %add3A_1062, %convert_element_type3A_1075 : i32
      %get3A_1077 = arith.constant 14 : index
      %get3A_1078 = memref.load %arg1[%get3A_1077] : memref<17xi32, #tpu.memory_space<smem>>
      %add3A_1079 = arith.constant 128 : i32
      %add3A_1080 = arith.addi %add3A_887, %add3A_1079 : i32
      %sub3A_1081 = arith.constant 1 : i32
      %sub3A_1082 = arith.subi %add3A_1080, %sub3A_1081 : i32
      %le3A_1083 = arith.cmpi sle, %get3A_1078, %sub3A_1082 : i32
      %convert_element_type3A_1084 = arith.extui %le3A_1083 : i1 to i32
      %add3A_1085 = arith.addi %add3A_1071, %convert_element_type3A_1084 : i32
      %get3A_1086 = arith.constant 15 : index
      %get3A_1087 = memref.load %arg1[%get3A_1086] : memref<17xi32, #tpu.memory_space<smem>>
      %le3A_1088 = arith.cmpi sle, %get3A_1087, %add3A_887 : i32
      %convert_element_type3A_1089 = arith.extui %le3A_1088 : i1 to i32
      %add3A_1090 = arith.addi %add3A_1076, %convert_element_type3A_1089 : i32
      %get3A_1091 = arith.constant 15 : index
      %get3A_1092 = memref.load %arg1[%get3A_1091] : memref<17xi32, #tpu.memory_space<smem>>
      %add3A_1093 = arith.constant 128 : i32
      %add3A_1094 = arith.addi %add3A_887, %add3A_1093 : i32
      %sub3A_1095 = arith.constant 1 : i32
      %sub3A_1096 = arith.subi %add3A_1094, %sub3A_1095 : i32
      %le3A_1097 = arith.cmpi sle, %get3A_1092, %sub3A_1096 : i32
      %convert_element_type3A_1098 = arith.extui %le3A_1097 : i1 to i32
      %add3A_1099 = arith.addi %add3A_1085, %convert_element_type3A_1098 : i32
      %eq3A_1100 = arith.cmpi eq, %add3A_1090, %add3A_1099 : i32
      %convert_element_type3A_1101 = arith.extui %eq3A_1100 : i1 to i32
      %cond3A_1102 = arith.constant 0 : i32
      %cond3A_1103 = arith.cmpi ne, %convert_element_type3A_1101, %cond3A_1102 : i32
      scf.if %cond3A_1103 {
        %get3A_1996 = arith.constant 384 : index
        %get3A_1997 = arith.constant 0 : index
        %get3A_1998 = vector.load %arg2[%get3A_1996, %get3A_1997] : memref<1024x2048xf32, #tpu.memory_space<vmem>>, vector<128x2048xf32>
        %reduce_sum3A = arith.constant dense<0.000000e+00> : vector<2048xf32>
        %reduce_sum3A_1999 = vector.multi_reduction <add>, %get3A_1998, %reduce_sum3A [0] : vector<128x2048xf32> to vector<2048xf32>
        %broadcast_in_dim3A = vector.shape_cast %reduce_sum3A_1999 : vector<2048xf32> to vector<1x2048xf32>
        %get3A_2000 = arith.index_cast %add3A_1090 : i32 to index
        %get3A_2001 = arith.constant 0 : index
        %get3A_2002 = vector.load %arg3[%get3A_2000, %get3A_2001] : memref<16x2048xf32, #tpu.memory_space<vmem>>, vector<1x2048xf32>
        %add3A_2003 = arith.addf %get3A_2002, %broadcast_in_dim3A : vector<1x2048xf32>
        %swap3A = arith.index_cast %add3A_1090 : i32 to index
        %swap3A_2004 = arith.constant 0 : index
        %swap3A_2005 = vector.load %arg3[%swap3A, %swap3A_2004] : memref<16x2048xf32, #tpu.memory_space<vmem>>, vector<1x2048xf32>
        tpu.vector_store %arg3[%swap3A, %swap3A_2004], %add3A_2003 {strides = array<i32>} : memref<16x2048xf32, #tpu.memory_space<vmem>>, vector<1x2048xf32>,
      } else {
      }
      %ne3A_1104 = arith.cmpi ne, %add3A_1090, %add3A_1099 : i32
      %convert_element_type3A_1105 = arith.extui %ne3A_1104 : i1 to i32
      %cond3A_1106 = arith.constant 0 : i32
      %cond3A_1107 = arith.cmpi ne, %convert_element_type3A_1105, %cond3A_1106 : i32
      scf.if %cond3A_1107 {
        %iota3A = tpu.iota {dimensions = array<i32: 0>} : vector<128x1xi32>
        %add3A_1996 = vector.broadcast %add3A_887 : i32 to vector<128x1xi32>
        %add3A_1997 = arith.addi %iota3A, %add3A_1996 : vector<128x1xi32>
        %get3A_1998 = arith.constant 384 : index
        %get3A_1999 = arith.constant 0 : index
        %get3A_2000 = vector.load %arg2[%get3A_1998, %get3A_1999] : memref<1024x2048xf32, #tpu.memory_space<vmem>>, vector<128x2048xf32>
        %add3A_2001 = arith.constant 1 : i32
        %add3A_2002 = arith.addi %add3A_1099, %add3A_2001 : i32
        %while3A = arith.constant 0 : i32
        %while3A_2003 = arith.subi %add3A_2002, %add3A_1090 : i32
        %while3A_2004 = arith.addi %add3A_1090, %while3A_2003 : i32
        %while3A_2005 = arith.constant 1 : i32
        %while3A_2006 = arith.divsi %while3A_2003, %while3A_2005 : i32
        %while3A_2007 = arith.muli %while3A_2006, %while3A_2005 : i32
        %while3A_2008 = arith.addi %add3A_1090, %while3A_2007 : i32
        %while3A_2009 = arith.constant 1 : i32
        %while3A_2010 = scf.for %while3A_2013 = %add3A_1090 to %while3A_2008 step %while3A_2009 iter_args(%while3A_2014 = %while3A) -> (i32)  : i32 {
          %get3A_2015 = arith.index_cast %while3A_2013 : i32 to index
          %get3A_2016 = memref.load %arg1[%get3A_2015] : memref<17xi32, #tpu.memory_space<smem>>
          %ge3A = vector.broadcast %get3A_2016 : i32 to vector<128x1xi32>
          %ge3A_2017 = arith.cmpi sge, %add3A_1997, %ge3A : vector<128x1xi32>
          %add3A_2018 = arith.constant 1 : i32
          %add3A_2019 = arith.addi %while3A_2013, %add3A_2018 : i32
          %get3A_2020 = arith.index_cast %add3A_2019 : i32 to index
          %get3A_2021 = memref.load %arg1[%get3A_2020] : memref<17xi32, #tpu.memory_space<smem>>
          %lt3A = vector.broadcast %get3A_2021 : i32 to vector<128x1xi32>
          %lt3A_2022 = arith.cmpi slt, %add3A_1997, %lt3A : vector<128x1xi32>
          %and3A = arith.andi %ge3A_2017, %lt3A_2022 : vector<128x1xi1>
          %convert_element_type3A_2023 = arith.extui %and3A : vector<128x1xi1> to vector<128x1xi32>
          %convert_element_type3A_2024 = arith.sitofp %convert_element_type3A_2023 : vector<128x1xi32> to vector<128x1xf32>
          %get3A_2025 = arith.index_cast %while3A_2013 : i32 to index
          %get3A_2026 = arith.constant 0 : index
          %get3A_2027 = vector.load %arg3[%get3A_2025, %get3A_2026] : memref<16x2048xf32, #tpu.memory_space<vmem>>, vector<1x2048xf32>
          %mul3A_2028 = vector.broadcast %convert_element_type3A_2024 : vector<128x1xf32> to vector<128x2048xf32>
          %mul3A_2029 = arith.mulf %get3A_2000, %mul3A_2028 : vector<128x2048xf32>
          %reduce_sum3A = arith.constant dense<0.000000e+00> : vector<2048xf32>
          %reduce_sum3A_2030 = vector.multi_reduction <add>, %mul3A_2029, %reduce_sum3A [0] : vector<128x2048xf32> to vector<2048xf32>
          %broadcast_in_dim3A = vector.shape_cast %reduce_sum3A_2030 : vector<2048xf32> to vector<1x2048xf32>
          %add3A_2031 = arith.addf %get3A_2027, %broadcast_in_dim3A : vector<1x2048xf32>
          %swap3A = arith.index_cast %while3A_2013 : i32 to index
          %swap3A_2032 = arith.constant 0 : index
          %swap3A_2033 = vector.load %arg3[%swap3A, %swap3A_2032] : memref<16x2048xf32, #tpu.memory_space<vmem>>, vector<1x2048xf32>
          tpu.vector_store %arg3[%swap3A, %swap3A_2032], %add3A_2031 {strides = array<i32>} : memref<16x2048xf32, #tpu.memory_space<vmem>>, vector<1x2048xf32>,
          %while3A_2034 = arith.constant 0 : i32
          scf.yield %while3A_2034 : i32
        }
        %while3A_2011 = arith.constant 1 : i32
        %while3A_2012 = scf.for %while3A_2013 = %while3A_2008 to %while3A_2004 step %while3A_2011 iter_args(%while3A_2014 = %while3A_2010) -> (i32)  : i32 {
          %get3A_2015 = arith.index_cast %while3A_2013 : i32 to index
          %get3A_2016 = memref.load %arg1[%get3A_2015] : memref<17xi32, #tpu.memory_space<smem>>
          %ge3A = vector.broadcast %get3A_2016 : i32 to vector<128x1xi32>
          %ge3A_2017 = arith.cmpi sge, %add3A_1997, %ge3A : vector<128x1xi32>
          %add3A_2018 = arith.constant 1 : i32
          %add3A_2019 = arith.addi %while3A_2013, %add3A_2018 : i32
          %get3A_2020 = arith.index_cast %add3A_2019 : i32 to index
          %get3A_2021 = memref.load %arg1[%get3A_2020] : memref<17xi32, #tpu.memory_space<smem>>
          %lt3A = vector.broadcast %get3A_2021 : i32 to vector<128x1xi32>
          %lt3A_2022 = arith.cmpi slt, %add3A_1997, %lt3A : vector<128x1xi32>
          %and3A = arith.andi %ge3A_2017, %lt3A_2022 : vector<128x1xi1>
          %convert_element_type3A_2023 = arith.extui %and3A : vector<128x1xi1> to vector<128x1xi32>
          %convert_element_type3A_2024 = arith.sitofp %convert_element_type3A_2023 : vector<128x1xi32> to vector<128x1xf32>
          %get3A_2025 = arith.index_cast %while3A_2013 : i32 to index
          %get3A_2026 = arith.constant 0 : index
          %get3A_2027 = vector.load %arg3[%get3A_2025, %get3A_2026] : memref<16x2048xf32, #tpu.memory_space<vmem>>, vector<1x2048xf32>
          %mul3A_2028 = vector.broadcast %convert_element_type3A_2024 : vector<128x1xf32> to vector<128x2048xf32>
          %mul3A_2029 = arith.mulf %get3A_2000, %mul3A_2028 : vector<128x2048xf32>
          %reduce_sum3A = arith.constant dense<0.000000e+00> : vector<2048xf32>
          %reduce_sum3A_2030 = vector.multi_reduction <add>, %mul3A_2029, %reduce_sum3A [0] : vector<128x2048xf32> to vector<2048xf32>
          %broadcast_in_dim3A = vector.shape_cast %reduce_sum3A_2030 : vector<2048xf32> to vector<1x2048xf32>
          %add3A_2031 = arith.addf %get3A_2027, %broadcast_in_dim3A : vector<1x2048xf32>
          %swap3A = arith.index_cast %while3A_2013 : i32 to index
          %swap3A_2032 = arith.constant 0 : index
          %swap3A_2033 = vector.load %arg3[%swap3A, %swap3A_2032] : memref<16x2048xf32, #tpu.memory_space<vmem>>, vector<1x2048xf32>
          tpu.vector_store %arg3[%swap3A, %swap3A_2032], %add3A_2031 {strides = array<i32>} : memref<16x2048xf32, #tpu.memory_space<vmem>>, vector<1x2048xf32>,
          %while3A_2034 = arith.constant 0 : i32
          scf.yield %while3A_2034 : i32
        }
      } else {
      }
      %add3A_1108 = arith.constant 512 : i32
      %add3A_1109 = arith.addi %add3A_3, %add3A_1108 : i32
      %get3A_1110 = arith.constant 1 : index
      %get3A_1111 = memref.load %arg1[%get3A_1110] : memref<17xi32, #tpu.memory_space<smem>>
      %le3A_1112 = arith.cmpi sle, %get3A_1111, %add3A_1109 : i32
      %convert_element_type3A_1113 = arith.extui %le3A_1112 : i1 to i32
      %add3A_1114 = arith.constant 0 : i32
      %add3A_1115 = arith.addi %add3A_1114, %convert_element_type3A_1113 : i32
      %get3A_1116 = arith.constant 1 : index
      %get3A_1117 = memref.load %arg1[%get3A_1116] : memref<17xi32, #tpu.memory_space<smem>>
      %add3A_1118 = arith.constant 128 : i32
      %add3A_1119 = arith.addi %add3A_1109, %add3A_1118 : i32
      %sub3A_1120 = arith.constant 1 : i32
      %sub3A_1121 = arith.subi %add3A_1119, %sub3A_1120 : i32
      %le3A_1122 = arith.cmpi sle, %get3A_1117, %sub3A_1121 : i32
      %convert_element_type3A_1123 = arith.extui %le3A_1122 : i1 to i32
      %add3A_1124 = arith.constant 0 : i32
      %add3A_1125 = arith.addi %add3A_1124, %convert_element_type3A_1123 : i32
      %get3A_1126 = arith.constant 2 : index
      %get3A_1127 = memref.load %arg1[%get3A_1126] : memref<17xi32, #tpu.memory_space<smem>>
      %le3A_1128 = arith.cmpi sle, %get3A_1127, %add3A_1109 : i32
      %convert_element_type3A_1129 = arith.extui %le3A_1128 : i1 to i32
      %add3A_1130 = arith.addi %add3A_1115, %convert_element_type3A_1129 : i32
      %get3A_1131 = arith.constant 2 : index
      %get3A_1132 = memref.load %arg1[%get3A_1131] : memref<17xi32, #tpu.memory_space<smem>>
      %add3A_1133 = arith.constant 128 : i32
      %add3A_1134 = arith.addi %add3A_1109, %add3A_1133 : i32
      %sub3A_1135 = arith.constant 1 : i32
      %sub3A_1136 = arith.subi %add3A_1134, %sub3A_1135 : i32
      %le3A_1137 = arith.cmpi sle, %get3A_1132, %sub3A_1136 : i32
      %convert_element_type3A_1138 = arith.extui %le3A_1137 : i1 to i32
      %add3A_1139 = arith.addi %add3A_1125, %convert_element_type3A_1138 : i32
      %get3A_1140 = arith.constant 3 : index
      %get3A_1141 = memref.load %arg1[%get3A_1140] : memref<17xi32, #tpu.memory_space<smem>>
      %le3A_1142 = arith.cmpi sle, %get3A_1141, %add3A_1109 : i32
      %convert_element_type3A_1143 = arith.extui %le3A_1142 : i1 to i32
      %add3A_1144 = arith.addi %add3A_1130, %convert_element_type3A_1143 : i32
      %get3A_1145 = arith.constant 3 : index
      %get3A_1146 = memref.load %arg1[%get3A_1145] : memref<17xi32, #tpu.memory_space<smem>>
      %add3A_1147 = arith.constant 128 : i32
      %add3A_1148 = arith.addi %add3A_1109, %add3A_1147 : i32
      %sub3A_1149 = arith.constant 1 : i32
      %sub3A_1150 = arith.subi %add3A_1148, %sub3A_1149 : i32
      %le3A_1151 = arith.cmpi sle, %get3A_1146, %sub3A_1150 : i32
      %convert_element_type3A_1152 = arith.extui %le3A_1151 : i1 to i32
      %add3A_1153 = arith.addi %add3A_1139, %convert_element_type3A_1152 : i32
      %get3A_1154 = arith.constant 4 : index
      %get3A_1155 = memref.load %arg1[%get3A_1154] : memref<17xi32, #tpu.memory_space<smem>>
      %le3A_1156 = arith.cmpi sle, %get3A_1155, %add3A_1109 : i32
      %convert_element_type3A_1157 = arith.extui %le3A_1156 : i1 to i32
      %add3A_1158 = arith.addi %add3A_1144, %convert_element_type3A_1157 : i32
      %get3A_1159 = arith.constant 4 : index
      %get3A_1160 = memref.load %arg1[%get3A_1159] : memref<17xi32, #tpu.memory_space<smem>>
      %add3A_1161 = arith.constant 128 : i32
      %add3A_1162 = arith.addi %add3A_1109, %add3A_1161 : i32
      %sub3A_1163 = arith.constant 1 : i32
      %sub3A_1164 = arith.subi %add3A_1162, %sub3A_1163 : i32
      %le3A_1165 = arith.cmpi sle, %get3A_1160, %sub3A_1164 : i32
      %convert_element_type3A_1166 = arith.extui %le3A_1165 : i1 to i32
      %add3A_1167 = arith.addi %add3A_1153, %convert_element_type3A_1166 : i32
      %get3A_1168 = arith.constant 5 : index
      %get3A_1169 = memref.load %arg1[%get3A_1168] : memref<17xi32, #tpu.memory_space<smem>>
      %le3A_1170 = arith.cmpi sle, %get3A_1169, %add3A_1109 : i32
      %convert_element_type3A_1171 = arith.extui %le3A_1170 : i1 to i32
      %add3A_1172 = arith.addi %add3A_1158, %convert_element_type3A_1171 : i32
      %get3A_1173 = arith.constant 5 : index
      %get3A_1174 = memref.load %arg1[%get3A_1173] : memref<17xi32, #tpu.memory_space<smem>>
      %add3A_1175 = arith.constant 128 : i32
      %add3A_1176 = arith.addi %add3A_1109, %add3A_1175 : i32
      %sub3A_1177 = arith.constant 1 : i32
      %sub3A_1178 = arith.subi %add3A_1176, %sub3A_1177 : i32
      %le3A_1179 = arith.cmpi sle, %get3A_1174, %sub3A_1178 : i32
      %convert_element_type3A_1180 = arith.extui %le3A_1179 : i1 to i32
      %add3A_1181 = arith.addi %add3A_1167, %convert_element_type3A_1180 : i32
      %get3A_1182 = arith.constant 6 : index
      %get3A_1183 = memref.load %arg1[%get3A_1182] : memref<17xi32, #tpu.memory_space<smem>>
      %le3A_1184 = arith.cmpi sle, %get3A_1183, %add3A_1109 : i32
      %convert_element_type3A_1185 = arith.extui %le3A_1184 : i1 to i32
      %add3A_1186 = arith.addi %add3A_1172, %convert_element_type3A_1185 : i32
      %get3A_1187 = arith.constant 6 : index
      %get3A_1188 = memref.load %arg1[%get3A_1187] : memref<17xi32, #tpu.memory_space<smem>>
      %add3A_1189 = arith.constant 128 : i32
      %add3A_1190 = arith.addi %add3A_1109, %add3A_1189 : i32
      %sub3A_1191 = arith.constant 1 : i32
      %sub3A_1192 = arith.subi %add3A_1190, %sub3A_1191 : i32
      %le3A_1193 = arith.cmpi sle, %get3A_1188, %sub3A_1192 : i32
      %convert_element_type3A_1194 = arith.extui %le3A_1193 : i1 to i32
      %add3A_1195 = arith.addi %add3A_1181, %convert_element_type3A_1194 : i32
      %get3A_1196 = arith.constant 7 : index
      %get3A_1197 = memref.load %arg1[%get3A_1196] : memref<17xi32, #tpu.memory_space<smem>>
      %le3A_1198 = arith.cmpi sle, %get3A_1197, %add3A_1109 : i32
      %convert_element_type3A_1199 = arith.extui %le3A_1198 : i1 to i32
      %add3A_1200 = arith.addi %add3A_1186, %convert_element_type3A_1199 : i32
      %get3A_1201 = arith.constant 7 : index
      %get3A_1202 = memref.load %arg1[%get3A_1201] : memref<17xi32, #tpu.memory_space<smem>>
      %add3A_1203 = arith.constant 128 : i32
      %add3A_1204 = arith.addi %add3A_1109, %add3A_1203 : i32
      %sub3A_1205 = arith.constant 1 : i32
      %sub3A_1206 = arith.subi %add3A_1204, %sub3A_1205 : i32
      %le3A_1207 = arith.cmpi sle, %get3A_1202, %sub3A_1206 : i32
      %convert_element_type3A_1208 = arith.extui %le3A_1207 : i1 to i32
      %add3A_1209 = arith.addi %add3A_1195, %convert_element_type3A_1208 : i32
      %get3A_1210 = arith.constant 8 : index
      %get3A_1211 = memref.load %arg1[%get3A_1210] : memref<17xi32, #tpu.memory_space<smem>>
      %le3A_1212 = arith.cmpi sle, %get3A_1211, %add3A_1109 : i32
      %convert_element_type3A_1213 = arith.extui %le3A_1212 : i1 to i32
      %add3A_1214 = arith.addi %add3A_1200, %convert_element_type3A_1213 : i32
      %get3A_1215 = arith.constant 8 : index
      %get3A_1216 = memref.load %arg1[%get3A_1215] : memref<17xi32, #tpu.memory_space<smem>>
      %add3A_1217 = arith.constant 128 : i32
      %add3A_1218 = arith.addi %add3A_1109, %add3A_1217 : i32
      %sub3A_1219 = arith.constant 1 : i32
      %sub3A_1220 = arith.subi %add3A_1218, %sub3A_1219 : i32
      %le3A_1221 = arith.cmpi sle, %get3A_1216, %sub3A_1220 : i32
      %convert_element_type3A_1222 = arith.extui %le3A_1221 : i1 to i32
      %add3A_1223 = arith.addi %add3A_1209, %convert_element_type3A_1222 : i32
      %get3A_1224 = arith.constant 9 : index
      %get3A_1225 = memref.load %arg1[%get3A_1224] : memref<17xi32, #tpu.memory_space<smem>>
      %le3A_1226 = arith.cmpi sle, %get3A_1225, %add3A_1109 : i32
      %convert_element_type3A_1227 = arith.extui %le3A_1226 : i1 to i32
      %add3A_1228 = arith.addi %add3A_1214, %convert_element_type3A_1227 : i32
      %get3A_1229 = arith.constant 9 : index
      %get3A_1230 = memref.load %arg1[%get3A_1229] : memref<17xi32, #tpu.memory_space<smem>>
      %add3A_1231 = arith.constant 128 : i32
      %add3A_1232 = arith.addi %add3A_1109, %add3A_1231 : i32
      %sub3A_1233 = arith.constant 1 : i32
      %sub3A_1234 = arith.subi %add3A_1232, %sub3A_1233 : i32
      %le3A_1235 = arith.cmpi sle, %get3A_1230, %sub3A_1234 : i32
      %convert_element_type3A_1236 = arith.extui %le3A_1235 : i1 to i32
      %add3A_1237 = arith.addi %add3A_1223, %convert_element_type3A_1236 : i32
      %get3A_1238 = arith.constant 10 : index
      %get3A_1239 = memref.load %arg1[%get3A_1238] : memref<17xi32, #tpu.memory_space<smem>>
      %le3A_1240 = arith.cmpi sle, %get3A_1239, %add3A_1109 : i32
      %convert_element_type3A_1241 = arith.extui %le3A_1240 : i1 to i32
      %add3A_1242 = arith.addi %add3A_1228, %convert_element_type3A_1241 : i32
      %get3A_1243 = arith.constant 10 : index
      %get3A_1244 = memref.load %arg1[%get3A_1243] : memref<17xi32, #tpu.memory_space<smem>>
      %add3A_1245 = arith.constant 128 : i32
      %add3A_1246 = arith.addi %add3A_1109, %add3A_1245 : i32
      %sub3A_1247 = arith.constant 1 : i32
      %sub3A_1248 = arith.subi %add3A_1246, %sub3A_1247 : i32
      %le3A_1249 = arith.cmpi sle, %get3A_1244, %sub3A_1248 : i32
      %convert_element_type3A_1250 = arith.extui %le3A_1249 : i1 to i32
      %add3A_1251 = arith.addi %add3A_1237, %convert_element_type3A_1250 : i32
      %get3A_1252 = arith.constant 11 : index
      %get3A_1253 = memref.load %arg1[%get3A_1252] : memref<17xi32, #tpu.memory_space<smem>>
      %le3A_1254 = arith.cmpi sle, %get3A_1253, %add3A_1109 : i32
      %convert_element_type3A_1255 = arith.extui %le3A_1254 : i1 to i32
      %add3A_1256 = arith.addi %add3A_1242, %convert_element_type3A_1255 : i32
      %get3A_1257 = arith.constant 11 : index
      %get3A_1258 = memref.load %arg1[%get3A_1257] : memref<17xi32, #tpu.memory_space<smem>>
      %add3A_1259 = arith.constant 128 : i32
      %add3A_1260 = arith.addi %add3A_1109, %add3A_1259 : i32
      %sub3A_1261 = arith.constant 1 : i32
      %sub3A_1262 = arith.subi %add3A_1260, %sub3A_1261 : i32
      %le3A_1263 = arith.cmpi sle, %get3A_1258, %sub3A_1262 : i32
      %convert_element_type3A_1264 = arith.extui %le3A_1263 : i1 to i32
      %add3A_1265 = arith.addi %add3A_1251, %convert_element_type3A_1264 : i32
      %get3A_1266 = arith.constant 12 : index
      %get3A_1267 = memref.load %arg1[%get3A_1266] : memref<17xi32, #tpu.memory_space<smem>>
      %le3A_1268 = arith.cmpi sle, %get3A_1267, %add3A_1109 : i32
      %convert_element_type3A_1269 = arith.extui %le3A_1268 : i1 to i32
      %add3A_1270 = arith.addi %add3A_1256, %convert_element_type3A_1269 : i32
      %get3A_1271 = arith.constant 12 : index
      %get3A_1272 = memref.load %arg1[%get3A_1271] : memref<17xi32, #tpu.memory_space<smem>>
      %add3A_1273 = arith.constant 128 : i32
      %add3A_1274 = arith.addi %add3A_1109, %add3A_1273 : i32
      %sub3A_1275 = arith.constant 1 : i32
      %sub3A_1276 = arith.subi %add3A_1274, %sub3A_1275 : i32
      %le3A_1277 = arith.cmpi sle, %get3A_1272, %sub3A_1276 : i32
      %convert_element_type3A_1278 = arith.extui %le3A_1277 : i1 to i32
      %add3A_1279 = arith.addi %add3A_1265, %convert_element_type3A_1278 : i32
      %get3A_1280 = arith.constant 13 : index
      %get3A_1281 = memref.load %arg1[%get3A_1280] : memref<17xi32, #tpu.memory_space<smem>>
      %le3A_1282 = arith.cmpi sle, %get3A_1281, %add3A_1109 : i32
      %convert_element_type3A_1283 = arith.extui %le3A_1282 : i1 to i32
      %add3A_1284 = arith.addi %add3A_1270, %convert_element_type3A_1283 : i32
      %get3A_1285 = arith.constant 13 : index
      %get3A_1286 = memref.load %arg1[%get3A_1285] : memref<17xi32, #tpu.memory_space<smem>>
      %add3A_1287 = arith.constant 128 : i32
      %add3A_1288 = arith.addi %add3A_1109, %add3A_1287 : i32
      %sub3A_1289 = arith.constant 1 : i32
      %sub3A_1290 = arith.subi %add3A_1288, %sub3A_1289 : i32
      %le3A_1291 = arith.cmpi sle, %get3A_1286, %sub3A_1290 : i32
      %convert_element_type3A_1292 = arith.extui %le3A_1291 : i1 to i32
      %add3A_1293 = arith.addi %add3A_1279, %convert_element_type3A_1292 : i32
      %get3A_1294 = arith.constant 14 : index
      %get3A_1295 = memref.load %arg1[%get3A_1294] : memref<17xi32, #tpu.memory_space<smem>>
      %le3A_1296 = arith.cmpi sle, %get3A_1295, %add3A_1109 : i32
      %convert_element_type3A_1297 = arith.extui %le3A_1296 : i1 to i32
      %add3A_1298 = arith.addi %add3A_1284, %convert_element_type3A_1297 : i32
      %get3A_1299 = arith.constant 14 : index
      %get3A_1300 = memref.load %arg1[%get3A_1299] : memref<17xi32, #tpu.memory_space<smem>>
      %add3A_1301 = arith.constant 128 : i32
      %add3A_1302 = arith.addi %add3A_1109, %add3A_1301 : i32
      %sub3A_1303 = arith.constant 1 : i32
      %sub3A_1304 = arith.subi %add3A_1302, %sub3A_1303 : i32
      %le3A_1305 = arith.cmpi sle, %get3A_1300, %sub3A_1304 : i32
      %convert_element_type3A_1306 = arith.extui %le3A_1305 : i1 to i32
      %add3A_1307 = arith.addi %add3A_1293, %convert_element_type3A_1306 : i32
      %get3A_1308 = arith.constant 15 : index
      %get3A_1309 = memref.load %arg1[%get3A_1308] : memref<17xi32, #tpu.memory_space<smem>>
      %le3A_1310 = arith.cmpi sle, %get3A_1309, %add3A_1109 : i32
      %convert_element_type3A_1311 = arith.extui %le3A_1310 : i1 to i32
      %add3A_1312 = arith.addi %add3A_1298, %convert_element_type3A_1311 : i32
      %get3A_1313 = arith.constant 15 : index
      %get3A_1314 = memref.load %arg1[%get3A_1313] : memref<17xi32, #tpu.memory_space<smem>>
      %add3A_1315 = arith.constant 128 : i32
      %add3A_1316 = arith.addi %add3A_1109, %add3A_1315 : i32
      %sub3A_1317 = arith.constant 1 : i32
      %sub3A_1318 = arith.subi %add3A_1316, %sub3A_1317 : i32
      %le3A_1319 = arith.cmpi sle, %get3A_1314, %sub3A_1318 : i32
      %convert_element_type3A_1320 = arith.extui %le3A_1319 : i1 to i32
      %add3A_1321 = arith.addi %add3A_1307, %convert_element_type3A_1320 : i32
      %eq3A_1322 = arith.cmpi eq, %add3A_1312, %add3A_1321 : i32
      %convert_element_type3A_1323 = arith.extui %eq3A_1322 : i1 to i32
      %cond3A_1324 = arith.constant 0 : i32
      %cond3A_1325 = arith.cmpi ne, %convert_element_type3A_1323, %cond3A_1324 : i32
      scf.if %cond3A_1325 {
        %get3A_1996 = arith.constant 512 : index
        %get3A_1997 = arith.constant 0 : index
        %get3A_1998 = vector.load %arg2[%get3A_1996, %get3A_1997] : memref<1024x2048xf32, #tpu.memory_space<vmem>>, vector<128x2048xf32>
        %reduce_sum3A = arith.constant dense<0.000000e+00> : vector<2048xf32>
        %reduce_sum3A_1999 = vector.multi_reduction <add>, %get3A_1998, %reduce_sum3A [0] : vector<128x2048xf32> to vector<2048xf32>
        %broadcast_in_dim3A = vector.shape_cast %reduce_sum3A_1999 : vector<2048xf32> to vector<1x2048xf32>
        %get3A_2000 = arith.index_cast %add3A_1312 : i32 to index
        %get3A_2001 = arith.constant 0 : index
        %get3A_2002 = vector.load %arg3[%get3A_2000, %get3A_2001] : memref<16x2048xf32, #tpu.memory_space<vmem>>, vector<1x2048xf32>
        %add3A_2003 = arith.addf %get3A_2002, %broadcast_in_dim3A : vector<1x2048xf32>
        %swap3A = arith.index_cast %add3A_1312 : i32 to index
        %swap3A_2004 = arith.constant 0 : index
        %swap3A_2005 = vector.load %arg3[%swap3A, %swap3A_2004] : memref<16x2048xf32, #tpu.memory_space<vmem>>, vector<1x2048xf32>
        tpu.vector_store %arg3[%swap3A, %swap3A_2004], %add3A_2003 {strides = array<i32>} : memref<16x2048xf32, #tpu.memory_space<vmem>>, vector<1x2048xf32>,
      } else {
      }
      %ne3A_1326 = arith.cmpi ne, %add3A_1312, %add3A_1321 : i32
      %convert_element_type3A_1327 = arith.extui %ne3A_1326 : i1 to i32
      %cond3A_1328 = arith.constant 0 : i32
      %cond3A_1329 = arith.cmpi ne, %convert_element_type3A_1327, %cond3A_1328 : i32
      scf.if %cond3A_1329 {
        %iota3A = tpu.iota {dimensions = array<i32: 0>} : vector<128x1xi32>
        %add3A_1996 = vector.broadcast %add3A_1109 : i32 to vector<128x1xi32>
        %add3A_1997 = arith.addi %iota3A, %add3A_1996 : vector<128x1xi32>
        %get3A_1998 = arith.constant 512 : index
        %get3A_1999 = arith.constant 0 : index
        %get3A_2000 = vector.load %arg2[%get3A_1998, %get3A_1999] : memref<1024x2048xf32, #tpu.memory_space<vmem>>, vector<128x2048xf32>
        %add3A_2001 = arith.constant 1 : i32
        %add3A_2002 = arith.addi %add3A_1321, %add3A_2001 : i32
        %while3A = arith.constant 0 : i32
        %while3A_2003 = arith.subi %add3A_2002, %add3A_1312 : i32
        %while3A_2004 = arith.addi %add3A_1312, %while3A_2003 : i32
        %while3A_2005 = arith.constant 1 : i32
        %while3A_2006 = arith.divsi %while3A_2003, %while3A_2005 : i32
        %while3A_2007 = arith.muli %while3A_2006, %while3A_2005 : i32
        %while3A_2008 = arith.addi %add3A_1312, %while3A_2007 : i32
        %while3A_2009 = arith.constant 1 : i32
        %while3A_2010 = scf.for %while3A_2013 = %add3A_1312 to %while3A_2008 step %while3A_2009 iter_args(%while3A_2014 = %while3A) -> (i32)  : i32 {
          %get3A_2015 = arith.index_cast %while3A_2013 : i32 to index
          %get3A_2016 = memref.load %arg1[%get3A_2015] : memref<17xi32, #tpu.memory_space<smem>>
          %ge3A = vector.broadcast %get3A_2016 : i32 to vector<128x1xi32>
          %ge3A_2017 = arith.cmpi sge, %add3A_1997, %ge3A : vector<128x1xi32>
          %add3A_2018 = arith.constant 1 : i32
          %add3A_2019 = arith.addi %while3A_2013, %add3A_2018 : i32
          %get3A_2020 = arith.index_cast %add3A_2019 : i32 to index
          %get3A_2021 = memref.load %arg1[%get3A_2020] : memref<17xi32, #tpu.memory_space<smem>>
          %lt3A = vector.broadcast %get3A_2021 : i32 to vector<128x1xi32>
          %lt3A_2022 = arith.cmpi slt, %add3A_1997, %lt3A : vector<128x1xi32>
          %and3A = arith.andi %ge3A_2017, %lt3A_2022 : vector<128x1xi1>
          %convert_element_type3A_2023 = arith.extui %and3A : vector<128x1xi1> to vector<128x1xi32>
          %convert_element_type3A_2024 = arith.sitofp %convert_element_type3A_2023 : vector<128x1xi32> to vector<128x1xf32>
          %get3A_2025 = arith.index_cast %while3A_2013 : i32 to index
          %get3A_2026 = arith.constant 0 : index
          %get3A_2027 = vector.load %arg3[%get3A_2025, %get3A_2026] : memref<16x2048xf32, #tpu.memory_space<vmem>>, vector<1x2048xf32>
          %mul3A_2028 = vector.broadcast %convert_element_type3A_2024 : vector<128x1xf32> to vector<128x2048xf32>
          %mul3A_2029 = arith.mulf %get3A_2000, %mul3A_2028 : vector<128x2048xf32>
          %reduce_sum3A = arith.constant dense<0.000000e+00> : vector<2048xf32>
          %reduce_sum3A_2030 = vector.multi_reduction <add>, %mul3A_2029, %reduce_sum3A [0] : vector<128x2048xf32> to vector<2048xf32>
          %broadcast_in_dim3A = vector.shape_cast %reduce_sum3A_2030 : vector<2048xf32> to vector<1x2048xf32>
          %add3A_2031 = arith.addf %get3A_2027, %broadcast_in_dim3A : vector<1x2048xf32>
          %swap3A = arith.index_cast %while3A_2013 : i32 to index
          %swap3A_2032 = arith.constant 0 : index
          %swap3A_2033 = vector.load %arg3[%swap3A, %swap3A_2032] : memref<16x2048xf32, #tpu.memory_space<vmem>>, vector<1x2048xf32>
          tpu.vector_store %arg3[%swap3A, %swap3A_2032], %add3A_2031 {strides = array<i32>} : memref<16x2048xf32, #tpu.memory_space<vmem>>, vector<1x2048xf32>,
          %while3A_2034 = arith.constant 0 : i32
          scf.yield %while3A_2034 : i32
        }
        %while3A_2011 = arith.constant 1 : i32
        %while3A_2012 = scf.for %while3A_2013 = %while3A_2008 to %while3A_2004 step %while3A_2011 iter_args(%while3A_2014 = %while3A_2010) -> (i32)  : i32 {
          %get3A_2015 = arith.index_cast %while3A_2013 : i32 to index
          %get3A_2016 = memref.load %arg1[%get3A_2015] : memref<17xi32, #tpu.memory_space<smem>>
          %ge3A = vector.broadcast %get3A_2016 : i32 to vector<128x1xi32>
          %ge3A_2017 = arith.cmpi sge, %add3A_1997, %ge3A : vector<128x1xi32>
          %add3A_2018 = arith.constant 1 : i32
          %add3A_2019 = arith.addi %while3A_2013, %add3A_2018 : i32
          %get3A_2020 = arith.index_cast %add3A_2019 : i32 to index
          %get3A_2021 = memref.load %arg1[%get3A_2020] : memref<17xi32, #tpu.memory_space<smem>>
          %lt3A = vector.broadcast %get3A_2021 : i32 to vector<128x1xi32>
          %lt3A_2022 = arith.cmpi slt, %add3A_1997, %lt3A : vector<128x1xi32>
          %and3A = arith.andi %ge3A_2017, %lt3A_2022 : vector<128x1xi1>
          %convert_element_type3A_2023 = arith.extui %and3A : vector<128x1xi1> to vector<128x1xi32>
          %convert_element_type3A_2024 = arith.sitofp %convert_element_type3A_2023 : vector<128x1xi32> to vector<128x1xf32>
          %get3A_2025 = arith.index_cast %while3A_2013 : i32 to index
          %get3A_2026 = arith.constant 0 : index
          %get3A_2027 = vector.load %arg3[%get3A_2025, %get3A_2026] : memref<16x2048xf32, #tpu.memory_space<vmem>>, vector<1x2048xf32>
          %mul3A_2028 = vector.broadcast %convert_element_type3A_2024 : vector<128x1xf32> to vector<128x2048xf32>
          %mul3A_2029 = arith.mulf %get3A_2000, %mul3A_2028 : vector<128x2048xf32>
          %reduce_sum3A = arith.constant dense<0.000000e+00> : vector<2048xf32>
          %reduce_sum3A_2030 = vector.multi_reduction <add>, %mul3A_2029, %reduce_sum3A [0] : vector<128x2048xf32> to vector<2048xf32>
          %broadcast_in_dim3A = vector.shape_cast %reduce_sum3A_2030 : vector<2048xf32> to vector<1x2048xf32>
          %add3A_2031 = arith.addf %get3A_2027, %broadcast_in_dim3A : vector<1x2048xf32>
          %swap3A = arith.index_cast %while3A_2013 : i32 to index
          %swap3A_2032 = arith.constant 0 : index
          %swap3A_2033 = vector.load %arg3[%swap3A, %swap3A_2032] : memref<16x2048xf32, #tpu.memory_space<vmem>>, vector<1x2048xf32>
          tpu.vector_store %arg3[%swap3A, %swap3A_2032], %add3A_2031 {strides = array<i32>} : memref<16x2048xf32, #tpu.memory_space<vmem>>, vector<1x2048xf32>,
          %while3A_2034 = arith.constant 0 : i32
          scf.yield %while3A_2034 : i32
        }
      } else {
      }
      %add3A_1330 = arith.constant 640 : i32
      %add3A_1331 = arith.addi %add3A_3, %add3A_1330 : i32
      %get3A_1332 = arith.constant 1 : index
      %get3A_1333 = memref.load %arg1[%get3A_1332] : memref<17xi32, #tpu.memory_space<smem>>
      %le3A_1334 = arith.cmpi sle, %get3A_1333, %add3A_1331 : i32
      %convert_element_type3A_1335 = arith.extui %le3A_1334 : i1 to i32
      %add3A_1336 = arith.constant 0 : i32
      %add3A_1337 = arith.addi %add3A_1336, %convert_element_type3A_1335 : i32
      %get3A_1338 = arith.constant 1 : index
      %get3A_1339 = memref.load %arg1[%get3A_1338] : memref<17xi32, #tpu.memory_space<smem>>
      %add3A_1340 = arith.constant 128 : i32
      %add3A_1341 = arith.addi %add3A_1331, %add3A_1340 : i32
      %sub3A_1342 = arith.constant 1 : i32
      %sub3A_1343 = arith.subi %add3A_1341, %sub3A_1342 : i32
      %le3A_1344 = arith.cmpi sle, %get3A_1339, %sub3A_1343 : i32
      %convert_element_type3A_1345 = arith.extui %le3A_1344 : i1 to i32
      %add3A_1346 = arith.constant 0 : i32
      %add3A_1347 = arith.addi %add3A_1346, %convert_element_type3A_1345 : i32
      %get3A_1348 = arith.constant 2 : index
      %get3A_1349 = memref.load %arg1[%get3A_1348] : memref<17xi32, #tpu.memory_space<smem>>
      %le3A_1350 = arith.cmpi sle, %get3A_1349, %add3A_1331 : i32
      %convert_element_type3A_1351 = arith.extui %le3A_1350 : i1 to i32
      %add3A_1352 = arith.addi %add3A_1337, %convert_element_type3A_1351 : i32
      %get3A_1353 = arith.constant 2 : index
      %get3A_1354 = memref.load %arg1[%get3A_1353] : memref<17xi32, #tpu.memory_space<smem>>
      %add3A_1355 = arith.constant 128 : i32
      %add3A_1356 = arith.addi %add3A_1331, %add3A_1355 : i32
      %sub3A_1357 = arith.constant 1 : i32
      %sub3A_1358 = arith.subi %add3A_1356, %sub3A_1357 : i32
      %le3A_1359 = arith.cmpi sle, %get3A_1354, %sub3A_1358 : i32
      %convert_element_type3A_1360 = arith.extui %le3A_1359 : i1 to i32
      %add3A_1361 = arith.addi %add3A_1347, %convert_element_type3A_1360 : i32
      %get3A_1362 = arith.constant 3 : index
      %get3A_1363 = memref.load %arg1[%get3A_1362] : memref<17xi32, #tpu.memory_space<smem>>
      %le3A_1364 = arith.cmpi sle, %get3A_1363, %add3A_1331 : i32
      %convert_element_type3A_1365 = arith.extui %le3A_1364 : i1 to i32
      %add3A_1366 = arith.addi %add3A_1352, %convert_element_type3A_1365 : i32
      %get3A_1367 = arith.constant 3 : index
      %get3A_1368 = memref.load %arg1[%get3A_1367] : memref<17xi32, #tpu.memory_space<smem>>
      %add3A_1369 = arith.constant 128 : i32
      %add3A_1370 = arith.addi %add3A_1331, %add3A_1369 : i32
      %sub3A_1371 = arith.constant 1 : i32
      %sub3A_1372 = arith.subi %add3A_1370, %sub3A_1371 : i32
      %le3A_1373 = arith.cmpi sle, %get3A_1368, %sub3A_1372 : i32
      %convert_element_type3A_1374 = arith.extui %le3A_1373 : i1 to i32
      %add3A_1375 = arith.addi %add3A_1361, %convert_element_type3A_1374 : i32
      %get3A_1376 = arith.constant 4 : index
      %get3A_1377 = memref.load %arg1[%get3A_1376] : memref<17xi32, #tpu.memory_space<smem>>
      %le3A_1378 = arith.cmpi sle, %get3A_1377, %add3A_1331 : i32
      %convert_element_type3A_1379 = arith.extui %le3A_1378 : i1 to i32
      %add3A_1380 = arith.addi %add3A_1366, %convert_element_type3A_1379 : i32
      %get3A_1381 = arith.constant 4 : index
      %get3A_1382 = memref.load %arg1[%get3A_1381] : memref<17xi32, #tpu.memory_space<smem>>
      %add3A_1383 = arith.constant 128 : i32
      %add3A_1384 = arith.addi %add3A_1331, %add3A_1383 : i32
      %sub3A_1385 = arith.constant 1 : i32
      %sub3A_1386 = arith.subi %add3A_1384, %sub3A_1385 : i32
      %le3A_1387 = arith.cmpi sle, %get3A_1382, %sub3A_1386 : i32
      %convert_element_type3A_1388 = arith.extui %le3A_1387 : i1 to i32
      %add3A_1389 = arith.addi %add3A_1375, %convert_element_type3A_1388 : i32
      %get3A_1390 = arith.constant 5 : index
      %get3A_1391 = memref.load %arg1[%get3A_1390] : memref<17xi32, #tpu.memory_space<smem>>
      %le3A_1392 = arith.cmpi sle, %get3A_1391, %add3A_1331 : i32
      %convert_element_type3A_1393 = arith.extui %le3A_1392 : i1 to i32
      %add3A_1394 = arith.addi %add3A_1380, %convert_element_type3A_1393 : i32
      %get3A_1395 = arith.constant 5 : index
      %get3A_1396 = memref.load %arg1[%get3A_1395] : memref<17xi32, #tpu.memory_space<smem>>
      %add3A_1397 = arith.constant 128 : i32
      %add3A_1398 = arith.addi %add3A_1331, %add3A_1397 : i32
      %sub3A_1399 = arith.constant 1 : i32
      %sub3A_1400 = arith.subi %add3A_1398, %sub3A_1399 : i32
      %le3A_1401 = arith.cmpi sle, %get3A_1396, %sub3A_1400 : i32
      %convert_element_type3A_1402 = arith.extui %le3A_1401 : i1 to i32
      %add3A_1403 = arith.addi %add3A_1389, %convert_element_type3A_1402 : i32
      %get3A_1404 = arith.constant 6 : index
      %get3A_1405 = memref.load %arg1[%get3A_1404] : memref<17xi32, #tpu.memory_space<smem>>
      %le3A_1406 = arith.cmpi sle, %get3A_1405, %add3A_1331 : i32
      %convert_element_type3A_1407 = arith.extui %le3A_1406 : i1 to i32
      %add3A_1408 = arith.addi %add3A_1394, %convert_element_type3A_1407 : i32
      %get3A_1409 = arith.constant 6 : index
      %get3A_1410 = memref.load %arg1[%get3A_1409] : memref<17xi32, #tpu.memory_space<smem>>
      %add3A_1411 = arith.constant 128 : i32
      %add3A_1412 = arith.addi %add3A_1331, %add3A_1411 : i32
      %sub3A_1413 = arith.constant 1 : i32
      %sub3A_1414 = arith.subi %add3A_1412, %sub3A_1413 : i32
      %le3A_1415 = arith.cmpi sle, %get3A_1410, %sub3A_1414 : i32
      %convert_element_type3A_1416 = arith.extui %le3A_1415 : i1 to i32
      %add3A_1417 = arith.addi %add3A_1403, %convert_element_type3A_1416 : i32
      %get3A_1418 = arith.constant 7 : index
      %get3A_1419 = memref.load %arg1[%get3A_1418] : memref<17xi32, #tpu.memory_space<smem>>
      %le3A_1420 = arith.cmpi sle, %get3A_1419, %add3A_1331 : i32
      %convert_element_type3A_1421 = arith.extui %le3A_1420 : i1 to i32
      %add3A_1422 = arith.addi %add3A_1408, %convert_element_type3A_1421 : i32
      %get3A_1423 = arith.constant 7 : index
      %get3A_1424 = memref.load %arg1[%get3A_1423] : memref<17xi32, #tpu.memory_space<smem>>
      %add3A_1425 = arith.constant 128 : i32
      %add3A_1426 = arith.addi %add3A_1331, %add3A_1425 : i32
      %sub3A_1427 = arith.constant 1 : i32
      %sub3A_1428 = arith.subi %add3A_1426, %sub3A_1427 : i32
      %le3A_1429 = arith.cmpi sle, %get3A_1424, %sub3A_1428 : i32
      %convert_element_type3A_1430 = arith.extui %le3A_1429 : i1 to i32
      %add3A_1431 = arith.addi %add3A_1417, %convert_element_type3A_1430 : i32
      %get3A_1432 = arith.constant 8 : index
      %get3A_1433 = memref.load %arg1[%get3A_1432] : memref<17xi32, #tpu.memory_space<smem>>
      %le3A_1434 = arith.cmpi sle, %get3A_1433, %add3A_1331 : i32
      %convert_element_type3A_1435 = arith.extui %le3A_1434 : i1 to i32
      %add3A_1436 = arith.addi %add3A_1422, %convert_element_type3A_1435 : i32
      %get3A_1437 = arith.constant 8 : index
      %get3A_1438 = memref.load %arg1[%get3A_1437] : memref<17xi32, #tpu.memory_space<smem>>
      %add3A_1439 = arith.constant 128 : i32
      %add3A_1440 = arith.addi %add3A_1331, %add3A_1439 : i32
      %sub3A_1441 = arith.constant 1 : i32
      %sub3A_1442 = arith.subi %add3A_1440, %sub3A_1441 : i32
      %le3A_1443 = arith.cmpi sle, %get3A_1438, %sub3A_1442 : i32
      %convert_element_type3A_1444 = arith.extui %le3A_1443 : i1 to i32
      %add3A_1445 = arith.addi %add3A_1431, %convert_element_type3A_1444 : i32
      %get3A_1446 = arith.constant 9 : index
      %get3A_1447 = memref.load %arg1[%get3A_1446] : memref<17xi32, #tpu.memory_space<smem>>
      %le3A_1448 = arith.cmpi sle, %get3A_1447, %add3A_1331 : i32
      %convert_element_type3A_1449 = arith.extui %le3A_1448 : i1 to i32
      %add3A_1450 = arith.addi %add3A_1436, %convert_element_type3A_1449 : i32
      %get3A_1451 = arith.constant 9 : index
      %get3A_1452 = memref.load %arg1[%get3A_1451] : memref<17xi32, #tpu.memory_space<smem>>
      %add3A_1453 = arith.constant 128 : i32
      %add3A_1454 = arith.addi %add3A_1331, %add3A_1453 : i32
      %sub3A_1455 = arith.constant 1 : i32
      %sub3A_1456 = arith.subi %add3A_1454, %sub3A_1455 : i32
      %le3A_1457 = arith.cmpi sle, %get3A_1452, %sub3A_1456 : i32
      %convert_element_type3A_1458 = arith.extui %le3A_1457 : i1 to i32
      %add3A_1459 = arith.addi %add3A_1445, %convert_element_type3A_1458 : i32
      %get3A_1460 = arith.constant 10 : index
      %get3A_1461 = memref.load %arg1[%get3A_1460] : memref<17xi32, #tpu.memory_space<smem>>
      %le3A_1462 = arith.cmpi sle, %get3A_1461, %add3A_1331 : i32
      %convert_element_type3A_1463 = arith.extui %le3A_1462 : i1 to i32
      %add3A_1464 = arith.addi %add3A_1450, %convert_element_type3A_1463 : i32
      %get3A_1465 = arith.constant 10 : index
      %get3A_1466 = memref.load %arg1[%get3A_1465] : memref<17xi32, #tpu.memory_space<smem>>
      %add3A_1467 = arith.constant 128 : i32
      %add3A_1468 = arith.addi %add3A_1331, %add3A_1467 : i32
      %sub3A_1469 = arith.constant 1 : i32
      %sub3A_1470 = arith.subi %add3A_1468, %sub3A_1469 : i32
      %le3A_1471 = arith.cmpi sle, %get3A_1466, %sub3A_1470 : i32
      %convert_element_type3A_1472 = arith.extui %le3A_1471 : i1 to i32
      %add3A_1473 = arith.addi %add3A_1459, %convert_element_type3A_1472 : i32
      %get3A_1474 = arith.constant 11 : index
      %get3A_1475 = memref.load %arg1[%get3A_1474] : memref<17xi32, #tpu.memory_space<smem>>
      %le3A_1476 = arith.cmpi sle, %get3A_1475, %add3A_1331 : i32
      %convert_element_type3A_1477 = arith.extui %le3A_1476 : i1 to i32
      %add3A_1478 = arith.addi %add3A_1464, %convert_element_type3A_1477 : i32
      %get3A_1479 = arith.constant 11 : index
      %get3A_1480 = memref.load %arg1[%get3A_1479] : memref<17xi32, #tpu.memory_space<smem>>
      %add3A_1481 = arith.constant 128 : i32
      %add3A_1482 = arith.addi %add3A_1331, %add3A_1481 : i32
      %sub3A_1483 = arith.constant 1 : i32
      %sub3A_1484 = arith.subi %add3A_1482, %sub3A_1483 : i32
      %le3A_1485 = arith.cmpi sle, %get3A_1480, %sub3A_1484 : i32
      %convert_element_type3A_1486 = arith.extui %le3A_1485 : i1 to i32
      %add3A_1487 = arith.addi %add3A_1473, %convert_element_type3A_1486 : i32
      %get3A_1488 = arith.constant 12 : index
      %get3A_1489 = memref.load %arg1[%get3A_1488] : memref<17xi32, #tpu.memory_space<smem>>
      %le3A_1490 = arith.cmpi sle, %get3A_1489, %add3A_1331 : i32
      %convert_element_type3A_1491 = arith.extui %le3A_1490 : i1 to i32
      %add3A_1492 = arith.addi %add3A_1478, %convert_element_type3A_1491 : i32
      %get3A_1493 = arith.constant 12 : index
      %get3A_1494 = memref.load %arg1[%get3A_1493] : memref<17xi32, #tpu.memory_space<smem>>
      %add3A_1495 = arith.constant 128 : i32
      %add3A_1496 = arith.addi %add3A_1331, %add3A_1495 : i32
      %sub3A_1497 = arith.constant 1 : i32
      %sub3A_1498 = arith.subi %add3A_1496, %sub3A_1497 : i32
      %le3A_1499 = arith.cmpi sle, %get3A_1494, %sub3A_1498 : i32
      %convert_element_type3A_1500 = arith.extui %le3A_1499 : i1 to i32
      %add3A_1501 = arith.addi %add3A_1487, %convert_element_type3A_1500 : i32
      %get3A_1502 = arith.constant 13 : index
      %get3A_1503 = memref.load %arg1[%get3A_1502] : memref<17xi32, #tpu.memory_space<smem>>
      %le3A_1504 = arith.cmpi sle, %get3A_1503, %add3A_1331 : i32
      %convert_element_type3A_1505 = arith.extui %le3A_1504 : i1 to i32
      %add3A_1506 = arith.addi %add3A_1492, %convert_element_type3A_1505 : i32
      %get3A_1507 = arith.constant 13 : index
      %get3A_1508 = memref.load %arg1[%get3A_1507] : memref<17xi32, #tpu.memory_space<smem>>
      %add3A_1509 = arith.constant 128 : i32
      %add3A_1510 = arith.addi %add3A_1331, %add3A_1509 : i32
      %sub3A_1511 = arith.constant 1 : i32
      %sub3A_1512 = arith.subi %add3A_1510, %sub3A_1511 : i32
      %le3A_1513 = arith.cmpi sle, %get3A_1508, %sub3A_1512 : i32
      %convert_element_type3A_1514 = arith.extui %le3A_1513 : i1 to i32
      %add3A_1515 = arith.addi %add3A_1501, %convert_element_type3A_1514 : i32
      %get3A_1516 = arith.constant 14 : index
      %get3A_1517 = memref.load %arg1[%get3A_1516] : memref<17xi32, #tpu.memory_space<smem>>
      %le3A_1518 = arith.cmpi sle, %get3A_1517, %add3A_1331 : i32
      %convert_element_type3A_1519 = arith.extui %le3A_1518 : i1 to i32
      %add3A_1520 = arith.addi %add3A_1506, %convert_element_type3A_1519 : i32
      %get3A_1521 = arith.constant 14 : index
      %get3A_1522 = memref.load %arg1[%get3A_1521] : memref<17xi32, #tpu.memory_space<smem>>
      %add3A_1523 = arith.constant 128 : i32
      %add3A_1524 = arith.addi %add3A_1331, %add3A_1523 : i32
      %sub3A_1525 = arith.constant 1 : i32
      %sub3A_1526 = arith.subi %add3A_1524, %sub3A_1525 : i32
      %le3A_1527 = arith.cmpi sle, %get3A_1522, %sub3A_1526 : i32
      %convert_element_type3A_1528 = arith.extui %le3A_1527 : i1 to i32
      %add3A_1529 = arith.addi %add3A_1515, %convert_element_type3A_1528 : i32
      %get3A_1530 = arith.constant 15 : index
      %get3A_1531 = memref.load %arg1[%get3A_1530] : memref<17xi32, #tpu.memory_space<smem>>
      %le3A_1532 = arith.cmpi sle, %get3A_1531, %add3A_1331 : i32
      %convert_element_type3A_1533 = arith.extui %le3A_1532 : i1 to i32
      %add3A_1534 = arith.addi %add3A_1520, %convert_element_type3A_1533 : i32
      %get3A_1535 = arith.constant 15 : index
      %get3A_1536 = memref.load %arg1[%get3A_1535] : memref<17xi32, #tpu.memory_space<smem>>
      %add3A_1537 = arith.constant 128 : i32
      %add3A_1538 = arith.addi %add3A_1331, %add3A_1537 : i32
      %sub3A_1539 = arith.constant 1 : i32
      %sub3A_1540 = arith.subi %add3A_1538, %sub3A_1539 : i32
      %le3A_1541 = arith.cmpi sle, %get3A_1536, %sub3A_1540 : i32
      %convert_element_type3A_1542 = arith.extui %le3A_1541 : i1 to i32
      %add3A_1543 = arith.addi %add3A_1529, %convert_element_type3A_1542 : i32
      %eq3A_1544 = arith.cmpi eq, %add3A_1534, %add3A_1543 : i32
      %convert_element_type3A_1545 = arith.extui %eq3A_1544 : i1 to i32
      %cond3A_1546 = arith.constant 0 : i32
      %cond3A_1547 = arith.cmpi ne, %convert_element_type3A_1545, %cond3A_1546 : i32
      scf.if %cond3A_1547 {
        %get3A_1996 = arith.constant 640 : index
        %get3A_1997 = arith.constant 0 : index
        %get3A_1998 = vector.load %arg2[%get3A_1996, %get3A_1997] : memref<1024x2048xf32, #tpu.memory_space<vmem>>, vector<128x2048xf32>
        %reduce_sum3A = arith.constant dense<0.000000e+00> : vector<2048xf32>
        %reduce_sum3A_1999 = vector.multi_reduction <add>, %get3A_1998, %reduce_sum3A [0] : vector<128x2048xf32> to vector<2048xf32>
        %broadcast_in_dim3A = vector.shape_cast %reduce_sum3A_1999 : vector<2048xf32> to vector<1x2048xf32>
        %get3A_2000 = arith.index_cast %add3A_1534 : i32 to index
        %get3A_2001 = arith.constant 0 : index
        %get3A_2002 = vector.load %arg3[%get3A_2000, %get3A_2001] : memref<16x2048xf32, #tpu.memory_space<vmem>>, vector<1x2048xf32>
        %add3A_2003 = arith.addf %get3A_2002, %broadcast_in_dim3A : vector<1x2048xf32>
        %swap3A = arith.index_cast %add3A_1534 : i32 to index
        %swap3A_2004 = arith.constant 0 : index
        %swap3A_2005 = vector.load %arg3[%swap3A, %swap3A_2004] : memref<16x2048xf32, #tpu.memory_space<vmem>>, vector<1x2048xf32>
        tpu.vector_store %arg3[%swap3A, %swap3A_2004], %add3A_2003 {strides = array<i32>} : memref<16x2048xf32, #tpu.memory_space<vmem>>, vector<1x2048xf32>,
      } else {
      }
      %ne3A_1548 = arith.cmpi ne, %add3A_1534, %add3A_1543 : i32
      %convert_element_type3A_1549 = arith.extui %ne3A_1548 : i1 to i32
      %cond3A_1550 = arith.constant 0 : i32
      %cond3A_1551 = arith.cmpi ne, %convert_element_type3A_1549, %cond3A_1550 : i32
      scf.if %cond3A_1551 {
        %iota3A = tpu.iota {dimensions = array<i32: 0>} : vector<128x1xi32>
        %add3A_1996 = vector.broadcast %add3A_1331 : i32 to vector<128x1xi32>
        %add3A_1997 = arith.addi %iota3A, %add3A_1996 : vector<128x1xi32>
        %get3A_1998 = arith.constant 640 : index
        %get3A_1999 = arith.constant 0 : index
        %get3A_2000 = vector.load %arg2[%get3A_1998, %get3A_1999] : memref<1024x2048xf32, #tpu.memory_space<vmem>>, vector<128x2048xf32>
        %add3A_2001 = arith.constant 1 : i32
        %add3A_2002 = arith.addi %add3A_1543, %add3A_2001 : i32
        %while3A = arith.constant 0 : i32
        %while3A_2003 = arith.subi %add3A_2002, %add3A_1534 : i32
        %while3A_2004 = arith.addi %add3A_1534, %while3A_2003 : i32
        %while3A_2005 = arith.constant 1 : i32
        %while3A_2006 = arith.divsi %while3A_2003, %while3A_2005 : i32
        %while3A_2007 = arith.muli %while3A_2006, %while3A_2005 : i32
        %while3A_2008 = arith.addi %add3A_1534, %while3A_2007 : i32
        %while3A_2009 = arith.constant 1 : i32
        %while3A_2010 = scf.for %while3A_2013 = %add3A_1534 to %while3A_2008 step %while3A_2009 iter_args(%while3A_2014 = %while3A) -> (i32)  : i32 {
          %get3A_2015 = arith.index_cast %while3A_2013 : i32 to index
          %get3A_2016 = memref.load %arg1[%get3A_2015] : memref<17xi32, #tpu.memory_space<smem>>
          %ge3A = vector.broadcast %get3A_2016 : i32 to vector<128x1xi32>
          %ge3A_2017 = arith.cmpi sge, %add3A_1997, %ge3A : vector<128x1xi32>
          %add3A_2018 = arith.constant 1 : i32
          %add3A_2019 = arith.addi %while3A_2013, %add3A_2018 : i32
          %get3A_2020 = arith.index_cast %add3A_2019 : i32 to index
          %get3A_2021 = memref.load %arg1[%get3A_2020] : memref<17xi32, #tpu.memory_space<smem>>
          %lt3A = vector.broadcast %get3A_2021 : i32 to vector<128x1xi32>
          %lt3A_2022 = arith.cmpi slt, %add3A_1997, %lt3A : vector<128x1xi32>
          %and3A = arith.andi %ge3A_2017, %lt3A_2022 : vector<128x1xi1>
          %convert_element_type3A_2023 = arith.extui %and3A : vector<128x1xi1> to vector<128x1xi32>
          %convert_element_type3A_2024 = arith.sitofp %convert_element_type3A_2023 : vector<128x1xi32> to vector<128x1xf32>
          %get3A_2025 = arith.index_cast %while3A_2013 : i32 to index
          %get3A_2026 = arith.constant 0 : index
          %get3A_2027 = vector.load %arg3[%get3A_2025, %get3A_2026] : memref<16x2048xf32, #tpu.memory_space<vmem>>, vector<1x2048xf32>
          %mul3A_2028 = vector.broadcast %convert_element_type3A_2024 : vector<128x1xf32> to vector<128x2048xf32>
          %mul3A_2029 = arith.mulf %get3A_2000, %mul3A_2028 : vector<128x2048xf32>
          %reduce_sum3A = arith.constant dense<0.000000e+00> : vector<2048xf32>
          %reduce_sum3A_2030 = vector.multi_reduction <add>, %mul3A_2029, %reduce_sum3A [0] : vector<128x2048xf32> to vector<2048xf32>
          %broadcast_in_dim3A = vector.shape_cast %reduce_sum3A_2030 : vector<2048xf32> to vector<1x2048xf32>
          %add3A_2031 = arith.addf %get3A_2027, %broadcast_in_dim3A : vector<1x2048xf32>
          %swap3A = arith.index_cast %while3A_2013 : i32 to index
          %swap3A_2032 = arith.constant 0 : index
          %swap3A_2033 = vector.load %arg3[%swap3A, %swap3A_2032] : memref<16x2048xf32, #tpu.memory_space<vmem>>, vector<1x2048xf32>
          tpu.vector_store %arg3[%swap3A, %swap3A_2032], %add3A_2031 {strides = array<i32>} : memref<16x2048xf32, #tpu.memory_space<vmem>>, vector<1x2048xf32>,
          %while3A_2034 = arith.constant 0 : i32
          scf.yield %while3A_2034 : i32
        }
        %while3A_2011 = arith.constant 1 : i32
        %while3A_2012 = scf.for %while3A_2013 = %while3A_2008 to %while3A_2004 step %while3A_2011 iter_args(%while3A_2014 = %while3A_2010) -> (i32)  : i32 {
          %get3A_2015 = arith.index_cast %while3A_2013 : i32 to index
          %get3A_2016 = memref.load %arg1[%get3A_2015] : memref<17xi32, #tpu.memory_space<smem>>
          %ge3A = vector.broadcast %get3A_2016 : i32 to vector<128x1xi32>
          %ge3A_2017 = arith.cmpi sge, %add3A_1997, %ge3A : vector<128x1xi32>
          %add3A_2018 = arith.constant 1 : i32
          %add3A_2019 = arith.addi %while3A_2013, %add3A_2018 : i32
          %get3A_2020 = arith.index_cast %add3A_2019 : i32 to index
          %get3A_2021 = memref.load %arg1[%get3A_2020] : memref<17xi32, #tpu.memory_space<smem>>
          %lt3A = vector.broadcast %get3A_2021 : i32 to vector<128x1xi32>
          %lt3A_2022 = arith.cmpi slt, %add3A_1997, %lt3A : vector<128x1xi32>
          %and3A = arith.andi %ge3A_2017, %lt3A_2022 : vector<128x1xi1>
          %convert_element_type3A_2023 = arith.extui %and3A : vector<128x1xi1> to vector<128x1xi32>
          %convert_element_type3A_2024 = arith.sitofp %convert_element_type3A_2023 : vector<128x1xi32> to vector<128x1xf32>
          %get3A_2025 = arith.index_cast %while3A_2013 : i32 to index
          %get3A_2026 = arith.constant 0 : index
          %get3A_2027 = vector.load %arg3[%get3A_2025, %get3A_2026] : memref<16x2048xf32, #tpu.memory_space<vmem>>, vector<1x2048xf32>
          %mul3A_2028 = vector.broadcast %convert_element_type3A_2024 : vector<128x1xf32> to vector<128x2048xf32>
          %mul3A_2029 = arith.mulf %get3A_2000, %mul3A_2028 : vector<128x2048xf32>
          %reduce_sum3A = arith.constant dense<0.000000e+00> : vector<2048xf32>
          %reduce_sum3A_2030 = vector.multi_reduction <add>, %mul3A_2029, %reduce_sum3A [0] : vector<128x2048xf32> to vector<2048xf32>
          %broadcast_in_dim3A = vector.shape_cast %reduce_sum3A_2030 : vector<2048xf32> to vector<1x2048xf32>
          %add3A_2031 = arith.addf %get3A_2027, %broadcast_in_dim3A : vector<1x2048xf32>
          %swap3A = arith.index_cast %while3A_2013 : i32 to index
          %swap3A_2032 = arith.constant 0 : index
          %swap3A_2033 = vector.load %arg3[%swap3A, %swap3A_2032] : memref<16x2048xf32, #tpu.memory_space<vmem>>, vector<1x2048xf32>
          tpu.vector_store %arg3[%swap3A, %swap3A_2032], %add3A_2031 {strides = array<i32>} : memref<16x2048xf32, #tpu.memory_space<vmem>>, vector<1x2048xf32>,
          %while3A_2034 = arith.constant 0 : i32
          scf.yield %while3A_2034 : i32
        }
      } else {
      }
      %add3A_1552 = arith.constant 768 : i32
      %add3A_1553 = arith.addi %add3A_3, %add3A_1552 : i32
      %get3A_1554 = arith.constant 1 : index
      %get3A_1555 = memref.load %arg1[%get3A_1554] : memref<17xi32, #tpu.memory_space<smem>>
      %le3A_1556 = arith.cmpi sle, %get3A_1555, %add3A_1553 : i32
      %convert_element_type3A_1557 = arith.extui %le3A_1556 : i1 to i32
      %add3A_1558 = arith.constant 0 : i32
      %add3A_1559 = arith.addi %add3A_1558, %convert_element_type3A_1557 : i32
      %get3A_1560 = arith.constant 1 : index
      %get3A_1561 = memref.load %arg1[%get3A_1560] : memref<17xi32, #tpu.memory_space<smem>>
      %add3A_1562 = arith.constant 128 : i32
      %add3A_1563 = arith.addi %add3A_1553, %add3A_1562 : i32
      %sub3A_1564 = arith.constant 1 : i32
      %sub3A_1565 = arith.subi %add3A_1563, %sub3A_1564 : i32
      %le3A_1566 = arith.cmpi sle, %get3A_1561, %sub3A_1565 : i32
      %convert_element_type3A_1567 = arith.extui %le3A_1566 : i1 to i32
      %add3A_1568 = arith.constant 0 : i32
      %add3A_1569 = arith.addi %add3A_1568, %convert_element_type3A_1567 : i32
      %get3A_1570 = arith.constant 2 : index
      %get3A_1571 = memref.load %arg1[%get3A_1570] : memref<17xi32, #tpu.memory_space<smem>>
      %le3A_1572 = arith.cmpi sle, %get3A_1571, %add3A_1553 : i32
      %convert_element_type3A_1573 = arith.extui %le3A_1572 : i1 to i32
      %add3A_1574 = arith.addi %add3A_1559, %convert_element_type3A_1573 : i32
      %get3A_1575 = arith.constant 2 : index
      %get3A_1576 = memref.load %arg1[%get3A_1575] : memref<17xi32, #tpu.memory_space<smem>>
      %add3A_1577 = arith.constant 128 : i32
      %add3A_1578 = arith.addi %add3A_1553, %add3A_1577 : i32
      %sub3A_1579 = arith.constant 1 : i32
      %sub3A_1580 = arith.subi %add3A_1578, %sub3A_1579 : i32
      %le3A_1581 = arith.cmpi sle, %get3A_1576, %sub3A_1580 : i32
      %convert_element_type3A_1582 = arith.extui %le3A_1581 : i1 to i32
      %add3A_1583 = arith.addi %add3A_1569, %convert_element_type3A_1582 : i32
      %get3A_1584 = arith.constant 3 : index
      %get3A_1585 = memref.load %arg1[%get3A_1584] : memref<17xi32, #tpu.memory_space<smem>>
      %le3A_1586 = arith.cmpi sle, %get3A_1585, %add3A_1553 : i32
      %convert_element_type3A_1587 = arith.extui %le3A_1586 : i1 to i32
      %add3A_1588 = arith.addi %add3A_1574, %convert_element_type3A_1587 : i32
      %get3A_1589 = arith.constant 3 : index
      %get3A_1590 = memref.load %arg1[%get3A_1589] : memref<17xi32, #tpu.memory_space<smem>>
      %add3A_1591 = arith.constant 128 : i32
      %add3A_1592 = arith.addi %add3A_1553, %add3A_1591 : i32
      %sub3A_1593 = arith.constant 1 : i32
      %sub3A_1594 = arith.subi %add3A_1592, %sub3A_1593 : i32
      %le3A_1595 = arith.cmpi sle, %get3A_1590, %sub3A_1594 : i32
      %convert_element_type3A_1596 = arith.extui %le3A_1595 : i1 to i32
      %add3A_1597 = arith.addi %add3A_1583, %convert_element_type3A_1596 : i32
      %get3A_1598 = arith.constant 4 : index
      %get3A_1599 = memref.load %arg1[%get3A_1598] : memref<17xi32, #tpu.memory_space<smem>>
      %le3A_1600 = arith.cmpi sle, %get3A_1599, %add3A_1553 : i32
      %convert_element_type3A_1601 = arith.extui %le3A_1600 : i1 to i32
      %add3A_1602 = arith.addi %add3A_1588, %convert_element_type3A_1601 : i32
      %get3A_1603 = arith.constant 4 : index
      %get3A_1604 = memref.load %arg1[%get3A_1603] : memref<17xi32, #tpu.memory_space<smem>>
      %add3A_1605 = arith.constant 128 : i32
      %add3A_1606 = arith.addi %add3A_1553, %add3A_1605 : i32
      %sub3A_1607 = arith.constant 1 : i32
      %sub3A_1608 = arith.subi %add3A_1606, %sub3A_1607 : i32
      %le3A_1609 = arith.cmpi sle, %get3A_1604, %sub3A_1608 : i32
      %convert_element_type3A_1610 = arith.extui %le3A_1609 : i1 to i32
      %add3A_1611 = arith.addi %add3A_1597, %convert_element_type3A_1610 : i32
      %get3A_1612 = arith.constant 5 : index
      %get3A_1613 = memref.load %arg1[%get3A_1612] : memref<17xi32, #tpu.memory_space<smem>>
      %le3A_1614 = arith.cmpi sle, %get3A_1613, %add3A_1553 : i32
      %convert_element_type3A_1615 = arith.extui %le3A_1614 : i1 to i32
      %add3A_1616 = arith.addi %add3A_1602, %convert_element_type3A_1615 : i32
      %get3A_1617 = arith.constant 5 : index
      %get3A_1618 = memref.load %arg1[%get3A_1617] : memref<17xi32, #tpu.memory_space<smem>>
      %add3A_1619 = arith.constant 128 : i32
      %add3A_1620 = arith.addi %add3A_1553, %add3A_1619 : i32
      %sub3A_1621 = arith.constant 1 : i32
      %sub3A_1622 = arith.subi %add3A_1620, %sub3A_1621 : i32
      %le3A_1623 = arith.cmpi sle, %get3A_1618, %sub3A_1622 : i32
      %convert_element_type3A_1624 = arith.extui %le3A_1623 : i1 to i32
      %add3A_1625 = arith.addi %add3A_1611, %convert_element_type3A_1624 : i32
      %get3A_1626 = arith.constant 6 : index
      %get3A_1627 = memref.load %arg1[%get3A_1626] : memref<17xi32, #tpu.memory_space<smem>>
      %le3A_1628 = arith.cmpi sle, %get3A_1627, %add3A_1553 : i32
      %convert_element_type3A_1629 = arith.extui %le3A_1628 : i1 to i32
      %add3A_1630 = arith.addi %add3A_1616, %convert_element_type3A_1629 : i32
      %get3A_1631 = arith.constant 6 : index
      %get3A_1632 = memref.load %arg1[%get3A_1631] : memref<17xi32, #tpu.memory_space<smem>>
      %add3A_1633 = arith.constant 128 : i32
      %add3A_1634 = arith.addi %add3A_1553, %add3A_1633 : i32
      %sub3A_1635 = arith.constant 1 : i32
      %sub3A_1636 = arith.subi %add3A_1634, %sub3A_1635 : i32
      %le3A_1637 = arith.cmpi sle, %get3A_1632, %sub3A_1636 : i32
      %convert_element_type3A_1638 = arith.extui %le3A_1637 : i1 to i32
      %add3A_1639 = arith.addi %add3A_1625, %convert_element_type3A_1638 : i32
      %get3A_1640 = arith.constant 7 : index
      %get3A_1641 = memref.load %arg1[%get3A_1640] : memref<17xi32, #tpu.memory_space<smem>>
      %le3A_1642 = arith.cmpi sle, %get3A_1641, %add3A_1553 : i32
      %convert_element_type3A_1643 = arith.extui %le3A_1642 : i1 to i32
      %add3A_1644 = arith.addi %add3A_1630, %convert_element_type3A_1643 : i32
      %get3A_1645 = arith.constant 7 : index
      %get3A_1646 = memref.load %arg1[%get3A_1645] : memref<17xi32, #tpu.memory_space<smem>>
      %add3A_1647 = arith.constant 128 : i32
      %add3A_1648 = arith.addi %add3A_1553, %add3A_1647 : i32
      %sub3A_1649 = arith.constant 1 : i32
      %sub3A_1650 = arith.subi %add3A_1648, %sub3A_1649 : i32
      %le3A_1651 = arith.cmpi sle, %get3A_1646, %sub3A_1650 : i32
      %convert_element_type3A_1652 = arith.extui %le3A_1651 : i1 to i32
      %add3A_1653 = arith.addi %add3A_1639, %convert_element_type3A_1652 : i32
      %get3A_1654 = arith.constant 8 : index
      %get3A_1655 = memref.load %arg1[%get3A_1654] : memref<17xi32, #tpu.memory_space<smem>>
      %le3A_1656 = arith.cmpi sle, %get3A_1655, %add3A_1553 : i32
      %convert_element_type3A_1657 = arith.extui %le3A_1656 : i1 to i32
      %add3A_1658 = arith.addi %add3A_1644, %convert_element_type3A_1657 : i32
      %get3A_1659 = arith.constant 8 : index
      %get3A_1660 = memref.load %arg1[%get3A_1659] : memref<17xi32, #tpu.memory_space<smem>>
      %add3A_1661 = arith.constant 128 : i32
      %add3A_1662 = arith.addi %add3A_1553, %add3A_1661 : i32
      %sub3A_1663 = arith.constant 1 : i32
      %sub3A_1664 = arith.subi %add3A_1662, %sub3A_1663 : i32
      %le3A_1665 = arith.cmpi sle, %get3A_1660, %sub3A_1664 : i32
      %convert_element_type3A_1666 = arith.extui %le3A_1665 : i1 to i32
      %add3A_1667 = arith.addi %add3A_1653, %convert_element_type3A_1666 : i32
      %get3A_1668 = arith.constant 9 : index
      %get3A_1669 = memref.load %arg1[%get3A_1668] : memref<17xi32, #tpu.memory_space<smem>>
      %le3A_1670 = arith.cmpi sle, %get3A_1669, %add3A_1553 : i32
      %convert_element_type3A_1671 = arith.extui %le3A_1670 : i1 to i32
      %add3A_1672 = arith.addi %add3A_1658, %convert_element_type3A_1671 : i32
      %get3A_1673 = arith.constant 9 : index
      %get3A_1674 = memref.load %arg1[%get3A_1673] : memref<17xi32, #tpu.memory_space<smem>>
      %add3A_1675 = arith.constant 128 : i32
      %add3A_1676 = arith.addi %add3A_1553, %add3A_1675 : i32
      %sub3A_1677 = arith.constant 1 : i32
      %sub3A_1678 = arith.subi %add3A_1676, %sub3A_1677 : i32
      %le3A_1679 = arith.cmpi sle, %get3A_1674, %sub3A_1678 : i32
      %convert_element_type3A_1680 = arith.extui %le3A_1679 : i1 to i32
      %add3A_1681 = arith.addi %add3A_1667, %convert_element_type3A_1680 : i32
      %get3A_1682 = arith.constant 10 : index
      %get3A_1683 = memref.load %arg1[%get3A_1682] : memref<17xi32, #tpu.memory_space<smem>>
      %le3A_1684 = arith.cmpi sle, %get3A_1683, %add3A_1553 : i32
      %convert_element_type3A_1685 = arith.extui %le3A_1684 : i1 to i32
      %add3A_1686 = arith.addi %add3A_1672, %convert_element_type3A_1685 : i32
      %get3A_1687 = arith.constant 10 : index
      %get3A_1688 = memref.load %arg1[%get3A_1687] : memref<17xi32, #tpu.memory_space<smem>>
      %add3A_1689 = arith.constant 128 : i32
      %add3A_1690 = arith.addi %add3A_1553, %add3A_1689 : i32
      %sub3A_1691 = arith.constant 1 : i32
      %sub3A_1692 = arith.subi %add3A_1690, %sub3A_1691 : i32
      %le3A_1693 = arith.cmpi sle, %get3A_1688, %sub3A_1692 : i32
      %convert_element_type3A_1694 = arith.extui %le3A_1693 : i1 to i32
      %add3A_1695 = arith.addi %add3A_1681, %convert_element_type3A_1694 : i32
      %get3A_1696 = arith.constant 11 : index
      %get3A_1697 = memref.load %arg1[%get3A_1696] : memref<17xi32, #tpu.memory_space<smem>>
      %le3A_1698 = arith.cmpi sle, %get3A_1697, %add3A_1553 : i32
      %convert_element_type3A_1699 = arith.extui %le3A_1698 : i1 to i32
      %add3A_1700 = arith.addi %add3A_1686, %convert_element_type3A_1699 : i32
      %get3A_1701 = arith.constant 11 : index
      %get3A_1702 = memref.load %arg1[%get3A_1701] : memref<17xi32, #tpu.memory_space<smem>>
      %add3A_1703 = arith.constant 128 : i32
      %add3A_1704 = arith.addi %add3A_1553, %add3A_1703 : i32
      %sub3A_1705 = arith.constant 1 : i32
      %sub3A_1706 = arith.subi %add3A_1704, %sub3A_1705 : i32
      %le3A_1707 = arith.cmpi sle, %get3A_1702, %sub3A_1706 : i32
      %convert_element_type3A_1708 = arith.extui %le3A_1707 : i1 to i32
      %add3A_1709 = arith.addi %add3A_1695, %convert_element_type3A_1708 : i32
      %get3A_1710 = arith.constant 12 : index
      %get3A_1711 = memref.load %arg1[%get3A_1710] : memref<17xi32, #tpu.memory_space<smem>>
      %le3A_1712 = arith.cmpi sle, %get3A_1711, %add3A_1553 : i32
      %convert_element_type3A_1713 = arith.extui %le3A_1712 : i1 to i32
      %add3A_1714 = arith.addi %add3A_1700, %convert_element_type3A_1713 : i32
      %get3A_1715 = arith.constant 12 : index
      %get3A_1716 = memref.load %arg1[%get3A_1715] : memref<17xi32, #tpu.memory_space<smem>>
      %add3A_1717 = arith.constant 128 : i32
      %add3A_1718 = arith.addi %add3A_1553, %add3A_1717 : i32
      %sub3A_1719 = arith.constant 1 : i32
      %sub3A_1720 = arith.subi %add3A_1718, %sub3A_1719 : i32
      %le3A_1721 = arith.cmpi sle, %get3A_1716, %sub3A_1720 : i32
      %convert_element_type3A_1722 = arith.extui %le3A_1721 : i1 to i32
      %add3A_1723 = arith.addi %add3A_1709, %convert_element_type3A_1722 : i32
      %get3A_1724 = arith.constant 13 : index
      %get3A_1725 = memref.load %arg1[%get3A_1724] : memref<17xi32, #tpu.memory_space<smem>>
      %le3A_1726 = arith.cmpi sle, %get3A_1725, %add3A_1553 : i32
      %convert_element_type3A_1727 = arith.extui %le3A_1726 : i1 to i32
      %add3A_1728 = arith.addi %add3A_1714, %convert_element_type3A_1727 : i32
      %get3A_1729 = arith.constant 13 : index
      %get3A_1730 = memref.load %arg1[%get3A_1729] : memref<17xi32, #tpu.memory_space<smem>>
      %add3A_1731 = arith.constant 128 : i32
      %add3A_1732 = arith.addi %add3A_1553, %add3A_1731 : i32
      %sub3A_1733 = arith.constant 1 : i32
      %sub3A_1734 = arith.subi %add3A_1732, %sub3A_1733 : i32
      %le3A_1735 = arith.cmpi sle, %get3A_1730, %sub3A_1734 : i32
      %convert_element_type3A_1736 = arith.extui %le3A_1735 : i1 to i32
      %add3A_1737 = arith.addi %add3A_1723, %convert_element_type3A_1736 : i32
      %get3A_1738 = arith.constant 14 : index
      %get3A_1739 = memref.load %arg1[%get3A_1738] : memref<17xi32, #tpu.memory_space<smem>>
      %le3A_1740 = arith.cmpi sle, %get3A_1739, %add3A_1553 : i32
      %convert_element_type3A_1741 = arith.extui %le3A_1740 : i1 to i32
      %add3A_1742 = arith.addi %add3A_1728, %convert_element_type3A_1741 : i32
      %get3A_1743 = arith.constant 14 : index
      %get3A_1744 = memref.load %arg1[%get3A_1743] : memref<17xi32, #tpu.memory_space<smem>>
      %add3A_1745 = arith.constant 128 : i32
      %add3A_1746 = arith.addi %add3A_1553, %add3A_1745 : i32
      %sub3A_1747 = arith.constant 1 : i32
      %sub3A_1748 = arith.subi %add3A_1746, %sub3A_1747 : i32
      %le3A_1749 = arith.cmpi sle, %get3A_1744, %sub3A_1748 : i32
      %convert_element_type3A_1750 = arith.extui %le3A_1749 : i1 to i32
      %add3A_1751 = arith.addi %add3A_1737, %convert_element_type3A_1750 : i32
      %get3A_1752 = arith.constant 15 : index
      %get3A_1753 = memref.load %arg1[%get3A_1752] : memref<17xi32, #tpu.memory_space<smem>>
      %le3A_1754 = arith.cmpi sle, %get3A_1753, %add3A_1553 : i32
      %convert_element_type3A_1755 = arith.extui %le3A_1754 : i1 to i32
      %add3A_1756 = arith.addi %add3A_1742, %convert_element_type3A_1755 : i32
      %get3A_1757 = arith.constant 15 : index
      %get3A_1758 = memref.load %arg1[%get3A_1757] : memref<17xi32, #tpu.memory_space<smem>>
      %add3A_1759 = arith.constant 128 : i32
      %add3A_1760 = arith.addi %add3A_1553, %add3A_1759 : i32
      %sub3A_1761 = arith.constant 1 : i32
      %sub3A_1762 = arith.subi %add3A_1760, %sub3A_1761 : i32
      %le3A_1763 = arith.cmpi sle, %get3A_1758, %sub3A_1762 : i32
      %convert_element_type3A_1764 = arith.extui %le3A_1763 : i1 to i32
      %add3A_1765 = arith.addi %add3A_1751, %convert_element_type3A_1764 : i32
      %eq3A_1766 = arith.cmpi eq, %add3A_1756, %add3A_1765 : i32
      %convert_element_type3A_1767 = arith.extui %eq3A_1766 : i1 to i32
      %cond3A_1768 = arith.constant 0 : i32
      %cond3A_1769 = arith.cmpi ne, %convert_element_type3A_1767, %cond3A_1768 : i32
      scf.if %cond3A_1769 {
        %get3A_1996 = arith.constant 768 : index
        %get3A_1997 = arith.constant 0 : index
        %get3A_1998 = vector.load %arg2[%get3A_1996, %get3A_1997] : memref<1024x2048xf32, #tpu.memory_space<vmem>>, vector<128x2048xf32>
        %reduce_sum3A = arith.constant dense<0.000000e+00> : vector<2048xf32>
        %reduce_sum3A_1999 = vector.multi_reduction <add>, %get3A_1998, %reduce_sum3A [0] : vector<128x2048xf32> to vector<2048xf32>
        %broadcast_in_dim3A = vector.shape_cast %reduce_sum3A_1999 : vector<2048xf32> to vector<1x2048xf32>
        %get3A_2000 = arith.index_cast %add3A_1756 : i32 to index
        %get3A_2001 = arith.constant 0 : index
        %get3A_2002 = vector.load %arg3[%get3A_2000, %get3A_2001] : memref<16x2048xf32, #tpu.memory_space<vmem>>, vector<1x2048xf32>
        %add3A_2003 = arith.addf %get3A_2002, %broadcast_in_dim3A : vector<1x2048xf32>
        %swap3A = arith.index_cast %add3A_1756 : i32 to index
        %swap3A_2004 = arith.constant 0 : index
        %swap3A_2005 = vector.load %arg3[%swap3A, %swap3A_2004] : memref<16x2048xf32, #tpu.memory_space<vmem>>, vector<1x2048xf32>
        tpu.vector_store %arg3[%swap3A, %swap3A_2004], %add3A_2003 {strides = array<i32>} : memref<16x2048xf32, #tpu.memory_space<vmem>>, vector<1x2048xf32>,
      } else {
      }
      %ne3A_1770 = arith.cmpi ne, %add3A_1756, %add3A_1765 : i32
      %convert_element_type3A_1771 = arith.extui %ne3A_1770 : i1 to i32
      %cond3A_1772 = arith.constant 0 : i32
      %cond3A_1773 = arith.cmpi ne, %convert_element_type3A_1771, %cond3A_1772 : i32
      scf.if %cond3A_1773 {
        %iota3A = tpu.iota {dimensions = array<i32: 0>} : vector<128x1xi32>
        %add3A_1996 = vector.broadcast %add3A_1553 : i32 to vector<128x1xi32>
        %add3A_1997 = arith.addi %iota3A, %add3A_1996 : vector<128x1xi32>
        %get3A_1998 = arith.constant 768 : index
        %get3A_1999 = arith.constant 0 : index
        %get3A_2000 = vector.load %arg2[%get3A_1998, %get3A_1999] : memref<1024x2048xf32, #tpu.memory_space<vmem>>, vector<128x2048xf32>
        %add3A_2001 = arith.constant 1 : i32
        %add3A_2002 = arith.addi %add3A_1765, %add3A_2001 : i32
        %while3A = arith.constant 0 : i32
        %while3A_2003 = arith.subi %add3A_2002, %add3A_1756 : i32
        %while3A_2004 = arith.addi %add3A_1756, %while3A_2003 : i32
        %while3A_2005 = arith.constant 1 : i32
        %while3A_2006 = arith.divsi %while3A_2003, %while3A_2005 : i32
        %while3A_2007 = arith.muli %while3A_2006, %while3A_2005 : i32
        %while3A_2008 = arith.addi %add3A_1756, %while3A_2007 : i32
        %while3A_2009 = arith.constant 1 : i32
        %while3A_2010 = scf.for %while3A_2013 = %add3A_1756 to %while3A_2008 step %while3A_2009 iter_args(%while3A_2014 = %while3A) -> (i32)  : i32 {
          %get3A_2015 = arith.index_cast %while3A_2013 : i32 to index
          %get3A_2016 = memref.load %arg1[%get3A_2015] : memref<17xi32, #tpu.memory_space<smem>>
          %ge3A = vector.broadcast %get3A_2016 : i32 to vector<128x1xi32>
          %ge3A_2017 = arith.cmpi sge, %add3A_1997, %ge3A : vector<128x1xi32>
          %add3A_2018 = arith.constant 1 : i32
          %add3A_2019 = arith.addi %while3A_2013, %add3A_2018 : i32
          %get3A_2020 = arith.index_cast %add3A_2019 : i32 to index
          %get3A_2021 = memref.load %arg1[%get3A_2020] : memref<17xi32, #tpu.memory_space<smem>>
          %lt3A = vector.broadcast %get3A_2021 : i32 to vector<128x1xi32>
          %lt3A_2022 = arith.cmpi slt, %add3A_1997, %lt3A : vector<128x1xi32>
          %and3A = arith.andi %ge3A_2017, %lt3A_2022 : vector<128x1xi1>
          %convert_element_type3A_2023 = arith.extui %and3A : vector<128x1xi1> to vector<128x1xi32>
          %convert_element_type3A_2024 = arith.sitofp %convert_element_type3A_2023 : vector<128x1xi32> to vector<128x1xf32>
          %get3A_2025 = arith.index_cast %while3A_2013 : i32 to index
          %get3A_2026 = arith.constant 0 : index
          %get3A_2027 = vector.load %arg3[%get3A_2025, %get3A_2026] : memref<16x2048xf32, #tpu.memory_space<vmem>>, vector<1x2048xf32>
          %mul3A_2028 = vector.broadcast %convert_element_type3A_2024 : vector<128x1xf32> to vector<128x2048xf32>
          %mul3A_2029 = arith.mulf %get3A_2000, %mul3A_2028 : vector<128x2048xf32>
          %reduce_sum3A = arith.constant dense<0.000000e+00> : vector<2048xf32>
          %reduce_sum3A_2030 = vector.multi_reduction <add>, %mul3A_2029, %reduce_sum3A [0] : vector<128x2048xf32> to vector<2048xf32>
          %broadcast_in_dim3A = vector.shape_cast %reduce_sum3A_2030 : vector<2048xf32> to vector<1x2048xf32>
          %add3A_2031 = arith.addf %get3A_2027, %broadcast_in_dim3A : vector<1x2048xf32>
          %swap3A = arith.index_cast %while3A_2013 : i32 to index
          %swap3A_2032 = arith.constant 0 : index
          %swap3A_2033 = vector.load %arg3[%swap3A, %swap3A_2032] : memref<16x2048xf32, #tpu.memory_space<vmem>>, vector<1x2048xf32>
          tpu.vector_store %arg3[%swap3A, %swap3A_2032], %add3A_2031 {strides = array<i32>} : memref<16x2048xf32, #tpu.memory_space<vmem>>, vector<1x2048xf32>,
          %while3A_2034 = arith.constant 0 : i32
          scf.yield %while3A_2034 : i32
        }
        %while3A_2011 = arith.constant 1 : i32
        %while3A_2012 = scf.for %while3A_2013 = %while3A_2008 to %while3A_2004 step %while3A_2011 iter_args(%while3A_2014 = %while3A_2010) -> (i32)  : i32 {
          %get3A_2015 = arith.index_cast %while3A_2013 : i32 to index
          %get3A_2016 = memref.load %arg1[%get3A_2015] : memref<17xi32, #tpu.memory_space<smem>>
          %ge3A = vector.broadcast %get3A_2016 : i32 to vector<128x1xi32>
          %ge3A_2017 = arith.cmpi sge, %add3A_1997, %ge3A : vector<128x1xi32>
          %add3A_2018 = arith.constant 1 : i32
          %add3A_2019 = arith.addi %while3A_2013, %add3A_2018 : i32
          %get3A_2020 = arith.index_cast %add3A_2019 : i32 to index
          %get3A_2021 = memref.load %arg1[%get3A_2020] : memref<17xi32, #tpu.memory_space<smem>>
          %lt3A = vector.broadcast %get3A_2021 : i32 to vector<128x1xi32>
          %lt3A_2022 = arith.cmpi slt, %add3A_1997, %lt3A : vector<128x1xi32>
          %and3A = arith.andi %ge3A_2017, %lt3A_2022 : vector<128x1xi1>
          %convert_element_type3A_2023 = arith.extui %and3A : vector<128x1xi1> to vector<128x1xi32>
          %convert_element_type3A_2024 = arith.sitofp %convert_element_type3A_2023 : vector<128x1xi32> to vector<128x1xf32>
          %get3A_2025 = arith.index_cast %while3A_2013 : i32 to index
          %get3A_2026 = arith.constant 0 : index
          %get3A_2027 = vector.load %arg3[%get3A_2025, %get3A_2026] : memref<16x2048xf32, #tpu.memory_space<vmem>>, vector<1x2048xf32>
          %mul3A_2028 = vector.broadcast %convert_element_type3A_2024 : vector<128x1xf32> to vector<128x2048xf32>
          %mul3A_2029 = arith.mulf %get3A_2000, %mul3A_2028 : vector<128x2048xf32>
          %reduce_sum3A = arith.constant dense<0.000000e+00> : vector<2048xf32>
          %reduce_sum3A_2030 = vector.multi_reduction <add>, %mul3A_2029, %reduce_sum3A [0] : vector<128x2048xf32> to vector<2048xf32>
          %broadcast_in_dim3A = vector.shape_cast %reduce_sum3A_2030 : vector<2048xf32> to vector<1x2048xf32>
          %add3A_2031 = arith.addf %get3A_2027, %broadcast_in_dim3A : vector<1x2048xf32>
          %swap3A = arith.index_cast %while3A_2013 : i32 to index
          %swap3A_2032 = arith.constant 0 : index
          %swap3A_2033 = vector.load %arg3[%swap3A, %swap3A_2032] : memref<16x2048xf32, #tpu.memory_space<vmem>>, vector<1x2048xf32>
          tpu.vector_store %arg3[%swap3A, %swap3A_2032], %add3A_2031 {strides = array<i32>} : memref<16x2048xf32, #tpu.memory_space<vmem>>, vector<1x2048xf32>,
          %while3A_2034 = arith.constant 0 : i32
          scf.yield %while3A_2034 : i32
        }
      } else {
      }
      %add3A_1774 = arith.constant 896 : i32
      %add3A_1775 = arith.addi %add3A_3, %add3A_1774 : i32
      %get3A_1776 = arith.constant 1 : index
      %get3A_1777 = memref.load %arg1[%get3A_1776] : memref<17xi32, #tpu.memory_space<smem>>
      %le3A_1778 = arith.cmpi sle, %get3A_1777, %add3A_1775 : i32
      %convert_element_type3A_1779 = arith.extui %le3A_1778 : i1 to i32
      %add3A_1780 = arith.constant 0 : i32
      %add3A_1781 = arith.addi %add3A_1780, %convert_element_type3A_1779 : i32
      %get3A_1782 = arith.constant 1 : index
      %get3A_1783 = memref.load %arg1[%get3A_1782] : memref<17xi32, #tpu.memory_space<smem>>
      %add3A_1784 = arith.constant 128 : i32
      %add3A_1785 = arith.addi %add3A_1775, %add3A_1784 : i32
      %sub3A_1786 = arith.constant 1 : i32
      %sub3A_1787 = arith.subi %add3A_1785, %sub3A_1786 : i32
      %le3A_1788 = arith.cmpi sle, %get3A_1783, %sub3A_1787 : i32
      %convert_element_type3A_1789 = arith.extui %le3A_1788 : i1 to i32
      %add3A_1790 = arith.constant 0 : i32
      %add3A_1791 = arith.addi %add3A_1790, %convert_element_type3A_1789 : i32
      %get3A_1792 = arith.constant 2 : index
      %get3A_1793 = memref.load %arg1[%get3A_1792] : memref<17xi32, #tpu.memory_space<smem>>
      %le3A_1794 = arith.cmpi sle, %get3A_1793, %add3A_1775 : i32
      %convert_element_type3A_1795 = arith.extui %le3A_1794 : i1 to i32
      %add3A_1796 = arith.addi %add3A_1781, %convert_element_type3A_1795 : i32
      %get3A_1797 = arith.constant 2 : index
      %get3A_1798 = memref.load %arg1[%get3A_1797] : memref<17xi32, #tpu.memory_space<smem>>
      %add3A_1799 = arith.constant 128 : i32
      %add3A_1800 = arith.addi %add3A_1775, %add3A_1799 : i32
      %sub3A_1801 = arith.constant 1 : i32
      %sub3A_1802 = arith.subi %add3A_1800, %sub3A_1801 : i32
      %le3A_1803 = arith.cmpi sle, %get3A_1798, %sub3A_1802 : i32
      %convert_element_type3A_1804 = arith.extui %le3A_1803 : i1 to i32
      %add3A_1805 = arith.addi %add3A_1791, %convert_element_type3A_1804 : i32
      %get3A_1806 = arith.constant 3 : index
      %get3A_1807 = memref.load %arg1[%get3A_1806] : memref<17xi32, #tpu.memory_space<smem>>
      %le3A_1808 = arith.cmpi sle, %get3A_1807, %add3A_1775 : i32
      %convert_element_type3A_1809 = arith.extui %le3A_1808 : i1 to i32
      %add3A_1810 = arith.addi %add3A_1796, %convert_element_type3A_1809 : i32
      %get3A_1811 = arith.constant 3 : index
      %get3A_1812 = memref.load %arg1[%get3A_1811] : memref<17xi32, #tpu.memory_space<smem>>
      %add3A_1813 = arith.constant 128 : i32
      %add3A_1814 = arith.addi %add3A_1775, %add3A_1813 : i32
      %sub3A_1815 = arith.constant 1 : i32
      %sub3A_1816 = arith.subi %add3A_1814, %sub3A_1815 : i32
      %le3A_1817 = arith.cmpi sle, %get3A_1812, %sub3A_1816 : i32
      %convert_element_type3A_1818 = arith.extui %le3A_1817 : i1 to i32
      %add3A_1819 = arith.addi %add3A_1805, %convert_element_type3A_1818 : i32
      %get3A_1820 = arith.constant 4 : index
      %get3A_1821 = memref.load %arg1[%get3A_1820] : memref<17xi32, #tpu.memory_space<smem>>
      %le3A_1822 = arith.cmpi sle, %get3A_1821, %add3A_1775 : i32
      %convert_element_type3A_1823 = arith.extui %le3A_1822 : i1 to i32
      %add3A_1824 = arith.addi %add3A_1810, %convert_element_type3A_1823 : i32
      %get3A_1825 = arith.constant 4 : index
      %get3A_1826 = memref.load %arg1[%get3A_1825] : memref<17xi32, #tpu.memory_space<smem>>
      %add3A_1827 = arith.constant 128 : i32
      %add3A_1828 = arith.addi %add3A_1775, %add3A_1827 : i32
      %sub3A_1829 = arith.constant 1 : i32
      %sub3A_1830 = arith.subi %add3A_1828, %sub3A_1829 : i32
      %le3A_1831 = arith.cmpi sle, %get3A_1826, %sub3A_1830 : i32
      %convert_element_type3A_1832 = arith.extui %le3A_1831 : i1 to i32
      %add3A_1833 = arith.addi %add3A_1819, %convert_element_type3A_1832 : i32
      %get3A_1834 = arith.constant 5 : index
      %get3A_1835 = memref.load %arg1[%get3A_1834] : memref<17xi32, #tpu.memory_space<smem>>
      %le3A_1836 = arith.cmpi sle, %get3A_1835, %add3A_1775 : i32
      %convert_element_type3A_1837 = arith.extui %le3A_1836 : i1 to i32
      %add3A_1838 = arith.addi %add3A_1824, %convert_element_type3A_1837 : i32
      %get3A_1839 = arith.constant 5 : index
      %get3A_1840 = memref.load %arg1[%get3A_1839] : memref<17xi32, #tpu.memory_space<smem>>
      %add3A_1841 = arith.constant 128 : i32
      %add3A_1842 = arith.addi %add3A_1775, %add3A_1841 : i32
      %sub3A_1843 = arith.constant 1 : i32
      %sub3A_1844 = arith.subi %add3A_1842, %sub3A_1843 : i32
      %le3A_1845 = arith.cmpi sle, %get3A_1840, %sub3A_1844 : i32
      %convert_element_type3A_1846 = arith.extui %le3A_1845 : i1 to i32
      %add3A_1847 = arith.addi %add3A_1833, %convert_element_type3A_1846 : i32
      %get3A_1848 = arith.constant 6 : index
      %get3A_1849 = memref.load %arg1[%get3A_1848] : memref<17xi32, #tpu.memory_space<smem>>
      %le3A_1850 = arith.cmpi sle, %get3A_1849, %add3A_1775 : i32
      %convert_element_type3A_1851 = arith.extui %le3A_1850 : i1 to i32
      %add3A_1852 = arith.addi %add3A_1838, %convert_element_type3A_1851 : i32
      %get3A_1853 = arith.constant 6 : index
      %get3A_1854 = memref.load %arg1[%get3A_1853] : memref<17xi32, #tpu.memory_space<smem>>
      %add3A_1855 = arith.constant 128 : i32
      %add3A_1856 = arith.addi %add3A_1775, %add3A_1855 : i32
      %sub3A_1857 = arith.constant 1 : i32
      %sub3A_1858 = arith.subi %add3A_1856, %sub3A_1857 : i32
      %le3A_1859 = arith.cmpi sle, %get3A_1854, %sub3A_1858 : i32
      %convert_element_type3A_1860 = arith.extui %le3A_1859 : i1 to i32
      %add3A_1861 = arith.addi %add3A_1847, %convert_element_type3A_1860 : i32
      %get3A_1862 = arith.constant 7 : index
      %get3A_1863 = memref.load %arg1[%get3A_1862] : memref<17xi32, #tpu.memory_space<smem>>
      %le3A_1864 = arith.cmpi sle, %get3A_1863, %add3A_1775 : i32
      %convert_element_type3A_1865 = arith.extui %le3A_1864 : i1 to i32
      %add3A_1866 = arith.addi %add3A_1852, %convert_element_type3A_1865 : i32
      %get3A_1867 = arith.constant 7 : index
      %get3A_1868 = memref.load %arg1[%get3A_1867] : memref<17xi32, #tpu.memory_space<smem>>
      %add3A_1869 = arith.constant 128 : i32
      %add3A_1870 = arith.addi %add3A_1775, %add3A_1869 : i32
      %sub3A_1871 = arith.constant 1 : i32
      %sub3A_1872 = arith.subi %add3A_1870, %sub3A_1871 : i32
      %le3A_1873 = arith.cmpi sle, %get3A_1868, %sub3A_1872 : i32
      %convert_element_type3A_1874 = arith.extui %le3A_1873 : i1 to i32
      %add3A_1875 = arith.addi %add3A_1861, %convert_element_type3A_1874 : i32
      %get3A_1876 = arith.constant 8 : index
      %get3A_1877 = memref.load %arg1[%get3A_1876] : memref<17xi32, #tpu.memory_space<smem>>
      %le3A_1878 = arith.cmpi sle, %get3A_1877, %add3A_1775 : i32
      %convert_element_type3A_1879 = arith.extui %le3A_1878 : i1 to i32
      %add3A_1880 = arith.addi %add3A_1866, %convert_element_type3A_1879 : i32
      %get3A_1881 = arith.constant 8 : index
      %get3A_1882 = memref.load %arg1[%get3A_1881] : memref<17xi32, #tpu.memory_space<smem>>
      %add3A_1883 = arith.constant 128 : i32
      %add3A_1884 = arith.addi %add3A_1775, %add3A_1883 : i32
      %sub3A_1885 = arith.constant 1 : i32
      %sub3A_1886 = arith.subi %add3A_1884, %sub3A_1885 : i32
      %le3A_1887 = arith.cmpi sle, %get3A_1882, %sub3A_1886 : i32
      %convert_element_type3A_1888 = arith.extui %le3A_1887 : i1 to i32
      %add3A_1889 = arith.addi %add3A_1875, %convert_element_type3A_1888 : i32
      %get3A_1890 = arith.constant 9 : index
      %get3A_1891 = memref.load %arg1[%get3A_1890] : memref<17xi32, #tpu.memory_space<smem>>
      %le3A_1892 = arith.cmpi sle, %get3A_1891, %add3A_1775 : i32
      %convert_element_type3A_1893 = arith.extui %le3A_1892 : i1 to i32
      %add3A_1894 = arith.addi %add3A_1880, %convert_element_type3A_1893 : i32
      %get3A_1895 = arith.constant 9 : index
      %get3A_1896 = memref.load %arg1[%get3A_1895] : memref<17xi32, #tpu.memory_space<smem>>
      %add3A_1897 = arith.constant 128 : i32
      %add3A_1898 = arith.addi %add3A_1775, %add3A_1897 : i32
      %sub3A_1899 = arith.constant 1 : i32
      %sub3A_1900 = arith.subi %add3A_1898, %sub3A_1899 : i32
      %le3A_1901 = arith.cmpi sle, %get3A_1896, %sub3A_1900 : i32
      %convert_element_type3A_1902 = arith.extui %le3A_1901 : i1 to i32
      %add3A_1903 = arith.addi %add3A_1889, %convert_element_type3A_1902 : i32
      %get3A_1904 = arith.constant 10 : index
      %get3A_1905 = memref.load %arg1[%get3A_1904] : memref<17xi32, #tpu.memory_space<smem>>
      %le3A_1906 = arith.cmpi sle, %get3A_1905, %add3A_1775 : i32
      %convert_element_type3A_1907 = arith.extui %le3A_1906 : i1 to i32
      %add3A_1908 = arith.addi %add3A_1894, %convert_element_type3A_1907 : i32
      %get3A_1909 = arith.constant 10 : index
      %get3A_1910 = memref.load %arg1[%get3A_1909] : memref<17xi32, #tpu.memory_space<smem>>
      %add3A_1911 = arith.constant 128 : i32
      %add3A_1912 = arith.addi %add3A_1775, %add3A_1911 : i32
      %sub3A_1913 = arith.constant 1 : i32
      %sub3A_1914 = arith.subi %add3A_1912, %sub3A_1913 : i32
      %le3A_1915 = arith.cmpi sle, %get3A_1910, %sub3A_1914 : i32
      %convert_element_type3A_1916 = arith.extui %le3A_1915 : i1 to i32
      %add3A_1917 = arith.addi %add3A_1903, %convert_element_type3A_1916 : i32
      %get3A_1918 = arith.constant 11 : index
      %get3A_1919 = memref.load %arg1[%get3A_1918] : memref<17xi32, #tpu.memory_space<smem>>
      %le3A_1920 = arith.cmpi sle, %get3A_1919, %add3A_1775 : i32
      %convert_element_type3A_1921 = arith.extui %le3A_1920 : i1 to i32
      %add3A_1922 = arith.addi %add3A_1908, %convert_element_type3A_1921 : i32
      %get3A_1923 = arith.constant 11 : index
      %get3A_1924 = memref.load %arg1[%get3A_1923] : memref<17xi32, #tpu.memory_space<smem>>
      %add3A_1925 = arith.constant 128 : i32
      %add3A_1926 = arith.addi %add3A_1775, %add3A_1925 : i32
      %sub3A_1927 = arith.constant 1 : i32
      %sub3A_1928 = arith.subi %add3A_1926, %sub3A_1927 : i32
      %le3A_1929 = arith.cmpi sle, %get3A_1924, %sub3A_1928 : i32
      %convert_element_type3A_1930 = arith.extui %le3A_1929 : i1 to i32
      %add3A_1931 = arith.addi %add3A_1917, %convert_element_type3A_1930 : i32
      %get3A_1932 = arith.constant 12 : index
      %get3A_1933 = memref.load %arg1[%get3A_1932] : memref<17xi32, #tpu.memory_space<smem>>
      %le3A_1934 = arith.cmpi sle, %get3A_1933, %add3A_1775 : i32
      %convert_element_type3A_1935 = arith.extui %le3A_1934 : i1 to i32
      %add3A_1936 = arith.addi %add3A_1922, %convert_element_type3A_1935 : i32
      %get3A_1937 = arith.constant 12 : index
      %get3A_1938 = memref.load %arg1[%get3A_1937] : memref<17xi32, #tpu.memory_space<smem>>
      %add3A_1939 = arith.constant 128 : i32
      %add3A_1940 = arith.addi %add3A_1775, %add3A_1939 : i32
      %sub3A_1941 = arith.constant 1 : i32
      %sub3A_1942 = arith.subi %add3A_1940, %sub3A_1941 : i32
      %le3A_1943 = arith.cmpi sle, %get3A_1938, %sub3A_1942 : i32
      %convert_element_type3A_1944 = arith.extui %le3A_1943 : i1 to i32
      %add3A_1945 = arith.addi %add3A_1931, %convert_element_type3A_1944 : i32
      %get3A_1946 = arith.constant 13 : index
      %get3A_1947 = memref.load %arg1[%get3A_1946] : memref<17xi32, #tpu.memory_space<smem>>
      %le3A_1948 = arith.cmpi sle, %get3A_1947, %add3A_1775 : i32
      %convert_element_type3A_1949 = arith.extui %le3A_1948 : i1 to i32
      %add3A_1950 = arith.addi %add3A_1936, %convert_element_type3A_1949 : i32
      %get3A_1951 = arith.constant 13 : index
      %get3A_1952 = memref.load %arg1[%get3A_1951] : memref<17xi32, #tpu.memory_space<smem>>
      %add3A_1953 = arith.constant 128 : i32
      %add3A_1954 = arith.addi %add3A_1775, %add3A_1953 : i32
      %sub3A_1955 = arith.constant 1 : i32
      %sub3A_1956 = arith.subi %add3A_1954, %sub3A_1955 : i32
      %le3A_1957 = arith.cmpi sle, %get3A_1952, %sub3A_1956 : i32
      %convert_element_type3A_1958 = arith.extui %le3A_1957 : i1 to i32
      %add3A_1959 = arith.addi %add3A_1945, %convert_element_type3A_1958 : i32
      %get3A_1960 = arith.constant 14 : index
      %get3A_1961 = memref.load %arg1[%get3A_1960] : memref<17xi32, #tpu.memory_space<smem>>
      %le3A_1962 = arith.cmpi sle, %get3A_1961, %add3A_1775 : i32
      %convert_element_type3A_1963 = arith.extui %le3A_1962 : i1 to i32
      %add3A_1964 = arith.addi %add3A_1950, %convert_element_type3A_1963 : i32
      %get3A_1965 = arith.constant 14 : index
      %get3A_1966 = memref.load %arg1[%get3A_1965] : memref<17xi32, #tpu.memory_space<smem>>
      %add3A_1967 = arith.constant 128 : i32
      %add3A_1968 = arith.addi %add3A_1775, %add3A_1967 : i32
      %sub3A_1969 = arith.constant 1 : i32
      %sub3A_1970 = arith.subi %add3A_1968, %sub3A_1969 : i32
      %le3A_1971 = arith.cmpi sle, %get3A_1966, %sub3A_1970 : i32
      %convert_element_type3A_1972 = arith.extui %le3A_1971 : i1 to i32
      %add3A_1973 = arith.addi %add3A_1959, %convert_element_type3A_1972 : i32
      %get3A_1974 = arith.constant 15 : index
      %get3A_1975 = memref.load %arg1[%get3A_1974] : memref<17xi32, #tpu.memory_space<smem>>
      %le3A_1976 = arith.cmpi sle, %get3A_1975, %add3A_1775 : i32
      %convert_element_type3A_1977 = arith.extui %le3A_1976 : i1 to i32
      %add3A_1978 = arith.addi %add3A_1964, %convert_element_type3A_1977 : i32
      %get3A_1979 = arith.constant 15 : index
      %get3A_1980 = memref.load %arg1[%get3A_1979] : memref<17xi32, #tpu.memory_space<smem>>
      %add3A_1981 = arith.constant 128 : i32
      %add3A_1982 = arith.addi %add3A_1775, %add3A_1981 : i32
      %sub3A_1983 = arith.constant 1 : i32
      %sub3A_1984 = arith.subi %add3A_1982, %sub3A_1983 : i32
      %le3A_1985 = arith.cmpi sle, %get3A_1980, %sub3A_1984 : i32
      %convert_element_type3A_1986 = arith.extui %le3A_1985 : i1 to i32
      %add3A_1987 = arith.addi %add3A_1973, %convert_element_type3A_1986 : i32
      %eq3A_1988 = arith.cmpi eq, %add3A_1978, %add3A_1987 : i32
      %convert_element_type3A_1989 = arith.extui %eq3A_1988 : i1 to i32
      %cond3A_1990 = arith.constant 0 : i32
      %cond3A_1991 = arith.cmpi ne, %convert_element_type3A_1989, %cond3A_1990 : i32
      scf.if %cond3A_1991 {
        %get3A_1996 = arith.constant 896 : index
        %get3A_1997 = arith.constant 0 : index
        %get3A_1998 = vector.load %arg2[%get3A_1996, %get3A_1997] : memref<1024x2048xf32, #tpu.memory_space<vmem>>, vector<128x2048xf32>
        %reduce_sum3A = arith.constant dense<0.000000e+00> : vector<2048xf32>
        %reduce_sum3A_1999 = vector.multi_reduction <add>, %get3A_1998, %reduce_sum3A [0] : vector<128x2048xf32> to vector<2048xf32>
        %broadcast_in_dim3A = vector.shape_cast %reduce_sum3A_1999 : vector<2048xf32> to vector<1x2048xf32>
        %get3A_2000 = arith.index_cast %add3A_1978 : i32 to index
        %get3A_2001 = arith.constant 0 : index
        %get3A_2002 = vector.load %arg3[%get3A_2000, %get3A_2001] : memref<16x2048xf32, #tpu.memory_space<vmem>>, vector<1x2048xf32>
        %add3A_2003 = arith.addf %get3A_2002, %broadcast_in_dim3A : vector<1x2048xf32>
        %swap3A = arith.index_cast %add3A_1978 : i32 to index
        %swap3A_2004 = arith.constant 0 : index
        %swap3A_2005 = vector.load %arg3[%swap3A, %swap3A_2004] : memref<16x2048xf32, #tpu.memory_space<vmem>>, vector<1x2048xf32>
        tpu.vector_store %arg3[%swap3A, %swap3A_2004], %add3A_2003 {strides = array<i32>} : memref<16x2048xf32, #tpu.memory_space<vmem>>, vector<1x2048xf32>,
      } else {
      }
      %ne3A_1992 = arith.cmpi ne, %add3A_1978, %add3A_1987 : i32
      %convert_element_type3A_1993 = arith.extui %ne3A_1992 : i1 to i32
      %cond3A_1994 = arith.constant 0 : i32
      %cond3A_1995 = arith.cmpi ne, %convert_element_type3A_1993, %cond3A_1994 : i32
      scf.if %cond3A_1995 {
        %iota3A = tpu.iota {dimensions = array<i32: 0>} : vector<128x1xi32>
        %add3A_1996 = vector.broadcast %add3A_1775 : i32 to vector<128x1xi32>
        %add3A_1997 = arith.addi %iota3A, %add3A_1996 : vector<128x1xi32>
        %get3A_1998 = arith.constant 896 : index
        %get3A_1999 = arith.constant 0 : index
        %get3A_2000 = vector.load %arg2[%get3A_1998, %get3A_1999] : memref<1024x2048xf32, #tpu.memory_space<vmem>>, vector<128x2048xf32>
        %add3A_2001 = arith.constant 1 : i32
        %add3A_2002 = arith.addi %add3A_1987, %add3A_2001 : i32
        %while3A = arith.constant 0 : i32
        %while3A_2003 = arith.subi %add3A_2002, %add3A_1978 : i32
        %while3A_2004 = arith.addi %add3A_1978, %while3A_2003 : i32
        %while3A_2005 = arith.constant 1 : i32
        %while3A_2006 = arith.divsi %while3A_2003, %while3A_2005 : i32
        %while3A_2007 = arith.muli %while3A_2006, %while3A_2005 : i32
        %while3A_2008 = arith.addi %add3A_1978, %while3A_2007 : i32
        %while3A_2009 = arith.constant 1 : i32
        %while3A_2010 = scf.for %while3A_2013 = %add3A_1978 to %while3A_2008 step %while3A_2009 iter_args(%while3A_2014 = %while3A) -> (i32)  : i32 {
          %get3A_2015 = arith.index_cast %while3A_2013 : i32 to index
          %get3A_2016 = memref.load %arg1[%get3A_2015] : memref<17xi32, #tpu.memory_space<smem>>
          %ge3A = vector.broadcast %get3A_2016 : i32 to vector<128x1xi32>
          %ge3A_2017 = arith.cmpi sge, %add3A_1997, %ge3A : vector<128x1xi32>
          %add3A_2018 = arith.constant 1 : i32
          %add3A_2019 = arith.addi %while3A_2013, %add3A_2018 : i32
          %get3A_2020 = arith.index_cast %add3A_2019 : i32 to index
          %get3A_2021 = memref.load %arg1[%get3A_2020] : memref<17xi32, #tpu.memory_space<smem>>
          %lt3A = vector.broadcast %get3A_2021 : i32 to vector<128x1xi32>
          %lt3A_2022 = arith.cmpi slt, %add3A_1997, %lt3A : vector<128x1xi32>
          %and3A = arith.andi %ge3A_2017, %lt3A_2022 : vector<128x1xi1>
          %convert_element_type3A_2023 = arith.extui %and3A : vector<128x1xi1> to vector<128x1xi32>
          %convert_element_type3A_2024 = arith.sitofp %convert_element_type3A_2023 : vector<128x1xi32> to vector<128x1xf32>
          %get3A_2025 = arith.index_cast %while3A_2013 : i32 to index
          %get3A_2026 = arith.constant 0 : index
          %get3A_2027 = vector.load %arg3[%get3A_2025, %get3A_2026] : memref<16x2048xf32, #tpu.memory_space<vmem>>, vector<1x2048xf32>
          %mul3A_2028 = vector.broadcast %convert_element_type3A_2024 : vector<128x1xf32> to vector<128x2048xf32>
          %mul3A_2029 = arith.mulf %get3A_2000, %mul3A_2028 : vector<128x2048xf32>
          %reduce_sum3A = arith.constant dense<0.000000e+00> : vector<2048xf32>
          %reduce_sum3A_2030 = vector.multi_reduction <add>, %mul3A_2029, %reduce_sum3A [0] : vector<128x2048xf32> to vector<2048xf32>
          %broadcast_in_dim3A = vector.shape_cast %reduce_sum3A_2030 : vector<2048xf32> to vector<1x2048xf32>
          %add3A_2031 = arith.addf %get3A_2027, %broadcast_in_dim3A : vector<1x2048xf32>
          %swap3A = arith.index_cast %while3A_2013 : i32 to index
          %swap3A_2032 = arith.constant 0 : index
          %swap3A_2033 = vector.load %arg3[%swap3A, %swap3A_2032] : memref<16x2048xf32, #tpu.memory_space<vmem>>, vector<1x2048xf32>
          tpu.vector_store %arg3[%swap3A, %swap3A_2032], %add3A_2031 {strides = array<i32>} : memref<16x2048xf32, #tpu.memory_space<vmem>>, vector<1x2048xf32>,
          %while3A_2034 = arith.constant 0 : i32
          scf.yield %while3A_2034 : i32
        }
        %while3A_2011 = arith.constant 1 : i32
        %while3A_2012 = scf.for %while3A_2013 = %while3A_2008 to %while3A_2004 step %while3A_2011 iter_args(%while3A_2014 = %while3A_2010) -> (i32)  : i32 {
          %get3A_2015 = arith.index_cast %while3A_2013 : i32 to index
          %get3A_2016 = memref.load %arg1[%get3A_2015] : memref<17xi32, #tpu.memory_space<smem>>
          %ge3A = vector.broadcast %get3A_2016 : i32 to vector<128x1xi32>
          %ge3A_2017 = arith.cmpi sge, %add3A_1997, %ge3A : vector<128x1xi32>
          %add3A_2018 = arith.constant 1 : i32
          %add3A_2019 = arith.addi %while3A_2013, %add3A_2018 : i32
          %get3A_2020 = arith.index_cast %add3A_2019 : i32 to index
          %get3A_2021 = memref.load %arg1[%get3A_2020] : memref<17xi32, #tpu.memory_space<smem>>
          %lt3A = vector.broadcast %get3A_2021 : i32 to vector<128x1xi32>
          %lt3A_2022 = arith.cmpi slt, %add3A_1997, %lt3A : vector<128x1xi32>
          %and3A = arith.andi %ge3A_2017, %lt3A_2022 : vector<128x1xi1>
          %convert_element_type3A_2023 = arith.extui %and3A : vector<128x1xi1> to vector<128x1xi32>
          %convert_element_type3A_2024 = arith.sitofp %convert_element_type3A_2023 : vector<128x1xi32> to vector<128x1xf32>
          %get3A_2025 = arith.index_cast %while3A_2013 : i32 to index
          %get3A_2026 = arith.constant 0 : index
          %get3A_2027 = vector.load %arg3[%get3A_2025, %get3A_2026] : memref<16x2048xf32, #tpu.memory_space<vmem>>, vector<1x2048xf32>
          %mul3A_2028 = vector.broadcast %convert_element_type3A_2024 : vector<128x1xf32> to vector<128x2048xf32>
          %mul3A_2029 = arith.mulf %get3A_2000, %mul3A_2028 : vector<128x2048xf32>
          %reduce_sum3A = arith.constant dense<0.000000e+00> : vector<2048xf32>
          %reduce_sum3A_2030 = vector.multi_reduction <add>, %mul3A_2029, %reduce_sum3A [0] : vector<128x2048xf32> to vector<2048xf32>
          %broadcast_in_dim3A = vector.shape_cast %reduce_sum3A_2030 : vector<2048xf32> to vector<1x2048xf32>
          %add3A_2031 = arith.addf %get3A_2027, %broadcast_in_dim3A : vector<1x2048xf32>
          %swap3A = arith.index_cast %while3A_2013 : i32 to index
          %swap3A_2032 = arith.constant 0 : index
          %swap3A_2033 = vector.load %arg3[%swap3A, %swap3A_2032] : memref<16x2048xf32, #tpu.memory_space<vmem>>, vector<1x2048xf32>
          tpu.vector_store %arg3[%swap3A, %swap3A_2032], %add3A_2031 {strides = array<i32>} : memref<16x2048xf32, #tpu.memory_space<vmem>>, vector<1x2048xf32>,
          %while3A_2034 = arith.constant 0 : i32
          scf.yield %while3A_2034 : i32
        }
      } else {
      }
    } else {
    }
    return
  }
  func.func @transform_0(%arg0: i32) -> i32 {
    %c0_i32 = arith.constant 0 : i32
    %c0_i32_0 = arith.constant 0 : i32
    return %c0_i32 : i32
  }
  func.func @transform_1(%arg0: i32) -> (i32, i32) {
    %add3A = arith.constant 9 : i32
    %add3A_0 = arith.addi %add3A, %arg0 : i32
    %c0_i32 = arith.constant 0 : i32
    %c0_i32_1 = arith.constant 0 : i32
    return %add3A_0, %c0_i32 : i32, i32
  }
  func.func @transform_2(%arg0: i32) -> (i32, i32) {
    %c0_i32 = arith.constant 0 : i32
    %c0_i32_0 = arith.constant 0 : i32
    %c0_i32_1 = arith.constant 0 : i32
    return %c0_i32, %c0_i32_0 : i32, i32
  }
}

module attributes {stable_mosaic.version = 14 : i64} {
  func.func @_combine_body(%arg0: memref<17xi32, #tpu.memory_space<smem>>, %arg1: memref<32x16x2048xf32, #tpu.memory_space<vmem>>, %arg2: memref<16x2048xf32, #tpu.memory_space<vmem>>, %arg3: memref<16x2048xf32, #tpu.memory_space<vmem>>) attributes {dimension_semantics = [], scalar_prefetch = 0 : i64, scratch_operands = 0 : i64, tpu.core_type = #tpu.core_type<tc>} {
    %iota3A = tpu.iota {dimensions = array<i32: 0>} : vector<16x1xi32>
    %broadcast_in_dim3A = arith.constant 0 : i32
    %broadcast_in_dim3A_0 = vector.broadcast %broadcast_in_dim3A : i32 to vector<16x1xi32>
    %eq3A = arith.constant 0 : i32
    %eq3A_1 = vector.broadcast %eq3A : i32 to vector<16x1xi32>
    %eq3A_2 = arith.cmpi eq, %iota3A, %eq3A_1 : vector<16x1xi32>
    %get3A = arith.constant 1 : index
    %get3A_3 = memref.load %arg0[%get3A] : memref<17xi32, #tpu.memory_space<smem>>
    %get3A_4 = arith.constant 0 : index
    %get3A_5 = memref.load %arg0[%get3A_4] : memref<17xi32, #tpu.memory_space<smem>>
    %sub3A = arith.subi %get3A_3, %get3A_5 : i32
    %broadcast_in_dim3A_6 = vector.broadcast %sub3A : i32 to vector<16x1xi32>
    %select_n3A = arith.select %eq3A_2, %broadcast_in_dim3A_6, %broadcast_in_dim3A_0 : vector<16x1xi1>, vector<16x1xi32>
    %eq3A_7 = arith.constant 1 : i32
    %eq3A_8 = vector.broadcast %eq3A_7 : i32 to vector<16x1xi32>
    %eq3A_9 = arith.cmpi eq, %iota3A, %eq3A_8 : vector<16x1xi32>
    %get3A_10 = arith.constant 2 : index
    %get3A_11 = memref.load %arg0[%get3A_10] : memref<17xi32, #tpu.memory_space<smem>>
    %get3A_12 = arith.constant 1 : index
    %get3A_13 = memref.load %arg0[%get3A_12] : memref<17xi32, #tpu.memory_space<smem>>
    %sub3A_14 = arith.subi %get3A_11, %get3A_13 : i32
    %broadcast_in_dim3A_15 = vector.broadcast %sub3A_14 : i32 to vector<16x1xi32>
    %select_n3A_16 = arith.select %eq3A_9, %broadcast_in_dim3A_15, %select_n3A : vector<16x1xi1>, vector<16x1xi32>
    %eq3A_17 = arith.constant 2 : i32
    %eq3A_18 = vector.broadcast %eq3A_17 : i32 to vector<16x1xi32>
    %eq3A_19 = arith.cmpi eq, %iota3A, %eq3A_18 : vector<16x1xi32>
    %get3A_20 = arith.constant 3 : index
    %get3A_21 = memref.load %arg0[%get3A_20] : memref<17xi32, #tpu.memory_space<smem>>
    %get3A_22 = arith.constant 2 : index
    %get3A_23 = memref.load %arg0[%get3A_22] : memref<17xi32, #tpu.memory_space<smem>>
    %sub3A_24 = arith.subi %get3A_21, %get3A_23 : i32
    %broadcast_in_dim3A_25 = vector.broadcast %sub3A_24 : i32 to vector<16x1xi32>
    %select_n3A_26 = arith.select %eq3A_19, %broadcast_in_dim3A_25, %select_n3A_16 : vector<16x1xi1>, vector<16x1xi32>
    %eq3A_27 = arith.constant 3 : i32
    %eq3A_28 = vector.broadcast %eq3A_27 : i32 to vector<16x1xi32>
    %eq3A_29 = arith.cmpi eq, %iota3A, %eq3A_28 : vector<16x1xi32>
    %get3A_30 = arith.constant 4 : index
    %get3A_31 = memref.load %arg0[%get3A_30] : memref<17xi32, #tpu.memory_space<smem>>
    %get3A_32 = arith.constant 3 : index
    %get3A_33 = memref.load %arg0[%get3A_32] : memref<17xi32, #tpu.memory_space<smem>>
    %sub3A_34 = arith.subi %get3A_31, %get3A_33 : i32
    %broadcast_in_dim3A_35 = vector.broadcast %sub3A_34 : i32 to vector<16x1xi32>
    %select_n3A_36 = arith.select %eq3A_29, %broadcast_in_dim3A_35, %select_n3A_26 : vector<16x1xi1>, vector<16x1xi32>
    %eq3A_37 = arith.constant 4 : i32
    %eq3A_38 = vector.broadcast %eq3A_37 : i32 to vector<16x1xi32>
    %eq3A_39 = arith.cmpi eq, %iota3A, %eq3A_38 : vector<16x1xi32>
    %get3A_40 = arith.constant 5 : index
    %get3A_41 = memref.load %arg0[%get3A_40] : memref<17xi32, #tpu.memory_space<smem>>
    %get3A_42 = arith.constant 4 : index
    %get3A_43 = memref.load %arg0[%get3A_42] : memref<17xi32, #tpu.memory_space<smem>>
    %sub3A_44 = arith.subi %get3A_41, %get3A_43 : i32
    %broadcast_in_dim3A_45 = vector.broadcast %sub3A_44 : i32 to vector<16x1xi32>
    %select_n3A_46 = arith.select %eq3A_39, %broadcast_in_dim3A_45, %select_n3A_36 : vector<16x1xi1>, vector<16x1xi32>
    %eq3A_47 = arith.constant 5 : i32
    %eq3A_48 = vector.broadcast %eq3A_47 : i32 to vector<16x1xi32>
    %eq3A_49 = arith.cmpi eq, %iota3A, %eq3A_48 : vector<16x1xi32>
    %get3A_50 = arith.constant 6 : index
    %get3A_51 = memref.load %arg0[%get3A_50] : memref<17xi32, #tpu.memory_space<smem>>
    %get3A_52 = arith.constant 5 : index
    %get3A_53 = memref.load %arg0[%get3A_52] : memref<17xi32, #tpu.memory_space<smem>>
    %sub3A_54 = arith.subi %get3A_51, %get3A_53 : i32
    %broadcast_in_dim3A_55 = vector.broadcast %sub3A_54 : i32 to vector<16x1xi32>
    %select_n3A_56 = arith.select %eq3A_49, %broadcast_in_dim3A_55, %select_n3A_46 : vector<16x1xi1>, vector<16x1xi32>
    %eq3A_57 = arith.constant 6 : i32
    %eq3A_58 = vector.broadcast %eq3A_57 : i32 to vector<16x1xi32>
    %eq3A_59 = arith.cmpi eq, %iota3A, %eq3A_58 : vector<16x1xi32>
    %get3A_60 = arith.constant 7 : index
    %get3A_61 = memref.load %arg0[%get3A_60] : memref<17xi32, #tpu.memory_space<smem>>
    %get3A_62 = arith.constant 6 : index
    %get3A_63 = memref.load %arg0[%get3A_62] : memref<17xi32, #tpu.memory_space<smem>>
    %sub3A_64 = arith.subi %get3A_61, %get3A_63 : i32
    %broadcast_in_dim3A_65 = vector.broadcast %sub3A_64 : i32 to vector<16x1xi32>
    %select_n3A_66 = arith.select %eq3A_59, %broadcast_in_dim3A_65, %select_n3A_56 : vector<16x1xi1>, vector<16x1xi32>
    %eq3A_67 = arith.constant 7 : i32
    %eq3A_68 = vector.broadcast %eq3A_67 : i32 to vector<16x1xi32>
    %eq3A_69 = arith.cmpi eq, %iota3A, %eq3A_68 : vector<16x1xi32>
    %get3A_70 = arith.constant 8 : index
    %get3A_71 = memref.load %arg0[%get3A_70] : memref<17xi32, #tpu.memory_space<smem>>
    %get3A_72 = arith.constant 7 : index
    %get3A_73 = memref.load %arg0[%get3A_72] : memref<17xi32, #tpu.memory_space<smem>>
    %sub3A_74 = arith.subi %get3A_71, %get3A_73 : i32
    %broadcast_in_dim3A_75 = vector.broadcast %sub3A_74 : i32 to vector<16x1xi32>
    %select_n3A_76 = arith.select %eq3A_69, %broadcast_in_dim3A_75, %select_n3A_66 : vector<16x1xi1>, vector<16x1xi32>
    %eq3A_77 = arith.constant 8 : i32
    %eq3A_78 = vector.broadcast %eq3A_77 : i32 to vector<16x1xi32>
    %eq3A_79 = arith.cmpi eq, %iota3A, %eq3A_78 : vector<16x1xi32>
    %get3A_80 = arith.constant 9 : index
    %get3A_81 = memref.load %arg0[%get3A_80] : memref<17xi32, #tpu.memory_space<smem>>
    %get3A_82 = arith.constant 8 : index
    %get3A_83 = memref.load %arg0[%get3A_82] : memref<17xi32, #tpu.memory_space<smem>>
    %sub3A_84 = arith.subi %get3A_81, %get3A_83 : i32
    %broadcast_in_dim3A_85 = vector.broadcast %sub3A_84 : i32 to vector<16x1xi32>
    %select_n3A_86 = arith.select %eq3A_79, %broadcast_in_dim3A_85, %select_n3A_76 : vector<16x1xi1>, vector<16x1xi32>
    %eq3A_87 = arith.constant 9 : i32
    %eq3A_88 = vector.broadcast %eq3A_87 : i32 to vector<16x1xi32>
    %eq3A_89 = arith.cmpi eq, %iota3A, %eq3A_88 : vector<16x1xi32>
    %get3A_90 = arith.constant 10 : index
    %get3A_91 = memref.load %arg0[%get3A_90] : memref<17xi32, #tpu.memory_space<smem>>
    %get3A_92 = arith.constant 9 : index
    %get3A_93 = memref.load %arg0[%get3A_92] : memref<17xi32, #tpu.memory_space<smem>>
    %sub3A_94 = arith.subi %get3A_91, %get3A_93 : i32
    %broadcast_in_dim3A_95 = vector.broadcast %sub3A_94 : i32 to vector<16x1xi32>
    %select_n3A_96 = arith.select %eq3A_89, %broadcast_in_dim3A_95, %select_n3A_86 : vector<16x1xi1>, vector<16x1xi32>
    %eq3A_97 = arith.constant 10 : i32
    %eq3A_98 = vector.broadcast %eq3A_97 : i32 to vector<16x1xi32>
    %eq3A_99 = arith.cmpi eq, %iota3A, %eq3A_98 : vector<16x1xi32>
    %get3A_100 = arith.constant 11 : index
    %get3A_101 = memref.load %arg0[%get3A_100] : memref<17xi32, #tpu.memory_space<smem>>
    %get3A_102 = arith.constant 10 : index
    %get3A_103 = memref.load %arg0[%get3A_102] : memref<17xi32, #tpu.memory_space<smem>>
    %sub3A_104 = arith.subi %get3A_101, %get3A_103 : i32
    %broadcast_in_dim3A_105 = vector.broadcast %sub3A_104 : i32 to vector<16x1xi32>
    %select_n3A_106 = arith.select %eq3A_99, %broadcast_in_dim3A_105, %select_n3A_96 : vector<16x1xi1>, vector<16x1xi32>
    %eq3A_107 = arith.constant 11 : i32
    %eq3A_108 = vector.broadcast %eq3A_107 : i32 to vector<16x1xi32>
    %eq3A_109 = arith.cmpi eq, %iota3A, %eq3A_108 : vector<16x1xi32>
    %get3A_110 = arith.constant 12 : index
    %get3A_111 = memref.load %arg0[%get3A_110] : memref<17xi32, #tpu.memory_space<smem>>
    %get3A_112 = arith.constant 11 : index
    %get3A_113 = memref.load %arg0[%get3A_112] : memref<17xi32, #tpu.memory_space<smem>>
    %sub3A_114 = arith.subi %get3A_111, %get3A_113 : i32
    %broadcast_in_dim3A_115 = vector.broadcast %sub3A_114 : i32 to vector<16x1xi32>
    %select_n3A_116 = arith.select %eq3A_109, %broadcast_in_dim3A_115, %select_n3A_106 : vector<16x1xi1>, vector<16x1xi32>
    %eq3A_117 = arith.constant 12 : i32
    %eq3A_118 = vector.broadcast %eq3A_117 : i32 to vector<16x1xi32>
    %eq3A_119 = arith.cmpi eq, %iota3A, %eq3A_118 : vector<16x1xi32>
    %get3A_120 = arith.constant 13 : index
    %get3A_121 = memref.load %arg0[%get3A_120] : memref<17xi32, #tpu.memory_space<smem>>
    %get3A_122 = arith.constant 12 : index
    %get3A_123 = memref.load %arg0[%get3A_122] : memref<17xi32, #tpu.memory_space<smem>>
    %sub3A_124 = arith.subi %get3A_121, %get3A_123 : i32
    %broadcast_in_dim3A_125 = vector.broadcast %sub3A_124 : i32 to vector<16x1xi32>
    %select_n3A_126 = arith.select %eq3A_119, %broadcast_in_dim3A_125, %select_n3A_116 : vector<16x1xi1>, vector<16x1xi32>
    %eq3A_127 = arith.constant 13 : i32
    %eq3A_128 = vector.broadcast %eq3A_127 : i32 to vector<16x1xi32>
    %eq3A_129 = arith.cmpi eq, %iota3A, %eq3A_128 : vector<16x1xi32>
    %get3A_130 = arith.constant 14 : index
    %get3A_131 = memref.load %arg0[%get3A_130] : memref<17xi32, #tpu.memory_space<smem>>
    %get3A_132 = arith.constant 13 : index
    %get3A_133 = memref.load %arg0[%get3A_132] : memref<17xi32, #tpu.memory_space<smem>>
    %sub3A_134 = arith.subi %get3A_131, %get3A_133 : i32
    %broadcast_in_dim3A_135 = vector.broadcast %sub3A_134 : i32 to vector<16x1xi32>
    %select_n3A_136 = arith.select %eq3A_129, %broadcast_in_dim3A_135, %select_n3A_126 : vector<16x1xi1>, vector<16x1xi32>
    %eq3A_137 = arith.constant 14 : i32
    %eq3A_138 = vector.broadcast %eq3A_137 : i32 to vector<16x1xi32>
    %eq3A_139 = arith.cmpi eq, %iota3A, %eq3A_138 : vector<16x1xi32>
    %get3A_140 = arith.constant 15 : index
    %get3A_141 = memref.load %arg0[%get3A_140] : memref<17xi32, #tpu.memory_space<smem>>
    %get3A_142 = arith.constant 14 : index
    %get3A_143 = memref.load %arg0[%get3A_142] : memref<17xi32, #tpu.memory_space<smem>>
    %sub3A_144 = arith.subi %get3A_141, %get3A_143 : i32
    %broadcast_in_dim3A_145 = vector.broadcast %sub3A_144 : i32 to vector<16x1xi32>
    %select_n3A_146 = arith.select %eq3A_139, %broadcast_in_dim3A_145, %select_n3A_136 : vector<16x1xi1>, vector<16x1xi32>
    %eq3A_147 = arith.constant 15 : i32
    %eq3A_148 = vector.broadcast %eq3A_147 : i32 to vector<16x1xi32>
    %eq3A_149 = arith.cmpi eq, %iota3A, %eq3A_148 : vector<16x1xi32>
    %get3A_150 = arith.constant 16 : index
    %get3A_151 = memref.load %arg0[%get3A_150] : memref<17xi32, #tpu.memory_space<smem>>
    %get3A_152 = arith.constant 15 : index
    %get3A_153 = memref.load %arg0[%get3A_152] : memref<17xi32, #tpu.memory_space<smem>>
    %sub3A_154 = arith.subi %get3A_151, %get3A_153 : i32
    %broadcast_in_dim3A_155 = vector.broadcast %sub3A_154 : i32 to vector<16x1xi32>
    %select_n3A_156 = arith.select %eq3A_149, %broadcast_in_dim3A_155, %select_n3A_146 : vector<16x1xi1>, vector<16x1xi32>
    %convert_element_type3A = arith.sitofp %select_n3A_156 : vector<16x1xi32> to vector<16x1xf32>
    %max3A = arith.constant 1.000000e+00 : f32
    %max3A_157 = vector.broadcast %max3A : f32 to vector<16x1xf32>
    %max3A_158 = arith.maximumf %convert_element_type3A, %max3A_157 : vector<16x1xf32>
    %div3A = arith.constant 1.000000e+00 : f32
    %div3A_159 = vector.broadcast %div3A : f32 to vector<16x1xf32>
    %div3A_160 = arith.divf %div3A_159, %max3A_158 : vector<16x1xf32>
    %get3A_161 = arith.constant 0 : index
    %get3A_162 = arith.constant 0 : index
    %get3A_163 = arith.constant 0 : index
    %get3A_164 = vector.load %arg1[%get3A_161, %get3A_162, %get3A_163] : memref<32x16x2048xf32, #tpu.memory_space<vmem>>, vector<32x16x2048xf32>
    %reduce_sum3A = arith.constant dense<0.000000e+00> : vector<16x2048xf32>
    %reduce_sum3A_165 = vector.multi_reduction <add>, %get3A_164, %reduce_sum3A [0] : vector<32x16x2048xf32> to vector<16x2048xf32>
    %get3A_166 = arith.constant 0 : index
    %get3A_167 = arith.constant 0 : index
    %get3A_168 = vector.load %arg2[%get3A_166, %get3A_167] : memref<16x2048xf32, #tpu.memory_space<vmem>>, vector<16x2048xf32>
    %add3A = arith.addf %reduce_sum3A_165, %get3A_168 : vector<16x2048xf32>
    %mul3A = vector.broadcast %div3A_160 : vector<16x1xf32> to vector<16x2048xf32>
    %mul3A_169 = arith.mulf %add3A, %mul3A : vector<16x2048xf32>
    %swap3A = arith.constant 0 : index
    %swap3A_170 = arith.constant 0 : index
    %swap3A_171 = vector.load %arg3[%swap3A, %swap3A_170] : memref<16x2048xf32, #tpu.memory_space<vmem>>, vector<16x2048xf32>
    tpu.vector_store %arg3[%swap3A, %swap3A_170], %mul3A_169 {strides = array<i32>} : memref<16x2048xf32, #tpu.memory_space<vmem>>, vector<16x2048xf32>,
    return
  }
}

</mosaic_0001>

<sc_bundles>
// kernel: kernel.5.cloned.1.call-start
scs
__scs_entry_jumppad:
0x0: {  	(pc) =	sbr.rel $0x88, $3  }
0x1: {  	(tag) =	ssettag $0x0;
	lr =	simm.s32 $0x1  }
0x2: {  	[smem:$0x3F9F] =	sst lr;
	_ =	strace $0xD0000000  }
0x3: {  	_ = 	snop  }
0x4: {  	_ = 	snop  }
0x5: {  	_ = 	snop  }
0x6: {  	_ = 	snop  }
0x7: {  	_ = 	snop  }
__scs_overlays_trampoline_lowered:
0x8: {  	[smem:$0x3FAE] =	sst s0  }
0x9: {  	[smem:$0x3FAF] =	sst s1  }
0xa: {  	[smem:$0x3FB0] =	sst s2  }
0xb: {  	[smem:$0x3FB1] =	sst s3  }
0xc: {  	[smem:$0x3FB2] =	sst s4  }
0xd: {  	[smem:$0x3FB3] =	sst s5  }
0xe: {  	[smem:$0x3FB4] =	sst s6  }
0xf: {  	[smem:$0x3FB5] =	sst s7  }
0x10: {  	[smem:$0x3FB6] =	sst s8  }
0x11: {  	[smem:$0x3FB7] =	sst s9;
	s0 =	simm.s32 @!p0 $0x0  }
0x12: {  	s1 =	sld [smem:$0x3F9D];
	s0 =	simm.s32 @p0 $0x1  }
0x13: {  	[smem:$0x3FB8] =	sst s0;
	s0 =	simm.s32 @!p1 $0x0  }
0x14: {  	s2 =	sld [smem:$0x3F9C];
	s0 =	simm.s32 @p1 $0x1  }
0x15: {  	[smem:$0x3FB9] =	sst s0;
	s0 =	simm.s32 @!p2 $0x0  }
0x16: {  	s3 =	sld [smem:$0x3FDB];
	s0 =	simm.s32 @p2 $0x1  }
0x17: {  	s4 =	simm.s32 $0x1BF5;
	[smem:$0x3FBB] =	sst s0  }
0x18: {  	s0 =	sld [smem:$0x3F9E];
	_ =	swait.ge [sflag:s4], $0x0  }
0x19: {  	s7 =	sld [smem:$0x3F9F]  }
0x1a: {  	s8 =	sadd.s32 $0xFFFFE003, lr  }
0x1b: {  	s9 =	sadd.s32 $0xFFFFFEF7, lr;
	s5 =	simm.s32 $0xFFFFFFFF;
	p2 =	slt.u32 s8, $0xFFFFF086  }
0x1c: {  	p1 =	slt.u32 s9, $0xF7A;
	s5 =	simm.s32 @!p2 $0x0  }
0x1d: {  	s5 =	simm.s32 @p1 $0x1;
	p0 =	seq.s32 s7, s2  }
0x1e: {  	s7 =	smul.u32 @!p0 $0xF7A, s2;
	p2 =	seq.s32 @!p0 s5, $0x0  }
0x1f: {  	s9 =	smul.u32 $0xF7A, s1;
	s8 =	simm.s32 @!p0 $0x1BF5;
	p2 =	por !p2, p0  }
0x20: {  	[sflag:s8] =	ssyncset.s32 @!p0 $0xFFFFF086;
	s6 =	sadd.s32 @!p0 s3, s7;
	s7 =	simm.s32 @!p0 $0x108  }
0x21: {  	s3 =	sadd.s32 s3, s9;
	s6 =	sadd.s32 @!p0 $0x88, s6;
	s7 =	simm.s32 @p2 $0x1082  }
0x22: {  	[simem:s7], [sflag:s8] =	dma.local @!p0 [hbm:s6], $0xF7A  }
0x23: {  	s9 =	sor.u32 $0xD0000000, s2;
	s6 =	simm.s32 $0x108;
	_ =	swait.ge @!p0 [sflag:s8], $0x0  }
0x24: {  	s3 =	sadd.s32 $0x88, s3;
	s6 =	simm.s32 @!p1 $0x1082;
	[sflag:s4] =	ssyncset.s32 $0xFFFFF086  }
0x25: {  	[simem:s6], [sflag:s4] =	dma.local [hbm:s3], $0xF7A  }
0x26: {  	[smem:$0x3F9F] =	sst s1;
	(tag) =	ssettag s2;
	_ =	strace s9  }
0x27: {  	s1 =	sld [smem:$0x3FAF]  }
0x28: {  	s2 =	sld [smem:$0x3FB0]  }
0x29: {  	s4 =	sld [smem:$0x3FB2]  }
0x2a: {  	p0 =	seq.s32 s5, $0x0;
	s5 =	sld [smem:$0x3FB3]  }
0x2b: {  	s6 =	sld [smem:$0x3FB4]  }
0x2c: {  	s7 =	sld [smem:$0x3FB5]  }
0x2d: {  	s3 =	simm.s32 $0x108;
	s8 =	sld [smem:$0x3FB6]  }
0x2e: {  	s3 =	simm.s32 @!p0 $0x1082;
	s9 =	sld [smem:$0x3FB7]  }
0x2f: {  	lr =	sadd.s32 s0, s3;
	s0 =	sld [smem:$0x3FAE]  }
0x30: {  	s3 =	sld [smem:$0x3FB1]  }
0x31: {  	[smem:$0x3FBA] =	sst s10  }
0x32: {  	s10 =	sld [smem:$0x3FB8];
	_ =	sdelay $0x3  }
0x33: {  	p0 =	seq.s32 s10, $0x1;
	s10 =	sld [smem:$0x3FBA];
	_ =	sdelay $0x3  }
0x34: {  	[smem:$0x3FBA] =	sst s10  }
0x35: {  	s10 =	sld [smem:$0x3FB9];
	_ =	sdelay $0x3  }
0x36: {  	p1 =	seq.s32 s10, $0x1;
	s10 =	sld [smem:$0x3FBA];
	_ =	sdelay $0x3  }
0x37: {  	[smem:$0x3FBA] =	sst s10  }
0x38: {  	s10 =	sld [smem:$0x3FBB]  }
0x39: {  	_ = 	snop;
	(pc) =	sbr.ind lr, $3  }
0x3a: {  	_ = 	snop  }
0x3b: {  	_ = 	snop  }
0x3c: {  	p2 =	seq.s32 s10, $0x1;
	s10 =	sld [smem:$0x3FBA]  }
0x3d: {  	_ =	shalt  }
0x3e: {  	_ =	shalt  }
0x3f: {  	_ =	shalt  }
0x40: {  	_ =	shalt  }
0x41: {  	_ =	shalt  }
0x42: {  	_ =	shalt  }
0x43: {  	_ =	shalt  }
0x44: {  	_ =	shalt  }
0x45: {  	_ =	shalt  }
0x46: {  	_ =	shalt  }
0x47: {  	_ =	shalt  }
0x48: {  	_ =	shalt  }
0x49: {  	_ =	shalt  }
0x4a: {  	_ =	shalt  }
0x4b: {  	_ =	shalt  }
0x4c: {  	_ =	shalt  }
0x4d: {  	_ =	shalt  }
0x4e: {  	_ =	shalt  }
0x4f: {  	_ =	shalt  }
0x50: {  	_ =	shalt  }
0x51: {  	_ =	shalt  }
0x52: {  	_ =	shalt  }
0x53: {  	_ =	shalt  }
0x54: {  	_ =	shalt  }
0x55: {  	_ =	shalt  }
0x56: {  	_ =	shalt  }
0x57: {  	_ =	shalt  }
0x58: {  	_ =	shalt  }
0x59: {  	_ =	shalt  }
0x5a: {  	_ =	shalt  }
0x5b: {  	_ =	shalt  }
0x5c: {  	_ =	shalt  }
0x5d: {  	_ =	shalt  }
0x5e: {  	_ =	shalt  }
0x5f: {  	_ =	shalt  }
0x60: {  	_ =	shalt  }
0x61: {  	_ =	shalt  }
0x62: {  	_ =	shalt  }
0x63: {  	_ =	shalt  }
0x64: {  	_ =	shalt  }
0x65: {  	_ =	shalt  }
0x66: {  	_ =	shalt  }
0x67: {  	_ =	shalt  }
0x68: {  	_ =	shalt  }
0x69: {  	_ =	shalt  }
0x6a: {  	_ =	shalt  }
0x6b: {  	_ =	shalt  }
0x6c: {  	_ =	shalt  }
0x6d: {  	_ =	shalt  }
0x6e: {  	_ =	shalt  }
0x6f: {  	_ =	shalt  }
0x70: {  	_ =	shalt  }
0x71: {  	_ =	shalt  }
0x72: {  	_ =	shalt  }
0x73: {  	_ =	shalt  }
0x74: {  	_ =	shalt  }
0x75: {  	_ =	shalt  }
0x76: {  	_ =	shalt  }
0x77: {  	_ =	shalt  }
0x78: {  	_ =	shalt  }
0x79: {  	_ =	shalt  }
0x7a: {  	_ =	shalt  }
0x7b: {  	_ =	shalt  }
0x7c: {  	_ =	shalt  }
0x7d: {  	_ =	shalt  }
0x7e: {  	_ =	shalt  }
0x7f: {  	_ =	shalt  }
0x80: {  	_ =	shalt  }
0x81: {  	_ =	shalt  }
0x82: {  	_ =	shalt  }
0x83: {  	_ =	shalt  }
0x84: {  	_ =	shalt  }
0x85: {  	_ =	shalt  }
0x86: {  	_ =	shalt  }
0x87: {  	_ =	shalt  }
.Lfunc_end0:
.L_simem_size_0:
called_computation_lowered:
.L_overlay_start_0:
0x88: {  	s2 =	sld [smem:$0x3FD9]  }
0x89: {  	s3 =	sld [smem:$0x3FFE];
	_ =	sdelay $0x1  }
0x8a: {  	s1 =	srdreg.scid  }
0x8b: {  	s0 =	sand.u32 $0x1, s1  }
0x8c: {  	s17 =	sshll.u32 s0, $0xA;
	s2 =	sadd.s32 s3, s2  }
0x8d: {  	s2 =	sadd.s32 s2, s17  }
0x8e: {  	[smem:$0x3FC6] =	sst s2  }
0x8f: {  	_ = 	snop  }
0x90: {  	s2 =	sld [smem:$0x3FC9]  }
0x91: {  	s18 =	sld [smem:$0x3FC8];
	(tm) =	ssettm $0x1  }
0x92: {  	s4 =	sld [smem:$0x3FFB];
	_ =	sdelay $0x3  }
0x93: {  	_ =	strace s4  }
0x94: {  	s4 =	sld [smem:$0x3FFC];
	_ =	sdelay $0x3  }
0x95: {  	_ =	strace s4  }
0x96: {  	s4 =	sld [smem:$0x3FFD];
	_ =	sdelay $0x3  }
0x97: {  	_ =	strace s4  }
0x98: {  	_ =	strace $0x8FFFFFFF  }
0x99: {  	s19 =	sld [smem:$0x3FDB];
	_ =	sdelay $0x1  }
0x9a: {  	s5 =	simm.s32 $_scs_section_size  }
0x9b: {  	s6 =	simm.s32 $_size__tile_overlayer_lowered;
	s7 =	simm.s32 $_tile_overlayer_lowered  }
0x9c: {  	s22 =	simm.s32 $0x1BFF;
	s21 =	sshll.u32 s7, $0x1;
	s4 =	sadd.s32 s5, s19  }
0x9d: {  	s8 =	simm.s32 $0x0;
	s20 =	sshll.u32 s6, $0x1;
	s6 =	sadd.s32 s21, s4  }
0x9e: {  	[timem:s8], [sflag:s22] =	dma.local [hbm:s6], s20  }
0x9f: {  	_ =	swait.ge [sflag:s22], s20  }
0xa0: {  	s5 =	ssub.s32 $0x0, s20;
	[sflag:s22] =	ssyncset.done $0x0  }
0xa1: {  	[sflag:s22] =	ssyncadd.s32 s5;
	_ =	sdelay $0x1  }
0xa2: {  	s23 =	simm.s32 $0x1B8B  }
0xa3: {  	_ =	swait.ge [sflag:s23], $0x1  }
0xa4: {  	[sflag:s23] =	ssyncset.done $0x0  }
0xa5: {  	s25 =	simm.s32 $0x1B8E;
	s24 =	sld [smem:$0x3FFE];
	[sflag:s23] =	ssyncadd.s32 $0xFFFFFFFF  }
0xa6: {  	s26 =	simm.s32 $execute0_lowered;
	[smem:$0x3FD2] =	sst s25  }
0xa7: {  	s6 =	sshll.u32 s26, $0x1;
	_ =	strace $0x80000046;
	[dreg:$0x1] =	wrdreg $0xFFFFFFFF  }
0xa8: {  	s28 =	simm.s32 $_size_execute0_lowered;
	s4 =	sadd.s32 s4, s6;
	[dreg:$0x0] =	wrdreg $0x0  }
0xa9: {  	s6 =	sshll.u32 s28, $0x1;
	[dreg:$0x2] =	wrdreg s4  }
0xaa: {  	[dreg:$0x3] =	wrdreg s6  }
0xab: {  	[dreg:$0x4] =	wrdreg $0xC0  }
0xac: {  	_ =	task [dreg:s8], $0x5FFFF  }
0xad: {  	[dreg:$0x1] =	wrdreg $0xFFFFFFFF  }
0xae: {  	[dreg:$0x0] =	wrdreg $0x60  }
0xaf: {  	[dreg:$0x2] =	wrdreg s2  }
0xb0: {  	[dreg:$0x3] =	wrdreg s18  }
0xb1: {  	[dreg:$0x4] =	wrdreg s24  }
0xb2: {  	[dreg:$0x5] =	wrdreg $0x9  }
0xb3: {  	_ =	task.clear_ibuf [dreg:s8], $0x6FFFF;
	_ =	strace $0x90000046  }
0xb4: {  	s29 =	simm.s32 $0x9;
	_ =	strace $0x80000048  }
0xb5: {  	_ =	swait.ge [sflag:s29], $0x1  }
0xb6: {  	[sflag:s29] =	ssyncadd.s32 $0xFFFFFFFF  }
0xb7: {  	_ =	strace $0x90000048  }
0xb8: {  	_ =	sfence  }
0xb9: {  	s30 =	sld [smem:$0x0];
	_ =	sdelay $0x2  }
0xba: {  	s31 =	sshll.u32 s1, $0xD;
	s1 =	sshrl.u32 s1, $0x2  }
0xbb: {  	s3 =	sand.u32 $0x4000, s31;
	s1 =	sadd.s32 s1, s30  }
0xbc: {  	s0 =	sor.u32 s3, s0;
	s1 =	sshll.u32 s1, $0x11  }
0xbd: {  	s0 =	sor.u32 s1, s0  }
0xbe: {  	s0 =	sadd.s32 $0x8F2B, s0  }
0xbf: {  	[sflag:s0] =	ssyncadd.remote.s32 $0x1  }
0xc0: {  	_ =	sfence.sel $0xFFFF  }
0xc1: {  	[dreg:$0x0] =	wrdreg $0xFFFFFFFF;
	(pc) =	sbr.abs _section_cstart, $3  }
0xc2: {  	[dreg:$0x1] =	wrdreg $0xFFFFFFFF  }
0xc3: {  	_ =	task.clear_ibuf [dreg:s8], $0x2FFFF;
	_ =	strace $0x9FFFFFFF  }
0xc4: {  	(tm) =	ssettm $0x7FFFFFFF  }
0xc5: {  	_ =	shalt  }
tec
execute0_lowered:
.L_overlay_start_1:
0x0: {  	(tag) =	ssettag $0x1  }
0x1: {  	s1 =	rddreg [dreg:$0x0]  }
0x2: {  	s0 =	rddreg [dreg:$0x2]  }
0x3: {  	s2 =	srdreg.scid;
	s3 =	stileid.u32  }
0x4: {  	s8 =	simm.s32 $0x0;
	s2 =	sand.u32 $0x1, s2;
	s3 =	sshll.u32 s3, $0x1  }
0x5: {  	s10 =	simm.s32 $0x2;
	[smem:$0x7FF] =	sst s8;
	s3 =	sor.u32 s2, s3  }
0x6: {  	s12 =	simm.s32 $0x1;
	_ =	strace $0x80000047;
	s6 =	smul.u32 $0x12000, s3  }
.Ltmp0:
0x7: {  	s2 =	ssub.s32 $0x2, s2;
	s4 =	sshll.u32 s3, $0xC;
	(pc) =	sbr.rel .LBB2_1-.Ltmp0, $4  }
0x8: {  	s5 =	sshrl.u32 s2, $0x1;
	s0 =	sadd.s32 s4, s0;
	s30 =	sadd.s32 s1, s6  }
0x9: {  	s2 =	ssub.s32 s2, s5;
	s0 =	sadd.s32 $0x800, s0;
	[dreg:$0x4] =	wrdreg s30  }
0xa: {  	s7 =	smul.u32 $0x90000, s3;
	s31 =	smax.u32 s2, $0x1;
	[dreg:$0x5] =	wrdreg s0  }
0xb: {  	v0 =	vimm.f32 $0.0e+00;
	s14 =	simm.s32 $0x0;
	s5 =	smul.u32 $0x120, s3;
	[dreg:$0x6] =	wrdreg s31  }
.LBB2_12:
0xc: {  	s8 =	simm.s32 $0x0;
	s0 =	rddreg [dreg:$0x5];
	s2 =	simm.s32 $0x80  }
0xd: {  	[hbm4b:s0+s8] =	stream.linear.scatter [tilespmem:s2], [sflag:$0x2], $0x8000, $0x38;
	[tilespmem:$0x18080] =	vst v63  }
0xe: {  	_ =	swait.ge [sflag:s10], $0x8000  }
0xf: {  	s14 =	sadd.s32 $0x1, s14;
	s31 =	rddreg [dreg:$0x6]  }
0x10: {  	p0 =	sne.s32 s14, s31  }
.Ltmp1:
0x11: {  	_ = 	snop;
	(pc) =	sbr.rel @!p0 .LBB2_13-.Ltmp1, $3  }
0x12: {  	_ =	sdelay $0x1  }
0x13: {  	[sflag:s10] =	ssyncset.done $0x0  }
0x14: {  	[sflag:s10] =	ssyncadd.s32 $0xFFFF8000  }
.LBB2_1:
0x15: {  	s0 =	rddreg [dreg:$0x1]  }
0x16: {  	[tilespmem:s8], [sflag:$0x2] =	stream.linear.gather [hbm4b:s0+s8], $0x10, $0x38;
	[tilespmem:$0x18080] =	vst v63  }
0x17: {  	_ =	swait.ge [sflag:s10], $0x10  }
0x18: {  	[sflag:s10] =	ssyncset.done $0x0  }
0x19: {  	[sflag:s10] =	ssyncadd.s32 $0xFFFFFFF0  }
0x1a: {  	s2 =	simm.s32 $0x400;
	s0 =	simm.s32 $0x0;
	v1 =	vld [tilespmem:$0x0]  }
.LBB2_2:
0x1b: {  	p0 =	sne.s32 s2, $0x1FC00;
	[tilespmem:s0+$0x170] =	vst v0  }
0x1c: {  	[tilespmem:s0+$0x80] =	vst v0  }
0x1d: {  	[tilespmem:s0+$0x90] =	vst v0  }
0x1e: {  	[tilespmem:s0+$0xA0] =	vst v0  }
0x1f: {  	[tilespmem:s0+$0xB0] =	vst v0  }
0x20: {  	[tilespmem:s0+$0xC0] =	vst v0  }
0x21: {  	[tilespmem:s0+$0xD0] =	vst v0  }
0x22: {  	[tilespmem:s0+$0xE0] =	vst v0  }
0x23: {  	[tilespmem:s0+$0xF0] =	vst v0  }
0x24: {  	[tilespmem:s0+$0x100] =	vst v0  }
0x25: {  	[tilespmem:s0+$0x110] =	vst v0  }
.Ltmp2:
0x26: {  	[tilespmem:s0+$0x120] =	vst v0;
	(pc) =	sbr.rel @p0 .LBB2_2-.Ltmp2, $4  }
0x27: {  	[tilespmem:s0+$0x130] =	vst v0  }
0x28: {  	[tilespmem:s0+$0x140] =	vst v0  }
0x29: {  	[tilespmem:s0+$0x150] =	vst v0  }
0x2a: {  	[tilespmem:s0+$0x160] =	vst v0;
	s0 =	sshra.s32 s2, $0x2;
	s2 =	sadd.s32 $0x400, s2  }
0x2b: {  	(v2sf) =	vpush v1, $0x1;
	[tilespmem:s0+$0x170] =	vst v0  }
0x2c: {  	[tilespmem:s0+$0x80] =	vst v0  }
0x2d: {  	[tilespmem:s0+$0x90] =	vst v0;
	(v2sf) =	vpush v1, $0x2  }
0x2e: {  	[tilespmem:s0+$0xA0] =	vst v0;
	(v2sf) =	vpush v1, $0x3  }
0x2f: {  	[tilespmem:s0+$0xB0] =	vst v0;
	(v2sf) =	vpush v1, $0x4  }
0x30: {  	[tilespmem:s0+$0xC0] =	vst v0;
	(v2sf) =	vpush v1, $0x5  }
0x31: {  	[tilespmem:s0+$0xD0] =	vst v0;
	(v2sf) =	vpush v1, $0x6  }
0x32: {  	[tilespmem:s0+$0xE0] =	vst v0;
	(v2sf) =	vpush v1, $0x7  }
0x33: {  	[tilespmem:s0+$0xF0] =	vst v0;
	(v2sf) =	vpush v1, $0x8  }
0x34: {  	[tilespmem:s0+$0x100] =	vst v0;
	(v2sf) =	vpush v1, $0x9  }
0x35: {  	[tilespmem:s0+$0x110] =	vst v0;
	(v2sf) =	vpush v1, $0xA  }
0x36: {  	[tilespmem:s0+$0x120] =	vst v0;
	(v2sf) =	vpush v1, $0xB  }
0x37: {  	[tilespmem:s0+$0x130] =	vst v0;
	(v2sf) =	vpush v1, $0xC  }
0x38: {  	[tilespmem:s0+$0x140] =	vst v0;
	(v2sf) =	vpush v1, $0xD  }
0x39: {  	[tilespmem:s0+$0x150] =	vst v0;
	s29 =	simm.s32 $0x0;
	(v2sf) =	vpush v1, $0xE  }
0x3a: {  	[tilespmem:s0+$0x160] =	vst v0;
	s13 =	rddreg [dreg:$0x4];
	s2 =	simm.s32 $0x8080;
	s15 =	spop (v2sf);
	(v2sf) =	vpush v1, $0xF  }
0x3b: {  	[tilespmem:s2], [sflag:$0x1] =	stream.linear.gather [hbm4b:s13+s29], $0x8000, $0x38;
	[tilespmem:$0x18080] =	vst v63  }
0x3c: {  	s16 =	spop (v2sf)  }
0x3d: {  	s17 =	spop (v2sf)  }
0x3e: {  	s18 =	spop (v2sf)  }
0x3f: {  	s19 =	spop (v2sf)  }
0x40: {  	s20 =	spop (v2sf)  }
0x41: {  	s21 =	spop (v2sf)  }
0x42: {  	s22 =	spop (v2sf)  }
0x43: {  	s23 =	spop (v2sf)  }
0x44: {  	s24 =	spop (v2sf)  }
.Ltmp3:
0x45: {  	s25 =	spop (v2sf);
	(pc) =	sbr.rel .LBB2_4-.Ltmp3, $4  }
0x46: {  	s26 =	spop (v2sf)  }
0x47: {  	s28 =	spop (v2sf)  }
0x48: {  	s30 =	spop (v2sf)  }
0x49: {  	p0 =	por $0x0, $0x0;
	s31 =	spop (v2sf)  }
.LBB2_11:
0x4a: {  	p1 =	sne.s32 s29, $0x12  }
.Ltmp4:
0x4b: {  	_ = 	snop;
	(pc) =	sbr.rel @!p1 .LBB2_12-.Ltmp4, $2  }
0x4c: {  	_ =	sdelay $0x2  }
0x4d: {  	p0 =	por !p0, !p0  }
.LBB2_4:
0x4e: {  	s0 =	smov.u32 s29;
	s29 =	sadd.s32 $0x1, s29  }
0x4f: {  	s6 =	simm.s32 $0x1;
	s11 =	simm.s32 $0x1;
	p1 =	seq.s32 s0, $0x11  }
0x50: {  	s13 =	simm.s32 $0x1;
	s0 =	sshll.u32 s0, $0x4;
	s2 =	sshll.u32 @!p1 s29, $0xF  }
0x51: {  	s4 =	simm.s32 @!p1 $0x0;
	s0 =	sadd.s32 s5, s0;
	s3 =	sadd.s32 @!p1 s7, s2  }
0x52: {  	s2 =	sand.u32 @!p1 $0x8000, s2;
	s8 =	sor.u32 $0xF, s0;
	s3 =	sshrl.u32 @!p1 s3, $0x3  }
0x53: {  	s2 =	sadd.s32 @!p1 $0x8080, s2;
	p2 =	sle.s32 s15, s8;
	s3 =	sadd.s32 @!p1 s1, s3  }
0x54: {  	[tilespmem:s2], [sflag:$0x1] =	stream.linear.gather @!p1 [hbm4b:s3+s4], $0x8000, $0x38;
	[tilespmem:$0x18080] =	vst v63  }
0x55: {  	s6 =	simm.s32 @!p2 $0x0;
	p1 =	sle.s32 s15, s0;
	s2 =	simm.s32 $0x1  }
0x56: {  	s3 =	simm.s32 $0x1;
	s2 =	simm.s32 @!p1 $0x0;
	p1 =	sle.s32 s16, s0  }
0x57: {  	s4 =	simm.s32 $0x1;
	s3 =	simm.s32 @!p1 $0x0;
	p1 =	sle.s32 s17, s0  }
0x58: {  	p2 =	sle.s32 s16, s8;
	s2 =	sadd.s32 s3, s2;
	s4 =	simm.s32 @!p1 $0x0  }
0x59: {  	p1 =	sle.s32 s18, s0;
	s3 =	simm.s32 $0x1;
	s2 =	sadd.s32 s4, s2  }
0x5a: {  	s3 =	simm.s32 @!p1 $0x0;
	p1 =	sle.s32 s19, s0;
	s4 =	simm.s32 $0x1  }
0x5b: {  	s11 =	simm.s32 @!p2 $0x0;
	s2 =	sadd.s32 s3, s2;
	s4 =	simm.s32 @!p1 $0x0  }
0x5c: {  	p1 =	sle.s32 s20, s0;
	s3 =	simm.s32 $0x1;
	s2 =	sadd.s32 s4, s2  }
0x5d: {  	s3 =	simm.s32 @!p1 $0x0;
	p1 =	sle.s32 s21, s0;
	s4 =	simm.s32 $0x1  }
0x5e: {  	p2 =	sle.s32 s17, s8;
	s2 =	sadd.s32 s3, s2;
	s4 =	simm.s32 @!p1 $0x0  }
0x5f: {  	p1 =	sle.s32 s22, s0;
	s3 =	simm.s32 $0x1;
	s2 =	sadd.s32 s4, s2  }
0x60: {  	s3 =	simm.s32 @!p1 $0x0;
	p1 =	sle.s32 s23, s0;
	s4 =	simm.s32 $0x1  }
0x61: {  	s6 =	sadd.s32 s11, s6;
	s2 =	sadd.s32 s3, s2;
	s4 =	simm.s32 @!p1 $0x0  }
0x62: {  	p1 =	sle.s32 s24, s0;
	s3 =	simm.s32 $0x1;
	s2 =	sadd.s32 s4, s2  }
0x63: {  	s3 =	simm.s32 @!p1 $0x0;
	p1 =	sle.s32 s25, s0;
	s4 =	simm.s32 $0x1  }
0x64: {  	s13 =	simm.s32 @!p2 $0x0;
	s2 =	sadd.s32 s3, s2;
	s4 =	simm.s32 @!p1 $0x0  }
0x65: {  	p1 =	sle.s32 s26, s0;
	s3 =	simm.s32 $0x1;
	s2 =	sadd.s32 s4, s2  }
0x66: {  	s3 =	simm.s32 @!p1 $0x0;
	p1 =	sle.s32 s28, s0;
	s4 =	simm.s32 $0x1  }
0x67: {  	s11 =	simm.s32 $0x1;
	s2 =	sadd.s32 s3, s2;
	s4 =	simm.s32 @!p1 $0x0  }
0x68: {  	p1 =	sle.s32 s30, s0;
	s2 =	sadd.s32 s4, s2;
	s4 =	simm.s32 $0x1  }
0x69: {  	p2 =	sle.s32 s21, s8;
	s4 =	simm.s32 @!p1 $0x0;
	p1 =	sle.s32 s18, s8  }
0x6a: {  	s6 =	sadd.s32 s13, s6;
	s13 =	simm.s32 $0x1;
	s11 =	simm.s32 @!p1 $0x0  }
0x6b: {  	p1 =	sle.s32 s19, s8;
	s2 =	sadd.s32 s4, s2;
	s9 =	sadd.s32 s11, s6  }
0x6c: {  	s13 =	simm.s32 @!p1 $0x0;
	p1 =	sle.s32 s20, s8;
	s6 =	simm.s32 $0x1  }
0x6d: {  	s11 =	simm.s32 $0x1;
	s4 =	sadd.s32 s13, s9;
	s6 =	simm.s32 @!p1 $0x0  }
0x6e: {  	p1 =	sle.s32 s31, s0;
	s11 =	simm.s32 @!p2 $0x0;
	s4 =	sadd.s32 s6, s4  }
0x6f: {  	p2 =	sle.s32 s22, s8;
	s6 =	simm.s32 $0x1;
	s4 =	sadd.s32 s11, s4  }
0x70: {  	s6 =	simm.s32 @!p2 $0x0;
	p2 =	sle.s32 s23, s8;
	s11 =	simm.s32 $0x1  }
0x71: {  	s13 =	simm.s32 $0x1;
	s4 =	sadd.s32 s6, s4;
	s11 =	simm.s32 @!p2 $0x0  }
0x72: {  	p2 =	sle.s32 s24, s8;
	s6 =	simm.s32 $0x1;
	s4 =	sadd.s32 s11, s4  }
0x73: {  	s6 =	simm.s32 @!p2 $0x0;
	p2 =	sle.s32 s25, s8;
	s11 =	simm.s32 $0x1  }
0x74: {  	s13 =	simm.s32 @!p1 $0x0;
	s4 =	sadd.s32 s6, s4;
	s11 =	simm.s32 @!p2 $0x0  }
0x75: {  	p1 =	sle.s32 s26, s8;
	s6 =	simm.s32 $0x1;
	s4 =	sadd.s32 s11, s4  }
0x76: {  	s6 =	simm.s32 @!p1 $0x0;
	p1 =	sle.s32 s28, s8;
	s11 =	simm.s32 $0x1  }
0x77: {  	s4 =	sadd.s32 s6, s4;
	s11 =	simm.s32 @!p1 $0x0  }
0x78: {  	p1 =	sle.s32 s30, s8;
	s4 =	sadd.s32 s11, s4;
	s11 =	simm.s32 $0x1  }
0x79: {  	s11 =	simm.s32 @!p1 $0x0;
	p1 =	sle.s32 s31, s8;
	s8 =	simm.s32 $0x1  }
0x7a: {  	s4 =	sadd.s32 s11, s4;
	s8 =	simm.s32 @!p1 $0x0  }
0x7b: {  	s3 =	sadd.s32 s13, s2;
	s11 =	sadd.s32 s8, s4  }
0x7c: {  	p1 =	seq.s32 s3, s11  }
.Ltmp5:
0x7d: {  	_ = 	snop;
	(pc) =	sbr.rel @!p1 .LBB2_5-.Ltmp5, $4  }
0x7e: {  	s6 =	simm.s32 $0x1  }
0x7f: {  	_ =	swait.ge [sflag:s12], $0x8000;
	s6 =	simm.s32 @!p0 $0x0  }
0x80: {  	[sflag:s12] =	ssyncset.done $0x0;
	s13 =	sshll.u32 s6, $0x11  }
0x81: {  	[sflag:s12] =	ssyncadd.s32 $0xFFFF8000;
	s2 =	sshrl.u32 s13, $0x2  }
0x82: {  	s0 =	sshll.u32 s3, $0xB;
	s13 =	sshll.u32 s3, $0x7;
	s2 =	sadd.s32 $0x8080, s2  }
0x83: {  	s0 =	sand.u32 $0x7FFFC000, s0;
	s3 =	sand.u32 $0x380, s13;
	v2 =	vmov s2  }
0x84: {  	s0 =	sor.u32 s3, s0  }
0x85: {  	s3 =	sadd.s32 $0x80, s0  }
0x86: {  	s0 =	simm.s32 $0x0;
	v1 =	vmov s3  }
.LBB2_10:
0x87: {  	s3 =	sshra.s32 s0, $0x2  }
0x88: {  	v3 =	vld.idx.msk [tilespmem:v2+s3+$0x0 ss:$0x1], $0xffff  }
0x89: {  	v4 =	vld.idx.msk [tilespmem:v2+s3+$0x80 ss:$0x1], $0xffff  }
0x8a: {  	v5 =	vld.idx.msk [tilespmem:v2+s3+$0x100 ss:$0x1], $0xffff  }
0x8b: {  	v6 =	vld.idx.msk [tilespmem:v2+s3+$0x180 ss:$0x1], $0xffff  }
0x8c: {  	v7 =	vld.idx.msk [tilespmem:v2+s3+$0x200 ss:$0x1], $0xffff  }
0x8d: {  	v8 =	vld.idx.msk [tilespmem:v2+s3+$0x280 ss:$0x1], $0xffff  }
0x8e: {  	v9 =	vld.idx.msk [tilespmem:v2+s3+$0x300 ss:$0x1], $0xffff  }
0x8f: {  	v10 =	vld.idx.msk [tilespmem:v2+s3+$0x380 ss:$0x1], $0xffff  }
0x90: {  	v11 =	vld.idx.msk [tilespmem:v2+s3+$0x4000 ss:$0x1], $0xffff  }
0x91: {  	v12 =	vld.idx.msk [tilespmem:v2+s3+$0x4080 ss:$0x1], $0xffff  }
0x92: {  	v13 =	vld.idx.msk [tilespmem:v2+s3+$0x4100 ss:$0x1], $0xffff  }
0x93: {  	v14 =	vld.idx.msk [tilespmem:v2+s3+$0x4180 ss:$0x1], $0xffff  }
0x94: {  	v15 =	vld.idx.msk [tilespmem:v2+s3+$0x4200 ss:$0x1], $0xffff  }
0x95: {  	v16 =	vld.idx.msk [tilespmem:v2+s3+$0x4280 ss:$0x1], $0xffff  }
0x96: {  	v17 =	vld.idx.msk [tilespmem:v2+s3+$0x4300 ss:$0x1], $0xffff  }
0x97: {  	v18 =	vld.idx.msk [tilespmem:v2+s3+$0x4380 ss:$0x1], $0xffff;
	_ =	sdelay $0x1  }
0x98: {  	v3 =	vadd.f32 v4, v3;
	v39 =	vadd.f32 v6, v5  }
0x99: {  	v40 =	vadd.f32 v8, v7;
	v41 =	vadd.f32 v10, v9  }
0x9a: {  	v42 =	vadd.f32 v12, v11;
	v43 =	vadd.f32 v14, v13  }
0x9b: {  	v44 =	vadd.f32 v16, v15;
	v45 =	vadd.f32 v18, v17  }
0x9c: {  	v3 =	vadd.f32 v39, v3;
	v46 =	vadd.f32 v41, v40  }
0x9d: {  	v47 =	vadd.f32 v43, v42;
	v48 =	vadd.f32 v45, v44  }
0x9e: {  	v49 =	vld.idx.msk [tilespmem:v1+s3+$0x0 ss:$0x1], $0xffff  }
0x9f: {  	v3 =	vadd.f32 v46, v3;
	v50 =	vadd.f32 v48, v47;
	_ =	sdelay $0x1  }
0xa0: {  	v3 =	vadd.f32 v50, v3;
	_ =	sdelay $0x1  }
0xa1: {  	v3 =	vadd.f32 v3, v49;
	_ =	sdelay $0x1  }
0xa2: {  	[tilespmem:v1+s3+$0x0 ss:$0x1] =	vst.idx.msk $0xffff, v3  }
0xa3: {  	v3 =	vld.idx.msk [tilespmem:v2+s3+$0x10 ss:$0x1], $0xffff  }
0xa4: {  	v51 =	vld.idx.msk [tilespmem:v2+s3+$0x90 ss:$0x1], $0xffff  }
0xa5: {  	v52 =	vld.idx.msk [tilespmem:v2+s3+$0x110 ss:$0x1], $0xffff  }
0xa6: {  	v53 =	vld.idx.msk [tilespmem:v2+s3+$0x190 ss:$0x1], $0xffff  }
0xa7: {  	v54 =	vld.idx.msk [tilespmem:v2+s3+$0x210 ss:$0x1], $0xffff  }
0xa8: {  	v55 =	vld.idx.msk [tilespmem:v2+s3+$0x290 ss:$0x1], $0xffff  }
0xa9: {  	v56 =	vld.idx.msk [tilespmem:v2+s3+$0x310 ss:$0x1], $0xffff  }
0xaa: {  	v57 =	vld.idx.msk [tilespmem:v2+s3+$0x390 ss:$0x1], $0xffff  }
0xab: {  	v58 =	vld.idx.msk [tilespmem:v2+s3+$0x4010 ss:$0x1], $0xffff  }
0xac: {  	v59 =	vld.idx.msk [tilespmem:v2+s3+$0x4090 ss:$0x1], $0xffff  }
0xad: {  	v60 =	vld.idx.msk [tilespmem:v2+s3+$0x4110 ss:$0x1], $0xffff  }
0xae: {  	v61 =	vld.idx.msk [tilespmem:v2+s3+$0x4190 ss:$0x1], $0xffff  }
0xaf: {  	v62 =	vld.idx.msk [tilespmem:v2+s3+$0x4210 ss:$0x1], $0xffff  }
0xb0: {  	v63 =	vld.idx.msk [tilespmem:v2+s3+$0x4290 ss:$0x1], $0xffff  }
0xb1: {  	v21 =	vld.idx.msk [tilespmem:v2+s3+$0x4310 ss:$0x1], $0xffff  }
0xb2: {  	v22 =	vld.idx.msk [tilespmem:v2+s3+$0x4390 ss:$0x1], $0xffff;
	_ =	sdelay $0x1  }
0xb3: {  	v3 =	vadd.f32 v51, v3;
	v23 =	vadd.f32 v53, v52  }
0xb4: {  	v24 =	vadd.f32 v55, v54;
	v25 =	vadd.f32 v57, v56  }
0xb5: {  	v26 =	vadd.f32 v59, v58;
	v27 =	vadd.f32 v61, v60  }
0xb6: {  	v28 =	vadd.f32 v63, v62;
	v29 =	vadd.f32 v22, v21  }
0xb7: {  	v3 =	vadd.f32 v23, v3;
	v30 =	vadd.f32 v25, v24  }
0xb8: {  	v31 =	vadd.f32 v27, v26;
	v32 =	vadd.f32 v29, v28  }
0xb9: {  	v33 =	vld.idx.msk [tilespmem:v1+s3+$0x10 ss:$0x1], $0xffff  }
0xba: {  	v3 =	vadd.f32 v30, v3;
	v34 =	vadd.f32 v32, v31;
	_ =	sdelay $0x1  }
0xbb: {  	v3 =	vadd.f32 v34, v3;
	_ =	sdelay $0x1  }
0xbc: {  	v3 =	vadd.f32 v3, v33;
	_ =	sdelay $0x1  }
0xbd: {  	[tilespmem:v1+s3+$0x10 ss:$0x1] =	vst.idx.msk $0xffff, v3  }
0xbe: {  	v3 =	vld.idx.msk [tilespmem:v2+s3+$0x20 ss:$0x1], $0xffff  }
0xbf: {  	v35 =	vld.idx.msk [tilespmem:v2+s3+$0xA0 ss:$0x1], $0xffff  }
0xc0: {  	v36 =	vld.idx.msk [tilespmem:v2+s3+$0x120 ss:$0x1], $0xffff  }
0xc1: {  	v37 =	vld.idx.msk [tilespmem:v2+s3+$0x1A0 ss:$0x1], $0xffff  }
0xc2: {  	v38 =	vld.idx.msk [tilespmem:v2+s3+$0x220 ss:$0x1], $0xffff  }
0xc3: {  	v39 =	vld.idx.msk [tilespmem:v2+s3+$0x2A0 ss:$0x1], $0xffff  }
0xc4: {  	v40 =	vld.idx.msk [tilespmem:v2+s3+$0x320 ss:$0x1], $0xffff  }
0xc5: {  	v41 =	vld.idx.msk [tilespmem:v2+s3+$0x3A0 ss:$0x1], $0xffff  }
0xc6: {  	v42 =	vld.idx.msk [tilespmem:v2+s3+$0x4020 ss:$0x1], $0xffff  }
0xc7: {  	v43 =	vld.idx.msk [tilespmem:v2+s3+$0x40A0 ss:$0x1], $0xffff  }
0xc8: {  	v44 =	vld.idx.msk [tilespmem:v2+s3+$0x4120 ss:$0x1], $0xffff  }
0xc9: {  	v45 =	vld.idx.msk [tilespmem:v2+s3+$0x41A0 ss:$0x1], $0xffff  }
0xca: {  	v46 =	vld.idx.msk [tilespmem:v2+s3+$0x4220 ss:$0x1], $0xffff  }
0xcb: {  	v47 =	vld.idx.msk [tilespmem:v2+s3+$0x42A0 ss:$0x1], $0xffff  }
0xcc: {  	v48 =	vld.idx.msk [tilespmem:v2+s3+$0x4320 ss:$0x1], $0xffff  }
0xcd: {  	v49 =	vld.idx.msk [tilespmem:v2+s3+$0x43A0 ss:$0x1], $0xffff;
	_ =	sdelay $0x1  }
0xce: {  	v3 =	vadd.f32 v35, v3;
	v50 =	vadd.f32 v37, v36  }
0xcf: {  	v51 =	vadd.f32 v39, v38;
	v52 =	vadd.f32 v41, v40  }
0xd0: {  	v53 =	vadd.f32 v43, v42;
	v54 =	vadd.f32 v45, v44  }
0xd1: {  	v55 =	vadd.f32 v47, v46;
	v56 =	vadd.f32 v49, v48  }
0xd2: {  	v3 =	vadd.f32 v50, v3;
	v57 =	vadd.f32 v52, v51  }
0xd3: {  	v58 =	vadd.f32 v54, v53;
	v59 =	vadd.f32 v56, v55  }
0xd4: {  	v60 =	vld.idx.msk [tilespmem:v1+s3+$0x20 ss:$0x1], $0xffff  }
0xd5: {  	v3 =	vadd.f32 v57, v3;
	v61 =	vadd.f32 v59, v58;
	_ =	sdelay $0x1  }
0xd6: {  	v3 =	vadd.f32 v61, v3;
	_ =	sdelay $0x1  }
0xd7: {  	v3 =	vadd.f32 v3, v60;
	_ =	sdelay $0x1  }
0xd8: {  	[tilespmem:v1+s3+$0x20 ss:$0x1] =	vst.idx.msk $0xffff, v3  }
0xd9: {  	v3 =	vld.idx.msk [tilespmem:v2+s3+$0x30 ss:$0x1], $0xffff  }
0xda: {  	v62 =	vld.idx.msk [tilespmem:v2+s3+$0xB0 ss:$0x1], $0xffff  }
0xdb: {  	v63 =	vld.idx.msk [tilespmem:v2+s3+$0x130 ss:$0x1], $0xffff  }
0xdc: {  	v21 =	vld.idx.msk [tilespmem:v2+s3+$0x1B0 ss:$0x1], $0xffff  }
0xdd: {  	v22 =	vld.idx.msk [tilespmem:v2+s3+$0x230 ss:$0x1], $0xffff  }
0xde: {  	v23 =	vld.idx.msk [tilespmem:v2+s3+$0x2B0 ss:$0x1], $0xffff  }
0xdf: {  	v24 =	vld.idx.msk [tilespmem:v2+s3+$0x330 ss:$0x1], $0xffff  }
0xe0: {  	v25 =	vld.idx.msk [tilespmem:v2+s3+$0x3B0 ss:$0x1], $0xffff  }
0xe1: {  	v26 =	vld.idx.msk [tilespmem:v2+s3+$0x4030 ss:$0x1], $0xffff  }
0xe2: {  	v27 =	vld.idx.msk [tilespmem:v2+s3+$0x40B0 ss:$0x1], $0xffff  }
0xe3: {  	v28 =	vld.idx.msk [tilespmem:v2+s3+$0x4130 ss:$0x1], $0xffff  }
0xe4: {  	v29 =	vld.idx.msk [tilespmem:v2+s3+$0x41B0 ss:$0x1], $0xffff  }
0xe5: {  	v30 =	vld.idx.msk [tilespmem:v2+s3+$0x4230 ss:$0x1], $0xffff  }
0xe6: {  	v31 =	vld.idx.msk [tilespmem:v2+s3+$0x42B0 ss:$0x1], $0xffff  }
0xe7: {  	v32 =	vld.idx.msk [tilespmem:v2+s3+$0x4330 ss:$0x1], $0xffff  }
0xe8: {  	v33 =	vld.idx.msk [tilespmem:v2+s3+$0x43B0 ss:$0x1], $0xffff;
	_ =	sdelay $0x1  }
0xe9: {  	v3 =	vadd.f32 v62, v3;
	v34 =	vadd.f32 v21, v63  }
0xea: {  	v35 =	vadd.f32 v23, v22;
	v36 =	vadd.f32 v25, v24  }
0xeb: {  	v37 =	vadd.f32 v27, v26;
	v38 =	vadd.f32 v29, v28  }
0xec: {  	v39 =	vadd.f32 v31, v30;
	v40 =	vadd.f32 v33, v32  }
0xed: {  	v3 =	vadd.f32 v34, v3;
	v41 =	vadd.f32 v36, v35  }
0xee: {  	v42 =	vadd.f32 v38, v37;
	v43 =	vadd.f32 v40, v39  }
0xef: {  	v44 =	vld.idx.msk [tilespmem:v1+s3+$0x30 ss:$0x1], $0xffff  }
0xf0: {  	v3 =	vadd.f32 v41, v3;
	v45 =	vadd.f32 v43, v42;
	_ =	sdelay $0x1  }
0xf1: {  	v3 =	vadd.f32 v45, v3;
	_ =	sdelay $0x1  }
0xf2: {  	v3 =	vadd.f32 v3, v44;
	_ =	sdelay $0x1  }
0xf3: {  	[tilespmem:v1+s3+$0x30 ss:$0x1] =	vst.idx.msk $0xffff, v3  }
0xf4: {  	v3 =	vld.idx.msk [tilespmem:v2+s3+$0x40 ss:$0x1], $0xffff  }
0xf5: {  	v46 =	vld.idx.msk [tilespmem:v2+s3+$0xC0 ss:$0x1], $0xffff  }
0xf6: {  	v47 =	vld.idx.msk [tilespmem:v2+s3+$0x140 ss:$0x1], $0xffff  }
0xf7: {  	v48 =	vld.idx.msk [tilespmem:v2+s3+$0x1C0 ss:$0x1], $0xffff  }
0xf8: {  	v49 =	vld.idx.msk [tilespmem:v2+s3+$0x240 ss:$0x1], $0xffff  }
0xf9: {  	v50 =	vld.idx.msk [tilespmem:v2+s3+$0x2C0 ss:$0x1], $0xffff  }
0xfa: {  	v51 =	vld.idx.msk [tilespmem:v2+s3+$0x340 ss:$0x1], $0xffff  }
0xfb: {  	v52 =	vld.idx.msk [tilespmem:v2+s3+$0x3C0 ss:$0x1], $0xffff  }
0xfc: {  	v53 =	vld.idx.msk [tilespmem:v2+s3+$0x4040 ss:$0x1], $0xffff  }
0xfd: {  	v54 =	vld.idx.msk [tilespmem:v2+s3+$0x40C0 ss:$0x1], $0xffff  }
0xfe: {  	v55 =	vld.idx.msk [tilespmem:v2+s3+$0x4140 ss:$0x1], $0xffff  }
0xff: {  	v56 =	vld.idx.msk [tilespmem:v2+s3+$0x41C0 ss:$0x1], $0xffff  }
0x100: {  	v57 =	vld.idx.msk [tilespmem:v2+s3+$0x4240 ss:$0x1], $0xffff  }
0x101: {  	v58 =	vld.idx.msk [tilespmem:v2+s3+$0x42C0 ss:$0x1], $0xffff  }
0x102: {  	v59 =	vld.idx.msk [tilespmem:v2+s3+$0x4340 ss:$0x1], $0xffff  }
0x103: {  	v60 =	vld.idx.msk [tilespmem:v2+s3+$0x43C0 ss:$0x1], $0xffff;
	_ =	sdelay $0x1  }
0x104: {  	v3 =	vadd.f32 v46, v3;
	v61 =	vadd.f32 v48, v47  }
0x105: {  	v62 =	vadd.f32 v50, v49;
	v63 =	vadd.f32 v52, v51  }
0x106: {  	v12 =	vadd.f32 v54, v53;
	v14 =	vadd.f32 v56, v55  }
0x107: {  	v19 =	vadd.f32 v58, v57;
	v20 =	vadd.f32 v60, v59  }
0x108: {  	v3 =	vadd.f32 v61, v3;
	v21 =	vadd.f32 v63, v62  }
0x109: {  	v22 =	vadd.f32 v14, v12;
	v23 =	vadd.f32 v20, v19  }
0x10a: {  	v24 =	vld.idx.msk [tilespmem:v1+s3+$0x40 ss:$0x1], $0xffff  }
0x10b: {  	v3 =	vadd.f32 v21, v3;
	v25 =	vadd.f32 v23, v22;
	_ =	sdelay $0x1  }
0x10c: {  	v3 =	vadd.f32 v25, v3;
	_ =	sdelay $0x1  }
0x10d: {  	v3 =	vadd.f32 v3, v24;
	_ =	sdelay $0x1  }
0x10e: {  	[tilespmem:v1+s3+$0x40 ss:$0x1] =	vst.idx.msk $0xffff, v3  }
0x10f: {  	v3 =	vld.idx.msk [tilespmem:v2+s3+$0x50 ss:$0x1], $0xffff  }
0x110: {  	v26 =	vld.idx.msk [tilespmem:v2+s3+$0xD0 ss:$0x1], $0xffff  }
0x111: {  	v27 =	vld.idx.msk [tilespmem:v2+s3+$0x150 ss:$0x1], $0xffff  }
0x112: {  	v28 =	vld.idx.msk [tilespmem:v2+s3+$0x1D0 ss:$0x1], $0xffff  }
0x113: {  	v29 =	vld.idx.msk [tilespmem:v2+s3+$0x250 ss:$0x1], $0xffff  }
0x114: {  	v30 =	vld.idx.msk [tilespmem:v2+s3+$0x2D0 ss:$0x1], $0xffff  }
0x115: {  	v31 =	vld.idx.msk [tilespmem:v2+s3+$0x350 ss:$0x1], $0xffff  }
0x116: {  	v32 =	vld.idx.msk [tilespmem:v2+s3+$0x3D0 ss:$0x1], $0xffff  }
0x117: {  	v33 =	vld.idx.msk [tilespmem:v2+s3+$0x4050 ss:$0x1], $0xffff  }
0x118: {  	v34 =	vld.idx.msk [tilespmem:v2+s3+$0x40D0 ss:$0x1], $0xffff  }
0x119: {  	v35 =	vld.idx.msk [tilespmem:v2+s3+$0x4150 ss:$0x1], $0xffff  }
0x11a: {  	v36 =	vld.idx.msk [tilespmem:v2+s3+$0x41D0 ss:$0x1], $0xffff  }
0x11b: {  	v37 =	vld.idx.msk [tilespmem:v2+s3+$0x4250 ss:$0x1], $0xffff  }
0x11c: {  	v38 =	vld.idx.msk [tilespmem:v2+s3+$0x42D0 ss:$0x1], $0xffff  }
0x11d: {  	v39 =	vld.idx.msk [tilespmem:v2+s3+$0x4350 ss:$0x1], $0xffff  }
0x11e: {  	v40 =	vld.idx.msk [tilespmem:v2+s3+$0x43D0 ss:$0x1], $0xffff;
	_ =	sdelay $0x1  }
0x11f: {  	v3 =	vadd.f32 v26, v3;
	v41 =	vadd.f32 v28, v27  }
0x120: {  	v42 =	vadd.f32 v30, v29;
	v43 =	vadd.f32 v32, v31  }
0x121: {  	v44 =	vadd.f32 v34, v33;
	v45 =	vadd.f32 v36, v35  }
0x122: {  	v46 =	vadd.f32 v38, v37;
	v47 =	vadd.f32 v40, v39  }
0x123: {  	v3 =	vadd.f32 v41, v3;
	v48 =	vadd.f32 v43, v42  }
0x124: {  	v49 =	vadd.f32 v45, v44;
	v50 =	vadd.f32 v47, v46  }
0x125: {  	v51 =	vld.idx.msk [tilespmem:v1+s3+$0x50 ss:$0x1], $0xffff  }
0x126: {  	v3 =	vadd.f32 v48, v3;
	v52 =	vadd.f32 v50, v49;
	_ =	sdelay $0x1  }
0x127: {  	v3 =	vadd.f32 v52, v3;
	_ =	sdelay $0x1  }
0x128: {  	v3 =	vadd.f32 v3, v51;
	_ =	sdelay $0x1  }
0x129: {  	[tilespmem:v1+s3+$0x50 ss:$0x1] =	vst.idx.msk $0xffff, v3  }
0x12a: {  	v3 =	vld.idx.msk [tilespmem:v2+s3+$0x60 ss:$0x1], $0xffff  }
0x12b: {  	v53 =	vld.idx.msk [tilespmem:v2+s3+$0xE0 ss:$0x1], $0xffff  }
0x12c: {  	v54 =	vld.idx.msk [tilespmem:v2+s3+$0x160 ss:$0x1], $0xffff  }
0x12d: {  	v55 =	vld.idx.msk [tilespmem:v2+s3+$0x1E0 ss:$0x1], $0xffff  }
0x12e: {  	v56 =	vld.idx.msk [tilespmem:v2+s3+$0x260 ss:$0x1], $0xffff  }
0x12f: {  	v57 =	vld.idx.msk [tilespmem:v2+s3+$0x2E0 ss:$0x1], $0xffff  }
0x130: {  	v58 =	vld.idx.msk [tilespmem:v2+s3+$0x360 ss:$0x1], $0xffff  }
0x131: {  	v59 =	vld.idx.msk [tilespmem:v2+s3+$0x3E0 ss:$0x1], $0xffff  }
0x132: {  	v60 =	vld.idx.msk [tilespmem:v2+s3+$0x4060 ss:$0x1], $0xffff  }
0x133: {  	v61 =	vld.idx.msk [tilespmem:v2+s3+$0x40E0 ss:$0x1], $0xffff  }
0x134: {  	v62 =	vld.idx.msk [tilespmem:v2+s3+$0x4160 ss:$0x1], $0xffff  }
0x135: {  	v63 =	vld.idx.msk [tilespmem:v2+s3+$0x41E0 ss:$0x1], $0xffff  }
0x136: {  	v21 =	vld.idx.msk [tilespmem:v2+s3+$0x4260 ss:$0x1], $0xffff  }
0x137: {  	v22 =	vld.idx.msk [tilespmem:v2+s3+$0x42E0 ss:$0x1], $0xffff  }
0x138: {  	v23 =	vld.idx.msk [tilespmem:v2+s3+$0x4360 ss:$0x1], $0xffff  }
0x139: {  	v24 =	vld.idx.msk [tilespmem:v2+s3+$0x43E0 ss:$0x1], $0xffff;
	_ =	sdelay $0x1  }
0x13a: {  	v3 =	vadd.f32 v53, v3;
	v25 =	vadd.f32 v55, v54  }
0x13b: {  	v26 =	vadd.f32 v57, v56;
	v27 =	vadd.f32 v59, v58  }
0x13c: {  	v28 =	vadd.f32 v61, v60;
	v29 =	vadd.f32 v63, v62  }
0x13d: {  	v30 =	vadd.f32 v22, v21;
	v31 =	vadd.f32 v24, v23  }
0x13e: {  	v3 =	vadd.f32 v25, v3;
	v32 =	vadd.f32 v27, v26  }
0x13f: {  	v33 =	vadd.f32 v29, v28;
	v34 =	vadd.f32 v31, v30  }
0x140: {  	v35 =	vld.idx.msk [tilespmem:v1+s3+$0x60 ss:$0x1], $0xffff  }
0x141: {  	v3 =	vadd.f32 v32, v3;
	v36 =	vadd.f32 v34, v33;
	_ =	sdelay $0x1  }
0x142: {  	v3 =	vadd.f32 v36, v3;
	_ =	sdelay $0x1  }
0x143: {  	v3 =	vadd.f32 v3, v35;
	_ =	sdelay $0x1  }
0x144: {  	[tilespmem:v1+s3+$0x60 ss:$0x1] =	vst.idx.msk $0xffff, v3  }
0x145: {  	v3 =	vld.idx.msk [tilespmem:v2+s3+$0x70 ss:$0x1], $0xffff  }
0x146: {  	v37 =	vld.idx.msk [tilespmem:v2+s3+$0xF0 ss:$0x1], $0xffff  }
0x147: {  	v38 =	vld.idx.msk [tilespmem:v2+s3+$0x170 ss:$0x1], $0xffff  }
0x148: {  	v39 =	vld.idx.msk [tilespmem:v2+s3+$0x1F0 ss:$0x1], $0xffff  }
0x149: {  	v40 =	vld.idx.msk [tilespmem:v2+s3+$0x270 ss:$0x1], $0xffff  }
0x14a: {  	v41 =	vld.idx.msk [tilespmem:v2+s3+$0x2F0 ss:$0x1], $0xffff  }
0x14b: {  	v42 =	vld.idx.msk [tilespmem:v2+s3+$0x370 ss:$0x1], $0xffff  }
0x14c: {  	v43 =	vld.idx.msk [tilespmem:v2+s3+$0x3F0 ss:$0x1], $0xffff  }
0x14d: {  	v44 =	vld.idx.msk [tilespmem:v2+s3+$0x4070 ss:$0x1], $0xffff  }
0x14e: {  	v45 =	vld.idx.msk [tilespmem:v2+s3+$0x40F0 ss:$0x1], $0xffff  }
0x14f: {  	v46 =	vld.idx.msk [tilespmem:v2+s3+$0x4170 ss:$0x1], $0xffff  }
0x150: {  	v47 =	vld.idx.msk [tilespmem:v2+s3+$0x41F0 ss:$0x1], $0xffff  }
0x151: {  	v48 =	vld.idx.msk [tilespmem:v2+s3+$0x4270 ss:$0x1], $0xffff  }
0x152: {  	v49 =	vld.idx.msk [tilespmem:v2+s3+$0x42F0 ss:$0x1], $0xffff  }
0x153: {  	v50 =	vld.idx.msk [tilespmem:v2+s3+$0x4370 ss:$0x1], $0xffff  }
0x154: {  	v51 =	vld.idx.msk [tilespmem:v2+s3+$0x43F0 ss:$0x1], $0xffff;
	_ =	sdelay $0x1  }
0x155: {  	v3 =	vadd.f32 v37, v3;
	v52 =	vadd.f32 v39, v38  }
0x156: {  	v53 =	vadd.f32 v41, v40;
	v54 =	vadd.f32 v43, v42  }
0x157: {  	v55 =	vadd.f32 v45, v44;
	v56 =	vadd.f32 v47, v46  }
0x158: {  	v57 =	vadd.f32 v49, v48;
	v58 =	vadd.f32 v51, v50  }
0x159: {  	v3 =	vadd.f32 v52, v3;
	v59 =	vadd.f32 v54, v53  }
0x15a: {  	v60 =	vadd.f32 v56, v55;
	v61 =	vadd.f32 v58, v57  }
0x15b: {  	v62 =	vld.idx.msk [tilespmem:v1+s3+$0x70 ss:$0x1], $0xffff  }
0x15c: {  	v3 =	vadd.f32 v59, v3;
	v63 =	vadd.f32 v61, v60  }
0x15d: {  	p1 =	seq.s32 s0, $0xF000  }
.Ltmp6:
0x15e: {  	v3 =	vadd.f32 v63, v3;
	(pc) =	sbr.rel @!p1 .LBB2_10-.Ltmp6, $3  }
0x15f: {  	_ = 	snop  }
0x160: {  	v3 =	vadd.f32 v3, v62;
	_ =	sdelay $0x1  }
0x161: {  	s0 =	sadd.s32 $0x1000, s0;
	[tilespmem:v1+s3+$0x70 ss:$0x1] =	vst.idx.msk $0xffff, v3  }
.Ltmp7:
0x162: {  	_ = 	snop;
	(pc) =	sbr.rel .LBB2_11-.Ltmp7, $1  }
0x163: {  	_ =	sdelay $0x3  }
.LBB2_5:
0x164: {  	s3 =	sadd.s32 $0x80C0, s2  }
0x165: {  	s2 =	simm.s32 $0x0;
	s11 =	simm.s32 $0x0;
	s13 =	simm.s32 $0x0  }
.LBB2_6:
0x166: {  	s4 =	sor.u32 s0, s13  }
0x167: {  	s6 =	simm.s32 $0x1;
	p1 =	sle.s32 s15, s4  }
0x168: {  	s8 =	simm.s32 $0x1;
	s6 =	simm.s32 @!p1 $0x0;
	p1 =	sle.s32 s16, s4  }
0x169: {  	s9 =	simm.s32 $0x1;
	s8 =	simm.s32 @!p1 $0x0;
	p1 =	sle.s32 s17, s4  }
0x16a: {  	s6 =	sadd.s32 s8, s6;
	s9 =	simm.s32 @!p1 $0x0  }
0x16b: {  	p1 =	sle.s32 s18, s4;
	s8 =	simm.s32 $0x1;
	s6 =	sadd.s32 s9, s6  }
0x16c: {  	s8 =	simm.s32 @!p1 $0x0;
	p1 =	sle.s32 s19, s4;
	s9 =	simm.s32 $0x1  }
0x16d: {  	s6 =	sadd.s32 s8, s6;
	s9 =	simm.s32 @!p1 $0x0  }
0x16e: {  	p1 =	sle.s32 s20, s4;
	s8 =	simm.s32 $0x1;
	s6 =	sadd.s32 s9, s6  }
0x16f: {  	s8 =	simm.s32 @!p1 $0x0;
	p1 =	sle.s32 s21, s4;
	s9 =	simm.s32 $0x1  }
0x170: {  	s6 =	sadd.s32 s8, s6;
	s9 =	simm.s32 @!p1 $0x0  }
0x171: {  	p1 =	sle.s32 s22, s4;
	s8 =	simm.s32 $0x1;
	s6 =	sadd.s32 s9, s6  }
0x172: {  	s8 =	simm.s32 @!p1 $0x0;
	p1 =	sle.s32 s23, s4;
	s9 =	simm.s32 $0x1  }
0x173: {  	s6 =	sadd.s32 s8, s6;
	s9 =	simm.s32 @!p1 $0x0  }
0x174: {  	p1 =	sle.s32 s24, s4;
	s8 =	simm.s32 $0x1;
	s6 =	sadd.s32 s9, s6  }
0x175: {  	s8 =	simm.s32 @!p1 $0x0;
	p1 =	sle.s32 s25, s4;
	s9 =	simm.s32 $0x1  }
0x176: {  	s6 =	sadd.s32 s8, s6;
	s9 =	simm.s32 @!p1 $0x0  }
0x177: {  	p1 =	sle.s32 s26, s4;
	s8 =	simm.s32 $0x1;
	s6 =	sadd.s32 s9, s6  }
0x178: {  	s8 =	simm.s32 @!p1 $0x0;
	p1 =	sle.s32 s28, s4;
	s9 =	simm.s32 $0x1  }
0x179: {  	s6 =	sadd.s32 s8, s6;
	s9 =	simm.s32 @!p1 $0x0  }
0x17a: {  	p1 =	sle.s32 s30, s4;
	s8 =	simm.s32 $0x1;
	s6 =	sadd.s32 s9, s6  }
0x17b: {  	s8 =	simm.s32 @!p1 $0x0;
	p1 =	sle.s32 s31, s4;
	s4 =	simm.s32 $0x1  }
0x17c: {  	s9 =	sshll.u32 s11, $0x2;
	s6 =	sadd.s32 s8, s6;
	s4 =	simm.s32 @!p1 $0x0  }
0x17d: {  	s8 =	sand.u32 $0xFFFF0000, s9;
	s4 =	sadd.s32 s4, s6  }
0x17e: {  	s6 =	sand.u32 $0x7, s2;
	s9 =	sshll.u32 s4, $0xB;
	s4 =	sshll.u32 s4, $0x7  }
0x17f: {  	s6 =	sshll.u32 s6, $0x9;
	s9 =	sand.u32 $0x7FFFC000, s9;
	s4 =	sand.u32 $0x380, s4  }
0x180: {  	s6 =	sor.u32 s6, s8;
	s4 =	sor.u32 s4, s9  }
0x181: {  	s6 =	sshrl.u32 s6, $0x2;
	s4 =	sadd.s32 $0x80, s4  }
0x182: {  	s6 =	sadd.s32 s6, s3;
	v1 =	vmov s4  }
0x183: {  	v2 =	vmov s6;
	_ =	sdelay $0x2  }
0x184: {  	s4 =	simm.s32 $0x0  }
0x185: {  	v3 =	vld.idx.msk [tilespmem:v1+s4+$0x0 ss:$0x1], $0xffff  }
0x186: {  	v4 =	vld.idx.msk [tilespmem:v2+s4+$0xFFFFFFC0 ss:$0x1], $0xffff;
	_ =	sdelay $0x4  }
0x187: {  	v3 =	vadd.f32 v4, v3;
	_ =	sdelay $0x1  }
0x188: {  	[tilespmem:v1+s4+$0x0 ss:$0x1] =	vst.idx.msk $0xffff, v3  }
0x189: {  	v3 =	vld.idx.msk [tilespmem:v1+s4+$0x10 ss:$0x1], $0xffff  }
0x18a: {  	v4 =	vld.idx.msk [tilespmem:v2+s4+$0xFFFFFFD0 ss:$0x1], $0xffff;
	_ =	sdelay $0x4  }
0x18b: {  	v3 =	vadd.f32 v4, v3;
	_ =	sdelay $0x1  }
0x18c: {  	[tilespmem:v1+s4+$0x10 ss:$0x1] =	vst.idx.msk $0xffff, v3  }
0x18d: {  	v3 =	vld.idx.msk [tilespmem:v1+s4+$0x20 ss:$0x1], $0xffff  }
0x18e: {  	v4 =	vld.idx.msk [tilespmem:v2+s4+$0xFFFFFFE0 ss:$0x1], $0xffff;
	_ =	sdelay $0x4  }
0x18f: {  	v3 =	vadd.f32 v4, v3;
	_ =	sdelay $0x1  }
0x190: {  	[tilespmem:v1+s4+$0x20 ss:$0x1] =	vst.idx.msk $0xffff, v3  }
0x191: {  	v3 =	vld.idx.msk [tilespmem:v1+s4+$0x30 ss:$0x1], $0xffff  }
0x192: {  	v4 =	vld.idx.msk [tilespmem:v2+s4+$0xFFFFFFF0 ss:$0x1], $0xffff;
	_ =	sdelay $0x4  }
0x193: {  	v3 =	vadd.f32 v4, v3;
	_ =	sdelay $0x1  }
0x194: {  	[tilespmem:v1+s4+$0x30 ss:$0x1] =	vst.idx.msk $0xffff, v3  }
0x195: {  	v3 =	vld.idx.msk [tilespmem:v1+s4+$0x40 ss:$0x1], $0xffff  }
0x196: {  	v4 =	vld.idx.msk [tilespmem:v2+s4+$0x0 ss:$0x1], $0xffff;
	_ =	sdelay $0x4  }
0x197: {  	v3 =	vadd.f32 v4, v3;
	_ =	sdelay $0x1  }
0x198: {  	[tilespmem:v1+s4+$0x40 ss:$0x1] =	vst.idx.msk $0xffff, v3  }
0x199: {  	v3 =	vld.idx.msk [tilespmem:v1+s4+$0x50 ss:$0x1], $0xffff  }
0x19a: {  	v4 =	vld.idx.msk [tilespmem:v2+s4+$0x10 ss:$0x1], $0xffff;
	_ =	sdelay $0x4  }
0x19b: {  	v3 =	vadd.f32 v4, v3;
	_ =	sdelay $0x1  }
0x19c: {  	[tilespmem:v1+s4+$0x50 ss:$0x1] =	vst.idx.msk $0xffff, v3  }
0x19d: {  	v3 =	vld.idx.msk [tilespmem:v1+s4+$0x60 ss:$0x1], $0xffff  }
0x19e: {  	v4 =	vld.idx.msk [tilespmem:v2+s4+$0x20 ss:$0x1], $0xffff;
	_ =	sdelay $0x4  }
0x19f: {  	v3 =	vadd.f32 v4, v3;
	_ =	sdelay $0x1  }
0x1a0: {  	[tilespmem:v1+s4+$0x60 ss:$0x1] =	vst.idx.msk $0xffff, v3  }
0x1a1: {  	s6 =	simm.s32 $0x1000;
	v3 =	vld.idx.msk [tilespmem:v1+s4+$0x70 ss:$0x1], $0xffff  }
.LBB2_7:
0x1a2: {  	p1 =	sne.s32 s6, $0xF000;
	v4 =	vld.idx.msk [tilespmem:v2+s4+$0x30 ss:$0x1], $0xffff;
	s8 =	smov.u32 s6;
	s6 =	sadd.s32 $0x1000, s6  }
0x1a3: {  	_ =	sdelay $0x4  }
0x1a4: {  	v3 =	vadd.f32 v4, v3  }
0x1a5: {  	s8 =	sshra.s32 s8, $0x2  }
0x1a6: {  	v4 =	vld.idx.msk [tilespmem:v1+s8+$0x0 ss:$0x1], $0xffff;
	[tilespmem:v1+s4+$0x70 ss:$0x1] =	vst.idx.msk $0xffff, v3;
	s4 =	smov.u32 s8  }
0x1a7: {  	v3 =	vld.idx.msk [tilespmem:v2+s4+$0xFFFFFFC0 ss:$0x1], $0xffff;
	_ =	sdelay $0x5  }
0x1a8: {  	v3 =	vadd.f32 v3, v4;
	_ =	sdelay $0x1  }
0x1a9: {  	[tilespmem:v1+s4+$0x0 ss:$0x1] =	vst.idx.msk $0xffff, v3  }
0x1aa: {  	v3 =	vld.idx.msk [tilespmem:v1+s4+$0x10 ss:$0x1], $0xffff  }
0x1ab: {  	v4 =	vld.idx.msk [tilespmem:v2+s4+$0xFFFFFFD0 ss:$0x1], $0xffff;
	_ =	sdelay $0x5  }
0x1ac: {  	v3 =	vadd.f32 v4, v3;
	_ =	sdelay $0x1  }
0x1ad: {  	[tilespmem:v1+s4+$0x10 ss:$0x1] =	vst.idx.msk $0xffff, v3  }
0x1ae: {  	v3 =	vld.idx.msk [tilespmem:v1+s4+$0x20 ss:$0x1], $0xffff  }
0x1af: {  	v4 =	vld.idx.msk [tilespmem:v2+s4+$0xFFFFFFE0 ss:$0x1], $0xffff;
	_ =	sdelay $0x5  }
0x1b0: {  	v3 =	vadd.f32 v4, v3;
	_ =	sdelay $0x1  }
0x1b1: {  	[tilespmem:v1+s4+$0x20 ss:$0x1] =	vst.idx.msk $0xffff, v3  }
0x1b2: {  	v3 =	vld.idx.msk [tilespmem:v1+s4+$0x30 ss:$0x1], $0xffff  }
0x1b3: {  	v4 =	vld.idx.msk [tilespmem:v2+s4+$0xFFFFFFF0 ss:$0x1], $0xffff;
	_ =	sdelay $0x5  }
0x1b4: {  	v3 =	vadd.f32 v4, v3;
	_ =	sdelay $0x1  }
0x1b5: {  	[tilespmem:v1+s4+$0x30 ss:$0x1] =	vst.idx.msk $0xffff, v3  }
0x1b6: {  	v3 =	vld.idx.msk [tilespmem:v1+s4+$0x40 ss:$0x1], $0xffff  }
0x1b7: {  	v4 =	vld.idx.msk [tilespmem:v2+s4+$0x0 ss:$0x1], $0xffff;
	_ =	sdelay $0x5  }
0x1b8: {  	v3 =	vadd.f32 v4, v3;
	_ =	sdelay $0x1  }
0x1b9: {  	[tilespmem:v1+s4+$0x40 ss:$0x1] =	vst.idx.msk $0xffff, v3  }
0x1ba: {  	v3 =	vld.idx.msk [tilespmem:v1+s4+$0x50 ss:$0x1], $0xffff  }
0x1bb: {  	v4 =	vld.idx.msk [tilespmem:v2+s4+$0x10 ss:$0x1], $0xffff;
	_ =	sdelay $0x5  }
0x1bc: {  	v3 =	vadd.f32 v4, v3;
	_ =	sdelay $0x1  }
0x1bd: {  	[tilespmem:v1+s4+$0x50 ss:$0x1] =	vst.idx.msk $0xffff, v3  }
0x1be: {  	v3 =	vld.idx.msk [tilespmem:v1+s4+$0x60 ss:$0x1], $0xffff  }
0x1bf: {  	v4 =	vld.idx.msk [tilespmem:v2+s4+$0x20 ss:$0x1], $0xffff;
	_ =	sdelay $0x4  }
.Ltmp8:
0x1c0: {  	(pc) =	sbr.rel @p1 .LBB2_7-.Ltmp8, $3  }
0x1c1: {  	v3 =	vadd.f32 v4, v3;
	_ =	sdelay $0x1  }
0x1c2: {  	[tilespmem:v1+s4+$0x60 ss:$0x1] =	vst.idx.msk $0xffff, v3  }
0x1c3: {  	v3 =	vld.idx.msk [tilespmem:v1+s4+$0x70 ss:$0x1], $0xffff  }
0x1c4: {  	_ =	sdelay $0x3  }
0x1c5: {  	v2 =	vld.idx.msk [tilespmem:v2+s4+$0x30 ss:$0x1], $0xffff  }
0x1c6: {  	s13 =	sadd.s32 $0x1, s13  }
0x1c7: {  	p1 =	sne.s32 s13, $0x10  }
.Ltmp9:
0x1c8: {  	_ = 	snop;
	(pc) =	sbr.rel @p1 .LBB2_6-.Ltmp9, $4  }
.Ltmp10:
0x1c9: {  	_ = 	snop;
	(pc) =	sbr.rel @!p1 .LBB2_11-.Ltmp10, $4  }
0x1ca: {  	v2 =	vadd.f32 v2, v3  }
0x1cb: {  	_ = 	snop  }
0x1cc: {  	s11 =	sadd.s32 $0x800, s11;
	s2 =	sadd.s32 $0x1, s2;
	[tilespmem:v1+s4+$0x70 ss:$0x1] =	vst.idx.msk $0xffff, v2  }
0x1cd: {  	_ = 	snop  }
.LBB2_13:
0x1ce: {  	_ =	sfence.sel $0x180000  }
0x1cf: {  	[bflag:$0x0] =	sbarrier.arrive $0xFFFF  }
0x1d0: {  	_ =	strace $0x90000047  }
0x1d1: {  	s0 =	stileid.u32;
	[bflag:$0x2] =	sbarrier.arrive $0xFFFF  }
0x1d2: {  	p0 =	sne.s32 s0, $0x0;
	s0 =	rddreg [dreg:$0x3]  }
0x1d3: {  	s0 =	sadd.s32 @!p0 $0x100000, s0  }
0x1d4: {  	[sflag:s0] =	ssyncadd.tile.s32 @!p0 $0x1;
	_ =	shalt  }
.Lfunc_end2:
_tile_overlayer_lowered:
.L_overlay_start_2:
0x1d5: {  	(tag) =	ssettag $0x2  }
0x1d6: {  	s0 =	rddreg [dreg:$0x0];
	s2 =	stileid.u32  }
0x1d7: {  	s1 =	rddreg [dreg:$0x1];
	p0 =	sne.s32 s2, $0x0  }
0x1d8: {  	s3 =	rddreg [dreg:$0x2];
	[bflag:$0x3] =	sbarrier.arrive $0xFFFF;
	s2 =	simm.s32 @!p0 $0x1C02  }
0x1d9: {  	[timem:s3], [sflag:s2] =	dma.local @!p0 [hbm:s0], s1  }
0x1da: {  	s0 =	simm.s32 @!p0 $0x2  }
0x1db: {  	_ =	swait.ge @!p0 [sflag:s0], s1  }
0x1dc: {  	s1 =	ssub.s32 @!p0 $0x0, s1;
	[sflag:s0] =	ssyncset.done @!p0 $0x0  }
0x1dd: {  	[sflag:s0] =	ssyncadd.s32 @!p0 s1  }
0x1de: {  	[bflag:$0x3] =	sbarrier.arrive $0xFFFF  }
0x1df: {  	_ =	shalt  }

</sc_bundles>
